<compile_context>
chip_gen: v7x
topology: tpu7x:2x2x1
jax: 0.10.2.dev20260603
libtpu: 0.0.44.dev20260713+nightly
codegen_flags: <defaults>
</compile_context>

<pallas_src>
import dataclasses
import functools

import jax
import jax.numpy as jnp
from jax import lax
from jax.experimental import pallas as pl
from jax.experimental.pallas import tpu as pltpu
from jax.experimental.pallas import tpu_sc as plsc

_B = 16384
_D = 64
_W = 128
_NC = 2
_NS = 16
_NW = _NC * _NS
_BPW = _B // _NW
_LANES = 16
_G = _BPW // _LANES
_NBUF = 8


def _make_sc_dot():
    mesh = plsc.VectorSubcoreMesh(core_axis_name="c", subcore_axis_name="s")
    cp = pltpu.CompilerParams()
    if "needs_layout_passes" in pltpu.CompilerParams.__dataclass_fields__:
        cp = dataclasses.replace(cp, needs_layout_passes=False)
    if "use_tc_tiling_on_sc" in pltpu.CompilerParams.__dataclass_fields__:
        cp = dataclasses.replace(cp, use_tc_tiling_on_sc=True)

    iota16 = lambda: lax.iota(jnp.int32, _LANES)

    @functools.partial(
        pl.kernel,
        mesh=mesh,
        compiler_params=cp,
        out_type=jax.ShapeDtypeStruct((_B,), jnp.float32),
        scratch_types=[
            pltpu.VMEM((_D, _W), jnp.float32),
            pltpu.VMEM((_D, _W), jnp.float32),
            pltpu.VMEM((_D, _W), jnp.float32),
            pltpu.VMEM((_D, _W), jnp.float32),
            pltpu.VMEM((_D, _W), jnp.float32),
            pltpu.VMEM((_D, _W), jnp.float32),
            pltpu.VMEM((_D, _W), jnp.float32),
            pltpu.VMEM((_D, _W), jnp.float32),
            pltpu.VMEM((8, _W), jnp.float32),
            pltpu.VMEM((_BPW,), jnp.float32),
            pltpu.VMEM((2 * _BPW,), jnp.int32),
            pltpu.VMEM((_D * _W,), jnp.float32),
            pltpu.SemaphoreType.DMA,
            pltpu.SemaphoreType.DMA,
            pltpu.SemaphoreType.DMA,
            pltpu.SemaphoreType.DMA,
            pltpu.SemaphoreType.DMA,
            pltpu.SemaphoreType.DMA,
            pltpu.SemaphoreType.DMA,
            pltpu.SemaphoreType.DMA,
        ],
    )
    def sc_dot(uid_hbm, iid_hbm, utT_hbm, it_hbm, out_hbm,
               ublk0, ublk1, ublk2, ublk3, ublk4, ublk5, ublk6, ublk7,
               irows, out_v, idx_v, dummy_v,
               sem0, sem1, sem2, sem3, sem4, sem5, sem6, sem7):
        ublks = (ublk0, ublk1, ublk2, ublk3, ublk4, ublk5, ublk6, ublk7)
        sems = (sem0, sem1, sem2, sem3, sem4, sem5, sem6, sem7)
        wid = lax.axis_index("s") * _NC + lax.axis_index("c")
        base = wid * _BPW

        pltpu.sync_copy(uid_hbm.at[pl.ds(base, _BPW)], idx_v.at[pl.ds(0, _BPW)])
        pltpu.sync_copy(iid_hbm.at[pl.ds(base, _BPW)], idx_v.at[pl.ds(_BPW, _BPW)])

        def fire(slot, uidx, iidx):
            sem = sems[slot]
            blkoff = pl.multiple_of((uidx >> 7) * _W, _W)
            pltpu.async_copy(
                utT_hbm.at[:, pl.ds(blkoff, _W)], ublks[slot], sem)
            pltpu.async_copy(it_hbm.at[iidx], irows.at[slot, pl.ds(0, _D)], sem)

        def drain(slot):
            sem = sems[slot]
            pltpu.make_async_copy(
                out_hbm.at[pl.ds(0, _D * _W)], dummy_v, sem).wait()
            pltpu.make_async_copy(
                out_hbm.at[pl.ds(0, _D)], dummy_v.at[pl.ds(0, _D)], sem).wait()

        def extract_dot(slot, e_scalar):
            e16 = jnp.full((_LANES,), e_scalar & (_W - 1), jnp.int32)
            s16 = jnp.full((_LANES,), slot, jnp.int32)
            acc = None
            for c in range(_D // _LANES):
                feats = c * _LANES + iota16()
                u = plsc.load_gather(ublks[slot], [feats, e16])
                v = plsc.load_gather(irows, [s16, feats])
                prod = u * v
                acc = prod if acc is None else acc + prod
            return jnp.sum(acc)

        def group_body(g, last):
            uvec = idx_v[pl.ds(g * _LANES, _LANES)]
            ivec = idx_v[pl.ds(_BPW + g * _LANES, _LANES)]
            if not last:
                uvn = idx_v[pl.ds((g + 1) * _LANES, _LANES)]
                ivn = idx_v[pl.ds(_BPW + (g + 1) * _LANES, _LANES)]
            vecacc = jnp.zeros((_LANES,), jnp.float32)
            for l in range(_LANES):
                slot = l % _NBUF
                drain(slot)
                s = extract_dot(slot, uvec[l])
                vecacc = jnp.where(iota16() == l, s, vecacc)
                if last:
                    if l < _LANES - _NBUF:
                        fire(slot, uvec[l + _NBUF], ivec[l + _NBUF])
                elif l < _LANES - _NBUF:
                    fire(slot, uvec[l + _NBUF], ivec[l + _NBUF])
                else:
                    fire(slot, uvn[l - (_LANES - _NBUF)],
                         ivn[l - (_LANES - _NBUF)])
            out_v[pl.ds(g * _LANES, _LANES)] = vecacc

        uvec0 = idx_v[pl.ds(0, _LANES)]
        ivec0 = idx_v[pl.ds(_BPW, _LANES)]
        for l in range(_NBUF):
            fire(l, uvec0[l], ivec0[l])

        @pl.loop(0, _G - 1)
        def _(g):
            group_body(g, last=False)

        group_body(_G - 1, last=True)

        pltpu.sync_copy(out_v, out_hbm.at[pl.ds(base, _BPW)])

    return sc_dot


_sc_dot = _make_sc_dot()


def kernel(input_user_id, input_item_id, user_table, item_table):
    uid = input_user_id.reshape(_B).astype(jnp.int32)
    iid = input_item_id.reshape(_B).astype(jnp.int32)
    out = _sc_dot(uid, iid, user_table.T, item_table)
    return out.reshape(_B, 1)

# --- scband reference (transcript-rebuilt; emitter-appended) ---
"""Pipeline reference for scband-cfmodel-25967372272063 (READ-ONLY COPY).

The authoritative reference and input builder live on the scoring server;
editing this copy changes nothing except your own understanding.
"""

import jax, jax.numpy as jnp
import numpy as np

NUM_USERS = 1000000
NUM_ITEMS = 100000
NUM_FACTORS = 64
BATCH = 16384

def setup_inputs(seed: int = 0) -> dict:
    key = jax.random.key(seed)
    k1, k2, k3, k4 = jax.random.split(key, 4)
    input_user_id = jax.random.randint(k1, (BATCH, 1), 0, NUM_USERS, dtype=jnp.int64 if jax.config.jax_enable_x64 else jnp.int32)
    input_item_id = jax.random.randint(k2, (BATCH, 1), 0, NUM_ITEMS, dtype=jnp.int64 if jax.config.jax_enable_x64 else jnp.int32)
    # Embedding tables (keras Embedding default: uniform init)
    user_table = jax.random.uniform(k3, (NUM_USERS, NUM_FACTORS), dtype=jnp.float32, minval=-0.05, maxval=0.05)
    item_table = jax.random.uniform(k4, (NUM_ITEMS, NUM_FACTORS), dtype=jnp.float32, minval=-0.05, maxval=0.05)
    return {"input_user_id": input_user_id, "input_item_id": input_item_id, "user_table": user_table, "item_table": item_table}

def reference(input_user_id, input_item_id, user_table, item_table):
    # Embedding(input_length=1) -> [B, 1, F]; Reshape((F,)) -> [B, F]
    embedded_user = jnp.take(user_table, input_user_id[:, 0], axis=0)  # [B, F]
    embedded_item = jnp.take(item_table, input_item_id[:, 0], axis=0)  # [B, F]
    # Dot(axes=1) -> [B, 1]
    out = jnp.sum(embedded_user * embedded_item, axis=1, keepdims=True)
    return out

if __name__ == "__main__":
    import jax
    _d = setup_inputs()
    print(jax.jit(kernel)(*tuple(_d.values())))

</pallas_src>

<mosaic_0001>
#map = affine_map<(d0, d1) -> (0)>
#map1 = affine_map<(d0, d1) -> (0, 0)>
module attributes {stable_mosaic.version = 14 : i64} {
  func.func @sc_dot(%arg0: i32, %arg1: i32, %arg2: memref<16384xi32, #tpu.memory_space<hbm>>, %arg3: memref<16384xi32, #tpu.memory_space<hbm>>, %arg4: memref<64x1000000xf32, #tpu.memory_space<hbm>>, %arg5: memref<100000x64xf32, #tpu.memory_space<hbm>>, %arg6: memref<16384xf32, #tpu.memory_space<hbm>>, %arg7: memref<64x128xf32, #tpu.memory_space<vmem>>, %arg8: memref<64x128xf32, #tpu.memory_space<vmem>>, %arg9: memref<64x128xf32, #tpu.memory_space<vmem>>, %arg10: memref<64x128xf32, #tpu.memory_space<vmem>>, %arg11: memref<64x128xf32, #tpu.memory_space<vmem>>, %arg12: memref<64x128xf32, #tpu.memory_space<vmem>>, %arg13: memref<64x128xf32, #tpu.memory_space<vmem>>, %arg14: memref<64x128xf32, #tpu.memory_space<vmem>>, %arg15: memref<8x128xf32, #tpu.memory_space<vmem>>, %arg16: memref<512xf32, #tpu.memory_space<vmem>>, %arg17: memref<1024xi32, #tpu.memory_space<vmem>>, %arg18: memref<8192xf32, #tpu.memory_space<vmem>>, %arg19: memref<!tpu.dma_semaphore, #tpu.memory_space<semaphore_mem>>, %arg20: memref<!tpu.dma_semaphore, #tpu.memory_space<semaphore_mem>>, %arg21: memref<!tpu.dma_semaphore, #tpu.memory_space<semaphore_mem>>, %arg22: memref<!tpu.dma_semaphore, #tpu.memory_space<semaphore_mem>>, %arg23: memref<!tpu.dma_semaphore, #tpu.memory_space<semaphore_mem>>, %arg24: memref<!tpu.dma_semaphore, #tpu.memory_space<semaphore_mem>>, %arg25: memref<!tpu.dma_semaphore, #tpu.memory_space<semaphore_mem>>, %arg26: memref<!tpu.dma_semaphore, #tpu.memory_space<semaphore_mem>>) attributes {dimension_semantics = [#tpu.dimension_semantics<core_parallel>, #tpu.dimension_semantics<subcore_parallel>], iteration_bounds = array<i64: 2, 16>, scalar_prefetch = 0 : i64, scratch_operands = 20 : i64, tpu.core_type = #tpu.core_type<sc_vector_subcore>, window_params = [{transform_indices = #map}, {transform_indices = #map}, {transform_indices = #map1}, {transform_indices = #map1}, {transform_indices = #map}]} {
    %mul3A = arith.constant 2 : i32
    %mul3A_0 = arith.muli %arg1, %mul3A : i32
    %add3A = arith.addi %mul3A_0, %arg0 : i32
    %mul3A_1 = arith.constant 512 : i32
    %mul3A_2 = arith.muli %add3A, %mul3A_1 : i32
    "tpu.region"() ({
      %run_scoped3A = tpu.sem_alloc : memref<!tpu.dma_semaphore, #tpu.memory_space<semaphore_mem>>
      %dma_start3A_1380 = arith.constant 0 : i32
      %dma_start3A_1381 = tpu.memref_slice %arg17[%dma_start3A_1380] : memref<1024xi32, #tpu.memory_space<vmem>> -> memref<512xi32, #tpu.memory_space<vmem>>
      %dma_start3A_1382 = tpu.memref_slice %arg2[%mul3A_2] : memref<16384xi32, #tpu.memory_space<hbm>> -> memref<512xi32, #tpu.memory_space<hbm>>
      %dma_start3A_1383 = arith.constant 0 : i32
      %dma_start3A_1384 = tpu.memref_slice %arg17[%dma_start3A_1383] : memref<1024xi32, #tpu.memory_space<vmem>> -> memref<512xi32, #tpu.memory_space<vmem>>
      %dma_start3A_1385 = tpu.memref_slice %arg2[%mul3A_2] : memref<16384xi32, #tpu.memory_space<hbm>> -> memref<512xi32, #tpu.memory_space<hbm>>
      tpu.enqueue_dma source(%dma_start3A_1385 : memref<512xi32, #tpu.memory_space<hbm>>) target(%dma_start3A_1384 : memref<512xi32, #tpu.memory_space<vmem>>) target_semaphore(%run_scoped3A : memref<!tpu.dma_semaphore, #tpu.memory_space<semaphore_mem>>)
      %dma_wait3A_1386 = arith.constant 0 : i32
      %dma_wait3A_1387 = tpu.memref_slice %arg17[%dma_wait3A_1386] : memref<1024xi32, #tpu.memory_space<vmem>> -> memref<512xi32, #tpu.memory_space<vmem>>
      %dma_wait3A_1388 = tpu.memref_slice %arg2[%mul3A_2] : memref<16384xi32, #tpu.memory_space<hbm>> -> memref<512xi32, #tpu.memory_space<hbm>>
      %dma_wait3A_1389 = arith.constant 0 : i32
      %dma_wait3A_1390 = tpu.memref_slice %arg17[%dma_wait3A_1389] : memref<1024xi32, #tpu.memory_space<vmem>> -> memref<512xi32, #tpu.memory_space<vmem>>
      %dma_wait3A_1391 = tpu.memref_slice %arg2[%mul3A_2] : memref<16384xi32, #tpu.memory_space<hbm>> -> memref<512xi32, #tpu.memory_space<hbm>>
      tpu.wait_dma2 semaphore(%run_scoped3A : memref<!tpu.dma_semaphore, #tpu.memory_space<semaphore_mem>>) src(%dma_wait3A_1391 : memref<512xi32, #tpu.memory_space<hbm>>) dst(%dma_wait3A_1390 : memref<512xi32, #tpu.memory_space<vmem>>)
      tpu.yield
    }) : () -> ()
    "tpu.region"() ({
      %run_scoped3A = tpu.sem_alloc : memref<!tpu.dma_semaphore, #tpu.memory_space<semaphore_mem>>
      %dma_start3A_1380 = arith.constant 512 : i32
      %dma_start3A_1381 = tpu.memref_slice %arg17[%dma_start3A_1380] : memref<1024xi32, #tpu.memory_space<vmem>> -> memref<512xi32, #tpu.memory_space<vmem>>
      %dma_start3A_1382 = tpu.memref_slice %arg3[%mul3A_2] : memref<16384xi32, #tpu.memory_space<hbm>> -> memref<512xi32, #tpu.memory_space<hbm>>
      %dma_start3A_1383 = arith.constant 512 : i32
      %dma_start3A_1384 = tpu.memref_slice %arg17[%dma_start3A_1383] : memref<1024xi32, #tpu.memory_space<vmem>> -> memref<512xi32, #tpu.memory_space<vmem>>
      %dma_start3A_1385 = tpu.memref_slice %arg3[%mul3A_2] : memref<16384xi32, #tpu.memory_space<hbm>> -> memref<512xi32, #tpu.memory_space<hbm>>
      tpu.enqueue_dma source(%dma_start3A_1385 : memref<512xi32, #tpu.memory_space<hbm>>) target(%dma_start3A_1384 : memref<512xi32, #tpu.memory_space<vmem>>) target_semaphore(%run_scoped3A : memref<!tpu.dma_semaphore, #tpu.memory_space<semaphore_mem>>)
      %dma_wait3A_1386 = arith.constant 512 : i32
      %dma_wait3A_1387 = tpu.memref_slice %arg17[%dma_wait3A_1386] : memref<1024xi32, #tpu.memory_space<vmem>> -> memref<512xi32, #tpu.memory_space<vmem>>
      %dma_wait3A_1388 = tpu.memref_slice %arg3[%mul3A_2] : memref<16384xi32, #tpu.memory_space<hbm>> -> memref<512xi32, #tpu.memory_space<hbm>>
      %dma_wait3A_1389 = arith.constant 512 : i32
      %dma_wait3A_1390 = tpu.memref_slice %arg17[%dma_wait3A_1389] : memref<1024xi32, #tpu.memory_space<vmem>> -> memref<512xi32, #tpu.memory_space<vmem>>
      %dma_wait3A_1391 = tpu.memref_slice %arg3[%mul3A_2] : memref<16384xi32, #tpu.memory_space<hbm>> -> memref<512xi32, #tpu.memory_space<hbm>>
      tpu.wait_dma2 semaphore(%run_scoped3A : memref<!tpu.dma_semaphore, #tpu.memory_space<semaphore_mem>>) src(%dma_wait3A_1391 : memref<512xi32, #tpu.memory_space<hbm>>) dst(%dma_wait3A_1390 : memref<512xi32, #tpu.memory_space<vmem>>)
      tpu.yield
    }) : () -> ()
    %get3A = arith.constant 0 : index
    %get3A_3 = tpu.vector_load %arg17[%get3A] {strides = array<i32>} : memref<1024xi32, #tpu.memory_space<vmem>>, vector<16xi32>,
    %get3A_4 = arith.constant 512 : index
    %get3A_5 = tpu.vector_load %arg17[%get3A_4] {strides = array<i32>} : memref<1024xi32, #tpu.memory_space<vmem>>, vector<16xi32>,
    %slice3A = vector.extract_strided_slice %get3A_3 {offsets = [0], sizes = [1], strides = [1]} : vector<16xi32> to vector<1xi32>
    %squeeze3A = vector.extract %slice3A[0] : i32 from vector<1xi32>
    %slice3A_6 = vector.extract_strided_slice %get3A_5 {offsets = [0], sizes = [1], strides = [1]} : vector<16xi32> to vector<1xi32>
    %squeeze3A_7 = vector.extract %slice3A_6[0] : i32 from vector<1xi32>
    %shift_right_arithmetic3A = arith.constant 7 : i32
    %shift_right_arithmetic3A_8 = arith.shrsi %squeeze3A, %shift_right_arithmetic3A : i32
    %mul3A_9 = arith.constant 128 : i32
    %mul3A_10 = arith.muli %shift_right_arithmetic3A_8, %mul3A_9 : i32
    %multiple_of3A = tpu.assume_multiple %mul3A_10, 128 : i32
    %dma_start3A = arith.constant 0 : i32
    %dma_start3A_11 = tpu.memref_slice %arg4[%dma_start3A, %multiple_of3A] : memref<64x1000000xf32, #tpu.memory_space<hbm>> -> memref<64x128xf32, #tpu.memory_space<hbm>>
    %dma_start3A_12 = arith.constant 0 : i32
    %dma_start3A_13 = tpu.memref_slice %arg4[%dma_start3A_12, %multiple_of3A] : memref<64x1000000xf32, #tpu.memory_space<hbm>> -> memref<64x128xf32, #tpu.memory_space<hbm>>
    tpu.enqueue_dma source(%dma_start3A_13 : memref<64x128xf32, #tpu.memory_space<hbm>>) target(%arg7 : memref<64x128xf32, #tpu.memory_space<vmem>>) target_semaphore(%arg19 : memref<!tpu.dma_semaphore, #tpu.memory_space<semaphore_mem>>)
    %dma_start3A_14 = arith.constant 0 : i32
    %dma_start3A_15 = arith.constant 0 : i32
    %dma_start3A_16 = tpu.memref_slice %arg15[%dma_start3A_14, %dma_start3A_15] : memref<8x128xf32, #tpu.memory_space<vmem>> -> memref<1x64xf32, #tpu.memory_space<vmem>>
    %dma_start3A_17 = tpu.memref_squeeze %dma_start3A_16 : memref<1x64xf32, #tpu.memory_space<vmem>> -> memref<64xf32, #tpu.memory_space<vmem>>
    %dma_start3A_18 = arith.constant 0 : i32
    %dma_start3A_19 = tpu.memref_slice %arg5[%squeeze3A_7, %dma_start3A_18] : memref<100000x64xf32, #tpu.memory_space<hbm>> -> memref<1x64xf32, #tpu.memory_space<hbm>>
    %dma_start3A_20 = tpu.memref_squeeze %dma_start3A_19 : memref<1x64xf32, #tpu.memory_space<hbm>> -> memref<64xf32, #tpu.memory_space<hbm>>
    %dma_start3A_21 = arith.constant 0 : i32
    %dma_start3A_22 = tpu.memref_slice %arg15[%dma_start3A_14, %dma_start3A_21] : memref<8x128xf32, #tpu.memory_space<vmem>> -> memref<1x64xf32, #tpu.memory_space<vmem>>
    %dma_start3A_23 = tpu.memref_squeeze %dma_start3A_22 : memref<1x64xf32, #tpu.memory_space<vmem>> -> memref<64xf32, #tpu.memory_space<vmem>>
    %dma_start3A_24 = arith.constant 0 : i32
    %dma_start3A_25 = tpu.memref_slice %arg5[%squeeze3A_7, %dma_start3A_24] : memref<100000x64xf32, #tpu.memory_space<hbm>> -> memref<1x64xf32, #tpu.memory_space<hbm>>
    %dma_start3A_26 = tpu.memref_squeeze %dma_start3A_25 : memref<1x64xf32, #tpu.memory_space<hbm>> -> memref<64xf32, #tpu.memory_space<hbm>>
    tpu.enqueue_dma source(%dma_start3A_26 : memref<64xf32, #tpu.memory_space<hbm>>) target(%dma_start3A_23 : memref<64xf32, #tpu.memory_space<vmem>>) target_semaphore(%arg19 : memref<!tpu.dma_semaphore, #tpu.memory_space<semaphore_mem>>)
    %slice3A_27 = vector.extract_strided_slice %get3A_3 {offsets = [1], sizes = [1], strides = [1]} : vector<16xi32> to vector<1xi32>
    %squeeze3A_28 = vector.extract %slice3A_27[0] : i32 from vector<1xi32>
    %slice3A_29 = vector.extract_strided_slice %get3A_5 {offsets = [1], sizes = [1], strides = [1]} : vector<16xi32> to vector<1xi32>
    %squeeze3A_30 = vector.extract %slice3A_29[0] : i32 from vector<1xi32>
    %shift_right_arithmetic3A_31 = arith.constant 7 : i32
    %shift_right_arithmetic3A_32 = arith.shrsi %squeeze3A_28, %shift_right_arithmetic3A_31 : i32
    %mul3A_33 = arith.constant 128 : i32
    %mul3A_34 = arith.muli %shift_right_arithmetic3A_32, %mul3A_33 : i32
    %multiple_of3A_35 = tpu.assume_multiple %mul3A_34, 128 : i32
    %dma_start3A_36 = arith.constant 0 : i32
    %dma_start3A_37 = tpu.memref_slice %arg4[%dma_start3A_36, %multiple_of3A_35] : memref<64x1000000xf32, #tpu.memory_space<hbm>> -> memref<64x128xf32, #tpu.memory_space<hbm>>
    %dma_start3A_38 = arith.constant 0 : i32
    %dma_start3A_39 = tpu.memref_slice %arg4[%dma_start3A_38, %multiple_of3A_35] : memref<64x1000000xf32, #tpu.memory_space<hbm>> -> memref<64x128xf32, #tpu.memory_space<hbm>>
    tpu.enqueue_dma source(%dma_start3A_39 : memref<64x128xf32, #tpu.memory_space<hbm>>) target(%arg8 : memref<64x128xf32, #tpu.memory_space<vmem>>) target_semaphore(%arg20 : memref<!tpu.dma_semaphore, #tpu.memory_space<semaphore_mem>>)
    %dma_start3A_40 = arith.constant 1 : i32
    %dma_start3A_41 = arith.constant 0 : i32
    %dma_start3A_42 = tpu.memref_slice %arg15[%dma_start3A_40, %dma_start3A_41] : memref<8x128xf32, #tpu.memory_space<vmem>> -> memref<1x64xf32, #tpu.memory_space<vmem>>
    %dma_start3A_43 = tpu.memref_squeeze %dma_start3A_42 : memref<1x64xf32, #tpu.memory_space<vmem>> -> memref<64xf32, #tpu.memory_space<vmem>>
    %dma_start3A_44 = arith.constant 0 : i32
    %dma_start3A_45 = tpu.memref_slice %arg5[%squeeze3A_30, %dma_start3A_44] : memref<100000x64xf32, #tpu.memory_space<hbm>> -> memref<1x64xf32, #tpu.memory_space<hbm>>
    %dma_start3A_46 = tpu.memref_squeeze %dma_start3A_45 : memref<1x64xf32, #tpu.memory_space<hbm>> -> memref<64xf32, #tpu.memory_space<hbm>>
    %dma_start3A_47 = arith.constant 0 : i32
    %dma_start3A_48 = tpu.memref_slice %arg15[%dma_start3A_40, %dma_start3A_47] : memref<8x128xf32, #tpu.memory_space<vmem>> -> memref<1x64xf32, #tpu.memory_space<vmem>>
    %dma_start3A_49 = tpu.memref_squeeze %dma_start3A_48 : memref<1x64xf32, #tpu.memory_space<vmem>> -> memref<64xf32, #tpu.memory_space<vmem>>
    %dma_start3A_50 = arith.constant 0 : i32
    %dma_start3A_51 = tpu.memref_slice %arg5[%squeeze3A_30, %dma_start3A_50] : memref<100000x64xf32, #tpu.memory_space<hbm>> -> memref<1x64xf32, #tpu.memory_space<hbm>>
    %dma_start3A_52 = tpu.memref_squeeze %dma_start3A_51 : memref<1x64xf32, #tpu.memory_space<hbm>> -> memref<64xf32, #tpu.memory_space<hbm>>
    tpu.enqueue_dma source(%dma_start3A_52 : memref<64xf32, #tpu.memory_space<hbm>>) target(%dma_start3A_49 : memref<64xf32, #tpu.memory_space<vmem>>) target_semaphore(%arg20 : memref<!tpu.dma_semaphore, #tpu.memory_space<semaphore_mem>>)
    %slice3A_53 = vector.extract_strided_slice %get3A_3 {offsets = [2], sizes = [1], strides = [1]} : vector<16xi32> to vector<1xi32>
    %squeeze3A_54 = vector.extract %slice3A_53[0] : i32 from vector<1xi32>
    %slice3A_55 = vector.extract_strided_slice %get3A_5 {offsets = [2], sizes = [1], strides = [1]} : vector<16xi32> to vector<1xi32>
    %squeeze3A_56 = vector.extract %slice3A_55[0] : i32 from vector<1xi32>
    %shift_right_arithmetic3A_57 = arith.constant 7 : i32
    %shift_right_arithmetic3A_58 = arith.shrsi %squeeze3A_54, %shift_right_arithmetic3A_57 : i32
    %mul3A_59 = arith.constant 128 : i32
    %mul3A_60 = arith.muli %shift_right_arithmetic3A_58, %mul3A_59 : i32
    %multiple_of3A_61 = tpu.assume_multiple %mul3A_60, 128 : i32
    %dma_start3A_62 = arith.constant 0 : i32
    %dma_start3A_63 = tpu.memref_slice %arg4[%dma_start3A_62, %multiple_of3A_61] : memref<64x1000000xf32, #tpu.memory_space<hbm>> -> memref<64x128xf32, #tpu.memory_space<hbm>>
    %dma_start3A_64 = arith.constant 0 : i32
    %dma_start3A_65 = tpu.memref_slice %arg4[%dma_start3A_64, %multiple_of3A_61] : memref<64x1000000xf32, #tpu.memory_space<hbm>> -> memref<64x128xf32, #tpu.memory_space<hbm>>
    tpu.enqueue_dma source(%dma_start3A_65 : memref<64x128xf32, #tpu.memory_space<hbm>>) target(%arg9 : memref<64x128xf32, #tpu.memory_space<vmem>>) target_semaphore(%arg21 : memref<!tpu.dma_semaphore, #tpu.memory_space<semaphore_mem>>)
    %dma_start3A_66 = arith.constant 2 : i32
    %dma_start3A_67 = arith.constant 0 : i32
    %dma_start3A_68 = tpu.memref_slice %arg15[%dma_start3A_66, %dma_start3A_67] : memref<8x128xf32, #tpu.memory_space<vmem>> -> memref<1x64xf32, #tpu.memory_space<vmem>>
    %dma_start3A_69 = tpu.memref_squeeze %dma_start3A_68 : memref<1x64xf32, #tpu.memory_space<vmem>> -> memref<64xf32, #tpu.memory_space<vmem>>
    %dma_start3A_70 = arith.constant 0 : i32
    %dma_start3A_71 = tpu.memref_slice %arg5[%squeeze3A_56, %dma_start3A_70] : memref<100000x64xf32, #tpu.memory_space<hbm>> -> memref<1x64xf32, #tpu.memory_space<hbm>>
    %dma_start3A_72 = tpu.memref_squeeze %dma_start3A_71 : memref<1x64xf32, #tpu.memory_space<hbm>> -> memref<64xf32, #tpu.memory_space<hbm>>
    %dma_start3A_73 = arith.constant 0 : i32
    %dma_start3A_74 = tpu.memref_slice %arg15[%dma_start3A_66, %dma_start3A_73] : memref<8x128xf32, #tpu.memory_space<vmem>> -> memref<1x64xf32, #tpu.memory_space<vmem>>
    %dma_start3A_75 = tpu.memref_squeeze %dma_start3A_74 : memref<1x64xf32, #tpu.memory_space<vmem>> -> memref<64xf32, #tpu.memory_space<vmem>>
    %dma_start3A_76 = arith.constant 0 : i32
    %dma_start3A_77 = tpu.memref_slice %arg5[%squeeze3A_56, %dma_start3A_76] : memref<100000x64xf32, #tpu.memory_space<hbm>> -> memref<1x64xf32, #tpu.memory_space<hbm>>
    %dma_start3A_78 = tpu.memref_squeeze %dma_start3A_77 : memref<1x64xf32, #tpu.memory_space<hbm>> -> memref<64xf32, #tpu.memory_space<hbm>>
    tpu.enqueue_dma source(%dma_start3A_78 : memref<64xf32, #tpu.memory_space<hbm>>) target(%dma_start3A_75 : memref<64xf32, #tpu.memory_space<vmem>>) target_semaphore(%arg21 : memref<!tpu.dma_semaphore, #tpu.memory_space<semaphore_mem>>)
    %slice3A_79 = vector.extract_strided_slice %get3A_3 {offsets = [3], sizes = [1], strides = [1]} : vector<16xi32> to vector<1xi32>
    %squeeze3A_80 = vector.extract %slice3A_79[0] : i32 from vector<1xi32>
    %slice3A_81 = vector.extract_strided_slice %get3A_5 {offsets = [3], sizes = [1], strides = [1]} : vector<16xi32> to vector<1xi32>
    %squeeze3A_82 = vector.extract %slice3A_81[0] : i32 from vector<1xi32>
    %shift_right_arithmetic3A_83 = arith.constant 7 : i32
    %shift_right_arithmetic3A_84 = arith.shrsi %squeeze3A_80, %shift_right_arithmetic3A_83 : i32
    %mul3A_85 = arith.constant 128 : i32
    %mul3A_86 = arith.muli %shift_right_arithmetic3A_84, %mul3A_85 : i32
    %multiple_of3A_87 = tpu.assume_multiple %mul3A_86, 128 : i32
    %dma_start3A_88 = arith.constant 0 : i32
    %dma_start3A_89 = tpu.memref_slice %arg4[%dma_start3A_88, %multiple_of3A_87] : memref<64x1000000xf32, #tpu.memory_space<hbm>> -> memref<64x128xf32, #tpu.memory_space<hbm>>
    %dma_start3A_90 = arith.constant 0 : i32
    %dma_start3A_91 = tpu.memref_slice %arg4[%dma_start3A_90, %multiple_of3A_87] : memref<64x1000000xf32, #tpu.memory_space<hbm>> -> memref<64x128xf32, #tpu.memory_space<hbm>>
    tpu.enqueue_dma source(%dma_start3A_91 : memref<64x128xf32, #tpu.memory_space<hbm>>) target(%arg10 : memref<64x128xf32, #tpu.memory_space<vmem>>) target_semaphore(%arg22 : memref<!tpu.dma_semaphore, #tpu.memory_space<semaphore_mem>>)
    %dma_start3A_92 = arith.constant 3 : i32
    %dma_start3A_93 = arith.constant 0 : i32
    %dma_start3A_94 = tpu.memref_slice %arg15[%dma_start3A_92, %dma_start3A_93] : memref<8x128xf32, #tpu.memory_space<vmem>> -> memref<1x64xf32, #tpu.memory_space<vmem>>
    %dma_start3A_95 = tpu.memref_squeeze %dma_start3A_94 : memref<1x64xf32, #tpu.memory_space<vmem>> -> memref<64xf32, #tpu.memory_space<vmem>>
    %dma_start3A_96 = arith.constant 0 : i32
    %dma_start3A_97 = tpu.memref_slice %arg5[%squeeze3A_82, %dma_start3A_96] : memref<100000x64xf32, #tpu.memory_space<hbm>> -> memref<1x64xf32, #tpu.memory_space<hbm>>
    %dma_start3A_98 = tpu.memref_squeeze %dma_start3A_97 : memref<1x64xf32, #tpu.memory_space<hbm>> -> memref<64xf32, #tpu.memory_space<hbm>>
    %dma_start3A_99 = arith.constant 0 : i32
    %dma_start3A_100 = tpu.memref_slice %arg15[%dma_start3A_92, %dma_start3A_99] : memref<8x128xf32, #tpu.memory_space<vmem>> -> memref<1x64xf32, #tpu.memory_space<vmem>>
    %dma_start3A_101 = tpu.memref_squeeze %dma_start3A_100 : memref<1x64xf32, #tpu.memory_space<vmem>> -> memref<64xf32, #tpu.memory_space<vmem>>
    %dma_start3A_102 = arith.constant 0 : i32
    %dma_start3A_103 = tpu.memref_slice %arg5[%squeeze3A_82, %dma_start3A_102] : memref<100000x64xf32, #tpu.memory_space<hbm>> -> memref<1x64xf32, #tpu.memory_space<hbm>>
    %dma_start3A_104 = tpu.memref_squeeze %dma_start3A_103 : memref<1x64xf32, #tpu.memory_space<hbm>> -> memref<64xf32, #tpu.memory_space<hbm>>
    tpu.enqueue_dma source(%dma_start3A_104 : memref<64xf32, #tpu.memory_space<hbm>>) target(%dma_start3A_101 : memref<64xf32, #tpu.memory_space<vmem>>) target_semaphore(%arg22 : memref<!tpu.dma_semaphore, #tpu.memory_space<semaphore_mem>>)
    %slice3A_105 = vector.extract_strided_slice %get3A_3 {offsets = [4], sizes = [1], strides = [1]} : vector<16xi32> to vector<1xi32>
    %squeeze3A_106 = vector.extract %slice3A_105[0] : i32 from vector<1xi32>
    %slice3A_107 = vector.extract_strided_slice %get3A_5 {offsets = [4], sizes = [1], strides = [1]} : vector<16xi32> to vector<1xi32>
    %squeeze3A_108 = vector.extract %slice3A_107[0] : i32 from vector<1xi32>
    %shift_right_arithmetic3A_109 = arith.constant 7 : i32
    %shift_right_arithmetic3A_110 = arith.shrsi %squeeze3A_106, %shift_right_arithmetic3A_109 : i32
    %mul3A_111 = arith.constant 128 : i32
    %mul3A_112 = arith.muli %shift_right_arithmetic3A_110, %mul3A_111 : i32
    %multiple_of3A_113 = tpu.assume_multiple %mul3A_112, 128 : i32
    %dma_start3A_114 = arith.constant 0 : i32
    %dma_start3A_115 = tpu.memref_slice %arg4[%dma_start3A_114, %multiple_of3A_113] : memref<64x1000000xf32, #tpu.memory_space<hbm>> -> memref<64x128xf32, #tpu.memory_space<hbm>>
    %dma_start3A_116 = arith.constant 0 : i32
    %dma_start3A_117 = tpu.memref_slice %arg4[%dma_start3A_116, %multiple_of3A_113] : memref<64x1000000xf32, #tpu.memory_space<hbm>> -> memref<64x128xf32, #tpu.memory_space<hbm>>
    tpu.enqueue_dma source(%dma_start3A_117 : memref<64x128xf32, #tpu.memory_space<hbm>>) target(%arg11 : memref<64x128xf32, #tpu.memory_space<vmem>>) target_semaphore(%arg23 : memref<!tpu.dma_semaphore, #tpu.memory_space<semaphore_mem>>)
    %dma_start3A_118 = arith.constant 4 : i32
    %dma_start3A_119 = arith.constant 0 : i32
    %dma_start3A_120 = tpu.memref_slice %arg15[%dma_start3A_118, %dma_start3A_119] : memref<8x128xf32, #tpu.memory_space<vmem>> -> memref<1x64xf32, #tpu.memory_space<vmem>>
    %dma_start3A_121 = tpu.memref_squeeze %dma_start3A_120 : memref<1x64xf32, #tpu.memory_space<vmem>> -> memref<64xf32, #tpu.memory_space<vmem>>
    %dma_start3A_122 = arith.constant 0 : i32
    %dma_start3A_123 = tpu.memref_slice %arg5[%squeeze3A_108, %dma_start3A_122] : memref<100000x64xf32, #tpu.memory_space<hbm>> -> memref<1x64xf32, #tpu.memory_space<hbm>>
    %dma_start3A_124 = tpu.memref_squeeze %dma_start3A_123 : memref<1x64xf32, #tpu.memory_space<hbm>> -> memref<64xf32, #tpu.memory_space<hbm>>
    %dma_start3A_125 = arith.constant 0 : i32
    %dma_start3A_126 = tpu.memref_slice %arg15[%dma_start3A_118, %dma_start3A_125] : memref<8x128xf32, #tpu.memory_space<vmem>> -> memref<1x64xf32, #tpu.memory_space<vmem>>
    %dma_start3A_127 = tpu.memref_squeeze %dma_start3A_126 : memref<1x64xf32, #tpu.memory_space<vmem>> -> memref<64xf32, #tpu.memory_space<vmem>>
    %dma_start3A_128 = arith.constant 0 : i32
    %dma_start3A_129 = tpu.memref_slice %arg5[%squeeze3A_108, %dma_start3A_128] : memref<100000x64xf32, #tpu.memory_space<hbm>> -> memref<1x64xf32, #tpu.memory_space<hbm>>
    %dma_start3A_130 = tpu.memref_squeeze %dma_start3A_129 : memref<1x64xf32, #tpu.memory_space<hbm>> -> memref<64xf32, #tpu.memory_space<hbm>>
    tpu.enqueue_dma source(%dma_start3A_130 : memref<64xf32, #tpu.memory_space<hbm>>) target(%dma_start3A_127 : memref<64xf32, #tpu.memory_space<vmem>>) target_semaphore(%arg23 : memref<!tpu.dma_semaphore, #tpu.memory_space<semaphore_mem>>)
    %slice3A_131 = vector.extract_strided_slice %get3A_3 {offsets = [5], sizes = [1], strides = [1]} : vector<16xi32> to vector<1xi32>
    %squeeze3A_132 = vector.extract %slice3A_131[0] : i32 from vector<1xi32>
    %slice3A_133 = vector.extract_strided_slice %get3A_5 {offsets = [5], sizes = [1], strides = [1]} : vector<16xi32> to vector<1xi32>
    %squeeze3A_134 = vector.extract %slice3A_133[0] : i32 from vector<1xi32>
    %shift_right_arithmetic3A_135 = arith.constant 7 : i32
    %shift_right_arithmetic3A_136 = arith.shrsi %squeeze3A_132, %shift_right_arithmetic3A_135 : i32
    %mul3A_137 = arith.constant 128 : i32
    %mul3A_138 = arith.muli %shift_right_arithmetic3A_136, %mul3A_137 : i32
    %multiple_of3A_139 = tpu.assume_multiple %mul3A_138, 128 : i32
    %dma_start3A_140 = arith.constant 0 : i32
    %dma_start3A_141 = tpu.memref_slice %arg4[%dma_start3A_140, %multiple_of3A_139] : memref<64x1000000xf32, #tpu.memory_space<hbm>> -> memref<64x128xf32, #tpu.memory_space<hbm>>
    %dma_start3A_142 = arith.constant 0 : i32
    %dma_start3A_143 = tpu.memref_slice %arg4[%dma_start3A_142, %multiple_of3A_139] : memref<64x1000000xf32, #tpu.memory_space<hbm>> -> memref<64x128xf32, #tpu.memory_space<hbm>>
    tpu.enqueue_dma source(%dma_start3A_143 : memref<64x128xf32, #tpu.memory_space<hbm>>) target(%arg12 : memref<64x128xf32, #tpu.memory_space<vmem>>) target_semaphore(%arg24 : memref<!tpu.dma_semaphore, #tpu.memory_space<semaphore_mem>>)
    %dma_start3A_144 = arith.constant 5 : i32
    %dma_start3A_145 = arith.constant 0 : i32
    %dma_start3A_146 = tpu.memref_slice %arg15[%dma_start3A_144, %dma_start3A_145] : memref<8x128xf32, #tpu.memory_space<vmem>> -> memref<1x64xf32, #tpu.memory_space<vmem>>
    %dma_start3A_147 = tpu.memref_squeeze %dma_start3A_146 : memref<1x64xf32, #tpu.memory_space<vmem>> -> memref<64xf32, #tpu.memory_space<vmem>>
    %dma_start3A_148 = arith.constant 0 : i32
    %dma_start3A_149 = tpu.memref_slice %arg5[%squeeze3A_134, %dma_start3A_148] : memref<100000x64xf32, #tpu.memory_space<hbm>> -> memref<1x64xf32, #tpu.memory_space<hbm>>
    %dma_start3A_150 = tpu.memref_squeeze %dma_start3A_149 : memref<1x64xf32, #tpu.memory_space<hbm>> -> memref<64xf32, #tpu.memory_space<hbm>>
    %dma_start3A_151 = arith.constant 0 : i32
    %dma_start3A_152 = tpu.memref_slice %arg15[%dma_start3A_144, %dma_start3A_151] : memref<8x128xf32, #tpu.memory_space<vmem>> -> memref<1x64xf32, #tpu.memory_space<vmem>>
    %dma_start3A_153 = tpu.memref_squeeze %dma_start3A_152 : memref<1x64xf32, #tpu.memory_space<vmem>> -> memref<64xf32, #tpu.memory_space<vmem>>
    %dma_start3A_154 = arith.constant 0 : i32
    %dma_start3A_155 = tpu.memref_slice %arg5[%squeeze3A_134, %dma_start3A_154] : memref<100000x64xf32, #tpu.memory_space<hbm>> -> memref<1x64xf32, #tpu.memory_space<hbm>>
    %dma_start3A_156 = tpu.memref_squeeze %dma_start3A_155 : memref<1x64xf32, #tpu.memory_space<hbm>> -> memref<64xf32, #tpu.memory_space<hbm>>
    tpu.enqueue_dma source(%dma_start3A_156 : memref<64xf32, #tpu.memory_space<hbm>>) target(%dma_start3A_153 : memref<64xf32, #tpu.memory_space<vmem>>) target_semaphore(%arg24 : memref<!tpu.dma_semaphore, #tpu.memory_space<semaphore_mem>>)
    %slice3A_157 = vector.extract_strided_slice %get3A_3 {offsets = [6], sizes = [1], strides = [1]} : vector<16xi32> to vector<1xi32>
    %squeeze3A_158 = vector.extract %slice3A_157[0] : i32 from vector<1xi32>
    %slice3A_159 = vector.extract_strided_slice %get3A_5 {offsets = [6], sizes = [1], strides = [1]} : vector<16xi32> to vector<1xi32>
    %squeeze3A_160 = vector.extract %slice3A_159[0] : i32 from vector<1xi32>
    %shift_right_arithmetic3A_161 = arith.constant 7 : i32
    %shift_right_arithmetic3A_162 = arith.shrsi %squeeze3A_158, %shift_right_arithmetic3A_161 : i32
    %mul3A_163 = arith.constant 128 : i32
    %mul3A_164 = arith.muli %shift_right_arithmetic3A_162, %mul3A_163 : i32
    %multiple_of3A_165 = tpu.assume_multiple %mul3A_164, 128 : i32
    %dma_start3A_166 = arith.constant 0 : i32
    %dma_start3A_167 = tpu.memref_slice %arg4[%dma_start3A_166, %multiple_of3A_165] : memref<64x1000000xf32, #tpu.memory_space<hbm>> -> memref<64x128xf32, #tpu.memory_space<hbm>>
    %dma_start3A_168 = arith.constant 0 : i32
    %dma_start3A_169 = tpu.memref_slice %arg4[%dma_start3A_168, %multiple_of3A_165] : memref<64x1000000xf32, #tpu.memory_space<hbm>> -> memref<64x128xf32, #tpu.memory_space<hbm>>
    tpu.enqueue_dma source(%dma_start3A_169 : memref<64x128xf32, #tpu.memory_space<hbm>>) target(%arg13 : memref<64x128xf32, #tpu.memory_space<vmem>>) target_semaphore(%arg25 : memref<!tpu.dma_semaphore, #tpu.memory_space<semaphore_mem>>)
    %dma_start3A_170 = arith.constant 6 : i32
    %dma_start3A_171 = arith.constant 0 : i32
    %dma_start3A_172 = tpu.memref_slice %arg15[%dma_start3A_170, %dma_start3A_171] : memref<8x128xf32, #tpu.memory_space<vmem>> -> memref<1x64xf32, #tpu.memory_space<vmem>>
    %dma_start3A_173 = tpu.memref_squeeze %dma_start3A_172 : memref<1x64xf32, #tpu.memory_space<vmem>> -> memref<64xf32, #tpu.memory_space<vmem>>
    %dma_start3A_174 = arith.constant 0 : i32
    %dma_start3A_175 = tpu.memref_slice %arg5[%squeeze3A_160, %dma_start3A_174] : memref<100000x64xf32, #tpu.memory_space<hbm>> -> memref<1x64xf32, #tpu.memory_space<hbm>>
    %dma_start3A_176 = tpu.memref_squeeze %dma_start3A_175 : memref<1x64xf32, #tpu.memory_space<hbm>> -> memref<64xf32, #tpu.memory_space<hbm>>
    %dma_start3A_177 = arith.constant 0 : i32
    %dma_start3A_178 = tpu.memref_slice %arg15[%dma_start3A_170, %dma_start3A_177] : memref<8x128xf32, #tpu.memory_space<vmem>> -> memref<1x64xf32, #tpu.memory_space<vmem>>
    %dma_start3A_179 = tpu.memref_squeeze %dma_start3A_178 : memref<1x64xf32, #tpu.memory_space<vmem>> -> memref<64xf32, #tpu.memory_space<vmem>>
    %dma_start3A_180 = arith.constant 0 : i32
    %dma_start3A_181 = tpu.memref_slice %arg5[%squeeze3A_160, %dma_start3A_180] : memref<100000x64xf32, #tpu.memory_space<hbm>> -> memref<1x64xf32, #tpu.memory_space<hbm>>
    %dma_start3A_182 = tpu.memref_squeeze %dma_start3A_181 : memref<1x64xf32, #tpu.memory_space<hbm>> -> memref<64xf32, #tpu.memory_space<hbm>>
    tpu.enqueue_dma source(%dma_start3A_182 : memref<64xf32, #tpu.memory_space<hbm>>) target(%dma_start3A_179 : memref<64xf32, #tpu.memory_space<vmem>>) target_semaphore(%arg25 : memref<!tpu.dma_semaphore, #tpu.memory_space<semaphore_mem>>)
    %slice3A_183 = vector.extract_strided_slice %get3A_3 {offsets = [7], sizes = [1], strides = [1]} : vector<16xi32> to vector<1xi32>
    %squeeze3A_184 = vector.extract %slice3A_183[0] : i32 from vector<1xi32>
    %slice3A_185 = vector.extract_strided_slice %get3A_5 {offsets = [7], sizes = [1], strides = [1]} : vector<16xi32> to vector<1xi32>
    %squeeze3A_186 = vector.extract %slice3A_185[0] : i32 from vector<1xi32>
    %shift_right_arithmetic3A_187 = arith.constant 7 : i32
    %shift_right_arithmetic3A_188 = arith.shrsi %squeeze3A_184, %shift_right_arithmetic3A_187 : i32
    %mul3A_189 = arith.constant 128 : i32
    %mul3A_190 = arith.muli %shift_right_arithmetic3A_188, %mul3A_189 : i32
    %multiple_of3A_191 = tpu.assume_multiple %mul3A_190, 128 : i32
    %dma_start3A_192 = arith.constant 0 : i32
    %dma_start3A_193 = tpu.memref_slice %arg4[%dma_start3A_192, %multiple_of3A_191] : memref<64x1000000xf32, #tpu.memory_space<hbm>> -> memref<64x128xf32, #tpu.memory_space<hbm>>
    %dma_start3A_194 = arith.constant 0 : i32
    %dma_start3A_195 = tpu.memref_slice %arg4[%dma_start3A_194, %multiple_of3A_191] : memref<64x1000000xf32, #tpu.memory_space<hbm>> -> memref<64x128xf32, #tpu.memory_space<hbm>>
    tpu.enqueue_dma source(%dma_start3A_195 : memref<64x128xf32, #tpu.memory_space<hbm>>) target(%arg14 : memref<64x128xf32, #tpu.memory_space<vmem>>) target_semaphore(%arg26 : memref<!tpu.dma_semaphore, #tpu.memory_space<semaphore_mem>>)
    %dma_start3A_196 = arith.constant 7 : i32
    %dma_start3A_197 = arith.constant 0 : i32
    %dma_start3A_198 = tpu.memref_slice %arg15[%dma_start3A_196, %dma_start3A_197] : memref<8x128xf32, #tpu.memory_space<vmem>> -> memref<1x64xf32, #tpu.memory_space<vmem>>
    %dma_start3A_199 = tpu.memref_squeeze %dma_start3A_198 : memref<1x64xf32, #tpu.memory_space<vmem>> -> memref<64xf32, #tpu.memory_space<vmem>>
    %dma_start3A_200 = arith.constant 0 : i32
    %dma_start3A_201 = tpu.memref_slice %arg5[%squeeze3A_186, %dma_start3A_200] : memref<100000x64xf32, #tpu.memory_space<hbm>> -> memref<1x64xf32, #tpu.memory_space<hbm>>
    %dma_start3A_202 = tpu.memref_squeeze %dma_start3A_201 : memref<1x64xf32, #tpu.memory_space<hbm>> -> memref<64xf32, #tpu.memory_space<hbm>>
    %dma_start3A_203 = arith.constant 0 : i32
    %dma_start3A_204 = tpu.memref_slice %arg15[%dma_start3A_196, %dma_start3A_203] : memref<8x128xf32, #tpu.memory_space<vmem>> -> memref<1x64xf32, #tpu.memory_space<vmem>>
    %dma_start3A_205 = tpu.memref_squeeze %dma_start3A_204 : memref<1x64xf32, #tpu.memory_space<vmem>> -> memref<64xf32, #tpu.memory_space<vmem>>
    %dma_start3A_206 = arith.constant 0 : i32
    %dma_start3A_207 = tpu.memref_slice %arg5[%squeeze3A_186, %dma_start3A_206] : memref<100000x64xf32, #tpu.memory_space<hbm>> -> memref<1x64xf32, #tpu.memory_space<hbm>>
    %dma_start3A_208 = tpu.memref_squeeze %dma_start3A_207 : memref<1x64xf32, #tpu.memory_space<hbm>> -> memref<64xf32, #tpu.memory_space<hbm>>
    tpu.enqueue_dma source(%dma_start3A_208 : memref<64xf32, #tpu.memory_space<hbm>>) target(%dma_start3A_205 : memref<64xf32, #tpu.memory_space<vmem>>) target_semaphore(%arg26 : memref<!tpu.dma_semaphore, #tpu.memory_space<semaphore_mem>>)
    %scan3A = arith.constant 0 : i32
    %scan3A_209 = arith.constant 31 : i32
    %scan3A_210 = arith.addi %scan3A, %scan3A_209 : i32
    %scan3A_211 = arith.constant 1 : i32
    scf.for %scan3A_1380 = %scan3A to %scan3A_210 step %scan3A_211  : i32 {
      %mul3A_1381 = arith.constant 1 : i32
      %mul3A_1382 = arith.muli %scan3A_1380, %mul3A_1381 : i32
      %add3A_1383 = arith.constant 0 : i32
      %add3A_1384 = arith.addi %add3A_1383, %mul3A_1382 : i32
      %mul3A_1385 = arith.constant 16 : i32
      %mul3A_1386 = arith.muli %add3A_1384, %mul3A_1385 : i32
      %get3A_1387 = arith.index_cast %mul3A_1386 : i32 to index
      %get3A_1388 = tpu.vector_load %arg17[%get3A_1387] {strides = array<i32>} : memref<1024xi32, #tpu.memory_space<vmem>>, vector<16xi32>,
      %mul3A_1389 = arith.constant 16 : i32
      %mul3A_1390 = arith.muli %add3A_1384, %mul3A_1389 : i32
      %add3A_1391 = arith.constant 512 : i32
      %add3A_1392 = arith.addi %add3A_1391, %mul3A_1390 : i32
      %get3A_1393 = arith.index_cast %add3A_1392 : i32 to index
      %get3A_1394 = tpu.vector_load %arg17[%get3A_1393] {strides = array<i32>} : memref<1024xi32, #tpu.memory_space<vmem>>, vector<16xi32>,
      %add3A_1395 = arith.constant 1 : i32
      %add3A_1396 = arith.addi %add3A_1384, %add3A_1395 : i32
      %mul3A_1397 = arith.constant 16 : i32
      %mul3A_1398 = arith.muli %add3A_1396, %mul3A_1397 : i32
      %get3A_1399 = arith.index_cast %mul3A_1398 : i32 to index
      %get3A_1400 = tpu.vector_load %arg17[%get3A_1399] {strides = array<i32>} : memref<1024xi32, #tpu.memory_space<vmem>>, vector<16xi32>,
      %add3A_1401 = arith.constant 1 : i32
      %add3A_1402 = arith.addi %add3A_1384, %add3A_1401 : i32
      %mul3A_1403 = arith.constant 16 : i32
      %mul3A_1404 = arith.muli %add3A_1402, %mul3A_1403 : i32
      %add3A_1405 = arith.constant 512 : i32
      %add3A_1406 = arith.addi %add3A_1405, %mul3A_1404 : i32
      %get3A_1407 = arith.index_cast %add3A_1406 : i32 to index
      %get3A_1408 = tpu.vector_load %arg17[%get3A_1407] {strides = array<i32>} : memref<1024xi32, #tpu.memory_space<vmem>>, vector<16xi32>,
      %broadcast_in_dim3A_1409 = arith.constant 0.000000e+00 : f32
      %broadcast_in_dim3A_1410 = vector.broadcast %broadcast_in_dim3A_1409 : f32 to vector<16xf32>
      %dma_wait3A_1411 = arith.constant 0 : i32
      %dma_wait3A_1412 = tpu.memref_slice %arg6[%dma_wait3A_1411] : memref<16384xf32, #tpu.memory_space<hbm>> -> memref<8192xf32, #tpu.memory_space<hbm>>
      %dma_wait3A_1413 = arith.constant 0 : i32
      %dma_wait3A_1414 = tpu.memref_slice %arg6[%dma_wait3A_1413] : memref<16384xf32, #tpu.memory_space<hbm>> -> memref<8192xf32, #tpu.memory_space<hbm>>
      tpu.wait_dma2 semaphore(%arg19 : memref<!tpu.dma_semaphore, #tpu.memory_space<semaphore_mem>>) src(%dma_wait3A_1414 : memref<8192xf32, #tpu.memory_space<hbm>>) dst(%arg18 : memref<8192xf32, #tpu.memory_space<vmem>>)
      %dma_wait3A_1415 = arith.constant 0 : i32
      %dma_wait3A_1416 = tpu.memref_slice %arg18[%dma_wait3A_1415] : memref<8192xf32, #tpu.memory_space<vmem>> -> memref<64xf32, #tpu.memory_space<vmem>>
      %dma_wait3A_1417 = arith.constant 0 : i32
      %dma_wait3A_1418 = tpu.memref_slice %arg6[%dma_wait3A_1417] : memref<16384xf32, #tpu.memory_space<hbm>> -> memref<64xf32, #tpu.memory_space<hbm>>
      %dma_wait3A_1419 = arith.constant 0 : i32
      %dma_wait3A_1420 = tpu.memref_slice %arg18[%dma_wait3A_1419] : memref<8192xf32, #tpu.memory_space<vmem>> -> memref<64xf32, #tpu.memory_space<vmem>>
      %dma_wait3A_1421 = arith.constant 0 : i32
      %dma_wait3A_1422 = tpu.memref_slice %arg6[%dma_wait3A_1421] : memref<16384xf32, #tpu.memory_space<hbm>> -> memref<64xf32, #tpu.memory_space<hbm>>
      tpu.wait_dma2 semaphore(%arg19 : memref<!tpu.dma_semaphore, #tpu.memory_space<semaphore_mem>>) src(%dma_wait3A_1422 : memref<64xf32, #tpu.memory_space<hbm>>) dst(%dma_wait3A_1420 : memref<64xf32, #tpu.memory_space<vmem>>)
      %slice3A_1423 = vector.extract_strided_slice %get3A_1388 {offsets = [0], sizes = [1], strides = [1]} : vector<16xi32> to vector<1xi32>
      %squeeze3A_1424 = vector.extract %slice3A_1423[0] : i32 from vector<1xi32>
      %and3A_1425 = arith.constant 127 : i32
      %and3A_1426 = arith.andi %squeeze3A_1424, %and3A_1425 : i32
      %broadcast_in_dim3A_1427 = vector.broadcast %and3A_1426 : i32 to vector<16xi32>
      %broadcast_in_dim3A_1428 = arith.constant 0 : i32
      %broadcast_in_dim3A_1429 = vector.broadcast %broadcast_in_dim3A_1428 : i32 to vector<16xi32>
      %iota3A_1430 = tpu.iota {dimensions = array<i32: 0>} : vector<16xi32>
      %add3A_1431 = arith.constant 0 : i32
      %add3A_1432 = vector.broadcast %add3A_1431 : i32 to vector<16xi32>
      %add3A_1433 = arith.addi %add3A_1432, %iota3A_1430 : vector<16xi32>
      %gather3A_1434 = tpu.vector_load_idx %arg7[%add3A_1433, %broadcast_in_dim3A_1427] : memref<64x128xf32, #tpu.memory_space<vmem>>[vector<16xi32>, vector<16xi32>], vector<16xf32>,
      %gather3A_1435 = tpu.vector_load_idx %arg15[%broadcast_in_dim3A_1429, %add3A_1433] : memref<8x128xf32, #tpu.memory_space<vmem>>[vector<16xi32>, vector<16xi32>], vector<16xf32>,
      %mul3A_1436 = arith.mulf %gather3A_1434, %gather3A_1435 : vector<16xf32>
      %iota3A_1437 = tpu.iota {dimensions = array<i32: 0>} : vector<16xi32>
      %add3A_1438 = arith.constant 16 : i32
      %add3A_1439 = vector.broadcast %add3A_1438 : i32 to vector<16xi32>
      %add3A_1440 = arith.addi %add3A_1439, %iota3A_1437 : vector<16xi32>
      %gather3A_1441 = tpu.vector_load_idx %arg7[%add3A_1440, %broadcast_in_dim3A_1427] : memref<64x128xf32, #tpu.memory_space<vmem>>[vector<16xi32>, vector<16xi32>], vector<16xf32>,
      %gather3A_1442 = tpu.vector_load_idx %arg15[%broadcast_in_dim3A_1429, %add3A_1440] : memref<8x128xf32, #tpu.memory_space<vmem>>[vector<16xi32>, vector<16xi32>], vector<16xf32>,
      %mul3A_1443 = arith.mulf %gather3A_1441, %gather3A_1442 : vector<16xf32>
      %add3A_1444 = arith.addf %mul3A_1436, %mul3A_1443 : vector<16xf32>
      %iota3A_1445 = tpu.iota {dimensions = array<i32: 0>} : vector<16xi32>
      %add3A_1446 = arith.constant 32 : i32
      %add3A_1447 = vector.broadcast %add3A_1446 : i32 to vector<16xi32>
      %add3A_1448 = arith.addi %add3A_1447, %iota3A_1445 : vector<16xi32>
      %gather3A_1449 = tpu.vector_load_idx %arg7[%add3A_1448, %broadcast_in_dim3A_1427] : memref<64x128xf32, #tpu.memory_space<vmem>>[vector<16xi32>, vector<16xi32>], vector<16xf32>,
      %gather3A_1450 = tpu.vector_load_idx %arg15[%broadcast_in_dim3A_1429, %add3A_1448] : memref<8x128xf32, #tpu.memory_space<vmem>>[vector<16xi32>, vector<16xi32>], vector<16xf32>,
      %mul3A_1451 = arith.mulf %gather3A_1449, %gather3A_1450 : vector<16xf32>
      %add3A_1452 = arith.addf %add3A_1444, %mul3A_1451 : vector<16xf32>
      %iota3A_1453 = tpu.iota {dimensions = array<i32: 0>} : vector<16xi32>
      %add3A_1454 = arith.constant 48 : i32
      %add3A_1455 = vector.broadcast %add3A_1454 : i32 to vector<16xi32>
      %add3A_1456 = arith.addi %add3A_1455, %iota3A_1453 : vector<16xi32>
      %gather3A_1457 = tpu.vector_load_idx %arg7[%add3A_1456, %broadcast_in_dim3A_1427] : memref<64x128xf32, #tpu.memory_space<vmem>>[vector<16xi32>, vector<16xi32>], vector<16xf32>,
      %gather3A_1458 = tpu.vector_load_idx %arg15[%broadcast_in_dim3A_1429, %add3A_1456] : memref<8x128xf32, #tpu.memory_space<vmem>>[vector<16xi32>, vector<16xi32>], vector<16xf32>,
      %mul3A_1459 = arith.mulf %gather3A_1457, %gather3A_1458 : vector<16xf32>
      %add3A_1460 = arith.addf %add3A_1452, %mul3A_1459 : vector<16xf32>
      %reduce_sum3A_1461 = arith.constant true
      %reduce_sum3A_1462 = vector.broadcast %reduce_sum3A_1461 : i1 to vector<16xi1>
      %reduce_sum3A_1463 = tpu.scan <sum>, %add3A_1460 masked %reduce_sum3A_1462 : vector<16xf32>, vector<16xi1> -> vector<16xf32>
      %reduce_sum3A_1464 = vector.extract %reduce_sum3A_1463[15] : f32 from vector<16xf32>
      %iota3A_1465 = tpu.iota {dimensions = array<i32: 0>} : vector<16xi32>
      %eq3A_1466 = arith.constant 0 : i32
      %eq3A_1467 = vector.broadcast %eq3A_1466 : i32 to vector<16xi32>
      %eq3A_1468 = arith.cmpi eq, %iota3A_1465, %eq3A_1467 : vector<16xi32>
      %broadcast_in_dim3A_1469 = vector.broadcast %reduce_sum3A_1464 : f32 to vector<16xf32>
      %select_n3A_1470 = arith.select %eq3A_1468, %broadcast_in_dim3A_1469, %broadcast_in_dim3A_1410 : vector<16xi1>, vector<16xf32>
      %slice3A_1471 = vector.extract_strided_slice %get3A_1388 {offsets = [8], sizes = [1], strides = [1]} : vector<16xi32> to vector<1xi32>
      %squeeze3A_1472 = vector.extract %slice3A_1471[0] : i32 from vector<1xi32>
      %slice3A_1473 = vector.extract_strided_slice %get3A_1394 {offsets = [8], sizes = [1], strides = [1]} : vector<16xi32> to vector<1xi32>
      %squeeze3A_1474 = vector.extract %slice3A_1473[0] : i32 from vector<1xi32>
      %shift_right_arithmetic3A_1475 = arith.constant 7 : i32
      %shift_right_arithmetic3A_1476 = arith.shrsi %squeeze3A_1472, %shift_right_arithmetic3A_1475 : i32
      %mul3A_1477 = arith.constant 128 : i32
      %mul3A_1478 = arith.muli %shift_right_arithmetic3A_1476, %mul3A_1477 : i32
      %multiple_of3A_1479 = tpu.assume_multiple %mul3A_1478, 128 : i32
      %dma_start3A_1480 = arith.constant 0 : i32
      %dma_start3A_1481 = tpu.memref_slice %arg4[%dma_start3A_1480, %multiple_of3A_1479] : memref<64x1000000xf32, #tpu.memory_space<hbm>> -> memref<64x128xf32, #tpu.memory_space<hbm>>
      %dma_start3A_1482 = arith.constant 0 : i32
      %dma_start3A_1483 = tpu.memref_slice %arg4[%dma_start3A_1482, %multiple_of3A_1479] : memref<64x1000000xf32, #tpu.memory_space<hbm>> -> memref<64x128xf32, #tpu.memory_space<hbm>>
      tpu.enqueue_dma source(%dma_start3A_1483 : memref<64x128xf32, #tpu.memory_space<hbm>>) target(%arg7 : memref<64x128xf32, #tpu.memory_space<vmem>>) target_semaphore(%arg19 : memref<!tpu.dma_semaphore, #tpu.memory_space<semaphore_mem>>)
      %dma_start3A_1484 = arith.constant 0 : i32
      %dma_start3A_1485 = arith.constant 0 : i32
      %dma_start3A_1486 = tpu.memref_slice %arg15[%dma_start3A_1484, %dma_start3A_1485] : memref<8x128xf32, #tpu.memory_space<vmem>> -> memref<1x64xf32, #tpu.memory_space<vmem>>
      %dma_start3A_1487 = tpu.memref_squeeze %dma_start3A_1486 : memref<1x64xf32, #tpu.memory_space<vmem>> -> memref<64xf32, #tpu.memory_space<vmem>>
      %dma_start3A_1488 = arith.constant 0 : i32
      %dma_start3A_1489 = tpu.memref_slice %arg5[%squeeze3A_1474, %dma_start3A_1488] : memref<100000x64xf32, #tpu.memory_space<hbm>> -> memref<1x64xf32, #tpu.memory_space<hbm>>
      %dma_start3A_1490 = tpu.memref_squeeze %dma_start3A_1489 : memref<1x64xf32, #tpu.memory_space<hbm>> -> memref<64xf32, #tpu.memory_space<hbm>>
      %dma_start3A_1491 = arith.constant 0 : i32
      %dma_start3A_1492 = tpu.memref_slice %arg15[%dma_start3A_1484, %dma_start3A_1491] : memref<8x128xf32, #tpu.memory_space<vmem>> -> memref<1x64xf32, #tpu.memory_space<vmem>>
      %dma_start3A_1493 = tpu.memref_squeeze %dma_start3A_1492 : memref<1x64xf32, #tpu.memory_space<vmem>> -> memref<64xf32, #tpu.memory_space<vmem>>
      %dma_start3A_1494 = arith.constant 0 : i32
      %dma_start3A_1495 = tpu.memref_slice %arg5[%squeeze3A_1474, %dma_start3A_1494] : memref<100000x64xf32, #tpu.memory_space<hbm>> -> memref<1x64xf32, #tpu.memory_space<hbm>>
      %dma_start3A_1496 = tpu.memref_squeeze %dma_start3A_1495 : memref<1x64xf32, #tpu.memory_space<hbm>> -> memref<64xf32, #tpu.memory_space<hbm>>
      tpu.enqueue_dma source(%dma_start3A_1496 : memref<64xf32, #tpu.memory_space<hbm>>) target(%dma_start3A_1493 : memref<64xf32, #tpu.memory_space<vmem>>) target_semaphore(%arg19 : memref<!tpu.dma_semaphore, #tpu.memory_space<semaphore_mem>>)
      %dma_wait3A_1497 = arith.constant 0 : i32
      %dma_wait3A_1498 = tpu.memref_slice %arg6[%dma_wait3A_1497] : memref<16384xf32, #tpu.memory_space<hbm>> -> memref<8192xf32, #tpu.memory_space<hbm>>
      %dma_wait3A_1499 = arith.constant 0 : i32
      %dma_wait3A_1500 = tpu.memref_slice %arg6[%dma_wait3A_1499] : memref<16384xf32, #tpu.memory_space<hbm>> -> memref<8192xf32, #tpu.memory_space<hbm>>
      tpu.wait_dma2 semaphore(%arg20 : memref<!tpu.dma_semaphore, #tpu.memory_space<semaphore_mem>>) src(%dma_wait3A_1500 : memref<8192xf32, #tpu.memory_space<hbm>>) dst(%arg18 : memref<8192xf32, #tpu.memory_space<vmem>>)
      %dma_wait3A_1501 = arith.constant 0 : i32
      %dma_wait3A_1502 = tpu.memref_slice %arg18[%dma_wait3A_1501] : memref<8192xf32, #tpu.memory_space<vmem>> -> memref<64xf32, #tpu.memory_space<vmem>>
      %dma_wait3A_1503 = arith.constant 0 : i32
      %dma_wait3A_1504 = tpu.memref_slice %arg6[%dma_wait3A_1503] : memref<16384xf32, #tpu.memory_space<hbm>> -> memref<64xf32, #tpu.memory_space<hbm>>
      %dma_wait3A_1505 = arith.constant 0 : i32
      %dma_wait3A_1506 = tpu.memref_slice %arg18[%dma_wait3A_1505] : memref<8192xf32, #tpu.memory_space<vmem>> -> memref<64xf32, #tpu.memory_space<vmem>>
      %dma_wait3A_1507 = arith.constant 0 : i32
      %dma_wait3A_1508 = tpu.memref_slice %arg6[%dma_wait3A_1507] : memref<16384xf32, #tpu.memory_space<hbm>> -> memref<64xf32, #tpu.memory_space<hbm>>
      tpu.wait_dma2 semaphore(%arg20 : memref<!tpu.dma_semaphore, #tpu.memory_space<semaphore_mem>>) src(%dma_wait3A_1508 : memref<64xf32, #tpu.memory_space<hbm>>) dst(%dma_wait3A_1506 : memref<64xf32, #tpu.memory_space<vmem>>)
      %slice3A_1509 = vector.extract_strided_slice %get3A_1388 {offsets = [1], sizes = [1], strides = [1]} : vector<16xi32> to vector<1xi32>
      %squeeze3A_1510 = vector.extract %slice3A_1509[0] : i32 from vector<1xi32>
      %and3A_1511 = arith.constant 127 : i32
      %and3A_1512 = arith.andi %squeeze3A_1510, %and3A_1511 : i32
      %broadcast_in_dim3A_1513 = vector.broadcast %and3A_1512 : i32 to vector<16xi32>
      %broadcast_in_dim3A_1514 = arith.constant 1 : i32
      %broadcast_in_dim3A_1515 = vector.broadcast %broadcast_in_dim3A_1514 : i32 to vector<16xi32>
      %iota3A_1516 = tpu.iota {dimensions = array<i32: 0>} : vector<16xi32>
      %add3A_1517 = arith.constant 0 : i32
      %add3A_1518 = vector.broadcast %add3A_1517 : i32 to vector<16xi32>
      %add3A_1519 = arith.addi %add3A_1518, %iota3A_1516 : vector<16xi32>
      %gather3A_1520 = tpu.vector_load_idx %arg8[%add3A_1519, %broadcast_in_dim3A_1513] : memref<64x128xf32, #tpu.memory_space<vmem>>[vector<16xi32>, vector<16xi32>], vector<16xf32>,
      %gather3A_1521 = tpu.vector_load_idx %arg15[%broadcast_in_dim3A_1515, %add3A_1519] : memref<8x128xf32, #tpu.memory_space<vmem>>[vector<16xi32>, vector<16xi32>], vector<16xf32>,
      %mul3A_1522 = arith.mulf %gather3A_1520, %gather3A_1521 : vector<16xf32>
      %iota3A_1523 = tpu.iota {dimensions = array<i32: 0>} : vector<16xi32>
      %add3A_1524 = arith.constant 16 : i32
      %add3A_1525 = vector.broadcast %add3A_1524 : i32 to vector<16xi32>
      %add3A_1526 = arith.addi %add3A_1525, %iota3A_1523 : vector<16xi32>
      %gather3A_1527 = tpu.vector_load_idx %arg8[%add3A_1526, %broadcast_in_dim3A_1513] : memref<64x128xf32, #tpu.memory_space<vmem>>[vector<16xi32>, vector<16xi32>], vector<16xf32>,
      %gather3A_1528 = tpu.vector_load_idx %arg15[%broadcast_in_dim3A_1515, %add3A_1526] : memref<8x128xf32, #tpu.memory_space<vmem>>[vector<16xi32>, vector<16xi32>], vector<16xf32>,
      %mul3A_1529 = arith.mulf %gather3A_1527, %gather3A_1528 : vector<16xf32>
      %add3A_1530 = arith.addf %mul3A_1522, %mul3A_1529 : vector<16xf32>
      %iota3A_1531 = tpu.iota {dimensions = array<i32: 0>} : vector<16xi32>
      %add3A_1532 = arith.constant 32 : i32
      %add3A_1533 = vector.broadcast %add3A_1532 : i32 to vector<16xi32>
      %add3A_1534 = arith.addi %add3A_1533, %iota3A_1531 : vector<16xi32>
      %gather3A_1535 = tpu.vector_load_idx %arg8[%add3A_1534, %broadcast_in_dim3A_1513] : memref<64x128xf32, #tpu.memory_space<vmem>>[vector<16xi32>, vector<16xi32>], vector<16xf32>,
      %gather3A_1536 = tpu.vector_load_idx %arg15[%broadcast_in_dim3A_1515, %add3A_1534] : memref<8x128xf32, #tpu.memory_space<vmem>>[vector<16xi32>, vector<16xi32>], vector<16xf32>,
      %mul3A_1537 = arith.mulf %gather3A_1535, %gather3A_1536 : vector<16xf32>
      %add3A_1538 = arith.addf %add3A_1530, %mul3A_1537 : vector<16xf32>
      %iota3A_1539 = tpu.iota {dimensions = array<i32: 0>} : vector<16xi32>
      %add3A_1540 = arith.constant 48 : i32
      %add3A_1541 = vector.broadcast %add3A_1540 : i32 to vector<16xi32>
      %add3A_1542 = arith.addi %add3A_1541, %iota3A_1539 : vector<16xi32>
      %gather3A_1543 = tpu.vector_load_idx %arg8[%add3A_1542, %broadcast_in_dim3A_1513] : memref<64x128xf32, #tpu.memory_space<vmem>>[vector<16xi32>, vector<16xi32>], vector<16xf32>,
      %gather3A_1544 = tpu.vector_load_idx %arg15[%broadcast_in_dim3A_1515, %add3A_1542] : memref<8x128xf32, #tpu.memory_space<vmem>>[vector<16xi32>, vector<16xi32>], vector<16xf32>,
      %mul3A_1545 = arith.mulf %gather3A_1543, %gather3A_1544 : vector<16xf32>
      %add3A_1546 = arith.addf %add3A_1538, %mul3A_1545 : vector<16xf32>
      %reduce_sum3A_1547 = arith.constant true
      %reduce_sum3A_1548 = vector.broadcast %reduce_sum3A_1547 : i1 to vector<16xi1>
      %reduce_sum3A_1549 = tpu.scan <sum>, %add3A_1546 masked %reduce_sum3A_1548 : vector<16xf32>, vector<16xi1> -> vector<16xf32>
      %reduce_sum3A_1550 = vector.extract %reduce_sum3A_1549[15] : f32 from vector<16xf32>
      %iota3A_1551 = tpu.iota {dimensions = array<i32: 0>} : vector<16xi32>
      %eq3A_1552 = arith.constant 1 : i32
      %eq3A_1553 = vector.broadcast %eq3A_1552 : i32 to vector<16xi32>
      %eq3A_1554 = arith.cmpi eq, %iota3A_1551, %eq3A_1553 : vector<16xi32>
      %broadcast_in_dim3A_1555 = vector.broadcast %reduce_sum3A_1550 : f32 to vector<16xf32>
      %select_n3A_1556 = arith.select %eq3A_1554, %broadcast_in_dim3A_1555, %select_n3A_1470 : vector<16xi1>, vector<16xf32>
      %slice3A_1557 = vector.extract_strided_slice %get3A_1388 {offsets = [9], sizes = [1], strides = [1]} : vector<16xi32> to vector<1xi32>
      %squeeze3A_1558 = vector.extract %slice3A_1557[0] : i32 from vector<1xi32>
      %slice3A_1559 = vector.extract_strided_slice %get3A_1394 {offsets = [9], sizes = [1], strides = [1]} : vector<16xi32> to vector<1xi32>
      %squeeze3A_1560 = vector.extract %slice3A_1559[0] : i32 from vector<1xi32>
      %shift_right_arithmetic3A_1561 = arith.constant 7 : i32
      %shift_right_arithmetic3A_1562 = arith.shrsi %squeeze3A_1558, %shift_right_arithmetic3A_1561 : i32
      %mul3A_1563 = arith.constant 128 : i32
      %mul3A_1564 = arith.muli %shift_right_arithmetic3A_1562, %mul3A_1563 : i32
      %multiple_of3A_1565 = tpu.assume_multiple %mul3A_1564, 128 : i32
      %dma_start3A_1566 = arith.constant 0 : i32
      %dma_start3A_1567 = tpu.memref_slice %arg4[%dma_start3A_1566, %multiple_of3A_1565] : memref<64x1000000xf32, #tpu.memory_space<hbm>> -> memref<64x128xf32, #tpu.memory_space<hbm>>
      %dma_start3A_1568 = arith.constant 0 : i32
      %dma_start3A_1569 = tpu.memref_slice %arg4[%dma_start3A_1568, %multiple_of3A_1565] : memref<64x1000000xf32, #tpu.memory_space<hbm>> -> memref<64x128xf32, #tpu.memory_space<hbm>>
      tpu.enqueue_dma source(%dma_start3A_1569 : memref<64x128xf32, #tpu.memory_space<hbm>>) target(%arg8 : memref<64x128xf32, #tpu.memory_space<vmem>>) target_semaphore(%arg20 : memref<!tpu.dma_semaphore, #tpu.memory_space<semaphore_mem>>)
      %dma_start3A_1570 = arith.constant 1 : i32
      %dma_start3A_1571 = arith.constant 0 : i32
      %dma_start3A_1572 = tpu.memref_slice %arg15[%dma_start3A_1570, %dma_start3A_1571] : memref<8x128xf32, #tpu.memory_space<vmem>> -> memref<1x64xf32, #tpu.memory_space<vmem>>
      %dma_start3A_1573 = tpu.memref_squeeze %dma_start3A_1572 : memref<1x64xf32, #tpu.memory_space<vmem>> -> memref<64xf32, #tpu.memory_space<vmem>>
      %dma_start3A_1574 = arith.constant 0 : i32
      %dma_start3A_1575 = tpu.memref_slice %arg5[%squeeze3A_1560, %dma_start3A_1574] : memref<100000x64xf32, #tpu.memory_space<hbm>> -> memref<1x64xf32, #tpu.memory_space<hbm>>
      %dma_start3A_1576 = tpu.memref_squeeze %dma_start3A_1575 : memref<1x64xf32, #tpu.memory_space<hbm>> -> memref<64xf32, #tpu.memory_space<hbm>>
      %dma_start3A_1577 = arith.constant 0 : i32
      %dma_start3A_1578 = tpu.memref_slice %arg15[%dma_start3A_1570, %dma_start3A_1577] : memref<8x128xf32, #tpu.memory_space<vmem>> -> memref<1x64xf32, #tpu.memory_space<vmem>>
      %dma_start3A_1579 = tpu.memref_squeeze %dma_start3A_1578 : memref<1x64xf32, #tpu.memory_space<vmem>> -> memref<64xf32, #tpu.memory_space<vmem>>
      %dma_start3A_1580 = arith.constant 0 : i32
      %dma_start3A_1581 = tpu.memref_slice %arg5[%squeeze3A_1560, %dma_start3A_1580] : memref<100000x64xf32, #tpu.memory_space<hbm>> -> memref<1x64xf32, #tpu.memory_space<hbm>>
      %dma_start3A_1582 = tpu.memref_squeeze %dma_start3A_1581 : memref<1x64xf32, #tpu.memory_space<hbm>> -> memref<64xf32, #tpu.memory_space<hbm>>
      tpu.enqueue_dma source(%dma_start3A_1582 : memref<64xf32, #tpu.memory_space<hbm>>) target(%dma_start3A_1579 : memref<64xf32, #tpu.memory_space<vmem>>) target_semaphore(%arg20 : memref<!tpu.dma_semaphore, #tpu.memory_space<semaphore_mem>>)
      %dma_wait3A_1583 = arith.constant 0 : i32
      %dma_wait3A_1584 = tpu.memref_slice %arg6[%dma_wait3A_1583] : memref<16384xf32, #tpu.memory_space<hbm>> -> memref<8192xf32, #tpu.memory_space<hbm>>
      %dma_wait3A_1585 = arith.constant 0 : i32
      %dma_wait3A_1586 = tpu.memref_slice %arg6[%dma_wait3A_1585] : memref<16384xf32, #tpu.memory_space<hbm>> -> memref<8192xf32, #tpu.memory_space<hbm>>
      tpu.wait_dma2 semaphore(%arg21 : memref<!tpu.dma_semaphore, #tpu.memory_space<semaphore_mem>>) src(%dma_wait3A_1586 : memref<8192xf32, #tpu.memory_space<hbm>>) dst(%arg18 : memref<8192xf32, #tpu.memory_space<vmem>>)
      %dma_wait3A_1587 = arith.constant 0 : i32
      %dma_wait3A_1588 = tpu.memref_slice %arg18[%dma_wait3A_1587] : memref<8192xf32, #tpu.memory_space<vmem>> -> memref<64xf32, #tpu.memory_space<vmem>>
      %dma_wait3A_1589 = arith.constant 0 : i32
      %dma_wait3A_1590 = tpu.memref_slice %arg6[%dma_wait3A_1589] : memref<16384xf32, #tpu.memory_space<hbm>> -> memref<64xf32, #tpu.memory_space<hbm>>
      %dma_wait3A_1591 = arith.constant 0 : i32
      %dma_wait3A_1592 = tpu.memref_slice %arg18[%dma_wait3A_1591] : memref<8192xf32, #tpu.memory_space<vmem>> -> memref<64xf32, #tpu.memory_space<vmem>>
      %dma_wait3A_1593 = arith.constant 0 : i32
      %dma_wait3A_1594 = tpu.memref_slice %arg6[%dma_wait3A_1593] : memref<16384xf32, #tpu.memory_space<hbm>> -> memref<64xf32, #tpu.memory_space<hbm>>
      tpu.wait_dma2 semaphore(%arg21 : memref<!tpu.dma_semaphore, #tpu.memory_space<semaphore_mem>>) src(%dma_wait3A_1594 : memref<64xf32, #tpu.memory_space<hbm>>) dst(%dma_wait3A_1592 : memref<64xf32, #tpu.memory_space<vmem>>)
      %slice3A_1595 = vector.extract_strided_slice %get3A_1388 {offsets = [2], sizes = [1], strides = [1]} : vector<16xi32> to vector<1xi32>
      %squeeze3A_1596 = vector.extract %slice3A_1595[0] : i32 from vector<1xi32>
      %and3A_1597 = arith.constant 127 : i32
      %and3A_1598 = arith.andi %squeeze3A_1596, %and3A_1597 : i32
      %broadcast_in_dim3A_1599 = vector.broadcast %and3A_1598 : i32 to vector<16xi32>
      %broadcast_in_dim3A_1600 = arith.constant 2 : i32
      %broadcast_in_dim3A_1601 = vector.broadcast %broadcast_in_dim3A_1600 : i32 to vector<16xi32>
      %iota3A_1602 = tpu.iota {dimensions = array<i32: 0>} : vector<16xi32>
      %add3A_1603 = arith.constant 0 : i32
      %add3A_1604 = vector.broadcast %add3A_1603 : i32 to vector<16xi32>
      %add3A_1605 = arith.addi %add3A_1604, %iota3A_1602 : vector<16xi32>
      %gather3A_1606 = tpu.vector_load_idx %arg9[%add3A_1605, %broadcast_in_dim3A_1599] : memref<64x128xf32, #tpu.memory_space<vmem>>[vector<16xi32>, vector<16xi32>], vector<16xf32>,
      %gather3A_1607 = tpu.vector_load_idx %arg15[%broadcast_in_dim3A_1601, %add3A_1605] : memref<8x128xf32, #tpu.memory_space<vmem>>[vector<16xi32>, vector<16xi32>], vector<16xf32>,
      %mul3A_1608 = arith.mulf %gather3A_1606, %gather3A_1607 : vector<16xf32>
      %iota3A_1609 = tpu.iota {dimensions = array<i32: 0>} : vector<16xi32>
      %add3A_1610 = arith.constant 16 : i32
      %add3A_1611 = vector.broadcast %add3A_1610 : i32 to vector<16xi32>
      %add3A_1612 = arith.addi %add3A_1611, %iota3A_1609 : vector<16xi32>
      %gather3A_1613 = tpu.vector_load_idx %arg9[%add3A_1612, %broadcast_in_dim3A_1599] : memref<64x128xf32, #tpu.memory_space<vmem>>[vector<16xi32>, vector<16xi32>], vector<16xf32>,
      %gather3A_1614 = tpu.vector_load_idx %arg15[%broadcast_in_dim3A_1601, %add3A_1612] : memref<8x128xf32, #tpu.memory_space<vmem>>[vector<16xi32>, vector<16xi32>], vector<16xf32>,
      %mul3A_1615 = arith.mulf %gather3A_1613, %gather3A_1614 : vector<16xf32>
      %add3A_1616 = arith.addf %mul3A_1608, %mul3A_1615 : vector<16xf32>
      %iota3A_1617 = tpu.iota {dimensions = array<i32: 0>} : vector<16xi32>
      %add3A_1618 = arith.constant 32 : i32
      %add3A_1619 = vector.broadcast %add3A_1618 : i32 to vector<16xi32>
      %add3A_1620 = arith.addi %add3A_1619, %iota3A_1617 : vector<16xi32>
      %gather3A_1621 = tpu.vector_load_idx %arg9[%add3A_1620, %broadcast_in_dim3A_1599] : memref<64x128xf32, #tpu.memory_space<vmem>>[vector<16xi32>, vector<16xi32>], vector<16xf32>,
      %gather3A_1622 = tpu.vector_load_idx %arg15[%broadcast_in_dim3A_1601, %add3A_1620] : memref<8x128xf32, #tpu.memory_space<vmem>>[vector<16xi32>, vector<16xi32>], vector<16xf32>,
      %mul3A_1623 = arith.mulf %gather3A_1621, %gather3A_1622 : vector<16xf32>
      %add3A_1624 = arith.addf %add3A_1616, %mul3A_1623 : vector<16xf32>
      %iota3A_1625 = tpu.iota {dimensions = array<i32: 0>} : vector<16xi32>
      %add3A_1626 = arith.constant 48 : i32
      %add3A_1627 = vector.broadcast %add3A_1626 : i32 to vector<16xi32>
      %add3A_1628 = arith.addi %add3A_1627, %iota3A_1625 : vector<16xi32>
      %gather3A_1629 = tpu.vector_load_idx %arg9[%add3A_1628, %broadcast_in_dim3A_1599] : memref<64x128xf32, #tpu.memory_space<vmem>>[vector<16xi32>, vector<16xi32>], vector<16xf32>,
      %gather3A_1630 = tpu.vector_load_idx %arg15[%broadcast_in_dim3A_1601, %add3A_1628] : memref<8x128xf32, #tpu.memory_space<vmem>>[vector<16xi32>, vector<16xi32>], vector<16xf32>,
      %mul3A_1631 = arith.mulf %gather3A_1629, %gather3A_1630 : vector<16xf32>
      %add3A_1632 = arith.addf %add3A_1624, %mul3A_1631 : vector<16xf32>
      %reduce_sum3A_1633 = arith.constant true
      %reduce_sum3A_1634 = vector.broadcast %reduce_sum3A_1633 : i1 to vector<16xi1>
      %reduce_sum3A_1635 = tpu.scan <sum>, %add3A_1632 masked %reduce_sum3A_1634 : vector<16xf32>, vector<16xi1> -> vector<16xf32>
      %reduce_sum3A_1636 = vector.extract %reduce_sum3A_1635[15] : f32 from vector<16xf32>
      %iota3A_1637 = tpu.iota {dimensions = array<i32: 0>} : vector<16xi32>
      %eq3A_1638 = arith.constant 2 : i32
      %eq3A_1639 = vector.broadcast %eq3A_1638 : i32 to vector<16xi32>
      %eq3A_1640 = arith.cmpi eq, %iota3A_1637, %eq3A_1639 : vector<16xi32>
      %broadcast_in_dim3A_1641 = vector.broadcast %reduce_sum3A_1636 : f32 to vector<16xf32>
      %select_n3A_1642 = arith.select %eq3A_1640, %broadcast_in_dim3A_1641, %select_n3A_1556 : vector<16xi1>, vector<16xf32>
      %slice3A_1643 = vector.extract_strided_slice %get3A_1388 {offsets = [10], sizes = [1], strides = [1]} : vector<16xi32> to vector<1xi32>
      %squeeze3A_1644 = vector.extract %slice3A_1643[0] : i32 from vector<1xi32>
      %slice3A_1645 = vector.extract_strided_slice %get3A_1394 {offsets = [10], sizes = [1], strides = [1]} : vector<16xi32> to vector<1xi32>
      %squeeze3A_1646 = vector.extract %slice3A_1645[0] : i32 from vector<1xi32>
      %shift_right_arithmetic3A_1647 = arith.constant 7 : i32
      %shift_right_arithmetic3A_1648 = arith.shrsi %squeeze3A_1644, %shift_right_arithmetic3A_1647 : i32
      %mul3A_1649 = arith.constant 128 : i32
      %mul3A_1650 = arith.muli %shift_right_arithmetic3A_1648, %mul3A_1649 : i32
      %multiple_of3A_1651 = tpu.assume_multiple %mul3A_1650, 128 : i32
      %dma_start3A_1652 = arith.constant 0 : i32
      %dma_start3A_1653 = tpu.memref_slice %arg4[%dma_start3A_1652, %multiple_of3A_1651] : memref<64x1000000xf32, #tpu.memory_space<hbm>> -> memref<64x128xf32, #tpu.memory_space<hbm>>
      %dma_start3A_1654 = arith.constant 0 : i32
      %dma_start3A_1655 = tpu.memref_slice %arg4[%dma_start3A_1654, %multiple_of3A_1651] : memref<64x1000000xf32, #tpu.memory_space<hbm>> -> memref<64x128xf32, #tpu.memory_space<hbm>>
      tpu.enqueue_dma source(%dma_start3A_1655 : memref<64x128xf32, #tpu.memory_space<hbm>>) target(%arg9 : memref<64x128xf32, #tpu.memory_space<vmem>>) target_semaphore(%arg21 : memref<!tpu.dma_semaphore, #tpu.memory_space<semaphore_mem>>)
      %dma_start3A_1656 = arith.constant 2 : i32
      %dma_start3A_1657 = arith.constant 0 : i32
      %dma_start3A_1658 = tpu.memref_slice %arg15[%dma_start3A_1656, %dma_start3A_1657] : memref<8x128xf32, #tpu.memory_space<vmem>> -> memref<1x64xf32, #tpu.memory_space<vmem>>
      %dma_start3A_1659 = tpu.memref_squeeze %dma_start3A_1658 : memref<1x64xf32, #tpu.memory_space<vmem>> -> memref<64xf32, #tpu.memory_space<vmem>>
      %dma_start3A_1660 = arith.constant 0 : i32
      %dma_start3A_1661 = tpu.memref_slice %arg5[%squeeze3A_1646, %dma_start3A_1660] : memref<100000x64xf32, #tpu.memory_space<hbm>> -> memref<1x64xf32, #tpu.memory_space<hbm>>
      %dma_start3A_1662 = tpu.memref_squeeze %dma_start3A_1661 : memref<1x64xf32, #tpu.memory_space<hbm>> -> memref<64xf32, #tpu.memory_space<hbm>>
      %dma_start3A_1663 = arith.constant 0 : i32
      %dma_start3A_1664 = tpu.memref_slice %arg15[%dma_start3A_1656, %dma_start3A_1663] : memref<8x128xf32, #tpu.memory_space<vmem>> -> memref<1x64xf32, #tpu.memory_space<vmem>>
      %dma_start3A_1665 = tpu.memref_squeeze %dma_start3A_1664 : memref<1x64xf32, #tpu.memory_space<vmem>> -> memref<64xf32, #tpu.memory_space<vmem>>
      %dma_start3A_1666 = arith.constant 0 : i32
      %dma_start3A_1667 = tpu.memref_slice %arg5[%squeeze3A_1646, %dma_start3A_1666] : memref<100000x64xf32, #tpu.memory_space<hbm>> -> memref<1x64xf32, #tpu.memory_space<hbm>>
      %dma_start3A_1668 = tpu.memref_squeeze %dma_start3A_1667 : memref<1x64xf32, #tpu.memory_space<hbm>> -> memref<64xf32, #tpu.memory_space<hbm>>
      tpu.enqueue_dma source(%dma_start3A_1668 : memref<64xf32, #tpu.memory_space<hbm>>) target(%dma_start3A_1665 : memref<64xf32, #tpu.memory_space<vmem>>) target_semaphore(%arg21 : memref<!tpu.dma_semaphore, #tpu.memory_space<semaphore_mem>>)
      %dma_wait3A_1669 = arith.constant 0 : i32
      %dma_wait3A_1670 = tpu.memref_slice %arg6[%dma_wait3A_1669] : memref<16384xf32, #tpu.memory_space<hbm>> -> memref<8192xf32, #tpu.memory_space<hbm>>
      %dma_wait3A_1671 = arith.constant 0 : i32
      %dma_wait3A_1672 = tpu.memref_slice %arg6[%dma_wait3A_1671] : memref<16384xf32, #tpu.memory_space<hbm>> -> memref<8192xf32, #tpu.memory_space<hbm>>
      tpu.wait_dma2 semaphore(%arg22 : memref<!tpu.dma_semaphore, #tpu.memory_space<semaphore_mem>>) src(%dma_wait3A_1672 : memref<8192xf32, #tpu.memory_space<hbm>>) dst(%arg18 : memref<8192xf32, #tpu.memory_space<vmem>>)
      %dma_wait3A_1673 = arith.constant 0 : i32
      %dma_wait3A_1674 = tpu.memref_slice %arg18[%dma_wait3A_1673] : memref<8192xf32, #tpu.memory_space<vmem>> -> memref<64xf32, #tpu.memory_space<vmem>>
      %dma_wait3A_1675 = arith.constant 0 : i32
      %dma_wait3A_1676 = tpu.memref_slice %arg6[%dma_wait3A_1675] : memref<16384xf32, #tpu.memory_space<hbm>> -> memref<64xf32, #tpu.memory_space<hbm>>
      %dma_wait3A_1677 = arith.constant 0 : i32
      %dma_wait3A_1678 = tpu.memref_slice %arg18[%dma_wait3A_1677] : memref<8192xf32, #tpu.memory_space<vmem>> -> memref<64xf32, #tpu.memory_space<vmem>>
      %dma_wait3A_1679 = arith.constant 0 : i32
      %dma_wait3A_1680 = tpu.memref_slice %arg6[%dma_wait3A_1679] : memref<16384xf32, #tpu.memory_space<hbm>> -> memref<64xf32, #tpu.memory_space<hbm>>
      tpu.wait_dma2 semaphore(%arg22 : memref<!tpu.dma_semaphore, #tpu.memory_space<semaphore_mem>>) src(%dma_wait3A_1680 : memref<64xf32, #tpu.memory_space<hbm>>) dst(%dma_wait3A_1678 : memref<64xf32, #tpu.memory_space<vmem>>)
      %slice3A_1681 = vector.extract_strided_slice %get3A_1388 {offsets = [3], sizes = [1], strides = [1]} : vector<16xi32> to vector<1xi32>
      %squeeze3A_1682 = vector.extract %slice3A_1681[0] : i32 from vector<1xi32>
      %and3A_1683 = arith.constant 127 : i32
      %and3A_1684 = arith.andi %squeeze3A_1682, %and3A_1683 : i32
      %broadcast_in_dim3A_1685 = vector.broadcast %and3A_1684 : i32 to vector<16xi32>
      %broadcast_in_dim3A_1686 = arith.constant 3 : i32
      %broadcast_in_dim3A_1687 = vector.broadcast %broadcast_in_dim3A_1686 : i32 to vector<16xi32>
      %iota3A_1688 = tpu.iota {dimensions = array<i32: 0>} : vector<16xi32>
      %add3A_1689 = arith.constant 0 : i32
      %add3A_1690 = vector.broadcast %add3A_1689 : i32 to vector<16xi32>
      %add3A_1691 = arith.addi %add3A_1690, %iota3A_1688 : vector<16xi32>
      %gather3A_1692 = tpu.vector_load_idx %arg10[%add3A_1691, %broadcast_in_dim3A_1685] : memref<64x128xf32, #tpu.memory_space<vmem>>[vector<16xi32>, vector<16xi32>], vector<16xf32>,
      %gather3A_1693 = tpu.vector_load_idx %arg15[%broadcast_in_dim3A_1687, %add3A_1691] : memref<8x128xf32, #tpu.memory_space<vmem>>[vector<16xi32>, vector<16xi32>], vector<16xf32>,
      %mul3A_1694 = arith.mulf %gather3A_1692, %gather3A_1693 : vector<16xf32>
      %iota3A_1695 = tpu.iota {dimensions = array<i32: 0>} : vector<16xi32>
      %add3A_1696 = arith.constant 16 : i32
      %add3A_1697 = vector.broadcast %add3A_1696 : i32 to vector<16xi32>
      %add3A_1698 = arith.addi %add3A_1697, %iota3A_1695 : vector<16xi32>
      %gather3A_1699 = tpu.vector_load_idx %arg10[%add3A_1698, %broadcast_in_dim3A_1685] : memref<64x128xf32, #tpu.memory_space<vmem>>[vector<16xi32>, vector<16xi32>], vector<16xf32>,
      %gather3A_1700 = tpu.vector_load_idx %arg15[%broadcast_in_dim3A_1687, %add3A_1698] : memref<8x128xf32, #tpu.memory_space<vmem>>[vector<16xi32>, vector<16xi32>], vector<16xf32>,
      %mul3A_1701 = arith.mulf %gather3A_1699, %gather3A_1700 : vector<16xf32>
      %add3A_1702 = arith.addf %mul3A_1694, %mul3A_1701 : vector<16xf32>
      %iota3A_1703 = tpu.iota {dimensions = array<i32: 0>} : vector<16xi32>
      %add3A_1704 = arith.constant 32 : i32
      %add3A_1705 = vector.broadcast %add3A_1704 : i32 to vector<16xi32>
      %add3A_1706 = arith.addi %add3A_1705, %iota3A_1703 : vector<16xi32>
      %gather3A_1707 = tpu.vector_load_idx %arg10[%add3A_1706, %broadcast_in_dim3A_1685] : memref<64x128xf32, #tpu.memory_space<vmem>>[vector<16xi32>, vector<16xi32>], vector<16xf32>,
      %gather3A_1708 = tpu.vector_load_idx %arg15[%broadcast_in_dim3A_1687, %add3A_1706] : memref<8x128xf32, #tpu.memory_space<vmem>>[vector<16xi32>, vector<16xi32>], vector<16xf32>,
      %mul3A_1709 = arith.mulf %gather3A_1707, %gather3A_1708 : vector<16xf32>
      %add3A_1710 = arith.addf %add3A_1702, %mul3A_1709 : vector<16xf32>
      %iota3A_1711 = tpu.iota {dimensions = array<i32: 0>} : vector<16xi32>
      %add3A_1712 = arith.constant 48 : i32
      %add3A_1713 = vector.broadcast %add3A_1712 : i32 to vector<16xi32>
      %add3A_1714 = arith.addi %add3A_1713, %iota3A_1711 : vector<16xi32>
      %gather3A_1715 = tpu.vector_load_idx %arg10[%add3A_1714, %broadcast_in_dim3A_1685] : memref<64x128xf32, #tpu.memory_space<vmem>>[vector<16xi32>, vector<16xi32>], vector<16xf32>,
      %gather3A_1716 = tpu.vector_load_idx %arg15[%broadcast_in_dim3A_1687, %add3A_1714] : memref<8x128xf32, #tpu.memory_space<vmem>>[vector<16xi32>, vector<16xi32>], vector<16xf32>,
      %mul3A_1717 = arith.mulf %gather3A_1715, %gather3A_1716 : vector<16xf32>
      %add3A_1718 = arith.addf %add3A_1710, %mul3A_1717 : vector<16xf32>
      %reduce_sum3A_1719 = arith.constant true
      %reduce_sum3A_1720 = vector.broadcast %reduce_sum3A_1719 : i1 to vector<16xi1>
      %reduce_sum3A_1721 = tpu.scan <sum>, %add3A_1718 masked %reduce_sum3A_1720 : vector<16xf32>, vector<16xi1> -> vector<16xf32>
      %reduce_sum3A_1722 = vector.extract %reduce_sum3A_1721[15] : f32 from vector<16xf32>
      %iota3A_1723 = tpu.iota {dimensions = array<i32: 0>} : vector<16xi32>
      %eq3A_1724 = arith.constant 3 : i32
      %eq3A_1725 = vector.broadcast %eq3A_1724 : i32 to vector<16xi32>
      %eq3A_1726 = arith.cmpi eq, %iota3A_1723, %eq3A_1725 : vector<16xi32>
      %broadcast_in_dim3A_1727 = vector.broadcast %reduce_sum3A_1722 : f32 to vector<16xf32>
      %select_n3A_1728 = arith.select %eq3A_1726, %broadcast_in_dim3A_1727, %select_n3A_1642 : vector<16xi1>, vector<16xf32>
      %slice3A_1729 = vector.extract_strided_slice %get3A_1388 {offsets = [11], sizes = [1], strides = [1]} : vector<16xi32> to vector<1xi32>
      %squeeze3A_1730 = vector.extract %slice3A_1729[0] : i32 from vector<1xi32>
      %slice3A_1731 = vector.extract_strided_slice %get3A_1394 {offsets = [11], sizes = [1], strides = [1]} : vector<16xi32> to vector<1xi32>
      %squeeze3A_1732 = vector.extract %slice3A_1731[0] : i32 from vector<1xi32>
      %shift_right_arithmetic3A_1733 = arith.constant 7 : i32
      %shift_right_arithmetic3A_1734 = arith.shrsi %squeeze3A_1730, %shift_right_arithmetic3A_1733 : i32
      %mul3A_1735 = arith.constant 128 : i32
      %mul3A_1736 = arith.muli %shift_right_arithmetic3A_1734, %mul3A_1735 : i32
      %multiple_of3A_1737 = tpu.assume_multiple %mul3A_1736, 128 : i32
      %dma_start3A_1738 = arith.constant 0 : i32
      %dma_start3A_1739 = tpu.memref_slice %arg4[%dma_start3A_1738, %multiple_of3A_1737] : memref<64x1000000xf32, #tpu.memory_space<hbm>> -> memref<64x128xf32, #tpu.memory_space<hbm>>
      %dma_start3A_1740 = arith.constant 0 : i32
      %dma_start3A_1741 = tpu.memref_slice %arg4[%dma_start3A_1740, %multiple_of3A_1737] : memref<64x1000000xf32, #tpu.memory_space<hbm>> -> memref<64x128xf32, #tpu.memory_space<hbm>>
      tpu.enqueue_dma source(%dma_start3A_1741 : memref<64x128xf32, #tpu.memory_space<hbm>>) target(%arg10 : memref<64x128xf32, #tpu.memory_space<vmem>>) target_semaphore(%arg22 : memref<!tpu.dma_semaphore, #tpu.memory_space<semaphore_mem>>)
      %dma_start3A_1742 = arith.constant 3 : i32
      %dma_start3A_1743 = arith.constant 0 : i32
      %dma_start3A_1744 = tpu.memref_slice %arg15[%dma_start3A_1742, %dma_start3A_1743] : memref<8x128xf32, #tpu.memory_space<vmem>> -> memref<1x64xf32, #tpu.memory_space<vmem>>
      %dma_start3A_1745 = tpu.memref_squeeze %dma_start3A_1744 : memref<1x64xf32, #tpu.memory_space<vmem>> -> memref<64xf32, #tpu.memory_space<vmem>>
      %dma_start3A_1746 = arith.constant 0 : i32
      %dma_start3A_1747 = tpu.memref_slice %arg5[%squeeze3A_1732, %dma_start3A_1746] : memref<100000x64xf32, #tpu.memory_space<hbm>> -> memref<1x64xf32, #tpu.memory_space<hbm>>
      %dma_start3A_1748 = tpu.memref_squeeze %dma_start3A_1747 : memref<1x64xf32, #tpu.memory_space<hbm>> -> memref<64xf32, #tpu.memory_space<hbm>>
      %dma_start3A_1749 = arith.constant 0 : i32
      %dma_start3A_1750 = tpu.memref_slice %arg15[%dma_start3A_1742, %dma_start3A_1749] : memref<8x128xf32, #tpu.memory_space<vmem>> -> memref<1x64xf32, #tpu.memory_space<vmem>>
      %dma_start3A_1751 = tpu.memref_squeeze %dma_start3A_1750 : memref<1x64xf32, #tpu.memory_space<vmem>> -> memref<64xf32, #tpu.memory_space<vmem>>
      %dma_start3A_1752 = arith.constant 0 : i32
      %dma_start3A_1753 = tpu.memref_slice %arg5[%squeeze3A_1732, %dma_start3A_1752] : memref<100000x64xf32, #tpu.memory_space<hbm>> -> memref<1x64xf32, #tpu.memory_space<hbm>>
      %dma_start3A_1754 = tpu.memref_squeeze %dma_start3A_1753 : memref<1x64xf32, #tpu.memory_space<hbm>> -> memref<64xf32, #tpu.memory_space<hbm>>
      tpu.enqueue_dma source(%dma_start3A_1754 : memref<64xf32, #tpu.memory_space<hbm>>) target(%dma_start3A_1751 : memref<64xf32, #tpu.memory_space<vmem>>) target_semaphore(%arg22 : memref<!tpu.dma_semaphore, #tpu.memory_space<semaphore_mem>>)
      %dma_wait3A_1755 = arith.constant 0 : i32
      %dma_wait3A_1756 = tpu.memref_slice %arg6[%dma_wait3A_1755] : memref<16384xf32, #tpu.memory_space<hbm>> -> memref<8192xf32, #tpu.memory_space<hbm>>
      %dma_wait3A_1757 = arith.constant 0 : i32
      %dma_wait3A_1758 = tpu.memref_slice %arg6[%dma_wait3A_1757] : memref<16384xf32, #tpu.memory_space<hbm>> -> memref<8192xf32, #tpu.memory_space<hbm>>
      tpu.wait_dma2 semaphore(%arg23 : memref<!tpu.dma_semaphore, #tpu.memory_space<semaphore_mem>>) src(%dma_wait3A_1758 : memref<8192xf32, #tpu.memory_space<hbm>>) dst(%arg18 : memref<8192xf32, #tpu.memory_space<vmem>>)
      %dma_wait3A_1759 = arith.constant 0 : i32
      %dma_wait3A_1760 = tpu.memref_slice %arg18[%dma_wait3A_1759] : memref<8192xf32, #tpu.memory_space<vmem>> -> memref<64xf32, #tpu.memory_space<vmem>>
      %dma_wait3A_1761 = arith.constant 0 : i32
      %dma_wait3A_1762 = tpu.memref_slice %arg6[%dma_wait3A_1761] : memref<16384xf32, #tpu.memory_space<hbm>> -> memref<64xf32, #tpu.memory_space<hbm>>
      %dma_wait3A_1763 = arith.constant 0 : i32
      %dma_wait3A_1764 = tpu.memref_slice %arg18[%dma_wait3A_1763] : memref<8192xf32, #tpu.memory_space<vmem>> -> memref<64xf32, #tpu.memory_space<vmem>>
      %dma_wait3A_1765 = arith.constant 0 : i32
      %dma_wait3A_1766 = tpu.memref_slice %arg6[%dma_wait3A_1765] : memref<16384xf32, #tpu.memory_space<hbm>> -> memref<64xf32, #tpu.memory_space<hbm>>
      tpu.wait_dma2 semaphore(%arg23 : memref<!tpu.dma_semaphore, #tpu.memory_space<semaphore_mem>>) src(%dma_wait3A_1766 : memref<64xf32, #tpu.memory_space<hbm>>) dst(%dma_wait3A_1764 : memref<64xf32, #tpu.memory_space<vmem>>)
      %slice3A_1767 = vector.extract_strided_slice %get3A_1388 {offsets = [4], sizes = [1], strides = [1]} : vector<16xi32> to vector<1xi32>
      %squeeze3A_1768 = vector.extract %slice3A_1767[0] : i32 from vector<1xi32>
      %and3A_1769 = arith.constant 127 : i32
      %and3A_1770 = arith.andi %squeeze3A_1768, %and3A_1769 : i32
      %broadcast_in_dim3A_1771 = vector.broadcast %and3A_1770 : i32 to vector<16xi32>
      %broadcast_in_dim3A_1772 = arith.constant 4 : i32
      %broadcast_in_dim3A_1773 = vector.broadcast %broadcast_in_dim3A_1772 : i32 to vector<16xi32>
      %iota3A_1774 = tpu.iota {dimensions = array<i32: 0>} : vector<16xi32>
      %add3A_1775 = arith.constant 0 : i32
      %add3A_1776 = vector.broadcast %add3A_1775 : i32 to vector<16xi32>
      %add3A_1777 = arith.addi %add3A_1776, %iota3A_1774 : vector<16xi32>
      %gather3A_1778 = tpu.vector_load_idx %arg11[%add3A_1777, %broadcast_in_dim3A_1771] : memref<64x128xf32, #tpu.memory_space<vmem>>[vector<16xi32>, vector<16xi32>], vector<16xf32>,
      %gather3A_1779 = tpu.vector_load_idx %arg15[%broadcast_in_dim3A_1773, %add3A_1777] : memref<8x128xf32, #tpu.memory_space<vmem>>[vector<16xi32>, vector<16xi32>], vector<16xf32>,
      %mul3A_1780 = arith.mulf %gather3A_1778, %gather3A_1779 : vector<16xf32>
      %iota3A_1781 = tpu.iota {dimensions = array<i32: 0>} : vector<16xi32>
      %add3A_1782 = arith.constant 16 : i32
      %add3A_1783 = vector.broadcast %add3A_1782 : i32 to vector<16xi32>
      %add3A_1784 = arith.addi %add3A_1783, %iota3A_1781 : vector<16xi32>
      %gather3A_1785 = tpu.vector_load_idx %arg11[%add3A_1784, %broadcast_in_dim3A_1771] : memref<64x128xf32, #tpu.memory_space<vmem>>[vector<16xi32>, vector<16xi32>], vector<16xf32>,
      %gather3A_1786 = tpu.vector_load_idx %arg15[%broadcast_in_dim3A_1773, %add3A_1784] : memref<8x128xf32, #tpu.memory_space<vmem>>[vector<16xi32>, vector<16xi32>], vector<16xf32>,
      %mul3A_1787 = arith.mulf %gather3A_1785, %gather3A_1786 : vector<16xf32>
      %add3A_1788 = arith.addf %mul3A_1780, %mul3A_1787 : vector<16xf32>
      %iota3A_1789 = tpu.iota {dimensions = array<i32: 0>} : vector<16xi32>
      %add3A_1790 = arith.constant 32 : i32
      %add3A_1791 = vector.broadcast %add3A_1790 : i32 to vector<16xi32>
      %add3A_1792 = arith.addi %add3A_1791, %iota3A_1789 : vector<16xi32>
      %gather3A_1793 = tpu.vector_load_idx %arg11[%add3A_1792, %broadcast_in_dim3A_1771] : memref<64x128xf32, #tpu.memory_space<vmem>>[vector<16xi32>, vector<16xi32>], vector<16xf32>,
      %gather3A_1794 = tpu.vector_load_idx %arg15[%broadcast_in_dim3A_1773, %add3A_1792] : memref<8x128xf32, #tpu.memory_space<vmem>>[vector<16xi32>, vector<16xi32>], vector<16xf32>,
      %mul3A_1795 = arith.mulf %gather3A_1793, %gather3A_1794 : vector<16xf32>
      %add3A_1796 = arith.addf %add3A_1788, %mul3A_1795 : vector<16xf32>
      %iota3A_1797 = tpu.iota {dimensions = array<i32: 0>} : vector<16xi32>
      %add3A_1798 = arith.constant 48 : i32
      %add3A_1799 = vector.broadcast %add3A_1798 : i32 to vector<16xi32>
      %add3A_1800 = arith.addi %add3A_1799, %iota3A_1797 : vector<16xi32>
      %gather3A_1801 = tpu.vector_load_idx %arg11[%add3A_1800, %broadcast_in_dim3A_1771] : memref<64x128xf32, #tpu.memory_space<vmem>>[vector<16xi32>, vector<16xi32>], vector<16xf32>,
      %gather3A_1802 = tpu.vector_load_idx %arg15[%broadcast_in_dim3A_1773, %add3A_1800] : memref<8x128xf32, #tpu.memory_space<vmem>>[vector<16xi32>, vector<16xi32>], vector<16xf32>,
      %mul3A_1803 = arith.mulf %gather3A_1801, %gather3A_1802 : vector<16xf32>
      %add3A_1804 = arith.addf %add3A_1796, %mul3A_1803 : vector<16xf32>
      %reduce_sum3A_1805 = arith.constant true
      %reduce_sum3A_1806 = vector.broadcast %reduce_sum3A_1805 : i1 to vector<16xi1>
      %reduce_sum3A_1807 = tpu.scan <sum>, %add3A_1804 masked %reduce_sum3A_1806 : vector<16xf32>, vector<16xi1> -> vector<16xf32>
      %reduce_sum3A_1808 = vector.extract %reduce_sum3A_1807[15] : f32 from vector<16xf32>
      %iota3A_1809 = tpu.iota {dimensions = array<i32: 0>} : vector<16xi32>
      %eq3A_1810 = arith.constant 4 : i32
      %eq3A_1811 = vector.broadcast %eq3A_1810 : i32 to vector<16xi32>
      %eq3A_1812 = arith.cmpi eq, %iota3A_1809, %eq3A_1811 : vector<16xi32>
      %broadcast_in_dim3A_1813 = vector.broadcast %reduce_sum3A_1808 : f32 to vector<16xf32>
      %select_n3A_1814 = arith.select %eq3A_1812, %broadcast_in_dim3A_1813, %select_n3A_1728 : vector<16xi1>, vector<16xf32>
      %slice3A_1815 = vector.extract_strided_slice %get3A_1388 {offsets = [12], sizes = [1], strides = [1]} : vector<16xi32> to vector<1xi32>
      %squeeze3A_1816 = vector.extract %slice3A_1815[0] : i32 from vector<1xi32>
      %slice3A_1817 = vector.extract_strided_slice %get3A_1394 {offsets = [12], sizes = [1], strides = [1]} : vector<16xi32> to vector<1xi32>
      %squeeze3A_1818 = vector.extract %slice3A_1817[0] : i32 from vector<1xi32>
      %shift_right_arithmetic3A_1819 = arith.constant 7 : i32
      %shift_right_arithmetic3A_1820 = arith.shrsi %squeeze3A_1816, %shift_right_arithmetic3A_1819 : i32
      %mul3A_1821 = arith.constant 128 : i32
      %mul3A_1822 = arith.muli %shift_right_arithmetic3A_1820, %mul3A_1821 : i32
      %multiple_of3A_1823 = tpu.assume_multiple %mul3A_1822, 128 : i32
      %dma_start3A_1824 = arith.constant 0 : i32
      %dma_start3A_1825 = tpu.memref_slice %arg4[%dma_start3A_1824, %multiple_of3A_1823] : memref<64x1000000xf32, #tpu.memory_space<hbm>> -> memref<64x128xf32, #tpu.memory_space<hbm>>
      %dma_start3A_1826 = arith.constant 0 : i32
      %dma_start3A_1827 = tpu.memref_slice %arg4[%dma_start3A_1826, %multiple_of3A_1823] : memref<64x1000000xf32, #tpu.memory_space<hbm>> -> memref<64x128xf32, #tpu.memory_space<hbm>>
      tpu.enqueue_dma source(%dma_start3A_1827 : memref<64x128xf32, #tpu.memory_space<hbm>>) target(%arg11 : memref<64x128xf32, #tpu.memory_space<vmem>>) target_semaphore(%arg23 : memref<!tpu.dma_semaphore, #tpu.memory_space<semaphore_mem>>)
      %dma_start3A_1828 = arith.constant 4 : i32
      %dma_start3A_1829 = arith.constant 0 : i32
      %dma_start3A_1830 = tpu.memref_slice %arg15[%dma_start3A_1828, %dma_start3A_1829] : memref<8x128xf32, #tpu.memory_space<vmem>> -> memref<1x64xf32, #tpu.memory_space<vmem>>
      %dma_start3A_1831 = tpu.memref_squeeze %dma_start3A_1830 : memref<1x64xf32, #tpu.memory_space<vmem>> -> memref<64xf32, #tpu.memory_space<vmem>>
      %dma_start3A_1832 = arith.constant 0 : i32
      %dma_start3A_1833 = tpu.memref_slice %arg5[%squeeze3A_1818, %dma_start3A_1832] : memref<100000x64xf32, #tpu.memory_space<hbm>> -> memref<1x64xf32, #tpu.memory_space<hbm>>
      %dma_start3A_1834 = tpu.memref_squeeze %dma_start3A_1833 : memref<1x64xf32, #tpu.memory_space<hbm>> -> memref<64xf32, #tpu.memory_space<hbm>>
      %dma_start3A_1835 = arith.constant 0 : i32
      %dma_start3A_1836 = tpu.memref_slice %arg15[%dma_start3A_1828, %dma_start3A_1835] : memref<8x128xf32, #tpu.memory_space<vmem>> -> memref<1x64xf32, #tpu.memory_space<vmem>>
      %dma_start3A_1837 = tpu.memref_squeeze %dma_start3A_1836 : memref<1x64xf32, #tpu.memory_space<vmem>> -> memref<64xf32, #tpu.memory_space<vmem>>
      %dma_start3A_1838 = arith.constant 0 : i32
      %dma_start3A_1839 = tpu.memref_slice %arg5[%squeeze3A_1818, %dma_start3A_1838] : memref<100000x64xf32, #tpu.memory_space<hbm>> -> memref<1x64xf32, #tpu.memory_space<hbm>>
      %dma_start3A_1840 = tpu.memref_squeeze %dma_start3A_1839 : memref<1x64xf32, #tpu.memory_space<hbm>> -> memref<64xf32, #tpu.memory_space<hbm>>
      tpu.enqueue_dma source(%dma_start3A_1840 : memref<64xf32, #tpu.memory_space<hbm>>) target(%dma_start3A_1837 : memref<64xf32, #tpu.memory_space<vmem>>) target_semaphore(%arg23 : memref<!tpu.dma_semaphore, #tpu.memory_space<semaphore_mem>>)
      %dma_wait3A_1841 = arith.constant 0 : i32
      %dma_wait3A_1842 = tpu.memref_slice %arg6[%dma_wait3A_1841] : memref<16384xf32, #tpu.memory_space<hbm>> -> memref<8192xf32, #tpu.memory_space<hbm>>
      %dma_wait3A_1843 = arith.constant 0 : i32
      %dma_wait3A_1844 = tpu.memref_slice %arg6[%dma_wait3A_1843] : memref<16384xf32, #tpu.memory_space<hbm>> -> memref<8192xf32, #tpu.memory_space<hbm>>
      tpu.wait_dma2 semaphore(%arg24 : memref<!tpu.dma_semaphore, #tpu.memory_space<semaphore_mem>>) src(%dma_wait3A_1844 : memref<8192xf32, #tpu.memory_space<hbm>>) dst(%arg18 : memref<8192xf32, #tpu.memory_space<vmem>>)
      %dma_wait3A_1845 = arith.constant 0 : i32
      %dma_wait3A_1846 = tpu.memref_slice %arg18[%dma_wait3A_1845] : memref<8192xf32, #tpu.memory_space<vmem>> -> memref<64xf32, #tpu.memory_space<vmem>>
      %dma_wait3A_1847 = arith.constant 0 : i32
      %dma_wait3A_1848 = tpu.memref_slice %arg6[%dma_wait3A_1847] : memref<16384xf32, #tpu.memory_space<hbm>> -> memref<64xf32, #tpu.memory_space<hbm>>
      %dma_wait3A_1849 = arith.constant 0 : i32
      %dma_wait3A_1850 = tpu.memref_slice %arg18[%dma_wait3A_1849] : memref<8192xf32, #tpu.memory_space<vmem>> -> memref<64xf32, #tpu.memory_space<vmem>>
      %dma_wait3A_1851 = arith.constant 0 : i32
      %dma_wait3A_1852 = tpu.memref_slice %arg6[%dma_wait3A_1851] : memref<16384xf32, #tpu.memory_space<hbm>> -> memref<64xf32, #tpu.memory_space<hbm>>
      tpu.wait_dma2 semaphore(%arg24 : memref<!tpu.dma_semaphore, #tpu.memory_space<semaphore_mem>>) src(%dma_wait3A_1852 : memref<64xf32, #tpu.memory_space<hbm>>) dst(%dma_wait3A_1850 : memref<64xf32, #tpu.memory_space<vmem>>)
      %slice3A_1853 = vector.extract_strided_slice %get3A_1388 {offsets = [5], sizes = [1], strides = [1]} : vector<16xi32> to vector<1xi32>
      %squeeze3A_1854 = vector.extract %slice3A_1853[0] : i32 from vector<1xi32>
      %and3A_1855 = arith.constant 127 : i32
      %and3A_1856 = arith.andi %squeeze3A_1854, %and3A_1855 : i32
      %broadcast_in_dim3A_1857 = vector.broadcast %and3A_1856 : i32 to vector<16xi32>
      %broadcast_in_dim3A_1858 = arith.constant 5 : i32
      %broadcast_in_dim3A_1859 = vector.broadcast %broadcast_in_dim3A_1858 : i32 to vector<16xi32>
      %iota3A_1860 = tpu.iota {dimensions = array<i32: 0>} : vector<16xi32>
      %add3A_1861 = arith.constant 0 : i32
      %add3A_1862 = vector.broadcast %add3A_1861 : i32 to vector<16xi32>
      %add3A_1863 = arith.addi %add3A_1862, %iota3A_1860 : vector<16xi32>
      %gather3A_1864 = tpu.vector_load_idx %arg12[%add3A_1863, %broadcast_in_dim3A_1857] : memref<64x128xf32, #tpu.memory_space<vmem>>[vector<16xi32>, vector<16xi32>], vector<16xf32>,
      %gather3A_1865 = tpu.vector_load_idx %arg15[%broadcast_in_dim3A_1859, %add3A_1863] : memref<8x128xf32, #tpu.memory_space<vmem>>[vector<16xi32>, vector<16xi32>], vector<16xf32>,
      %mul3A_1866 = arith.mulf %gather3A_1864, %gather3A_1865 : vector<16xf32>
      %iota3A_1867 = tpu.iota {dimensions = array<i32: 0>} : vector<16xi32>
      %add3A_1868 = arith.constant 16 : i32
      %add3A_1869 = vector.broadcast %add3A_1868 : i32 to vector<16xi32>
      %add3A_1870 = arith.addi %add3A_1869, %iota3A_1867 : vector<16xi32>
      %gather3A_1871 = tpu.vector_load_idx %arg12[%add3A_1870, %broadcast_in_dim3A_1857] : memref<64x128xf32, #tpu.memory_space<vmem>>[vector<16xi32>, vector<16xi32>], vector<16xf32>,
      %gather3A_1872 = tpu.vector_load_idx %arg15[%broadcast_in_dim3A_1859, %add3A_1870] : memref<8x128xf32, #tpu.memory_space<vmem>>[vector<16xi32>, vector<16xi32>], vector<16xf32>,
      %mul3A_1873 = arith.mulf %gather3A_1871, %gather3A_1872 : vector<16xf32>
      %add3A_1874 = arith.addf %mul3A_1866, %mul3A_1873 : vector<16xf32>
      %iota3A_1875 = tpu.iota {dimensions = array<i32: 0>} : vector<16xi32>
      %add3A_1876 = arith.constant 32 : i32
      %add3A_1877 = vector.broadcast %add3A_1876 : i32 to vector<16xi32>
      %add3A_1878 = arith.addi %add3A_1877, %iota3A_1875 : vector<16xi32>
      %gather3A_1879 = tpu.vector_load_idx %arg12[%add3A_1878, %broadcast_in_dim3A_1857] : memref<64x128xf32, #tpu.memory_space<vmem>>[vector<16xi32>, vector<16xi32>], vector<16xf32>,
      %gather3A_1880 = tpu.vector_load_idx %arg15[%broadcast_in_dim3A_1859, %add3A_1878] : memref<8x128xf32, #tpu.memory_space<vmem>>[vector<16xi32>, vector<16xi32>], vector<16xf32>,
      %mul3A_1881 = arith.mulf %gather3A_1879, %gather3A_1880 : vector<16xf32>
      %add3A_1882 = arith.addf %add3A_1874, %mul3A_1881 : vector<16xf32>
      %iota3A_1883 = tpu.iota {dimensions = array<i32: 0>} : vector<16xi32>
      %add3A_1884 = arith.constant 48 : i32
      %add3A_1885 = vector.broadcast %add3A_1884 : i32 to vector<16xi32>
      %add3A_1886 = arith.addi %add3A_1885, %iota3A_1883 : vector<16xi32>
      %gather3A_1887 = tpu.vector_load_idx %arg12[%add3A_1886, %broadcast_in_dim3A_1857] : memref<64x128xf32, #tpu.memory_space<vmem>>[vector<16xi32>, vector<16xi32>], vector<16xf32>,
      %gather3A_1888 = tpu.vector_load_idx %arg15[%broadcast_in_dim3A_1859, %add3A_1886] : memref<8x128xf32, #tpu.memory_space<vmem>>[vector<16xi32>, vector<16xi32>], vector<16xf32>,
      %mul3A_1889 = arith.mulf %gather3A_1887, %gather3A_1888 : vector<16xf32>
      %add3A_1890 = arith.addf %add3A_1882, %mul3A_1889 : vector<16xf32>
      %reduce_sum3A_1891 = arith.constant true
      %reduce_sum3A_1892 = vector.broadcast %reduce_sum3A_1891 : i1 to vector<16xi1>
      %reduce_sum3A_1893 = tpu.scan <sum>, %add3A_1890 masked %reduce_sum3A_1892 : vector<16xf32>, vector<16xi1> -> vector<16xf32>
      %reduce_sum3A_1894 = vector.extract %reduce_sum3A_1893[15] : f32 from vector<16xf32>
      %iota3A_1895 = tpu.iota {dimensions = array<i32: 0>} : vector<16xi32>
      %eq3A_1896 = arith.constant 5 : i32
      %eq3A_1897 = vector.broadcast %eq3A_1896 : i32 to vector<16xi32>
      %eq3A_1898 = arith.cmpi eq, %iota3A_1895, %eq3A_1897 : vector<16xi32>
      %broadcast_in_dim3A_1899 = vector.broadcast %reduce_sum3A_1894 : f32 to vector<16xf32>
      %select_n3A_1900 = arith.select %eq3A_1898, %broadcast_in_dim3A_1899, %select_n3A_1814 : vector<16xi1>, vector<16xf32>
      %slice3A_1901 = vector.extract_strided_slice %get3A_1388 {offsets = [13], sizes = [1], strides = [1]} : vector<16xi32> to vector<1xi32>
      %squeeze3A_1902 = vector.extract %slice3A_1901[0] : i32 from vector<1xi32>
      %slice3A_1903 = vector.extract_strided_slice %get3A_1394 {offsets = [13], sizes = [1], strides = [1]} : vector<16xi32> to vector<1xi32>
      %squeeze3A_1904 = vector.extract %slice3A_1903[0] : i32 from vector<1xi32>
      %shift_right_arithmetic3A_1905 = arith.constant 7 : i32
      %shift_right_arithmetic3A_1906 = arith.shrsi %squeeze3A_1902, %shift_right_arithmetic3A_1905 : i32
      %mul3A_1907 = arith.constant 128 : i32
      %mul3A_1908 = arith.muli %shift_right_arithmetic3A_1906, %mul3A_1907 : i32
      %multiple_of3A_1909 = tpu.assume_multiple %mul3A_1908, 128 : i32
      %dma_start3A_1910 = arith.constant 0 : i32
      %dma_start3A_1911 = tpu.memref_slice %arg4[%dma_start3A_1910, %multiple_of3A_1909] : memref<64x1000000xf32, #tpu.memory_space<hbm>> -> memref<64x128xf32, #tpu.memory_space<hbm>>
      %dma_start3A_1912 = arith.constant 0 : i32
      %dma_start3A_1913 = tpu.memref_slice %arg4[%dma_start3A_1912, %multiple_of3A_1909] : memref<64x1000000xf32, #tpu.memory_space<hbm>> -> memref<64x128xf32, #tpu.memory_space<hbm>>
      tpu.enqueue_dma source(%dma_start3A_1913 : memref<64x128xf32, #tpu.memory_space<hbm>>) target(%arg12 : memref<64x128xf32, #tpu.memory_space<vmem>>) target_semaphore(%arg24 : memref<!tpu.dma_semaphore, #tpu.memory_space<semaphore_mem>>)
      %dma_start3A_1914 = arith.constant 5 : i32
      %dma_start3A_1915 = arith.constant 0 : i32
      %dma_start3A_1916 = tpu.memref_slice %arg15[%dma_start3A_1914, %dma_start3A_1915] : memref<8x128xf32, #tpu.memory_space<vmem>> -> memref<1x64xf32, #tpu.memory_space<vmem>>
      %dma_start3A_1917 = tpu.memref_squeeze %dma_start3A_1916 : memref<1x64xf32, #tpu.memory_space<vmem>> -> memref<64xf32, #tpu.memory_space<vmem>>
      %dma_start3A_1918 = arith.constant 0 : i32
      %dma_start3A_1919 = tpu.memref_slice %arg5[%squeeze3A_1904, %dma_start3A_1918] : memref<100000x64xf32, #tpu.memory_space<hbm>> -> memref<1x64xf32, #tpu.memory_space<hbm>>
      %dma_start3A_1920 = tpu.memref_squeeze %dma_start3A_1919 : memref<1x64xf32, #tpu.memory_space<hbm>> -> memref<64xf32, #tpu.memory_space<hbm>>
      %dma_start3A_1921 = arith.constant 0 : i32
      %dma_start3A_1922 = tpu.memref_slice %arg15[%dma_start3A_1914, %dma_start3A_1921] : memref<8x128xf32, #tpu.memory_space<vmem>> -> memref<1x64xf32, #tpu.memory_space<vmem>>
      %dma_start3A_1923 = tpu.memref_squeeze %dma_start3A_1922 : memref<1x64xf32, #tpu.memory_space<vmem>> -> memref<64xf32, #tpu.memory_space<vmem>>
      %dma_start3A_1924 = arith.constant 0 : i32
      %dma_start3A_1925 = tpu.memref_slice %arg5[%squeeze3A_1904, %dma_start3A_1924] : memref<100000x64xf32, #tpu.memory_space<hbm>> -> memref<1x64xf32, #tpu.memory_space<hbm>>
      %dma_start3A_1926 = tpu.memref_squeeze %dma_start3A_1925 : memref<1x64xf32, #tpu.memory_space<hbm>> -> memref<64xf32, #tpu.memory_space<hbm>>
      tpu.enqueue_dma source(%dma_start3A_1926 : memref<64xf32, #tpu.memory_space<hbm>>) target(%dma_start3A_1923 : memref<64xf32, #tpu.memory_space<vmem>>) target_semaphore(%arg24 : memref<!tpu.dma_semaphore, #tpu.memory_space<semaphore_mem>>)
      %dma_wait3A_1927 = arith.constant 0 : i32
      %dma_wait3A_1928 = tpu.memref_slice %arg6[%dma_wait3A_1927] : memref<16384xf32, #tpu.memory_space<hbm>> -> memref<8192xf32, #tpu.memory_space<hbm>>
      %dma_wait3A_1929 = arith.constant 0 : i32
      %dma_wait3A_1930 = tpu.memref_slice %arg6[%dma_wait3A_1929] : memref<16384xf32, #tpu.memory_space<hbm>> -> memref<8192xf32, #tpu.memory_space<hbm>>
      tpu.wait_dma2 semaphore(%arg25 : memref<!tpu.dma_semaphore, #tpu.memory_space<semaphore_mem>>) src(%dma_wait3A_1930 : memref<8192xf32, #tpu.memory_space<hbm>>) dst(%arg18 : memref<8192xf32, #tpu.memory_space<vmem>>)
      %dma_wait3A_1931 = arith.constant 0 : i32
      %dma_wait3A_1932 = tpu.memref_slice %arg18[%dma_wait3A_1931] : memref<8192xf32, #tpu.memory_space<vmem>> -> memref<64xf32, #tpu.memory_space<vmem>>
      %dma_wait3A_1933 = arith.constant 0 : i32
      %dma_wait3A_1934 = tpu.memref_slice %arg6[%dma_wait3A_1933] : memref<16384xf32, #tpu.memory_space<hbm>> -> memref<64xf32, #tpu.memory_space<hbm>>
      %dma_wait3A_1935 = arith.constant 0 : i32
      %dma_wait3A_1936 = tpu.memref_slice %arg18[%dma_wait3A_1935] : memref<8192xf32, #tpu.memory_space<vmem>> -> memref<64xf32, #tpu.memory_space<vmem>>
      %dma_wait3A_1937 = arith.constant 0 : i32
      %dma_wait3A_1938 = tpu.memref_slice %arg6[%dma_wait3A_1937] : memref<16384xf32, #tpu.memory_space<hbm>> -> memref<64xf32, #tpu.memory_space<hbm>>
      tpu.wait_dma2 semaphore(%arg25 : memref<!tpu.dma_semaphore, #tpu.memory_space<semaphore_mem>>) src(%dma_wait3A_1938 : memref<64xf32, #tpu.memory_space<hbm>>) dst(%dma_wait3A_1936 : memref<64xf32, #tpu.memory_space<vmem>>)
      %slice3A_1939 = vector.extract_strided_slice %get3A_1388 {offsets = [6], sizes = [1], strides = [1]} : vector<16xi32> to vector<1xi32>
      %squeeze3A_1940 = vector.extract %slice3A_1939[0] : i32 from vector<1xi32>
      %and3A_1941 = arith.constant 127 : i32
      %and3A_1942 = arith.andi %squeeze3A_1940, %and3A_1941 : i32
      %broadcast_in_dim3A_1943 = vector.broadcast %and3A_1942 : i32 to vector<16xi32>
      %broadcast_in_dim3A_1944 = arith.constant 6 : i32
      %broadcast_in_dim3A_1945 = vector.broadcast %broadcast_in_dim3A_1944 : i32 to vector<16xi32>
      %iota3A_1946 = tpu.iota {dimensions = array<i32: 0>} : vector<16xi32>
      %add3A_1947 = arith.constant 0 : i32
      %add3A_1948 = vector.broadcast %add3A_1947 : i32 to vector<16xi32>
      %add3A_1949 = arith.addi %add3A_1948, %iota3A_1946 : vector<16xi32>
      %gather3A_1950 = tpu.vector_load_idx %arg13[%add3A_1949, %broadcast_in_dim3A_1943] : memref<64x128xf32, #tpu.memory_space<vmem>>[vector<16xi32>, vector<16xi32>], vector<16xf32>,
      %gather3A_1951 = tpu.vector_load_idx %arg15[%broadcast_in_dim3A_1945, %add3A_1949] : memref<8x128xf32, #tpu.memory_space<vmem>>[vector<16xi32>, vector<16xi32>], vector<16xf32>,
      %mul3A_1952 = arith.mulf %gather3A_1950, %gather3A_1951 : vector<16xf32>
      %iota3A_1953 = tpu.iota {dimensions = array<i32: 0>} : vector<16xi32>
      %add3A_1954 = arith.constant 16 : i32
      %add3A_1955 = vector.broadcast %add3A_1954 : i32 to vector<16xi32>
      %add3A_1956 = arith.addi %add3A_1955, %iota3A_1953 : vector<16xi32>
      %gather3A_1957 = tpu.vector_load_idx %arg13[%add3A_1956, %broadcast_in_dim3A_1943] : memref<64x128xf32, #tpu.memory_space<vmem>>[vector<16xi32>, vector<16xi32>], vector<16xf32>,
      %gather3A_1958 = tpu.vector_load_idx %arg15[%broadcast_in_dim3A_1945, %add3A_1956] : memref<8x128xf32, #tpu.memory_space<vmem>>[vector<16xi32>, vector<16xi32>], vector<16xf32>,
      %mul3A_1959 = arith.mulf %gather3A_1957, %gather3A_1958 : vector<16xf32>
      %add3A_1960 = arith.addf %mul3A_1952, %mul3A_1959 : vector<16xf32>
      %iota3A_1961 = tpu.iota {dimensions = array<i32: 0>} : vector<16xi32>
      %add3A_1962 = arith.constant 32 : i32
      %add3A_1963 = vector.broadcast %add3A_1962 : i32 to vector<16xi32>
      %add3A_1964 = arith.addi %add3A_1963, %iota3A_1961 : vector<16xi32>
      %gather3A_1965 = tpu.vector_load_idx %arg13[%add3A_1964, %broadcast_in_dim3A_1943] : memref<64x128xf32, #tpu.memory_space<vmem>>[vector<16xi32>, vector<16xi32>], vector<16xf32>,
      %gather3A_1966 = tpu.vector_load_idx %arg15[%broadcast_in_dim3A_1945, %add3A_1964] : memref<8x128xf32, #tpu.memory_space<vmem>>[vector<16xi32>, vector<16xi32>], vector<16xf32>,
      %mul3A_1967 = arith.mulf %gather3A_1965, %gather3A_1966 : vector<16xf32>
      %add3A_1968 = arith.addf %add3A_1960, %mul3A_1967 : vector<16xf32>
      %iota3A_1969 = tpu.iota {dimensions = array<i32: 0>} : vector<16xi32>
      %add3A_1970 = arith.constant 48 : i32
      %add3A_1971 = vector.broadcast %add3A_1970 : i32 to vector<16xi32>
      %add3A_1972 = arith.addi %add3A_1971, %iota3A_1969 : vector<16xi32>
      %gather3A_1973 = tpu.vector_load_idx %arg13[%add3A_1972, %broadcast_in_dim3A_1943] : memref<64x128xf32, #tpu.memory_space<vmem>>[vector<16xi32>, vector<16xi32>], vector<16xf32>,
      %gather3A_1974 = tpu.vector_load_idx %arg15[%broadcast_in_dim3A_1945, %add3A_1972] : memref<8x128xf32, #tpu.memory_space<vmem>>[vector<16xi32>, vector<16xi32>], vector<16xf32>,
      %mul3A_1975 = arith.mulf %gather3A_1973, %gather3A_1974 : vector<16xf32>
      %add3A_1976 = arith.addf %add3A_1968, %mul3A_1975 : vector<16xf32>
      %reduce_sum3A_1977 = arith.constant true
      %reduce_sum3A_1978 = vector.broadcast %reduce_sum3A_1977 : i1 to vector<16xi1>
      %reduce_sum3A_1979 = tpu.scan <sum>, %add3A_1976 masked %reduce_sum3A_1978 : vector<16xf32>, vector<16xi1> -> vector<16xf32>
      %reduce_sum3A_1980 = vector.extract %reduce_sum3A_1979[15] : f32 from vector<16xf32>
      %iota3A_1981 = tpu.iota {dimensions = array<i32: 0>} : vector<16xi32>
      %eq3A_1982 = arith.constant 6 : i32
      %eq3A_1983 = vector.broadcast %eq3A_1982 : i32 to vector<16xi32>
      %eq3A_1984 = arith.cmpi eq, %iota3A_1981, %eq3A_1983 : vector<16xi32>
      %broadcast_in_dim3A_1985 = vector.broadcast %reduce_sum3A_1980 : f32 to vector<16xf32>
      %select_n3A_1986 = arith.select %eq3A_1984, %broadcast_in_dim3A_1985, %select_n3A_1900 : vector<16xi1>, vector<16xf32>
      %slice3A_1987 = vector.extract_strided_slice %get3A_1388 {offsets = [14], sizes = [1], strides = [1]} : vector<16xi32> to vector<1xi32>
      %squeeze3A_1988 = vector.extract %slice3A_1987[0] : i32 from vector<1xi32>
      %slice3A_1989 = vector.extract_strided_slice %get3A_1394 {offsets = [14], sizes = [1], strides = [1]} : vector<16xi32> to vector<1xi32>
      %squeeze3A_1990 = vector.extract %slice3A_1989[0] : i32 from vector<1xi32>
      %shift_right_arithmetic3A_1991 = arith.constant 7 : i32
      %shift_right_arithmetic3A_1992 = arith.shrsi %squeeze3A_1988, %shift_right_arithmetic3A_1991 : i32
      %mul3A_1993 = arith.constant 128 : i32
      %mul3A_1994 = arith.muli %shift_right_arithmetic3A_1992, %mul3A_1993 : i32
      %multiple_of3A_1995 = tpu.assume_multiple %mul3A_1994, 128 : i32
      %dma_start3A_1996 = arith.constant 0 : i32
      %dma_start3A_1997 = tpu.memref_slice %arg4[%dma_start3A_1996, %multiple_of3A_1995] : memref<64x1000000xf32, #tpu.memory_space<hbm>> -> memref<64x128xf32, #tpu.memory_space<hbm>>
      %dma_start3A_1998 = arith.constant 0 : i32
      %dma_start3A_1999 = tpu.memref_slice %arg4[%dma_start3A_1998, %multiple_of3A_1995] : memref<64x1000000xf32, #tpu.memory_space<hbm>> -> memref<64x128xf32, #tpu.memory_space<hbm>>
      tpu.enqueue_dma source(%dma_start3A_1999 : memref<64x128xf32, #tpu.memory_space<hbm>>) target(%arg13 : memref<64x128xf32, #tpu.memory_space<vmem>>) target_semaphore(%arg25 : memref<!tpu.dma_semaphore, #tpu.memory_space<semaphore_mem>>)
      %dma_start3A_2000 = arith.constant 6 : i32
      %dma_start3A_2001 = arith.constant 0 : i32
      %dma_start3A_2002 = tpu.memref_slice %arg15[%dma_start3A_2000, %dma_start3A_2001] : memref<8x128xf32, #tpu.memory_space<vmem>> -> memref<1x64xf32, #tpu.memory_space<vmem>>
      %dma_start3A_2003 = tpu.memref_squeeze %dma_start3A_2002 : memref<1x64xf32, #tpu.memory_space<vmem>> -> memref<64xf32, #tpu.memory_space<vmem>>
      %dma_start3A_2004 = arith.constant 0 : i32
      %dma_start3A_2005 = tpu.memref_slice %arg5[%squeeze3A_1990, %dma_start3A_2004] : memref<100000x64xf32, #tpu.memory_space<hbm>> -> memref<1x64xf32, #tpu.memory_space<hbm>>
      %dma_start3A_2006 = tpu.memref_squeeze %dma_start3A_2005 : memref<1x64xf32, #tpu.memory_space<hbm>> -> memref<64xf32, #tpu.memory_space<hbm>>
      %dma_start3A_2007 = arith.constant 0 : i32
      %dma_start3A_2008 = tpu.memref_slice %arg15[%dma_start3A_2000, %dma_start3A_2007] : memref<8x128xf32, #tpu.memory_space<vmem>> -> memref<1x64xf32, #tpu.memory_space<vmem>>
      %dma_start3A_2009 = tpu.memref_squeeze %dma_start3A_2008 : memref<1x64xf32, #tpu.memory_space<vmem>> -> memref<64xf32, #tpu.memory_space<vmem>>
      %dma_start3A_2010 = arith.constant 0 : i32
      %dma_start3A_2011 = tpu.memref_slice %arg5[%squeeze3A_1990, %dma_start3A_2010] : memref<100000x64xf32, #tpu.memory_space<hbm>> -> memref<1x64xf32, #tpu.memory_space<hbm>>
      %dma_start3A_2012 = tpu.memref_squeeze %dma_start3A_2011 : memref<1x64xf32, #tpu.memory_space<hbm>> -> memref<64xf32, #tpu.memory_space<hbm>>
      tpu.enqueue_dma source(%dma_start3A_2012 : memref<64xf32, #tpu.memory_space<hbm>>) target(%dma_start3A_2009 : memref<64xf32, #tpu.memory_space<vmem>>) target_semaphore(%arg25 : memref<!tpu.dma_semaphore, #tpu.memory_space<semaphore_mem>>)
      %dma_wait3A_2013 = arith.constant 0 : i32
      %dma_wait3A_2014 = tpu.memref_slice %arg6[%dma_wait3A_2013] : memref<16384xf32, #tpu.memory_space<hbm>> -> memref<8192xf32, #tpu.memory_space<hbm>>
      %dma_wait3A_2015 = arith.constant 0 : i32
      %dma_wait3A_2016 = tpu.memref_slice %arg6[%dma_wait3A_2015] : memref<16384xf32, #tpu.memory_space<hbm>> -> memref<8192xf32, #tpu.memory_space<hbm>>
      tpu.wait_dma2 semaphore(%arg26 : memref<!tpu.dma_semaphore, #tpu.memory_space<semaphore_mem>>) src(%dma_wait3A_2016 : memref<8192xf32, #tpu.memory_space<hbm>>) dst(%arg18 : memref<8192xf32, #tpu.memory_space<vmem>>)
      %dma_wait3A_2017 = arith.constant 0 : i32
      %dma_wait3A_2018 = tpu.memref_slice %arg18[%dma_wait3A_2017] : memref<8192xf32, #tpu.memory_space<vmem>> -> memref<64xf32, #tpu.memory_space<vmem>>
      %dma_wait3A_2019 = arith.constant 0 : i32
      %dma_wait3A_2020 = tpu.memref_slice %arg6[%dma_wait3A_2019] : memref<16384xf32, #tpu.memory_space<hbm>> -> memref<64xf32, #tpu.memory_space<hbm>>
      %dma_wait3A_2021 = arith.constant 0 : i32
      %dma_wait3A_2022 = tpu.memref_slice %arg18[%dma_wait3A_2021] : memref<8192xf32, #tpu.memory_space<vmem>> -> memref<64xf32, #tpu.memory_space<vmem>>
      %dma_wait3A_2023 = arith.constant 0 : i32
      %dma_wait3A_2024 = tpu.memref_slice %arg6[%dma_wait3A_2023] : memref<16384xf32, #tpu.memory_space<hbm>> -> memref<64xf32, #tpu.memory_space<hbm>>
      tpu.wait_dma2 semaphore(%arg26 : memref<!tpu.dma_semaphore, #tpu.memory_space<semaphore_mem>>) src(%dma_wait3A_2024 : memref<64xf32, #tpu.memory_space<hbm>>) dst(%dma_wait3A_2022 : memref<64xf32, #tpu.memory_space<vmem>>)
      %slice3A_2025 = vector.extract_strided_slice %get3A_1388 {offsets = [7], sizes = [1], strides = [1]} : vector<16xi32> to vector<1xi32>
      %squeeze3A_2026 = vector.extract %slice3A_2025[0] : i32 from vector<1xi32>
      %and3A_2027 = arith.constant 127 : i32
      %and3A_2028 = arith.andi %squeeze3A_2026, %and3A_2027 : i32
      %broadcast_in_dim3A_2029 = vector.broadcast %and3A_2028 : i32 to vector<16xi32>
      %broadcast_in_dim3A_2030 = arith.constant 7 : i32
      %broadcast_in_dim3A_2031 = vector.broadcast %broadcast_in_dim3A_2030 : i32 to vector<16xi32>
      %iota3A_2032 = tpu.iota {dimensions = array<i32: 0>} : vector<16xi32>
      %add3A_2033 = arith.constant 0 : i32
      %add3A_2034 = vector.broadcast %add3A_2033 : i32 to vector<16xi32>
      %add3A_2035 = arith.addi %add3A_2034, %iota3A_2032 : vector<16xi32>
      %gather3A_2036 = tpu.vector_load_idx %arg14[%add3A_2035, %broadcast_in_dim3A_2029] : memref<64x128xf32, #tpu.memory_space<vmem>>[vector<16xi32>, vector<16xi32>], vector<16xf32>,
      %gather3A_2037 = tpu.vector_load_idx %arg15[%broadcast_in_dim3A_2031, %add3A_2035] : memref<8x128xf32, #tpu.memory_space<vmem>>[vector<16xi32>, vector<16xi32>], vector<16xf32>,
      %mul3A_2038 = arith.mulf %gather3A_2036, %gather3A_2037 : vector<16xf32>
      %iota3A_2039 = tpu.iota {dimensions = array<i32: 0>} : vector<16xi32>
      %add3A_2040 = arith.constant 16 : i32
      %add3A_2041 = vector.broadcast %add3A_2040 : i32 to vector<16xi32>
      %add3A_2042 = arith.addi %add3A_2041, %iota3A_2039 : vector<16xi32>
      %gather3A_2043 = tpu.vector_load_idx %arg14[%add3A_2042, %broadcast_in_dim3A_2029] : memref<64x128xf32, #tpu.memory_space<vmem>>[vector<16xi32>, vector<16xi32>], vector<16xf32>,
      %gather3A_2044 = tpu.vector_load_idx %arg15[%broadcast_in_dim3A_2031, %add3A_2042] : memref<8x128xf32, #tpu.memory_space<vmem>>[vector<16xi32>, vector<16xi32>], vector<16xf32>,
      %mul3A_2045 = arith.mulf %gather3A_2043, %gather3A_2044 : vector<16xf32>
      %add3A_2046 = arith.addf %mul3A_2038, %mul3A_2045 : vector<16xf32>
      %iota3A_2047 = tpu.iota {dimensions = array<i32: 0>} : vector<16xi32>
      %add3A_2048 = arith.constant 32 : i32
      %add3A_2049 = vector.broadcast %add3A_2048 : i32 to vector<16xi32>
      %add3A_2050 = arith.addi %add3A_2049, %iota3A_2047 : vector<16xi32>
      %gather3A_2051 = tpu.vector_load_idx %arg14[%add3A_2050, %broadcast_in_dim3A_2029] : memref<64x128xf32, #tpu.memory_space<vmem>>[vector<16xi32>, vector<16xi32>], vector<16xf32>,
      %gather3A_2052 = tpu.vector_load_idx %arg15[%broadcast_in_dim3A_2031, %add3A_2050] : memref<8x128xf32, #tpu.memory_space<vmem>>[vector<16xi32>, vector<16xi32>], vector<16xf32>,
      %mul3A_2053 = arith.mulf %gather3A_2051, %gather3A_2052 : vector<16xf32>
      %add3A_2054 = arith.addf %add3A_2046, %mul3A_2053 : vector<16xf32>
      %iota3A_2055 = tpu.iota {dimensions = array<i32: 0>} : vector<16xi32>
      %add3A_2056 = arith.constant 48 : i32
      %add3A_2057 = vector.broadcast %add3A_2056 : i32 to vector<16xi32>
      %add3A_2058 = arith.addi %add3A_2057, %iota3A_2055 : vector<16xi32>
      %gather3A_2059 = tpu.vector_load_idx %arg14[%add3A_2058, %broadcast_in_dim3A_2029] : memref<64x128xf32, #tpu.memory_space<vmem>>[vector<16xi32>, vector<16xi32>], vector<16xf32>,
      %gather3A_2060 = tpu.vector_load_idx %arg15[%broadcast_in_dim3A_2031, %add3A_2058] : memref<8x128xf32, #tpu.memory_space<vmem>>[vector<16xi32>, vector<16xi32>], vector<16xf32>,
      %mul3A_2061 = arith.mulf %gather3A_2059, %gather3A_2060 : vector<16xf32>
      %add3A_2062 = arith.addf %add3A_2054, %mul3A_2061 : vector<16xf32>
      %reduce_sum3A_2063 = arith.constant true
      %reduce_sum3A_2064 = vector.broadcast %reduce_sum3A_2063 : i1 to vector<16xi1>
      %reduce_sum3A_2065 = tpu.scan <sum>, %add3A_2062 masked %reduce_sum3A_2064 : vector<16xf32>, vector<16xi1> -> vector<16xf32>
      %reduce_sum3A_2066 = vector.extract %reduce_sum3A_2065[15] : f32 from vector<16xf32>
      %iota3A_2067 = tpu.iota {dimensions = array<i32: 0>} : vector<16xi32>
      %eq3A_2068 = arith.constant 7 : i32
      %eq3A_2069 = vector.broadcast %eq3A_2068 : i32 to vector<16xi32>
      %eq3A_2070 = arith.cmpi eq, %iota3A_2067, %eq3A_2069 : vector<16xi32>
      %broadcast_in_dim3A_2071 = vector.broadcast %reduce_sum3A_2066 : f32 to vector<16xf32>
      %select_n3A_2072 = arith.select %eq3A_2070, %broadcast_in_dim3A_2071, %select_n3A_1986 : vector<16xi1>, vector<16xf32>
      %slice3A_2073 = vector.extract_strided_slice %get3A_1388 {offsets = [15], sizes = [1], strides = [1]} : vector<16xi32> to vector<1xi32>
      %squeeze3A_2074 = vector.extract %slice3A_2073[0] : i32 from vector<1xi32>
      %slice3A_2075 = vector.extract_strided_slice %get3A_1394 {offsets = [15], sizes = [1], strides = [1]} : vector<16xi32> to vector<1xi32>
      %squeeze3A_2076 = vector.extract %slice3A_2075[0] : i32 from vector<1xi32>
      %shift_right_arithmetic3A_2077 = arith.constant 7 : i32
      %shift_right_arithmetic3A_2078 = arith.shrsi %squeeze3A_2074, %shift_right_arithmetic3A_2077 : i32
      %mul3A_2079 = arith.constant 128 : i32
      %mul3A_2080 = arith.muli %shift_right_arithmetic3A_2078, %mul3A_2079 : i32
      %multiple_of3A_2081 = tpu.assume_multiple %mul3A_2080, 128 : i32
      %dma_start3A_2082 = arith.constant 0 : i32
      %dma_start3A_2083 = tpu.memref_slice %arg4[%dma_start3A_2082, %multiple_of3A_2081] : memref<64x1000000xf32, #tpu.memory_space<hbm>> -> memref<64x128xf32, #tpu.memory_space<hbm>>
      %dma_start3A_2084 = arith.constant 0 : i32
      %dma_start3A_2085 = tpu.memref_slice %arg4[%dma_start3A_2084, %multiple_of3A_2081] : memref<64x1000000xf32, #tpu.memory_space<hbm>> -> memref<64x128xf32, #tpu.memory_space<hbm>>
      tpu.enqueue_dma source(%dma_start3A_2085 : memref<64x128xf32, #tpu.memory_space<hbm>>) target(%arg14 : memref<64x128xf32, #tpu.memory_space<vmem>>) target_semaphore(%arg26 : memref<!tpu.dma_semaphore, #tpu.memory_space<semaphore_mem>>)
      %dma_start3A_2086 = arith.constant 7 : i32
      %dma_start3A_2087 = arith.constant 0 : i32
      %dma_start3A_2088 = tpu.memref_slice %arg15[%dma_start3A_2086, %dma_start3A_2087] : memref<8x128xf32, #tpu.memory_space<vmem>> -> memref<1x64xf32, #tpu.memory_space<vmem>>
      %dma_start3A_2089 = tpu.memref_squeeze %dma_start3A_2088 : memref<1x64xf32, #tpu.memory_space<vmem>> -> memref<64xf32, #tpu.memory_space<vmem>>
      %dma_start3A_2090 = arith.constant 0 : i32
      %dma_start3A_2091 = tpu.memref_slice %arg5[%squeeze3A_2076, %dma_start3A_2090] : memref<100000x64xf32, #tpu.memory_space<hbm>> -> memref<1x64xf32, #tpu.memory_space<hbm>>
      %dma_start3A_2092 = tpu.memref_squeeze %dma_start3A_2091 : memref<1x64xf32, #tpu.memory_space<hbm>> -> memref<64xf32, #tpu.memory_space<hbm>>
      %dma_start3A_2093 = arith.constant 0 : i32
      %dma_start3A_2094 = tpu.memref_slice %arg15[%dma_start3A_2086, %dma_start3A_2093] : memref<8x128xf32, #tpu.memory_space<vmem>> -> memref<1x64xf32, #tpu.memory_space<vmem>>
      %dma_start3A_2095 = tpu.memref_squeeze %dma_start3A_2094 : memref<1x64xf32, #tpu.memory_space<vmem>> -> memref<64xf32, #tpu.memory_space<vmem>>
      %dma_start3A_2096 = arith.constant 0 : i32
      %dma_start3A_2097 = tpu.memref_slice %arg5[%squeeze3A_2076, %dma_start3A_2096] : memref<100000x64xf32, #tpu.memory_space<hbm>> -> memref<1x64xf32, #tpu.memory_space<hbm>>
      %dma_start3A_2098 = tpu.memref_squeeze %dma_start3A_2097 : memref<1x64xf32, #tpu.memory_space<hbm>> -> memref<64xf32, #tpu.memory_space<hbm>>
      tpu.enqueue_dma source(%dma_start3A_2098 : memref<64xf32, #tpu.memory_space<hbm>>) target(%dma_start3A_2095 : memref<64xf32, #tpu.memory_space<vmem>>) target_semaphore(%arg26 : memref<!tpu.dma_semaphore, #tpu.memory_space<semaphore_mem>>)
      %dma_wait3A_2099 = arith.constant 0 : i32
      %dma_wait3A_2100 = tpu.memref_slice %arg6[%dma_wait3A_2099] : memref<16384xf32, #tpu.memory_space<hbm>> -> memref<8192xf32, #tpu.memory_space<hbm>>
      %dma_wait3A_2101 = arith.constant 0 : i32
      %dma_wait3A_2102 = tpu.memref_slice %arg6[%dma_wait3A_2101] : memref<16384xf32, #tpu.memory_space<hbm>> -> memref<8192xf32, #tpu.memory_space<hbm>>
      tpu.wait_dma2 semaphore(%arg19 : memref<!tpu.dma_semaphore, #tpu.memory_space<semaphore_mem>>) src(%dma_wait3A_2102 : memref<8192xf32, #tpu.memory_space<hbm>>) dst(%arg18 : memref<8192xf32, #tpu.memory_space<vmem>>)
      %dma_wait3A_2103 = arith.constant 0 : i32
      %dma_wait3A_2104 = tpu.memref_slice %arg18[%dma_wait3A_2103] : memref<8192xf32, #tpu.memory_space<vmem>> -> memref<64xf32, #tpu.memory_space<vmem>>
      %dma_wait3A_2105 = arith.constant 0 : i32
      %dma_wait3A_2106 = tpu.memref_slice %arg6[%dma_wait3A_2105] : memref<16384xf32, #tpu.memory_space<hbm>> -> memref<64xf32, #tpu.memory_space<hbm>>
      %dma_wait3A_2107 = arith.constant 0 : i32
      %dma_wait3A_2108 = tpu.memref_slice %arg18[%dma_wait3A_2107] : memref<8192xf32, #tpu.memory_space<vmem>> -> memref<64xf32, #tpu.memory_space<vmem>>
      %dma_wait3A_2109 = arith.constant 0 : i32
      %dma_wait3A_2110 = tpu.memref_slice %arg6[%dma_wait3A_2109] : memref<16384xf32, #tpu.memory_space<hbm>> -> memref<64xf32, #tpu.memory_space<hbm>>
      tpu.wait_dma2 semaphore(%arg19 : memref<!tpu.dma_semaphore, #tpu.memory_space<semaphore_mem>>) src(%dma_wait3A_2110 : memref<64xf32, #tpu.memory_space<hbm>>) dst(%dma_wait3A_2108 : memref<64xf32, #tpu.memory_space<vmem>>)
      %slice3A_2111 = vector.extract_strided_slice %get3A_1388 {offsets = [8], sizes = [1], strides = [1]} : vector<16xi32> to vector<1xi32>
      %squeeze3A_2112 = vector.extract %slice3A_2111[0] : i32 from vector<1xi32>
      %and3A_2113 = arith.constant 127 : i32
      %and3A_2114 = arith.andi %squeeze3A_2112, %and3A_2113 : i32
      %broadcast_in_dim3A_2115 = vector.broadcast %and3A_2114 : i32 to vector<16xi32>
      %broadcast_in_dim3A_2116 = arith.constant 0 : i32
      %broadcast_in_dim3A_2117 = vector.broadcast %broadcast_in_dim3A_2116 : i32 to vector<16xi32>
      %iota3A_2118 = tpu.iota {dimensions = array<i32: 0>} : vector<16xi32>
      %add3A_2119 = arith.constant 0 : i32
      %add3A_2120 = vector.broadcast %add3A_2119 : i32 to vector<16xi32>
      %add3A_2121 = arith.addi %add3A_2120, %iota3A_2118 : vector<16xi32>
      %gather3A_2122 = tpu.vector_load_idx %arg7[%add3A_2121, %broadcast_in_dim3A_2115] : memref<64x128xf32, #tpu.memory_space<vmem>>[vector<16xi32>, vector<16xi32>], vector<16xf32>,
      %gather3A_2123 = tpu.vector_load_idx %arg15[%broadcast_in_dim3A_2117, %add3A_2121] : memref<8x128xf32, #tpu.memory_space<vmem>>[vector<16xi32>, vector<16xi32>], vector<16xf32>,
      %mul3A_2124 = arith.mulf %gather3A_2122, %gather3A_2123 : vector<16xf32>
      %iota3A_2125 = tpu.iota {dimensions = array<i32: 0>} : vector<16xi32>
      %add3A_2126 = arith.constant 16 : i32
      %add3A_2127 = vector.broadcast %add3A_2126 : i32 to vector<16xi32>
      %add3A_2128 = arith.addi %add3A_2127, %iota3A_2125 : vector<16xi32>
      %gather3A_2129 = tpu.vector_load_idx %arg7[%add3A_2128, %broadcast_in_dim3A_2115] : memref<64x128xf32, #tpu.memory_space<vmem>>[vector<16xi32>, vector<16xi32>], vector<16xf32>,
      %gather3A_2130 = tpu.vector_load_idx %arg15[%broadcast_in_dim3A_2117, %add3A_2128] : memref<8x128xf32, #tpu.memory_space<vmem>>[vector<16xi32>, vector<16xi32>], vector<16xf32>,
      %mul3A_2131 = arith.mulf %gather3A_2129, %gather3A_2130 : vector<16xf32>
      %add3A_2132 = arith.addf %mul3A_2124, %mul3A_2131 : vector<16xf32>
      %iota3A_2133 = tpu.iota {dimensions = array<i32: 0>} : vector<16xi32>
      %add3A_2134 = arith.constant 32 : i32
      %add3A_2135 = vector.broadcast %add3A_2134 : i32 to vector<16xi32>
      %add3A_2136 = arith.addi %add3A_2135, %iota3A_2133 : vector<16xi32>
      %gather3A_2137 = tpu.vector_load_idx %arg7[%add3A_2136, %broadcast_in_dim3A_2115] : memref<64x128xf32, #tpu.memory_space<vmem>>[vector<16xi32>, vector<16xi32>], vector<16xf32>,
      %gather3A_2138 = tpu.vector_load_idx %arg15[%broadcast_in_dim3A_2117, %add3A_2136] : memref<8x128xf32, #tpu.memory_space<vmem>>[vector<16xi32>, vector<16xi32>], vector<16xf32>,
      %mul3A_2139 = arith.mulf %gather3A_2137, %gather3A_2138 : vector<16xf32>
      %add3A_2140 = arith.addf %add3A_2132, %mul3A_2139 : vector<16xf32>
      %iota3A_2141 = tpu.iota {dimensions = array<i32: 0>} : vector<16xi32>
      %add3A_2142 = arith.constant 48 : i32
      %add3A_2143 = vector.broadcast %add3A_2142 : i32 to vector<16xi32>
      %add3A_2144 = arith.addi %add3A_2143, %iota3A_2141 : vector<16xi32>
      %gather3A_2145 = tpu.vector_load_idx %arg7[%add3A_2144, %broadcast_in_dim3A_2115] : memref<64x128xf32, #tpu.memory_space<vmem>>[vector<16xi32>, vector<16xi32>], vector<16xf32>,
      %gather3A_2146 = tpu.vector_load_idx %arg15[%broadcast_in_dim3A_2117, %add3A_2144] : memref<8x128xf32, #tpu.memory_space<vmem>>[vector<16xi32>, vector<16xi32>], vector<16xf32>,
      %mul3A_2147 = arith.mulf %gather3A_2145, %gather3A_2146 : vector<16xf32>
      %add3A_2148 = arith.addf %add3A_2140, %mul3A_2147 : vector<16xf32>
      %reduce_sum3A_2149 = arith.constant true
      %reduce_sum3A_2150 = vector.broadcast %reduce_sum3A_2149 : i1 to vector<16xi1>
      %reduce_sum3A_2151 = tpu.scan <sum>, %add3A_2148 masked %reduce_sum3A_2150 : vector<16xf32>, vector<16xi1> -> vector<16xf32>
      %reduce_sum3A_2152 = vector.extract %reduce_sum3A_2151[15] : f32 from vector<16xf32>
      %iota3A_2153 = tpu.iota {dimensions = array<i32: 0>} : vector<16xi32>
      %eq3A_2154 = arith.constant 8 : i32
      %eq3A_2155 = vector.broadcast %eq3A_2154 : i32 to vector<16xi32>
      %eq3A_2156 = arith.cmpi eq, %iota3A_2153, %eq3A_2155 : vector<16xi32>
      %broadcast_in_dim3A_2157 = vector.broadcast %reduce_sum3A_2152 : f32 to vector<16xf32>
      %select_n3A_2158 = arith.select %eq3A_2156, %broadcast_in_dim3A_2157, %select_n3A_2072 : vector<16xi1>, vector<16xf32>
      %slice3A_2159 = vector.extract_strided_slice %get3A_1400 {offsets = [0], sizes = [1], strides = [1]} : vector<16xi32> to vector<1xi32>
      %squeeze3A_2160 = vector.extract %slice3A_2159[0] : i32 from vector<1xi32>
      %slice3A_2161 = vector.extract_strided_slice %get3A_1408 {offsets = [0], sizes = [1], strides = [1]} : vector<16xi32> to vector<1xi32>
      %squeeze3A_2162 = vector.extract %slice3A_2161[0] : i32 from vector<1xi32>
      %shift_right_arithmetic3A_2163 = arith.constant 7 : i32
      %shift_right_arithmetic3A_2164 = arith.shrsi %squeeze3A_2160, %shift_right_arithmetic3A_2163 : i32
      %mul3A_2165 = arith.constant 128 : i32
      %mul3A_2166 = arith.muli %shift_right_arithmetic3A_2164, %mul3A_2165 : i32
      %multiple_of3A_2167 = tpu.assume_multiple %mul3A_2166, 128 : i32
      %dma_start3A_2168 = arith.constant 0 : i32
      %dma_start3A_2169 = tpu.memref_slice %arg4[%dma_start3A_2168, %multiple_of3A_2167] : memref<64x1000000xf32, #tpu.memory_space<hbm>> -> memref<64x128xf32, #tpu.memory_space<hbm>>
      %dma_start3A_2170 = arith.constant 0 : i32
      %dma_start3A_2171 = tpu.memref_slice %arg4[%dma_start3A_2170, %multiple_of3A_2167] : memref<64x1000000xf32, #tpu.memory_space<hbm>> -> memref<64x128xf32, #tpu.memory_space<hbm>>
      tpu.enqueue_dma source(%dma_start3A_2171 : memref<64x128xf32, #tpu.memory_space<hbm>>) target(%arg7 : memref<64x128xf32, #tpu.memory_space<vmem>>) target_semaphore(%arg19 : memref<!tpu.dma_semaphore, #tpu.memory_space<semaphore_mem>>)
      %dma_start3A_2172 = arith.constant 0 : i32
      %dma_start3A_2173 = arith.constant 0 : i32
      %dma_start3A_2174 = tpu.memref_slice %arg15[%dma_start3A_2172, %dma_start3A_2173] : memref<8x128xf32, #tpu.memory_space<vmem>> -> memref<1x64xf32, #tpu.memory_space<vmem>>
      %dma_start3A_2175 = tpu.memref_squeeze %dma_start3A_2174 : memref<1x64xf32, #tpu.memory_space<vmem>> -> memref<64xf32, #tpu.memory_space<vmem>>
      %dma_start3A_2176 = arith.constant 0 : i32
      %dma_start3A_2177 = tpu.memref_slice %arg5[%squeeze3A_2162, %dma_start3A_2176] : memref<100000x64xf32, #tpu.memory_space<hbm>> -> memref<1x64xf32, #tpu.memory_space<hbm>>
      %dma_start3A_2178 = tpu.memref_squeeze %dma_start3A_2177 : memref<1x64xf32, #tpu.memory_space<hbm>> -> memref<64xf32, #tpu.memory_space<hbm>>
      %dma_start3A_2179 = arith.constant 0 : i32
      %dma_start3A_2180 = tpu.memref_slice %arg15[%dma_start3A_2172, %dma_start3A_2179] : memref<8x128xf32, #tpu.memory_space<vmem>> -> memref<1x64xf32, #tpu.memory_space<vmem>>
      %dma_start3A_2181 = tpu.memref_squeeze %dma_start3A_2180 : memref<1x64xf32, #tpu.memory_space<vmem>> -> memref<64xf32, #tpu.memory_space<vmem>>
      %dma_start3A_2182 = arith.constant 0 : i32
      %dma_start3A_2183 = tpu.memref_slice %arg5[%squeeze3A_2162, %dma_start3A_2182] : memref<100000x64xf32, #tpu.memory_space<hbm>> -> memref<1x64xf32, #tpu.memory_space<hbm>>
      %dma_start3A_2184 = tpu.memref_squeeze %dma_start3A_2183 : memref<1x64xf32, #tpu.memory_space<hbm>> -> memref<64xf32, #tpu.memory_space<hbm>>
      tpu.enqueue_dma source(%dma_start3A_2184 : memref<64xf32, #tpu.memory_space<hbm>>) target(%dma_start3A_2181 : memref<64xf32, #tpu.memory_space<vmem>>) target_semaphore(%arg19 : memref<!tpu.dma_semaphore, #tpu.memory_space<semaphore_mem>>)
      %dma_wait3A_2185 = arith.constant 0 : i32
      %dma_wait3A_2186 = tpu.memref_slice %arg6[%dma_wait3A_2185] : memref<16384xf32, #tpu.memory_space<hbm>> -> memref<8192xf32, #tpu.memory_space<hbm>>
      %dma_wait3A_2187 = arith.constant 0 : i32
      %dma_wait3A_2188 = tpu.memref_slice %arg6[%dma_wait3A_2187] : memref<16384xf32, #tpu.memory_space<hbm>> -> memref<8192xf32, #tpu.memory_space<hbm>>
      tpu.wait_dma2 semaphore(%arg20 : memref<!tpu.dma_semaphore, #tpu.memory_space<semaphore_mem>>) src(%dma_wait3A_2188 : memref<8192xf32, #tpu.memory_space<hbm>>) dst(%arg18 : memref<8192xf32, #tpu.memory_space<vmem>>)
      %dma_wait3A_2189 = arith.constant 0 : i32
      %dma_wait3A_2190 = tpu.memref_slice %arg18[%dma_wait3A_2189] : memref<8192xf32, #tpu.memory_space<vmem>> -> memref<64xf32, #tpu.memory_space<vmem>>
      %dma_wait3A_2191 = arith.constant 0 : i32
      %dma_wait3A_2192 = tpu.memref_slice %arg6[%dma_wait3A_2191] : memref<16384xf32, #tpu.memory_space<hbm>> -> memref<64xf32, #tpu.memory_space<hbm>>
      %dma_wait3A_2193 = arith.constant 0 : i32
      %dma_wait3A_2194 = tpu.memref_slice %arg18[%dma_wait3A_2193] : memref<8192xf32, #tpu.memory_space<vmem>> -> memref<64xf32, #tpu.memory_space<vmem>>
      %dma_wait3A_2195 = arith.constant 0 : i32
      %dma_wait3A_2196 = tpu.memref_slice %arg6[%dma_wait3A_2195] : memref<16384xf32, #tpu.memory_space<hbm>> -> memref<64xf32, #tpu.memory_space<hbm>>
      tpu.wait_dma2 semaphore(%arg20 : memref<!tpu.dma_semaphore, #tpu.memory_space<semaphore_mem>>) src(%dma_wait3A_2196 : memref<64xf32, #tpu.memory_space<hbm>>) dst(%dma_wait3A_2194 : memref<64xf32, #tpu.memory_space<vmem>>)
      %slice3A_2197 = vector.extract_strided_slice %get3A_1388 {offsets = [9], sizes = [1], strides = [1]} : vector<16xi32> to vector<1xi32>
      %squeeze3A_2198 = vector.extract %slice3A_2197[0] : i32 from vector<1xi32>
      %and3A_2199 = arith.constant 127 : i32
      %and3A_2200 = arith.andi %squeeze3A_2198, %and3A_2199 : i32
      %broadcast_in_dim3A_2201 = vector.broadcast %and3A_2200 : i32 to vector<16xi32>
      %broadcast_in_dim3A_2202 = arith.constant 1 : i32
      %broadcast_in_dim3A_2203 = vector.broadcast %broadcast_in_dim3A_2202 : i32 to vector<16xi32>
      %iota3A_2204 = tpu.iota {dimensions = array<i32: 0>} : vector<16xi32>
      %add3A_2205 = arith.constant 0 : i32
      %add3A_2206 = vector.broadcast %add3A_2205 : i32 to vector<16xi32>
      %add3A_2207 = arith.addi %add3A_2206, %iota3A_2204 : vector<16xi32>
      %gather3A_2208 = tpu.vector_load_idx %arg8[%add3A_2207, %broadcast_in_dim3A_2201] : memref<64x128xf32, #tpu.memory_space<vmem>>[vector<16xi32>, vector<16xi32>], vector<16xf32>,
      %gather3A_2209 = tpu.vector_load_idx %arg15[%broadcast_in_dim3A_2203, %add3A_2207] : memref<8x128xf32, #tpu.memory_space<vmem>>[vector<16xi32>, vector<16xi32>], vector<16xf32>,
      %mul3A_2210 = arith.mulf %gather3A_2208, %gather3A_2209 : vector<16xf32>
      %iota3A_2211 = tpu.iota {dimensions = array<i32: 0>} : vector<16xi32>
      %add3A_2212 = arith.constant 16 : i32
      %add3A_2213 = vector.broadcast %add3A_2212 : i32 to vector<16xi32>
      %add3A_2214 = arith.addi %add3A_2213, %iota3A_2211 : vector<16xi32>
      %gather3A_2215 = tpu.vector_load_idx %arg8[%add3A_2214, %broadcast_in_dim3A_2201] : memref<64x128xf32, #tpu.memory_space<vmem>>[vector<16xi32>, vector<16xi32>], vector<16xf32>,
      %gather3A_2216 = tpu.vector_load_idx %arg15[%broadcast_in_dim3A_2203, %add3A_2214] : memref<8x128xf32, #tpu.memory_space<vmem>>[vector<16xi32>, vector<16xi32>], vector<16xf32>,
      %mul3A_2217 = arith.mulf %gather3A_2215, %gather3A_2216 : vector<16xf32>
      %add3A_2218 = arith.addf %mul3A_2210, %mul3A_2217 : vector<16xf32>
      %iota3A_2219 = tpu.iota {dimensions = array<i32: 0>} : vector<16xi32>
      %add3A_2220 = arith.constant 32 : i32
      %add3A_2221 = vector.broadcast %add3A_2220 : i32 to vector<16xi32>
      %add3A_2222 = arith.addi %add3A_2221, %iota3A_2219 : vector<16xi32>
      %gather3A_2223 = tpu.vector_load_idx %arg8[%add3A_2222, %broadcast_in_dim3A_2201] : memref<64x128xf32, #tpu.memory_space<vmem>>[vector<16xi32>, vector<16xi32>], vector<16xf32>,
      %gather3A_2224 = tpu.vector_load_idx %arg15[%broadcast_in_dim3A_2203, %add3A_2222] : memref<8x128xf32, #tpu.memory_space<vmem>>[vector<16xi32>, vector<16xi32>], vector<16xf32>,
      %mul3A_2225 = arith.mulf %gather3A_2223, %gather3A_2224 : vector<16xf32>
      %add3A_2226 = arith.addf %add3A_2218, %mul3A_2225 : vector<16xf32>
      %iota3A_2227 = tpu.iota {dimensions = array<i32: 0>} : vector<16xi32>
      %add3A_2228 = arith.constant 48 : i32
      %add3A_2229 = vector.broadcast %add3A_2228 : i32 to vector<16xi32>
      %add3A_2230 = arith.addi %add3A_2229, %iota3A_2227 : vector<16xi32>
      %gather3A_2231 = tpu.vector_load_idx %arg8[%add3A_2230, %broadcast_in_dim3A_2201] : memref<64x128xf32, #tpu.memory_space<vmem>>[vector<16xi32>, vector<16xi32>], vector<16xf32>,
      %gather3A_2232 = tpu.vector_load_idx %arg15[%broadcast_in_dim3A_2203, %add3A_2230] : memref<8x128xf32, #tpu.memory_space<vmem>>[vector<16xi32>, vector<16xi32>], vector<16xf32>,
      %mul3A_2233 = arith.mulf %gather3A_2231, %gather3A_2232 : vector<16xf32>
      %add3A_2234 = arith.addf %add3A_2226, %mul3A_2233 : vector<16xf32>
      %reduce_sum3A_2235 = arith.constant true
      %reduce_sum3A_2236 = vector.broadcast %reduce_sum3A_2235 : i1 to vector<16xi1>
      %reduce_sum3A_2237 = tpu.scan <sum>, %add3A_2234 masked %reduce_sum3A_2236 : vector<16xf32>, vector<16xi1> -> vector<16xf32>
      %reduce_sum3A_2238 = vector.extract %reduce_sum3A_2237[15] : f32 from vector<16xf32>
      %iota3A_2239 = tpu.iota {dimensions = array<i32: 0>} : vector<16xi32>
      %eq3A_2240 = arith.constant 9 : i32
      %eq3A_2241 = vector.broadcast %eq3A_2240 : i32 to vector<16xi32>
      %eq3A_2242 = arith.cmpi eq, %iota3A_2239, %eq3A_2241 : vector<16xi32>
      %broadcast_in_dim3A_2243 = vector.broadcast %reduce_sum3A_2238 : f32 to vector<16xf32>
      %select_n3A_2244 = arith.select %eq3A_2242, %broadcast_in_dim3A_2243, %select_n3A_2158 : vector<16xi1>, vector<16xf32>
      %slice3A_2245 = vector.extract_strided_slice %get3A_1400 {offsets = [1], sizes = [1], strides = [1]} : vector<16xi32> to vector<1xi32>
      %squeeze3A_2246 = vector.extract %slice3A_2245[0] : i32 from vector<1xi32>
      %slice3A_2247 = vector.extract_strided_slice %get3A_1408 {offsets = [1], sizes = [1], strides = [1]} : vector<16xi32> to vector<1xi32>
      %squeeze3A_2248 = vector.extract %slice3A_2247[0] : i32 from vector<1xi32>
      %shift_right_arithmetic3A_2249 = arith.constant 7 : i32
      %shift_right_arithmetic3A_2250 = arith.shrsi %squeeze3A_2246, %shift_right_arithmetic3A_2249 : i32
      %mul3A_2251 = arith.constant 128 : i32
      %mul3A_2252 = arith.muli %shift_right_arithmetic3A_2250, %mul3A_2251 : i32
      %multiple_of3A_2253 = tpu.assume_multiple %mul3A_2252, 128 : i32
      %dma_start3A_2254 = arith.constant 0 : i32
      %dma_start3A_2255 = tpu.memref_slice %arg4[%dma_start3A_2254, %multiple_of3A_2253] : memref<64x1000000xf32, #tpu.memory_space<hbm>> -> memref<64x128xf32, #tpu.memory_space<hbm>>
      %dma_start3A_2256 = arith.constant 0 : i32
      %dma_start3A_2257 = tpu.memref_slice %arg4[%dma_start3A_2256, %multiple_of3A_2253] : memref<64x1000000xf32, #tpu.memory_space<hbm>> -> memref<64x128xf32, #tpu.memory_space<hbm>>
      tpu.enqueue_dma source(%dma_start3A_2257 : memref<64x128xf32, #tpu.memory_space<hbm>>) target(%arg8 : memref<64x128xf32, #tpu.memory_space<vmem>>) target_semaphore(%arg20 : memref<!tpu.dma_semaphore, #tpu.memory_space<semaphore_mem>>)
      %dma_start3A_2258 = arith.constant 1 : i32
      %dma_start3A_2259 = arith.constant 0 : i32
      %dma_start3A_2260 = tpu.memref_slice %arg15[%dma_start3A_2258, %dma_start3A_2259] : memref<8x128xf32, #tpu.memory_space<vmem>> -> memref<1x64xf32, #tpu.memory_space<vmem>>
      %dma_start3A_2261 = tpu.memref_squeeze %dma_start3A_2260 : memref<1x64xf32, #tpu.memory_space<vmem>> -> memref<64xf32, #tpu.memory_space<vmem>>
      %dma_start3A_2262 = arith.constant 0 : i32
      %dma_start3A_2263 = tpu.memref_slice %arg5[%squeeze3A_2248, %dma_start3A_2262] : memref<100000x64xf32, #tpu.memory_space<hbm>> -> memref<1x64xf32, #tpu.memory_space<hbm>>
      %dma_start3A_2264 = tpu.memref_squeeze %dma_start3A_2263 : memref<1x64xf32, #tpu.memory_space<hbm>> -> memref<64xf32, #tpu.memory_space<hbm>>
      %dma_start3A_2265 = arith.constant 0 : i32
      %dma_start3A_2266 = tpu.memref_slice %arg15[%dma_start3A_2258, %dma_start3A_2265] : memref<8x128xf32, #tpu.memory_space<vmem>> -> memref<1x64xf32, #tpu.memory_space<vmem>>
      %dma_start3A_2267 = tpu.memref_squeeze %dma_start3A_2266 : memref<1x64xf32, #tpu.memory_space<vmem>> -> memref<64xf32, #tpu.memory_space<vmem>>
      %dma_start3A_2268 = arith.constant 0 : i32
      %dma_start3A_2269 = tpu.memref_slice %arg5[%squeeze3A_2248, %dma_start3A_2268] : memref<100000x64xf32, #tpu.memory_space<hbm>> -> memref<1x64xf32, #tpu.memory_space<hbm>>
      %dma_start3A_2270 = tpu.memref_squeeze %dma_start3A_2269 : memref<1x64xf32, #tpu.memory_space<hbm>> -> memref<64xf32, #tpu.memory_space<hbm>>
      tpu.enqueue_dma source(%dma_start3A_2270 : memref<64xf32, #tpu.memory_space<hbm>>) target(%dma_start3A_2267 : memref<64xf32, #tpu.memory_space<vmem>>) target_semaphore(%arg20 : memref<!tpu.dma_semaphore, #tpu.memory_space<semaphore_mem>>)
      %dma_wait3A_2271 = arith.constant 0 : i32
      %dma_wait3A_2272 = tpu.memref_slice %arg6[%dma_wait3A_2271] : memref<16384xf32, #tpu.memory_space<hbm>> -> memref<8192xf32, #tpu.memory_space<hbm>>
      %dma_wait3A_2273 = arith.constant 0 : i32
      %dma_wait3A_2274 = tpu.memref_slice %arg6[%dma_wait3A_2273] : memref<16384xf32, #tpu.memory_space<hbm>> -> memref<8192xf32, #tpu.memory_space<hbm>>
      tpu.wait_dma2 semaphore(%arg21 : memref<!tpu.dma_semaphore, #tpu.memory_space<semaphore_mem>>) src(%dma_wait3A_2274 : memref<8192xf32, #tpu.memory_space<hbm>>) dst(%arg18 : memref<8192xf32, #tpu.memory_space<vmem>>)
      %dma_wait3A_2275 = arith.constant 0 : i32
      %dma_wait3A_2276 = tpu.memref_slice %arg18[%dma_wait3A_2275] : memref<8192xf32, #tpu.memory_space<vmem>> -> memref<64xf32, #tpu.memory_space<vmem>>
      %dma_wait3A_2277 = arith.constant 0 : i32
      %dma_wait3A_2278 = tpu.memref_slice %arg6[%dma_wait3A_2277] : memref<16384xf32, #tpu.memory_space<hbm>> -> memref<64xf32, #tpu.memory_space<hbm>>
      %dma_wait3A_2279 = arith.constant 0 : i32
      %dma_wait3A_2280 = tpu.memref_slice %arg18[%dma_wait3A_2279] : memref<8192xf32, #tpu.memory_space<vmem>> -> memref<64xf32, #tpu.memory_space<vmem>>
      %dma_wait3A_2281 = arith.constant 0 : i32
      %dma_wait3A_2282 = tpu.memref_slice %arg6[%dma_wait3A_2281] : memref<16384xf32, #tpu.memory_space<hbm>> -> memref<64xf32, #tpu.memory_space<hbm>>
      tpu.wait_dma2 semaphore(%arg21 : memref<!tpu.dma_semaphore, #tpu.memory_space<semaphore_mem>>) src(%dma_wait3A_2282 : memref<64xf32, #tpu.memory_space<hbm>>) dst(%dma_wait3A_2280 : memref<64xf32, #tpu.memory_space<vmem>>)
      %slice3A_2283 = vector.extract_strided_slice %get3A_1388 {offsets = [10], sizes = [1], strides = [1]} : vector<16xi32> to vector<1xi32>
      %squeeze3A_2284 = vector.extract %slice3A_2283[0] : i32 from vector<1xi32>
      %and3A_2285 = arith.constant 127 : i32
      %and3A_2286 = arith.andi %squeeze3A_2284, %and3A_2285 : i32
      %broadcast_in_dim3A_2287 = vector.broadcast %and3A_2286 : i32 to vector<16xi32>
      %broadcast_in_dim3A_2288 = arith.constant 2 : i32
      %broadcast_in_dim3A_2289 = vector.broadcast %broadcast_in_dim3A_2288 : i32 to vector<16xi32>
      %iota3A_2290 = tpu.iota {dimensions = array<i32: 0>} : vector<16xi32>
      %add3A_2291 = arith.constant 0 : i32
      %add3A_2292 = vector.broadcast %add3A_2291 : i32 to vector<16xi32>
      %add3A_2293 = arith.addi %add3A_2292, %iota3A_2290 : vector<16xi32>
      %gather3A_2294 = tpu.vector_load_idx %arg9[%add3A_2293, %broadcast_in_dim3A_2287] : memref<64x128xf32, #tpu.memory_space<vmem>>[vector<16xi32>, vector<16xi32>], vector<16xf32>,
      %gather3A_2295 = tpu.vector_load_idx %arg15[%broadcast_in_dim3A_2289, %add3A_2293] : memref<8x128xf32, #tpu.memory_space<vmem>>[vector<16xi32>, vector<16xi32>], vector<16xf32>,
      %mul3A_2296 = arith.mulf %gather3A_2294, %gather3A_2295 : vector<16xf32>
      %iota3A_2297 = tpu.iota {dimensions = array<i32: 0>} : vector<16xi32>
      %add3A_2298 = arith.constant 16 : i32
      %add3A_2299 = vector.broadcast %add3A_2298 : i32 to vector<16xi32>
      %add3A_2300 = arith.addi %add3A_2299, %iota3A_2297 : vector<16xi32>
      %gather3A_2301 = tpu.vector_load_idx %arg9[%add3A_2300, %broadcast_in_dim3A_2287] : memref<64x128xf32, #tpu.memory_space<vmem>>[vector<16xi32>, vector<16xi32>], vector<16xf32>,
      %gather3A_2302 = tpu.vector_load_idx %arg15[%broadcast_in_dim3A_2289, %add3A_2300] : memref<8x128xf32, #tpu.memory_space<vmem>>[vector<16xi32>, vector<16xi32>], vector<16xf32>,
      %mul3A_2303 = arith.mulf %gather3A_2301, %gather3A_2302 : vector<16xf32>
      %add3A_2304 = arith.addf %mul3A_2296, %mul3A_2303 : vector<16xf32>
      %iota3A_2305 = tpu.iota {dimensions = array<i32: 0>} : vector<16xi32>
      %add3A_2306 = arith.constant 32 : i32
      %add3A_2307 = vector.broadcast %add3A_2306 : i32 to vector<16xi32>
      %add3A_2308 = arith.addi %add3A_2307, %iota3A_2305 : vector<16xi32>
      %gather3A_2309 = tpu.vector_load_idx %arg9[%add3A_2308, %broadcast_in_dim3A_2287] : memref<64x128xf32, #tpu.memory_space<vmem>>[vector<16xi32>, vector<16xi32>], vector<16xf32>,
      %gather3A_2310 = tpu.vector_load_idx %arg15[%broadcast_in_dim3A_2289, %add3A_2308] : memref<8x128xf32, #tpu.memory_space<vmem>>[vector<16xi32>, vector<16xi32>], vector<16xf32>,
      %mul3A_2311 = arith.mulf %gather3A_2309, %gather3A_2310 : vector<16xf32>
      %add3A_2312 = arith.addf %add3A_2304, %mul3A_2311 : vector<16xf32>
      %iota3A_2313 = tpu.iota {dimensions = array<i32: 0>} : vector<16xi32>
      %add3A_2314 = arith.constant 48 : i32
      %add3A_2315 = vector.broadcast %add3A_2314 : i32 to vector<16xi32>
      %add3A_2316 = arith.addi %add3A_2315, %iota3A_2313 : vector<16xi32>
      %gather3A_2317 = tpu.vector_load_idx %arg9[%add3A_2316, %broadcast_in_dim3A_2287] : memref<64x128xf32, #tpu.memory_space<vmem>>[vector<16xi32>, vector<16xi32>], vector<16xf32>,
      %gather3A_2318 = tpu.vector_load_idx %arg15[%broadcast_in_dim3A_2289, %add3A_2316] : memref<8x128xf32, #tpu.memory_space<vmem>>[vector<16xi32>, vector<16xi32>], vector<16xf32>,
      %mul3A_2319 = arith.mulf %gather3A_2317, %gather3A_2318 : vector<16xf32>
      %add3A_2320 = arith.addf %add3A_2312, %mul3A_2319 : vector<16xf32>
      %reduce_sum3A_2321 = arith.constant true
      %reduce_sum3A_2322 = vector.broadcast %reduce_sum3A_2321 : i1 to vector<16xi1>
      %reduce_sum3A_2323 = tpu.scan <sum>, %add3A_2320 masked %reduce_sum3A_2322 : vector<16xf32>, vector<16xi1> -> vector<16xf32>
      %reduce_sum3A_2324 = vector.extract %reduce_sum3A_2323[15] : f32 from vector<16xf32>
      %iota3A_2325 = tpu.iota {dimensions = array<i32: 0>} : vector<16xi32>
      %eq3A_2326 = arith.constant 10 : i32
      %eq3A_2327 = vector.broadcast %eq3A_2326 : i32 to vector<16xi32>
      %eq3A_2328 = arith.cmpi eq, %iota3A_2325, %eq3A_2327 : vector<16xi32>
      %broadcast_in_dim3A_2329 = vector.broadcast %reduce_sum3A_2324 : f32 to vector<16xf32>
      %select_n3A_2330 = arith.select %eq3A_2328, %broadcast_in_dim3A_2329, %select_n3A_2244 : vector<16xi1>, vector<16xf32>
      %slice3A_2331 = vector.extract_strided_slice %get3A_1400 {offsets = [2], sizes = [1], strides = [1]} : vector<16xi32> to vector<1xi32>
      %squeeze3A_2332 = vector.extract %slice3A_2331[0] : i32 from vector<1xi32>
      %slice3A_2333 = vector.extract_strided_slice %get3A_1408 {offsets = [2], sizes = [1], strides = [1]} : vector<16xi32> to vector<1xi32>
      %squeeze3A_2334 = vector.extract %slice3A_2333[0] : i32 from vector<1xi32>
      %shift_right_arithmetic3A_2335 = arith.constant 7 : i32
      %shift_right_arithmetic3A_2336 = arith.shrsi %squeeze3A_2332, %shift_right_arithmetic3A_2335 : i32
      %mul3A_2337 = arith.constant 128 : i32
      %mul3A_2338 = arith.muli %shift_right_arithmetic3A_2336, %mul3A_2337 : i32
      %multiple_of3A_2339 = tpu.assume_multiple %mul3A_2338, 128 : i32
      %dma_start3A_2340 = arith.constant 0 : i32
      %dma_start3A_2341 = tpu.memref_slice %arg4[%dma_start3A_2340, %multiple_of3A_2339] : memref<64x1000000xf32, #tpu.memory_space<hbm>> -> memref<64x128xf32, #tpu.memory_space<hbm>>
      %dma_start3A_2342 = arith.constant 0 : i32
      %dma_start3A_2343 = tpu.memref_slice %arg4[%dma_start3A_2342, %multiple_of3A_2339] : memref<64x1000000xf32, #tpu.memory_space<hbm>> -> memref<64x128xf32, #tpu.memory_space<hbm>>
      tpu.enqueue_dma source(%dma_start3A_2343 : memref<64x128xf32, #tpu.memory_space<hbm>>) target(%arg9 : memref<64x128xf32, #tpu.memory_space<vmem>>) target_semaphore(%arg21 : memref<!tpu.dma_semaphore, #tpu.memory_space<semaphore_mem>>)
      %dma_start3A_2344 = arith.constant 2 : i32
      %dma_start3A_2345 = arith.constant 0 : i32
      %dma_start3A_2346 = tpu.memref_slice %arg15[%dma_start3A_2344, %dma_start3A_2345] : memref<8x128xf32, #tpu.memory_space<vmem>> -> memref<1x64xf32, #tpu.memory_space<vmem>>
      %dma_start3A_2347 = tpu.memref_squeeze %dma_start3A_2346 : memref<1x64xf32, #tpu.memory_space<vmem>> -> memref<64xf32, #tpu.memory_space<vmem>>
      %dma_start3A_2348 = arith.constant 0 : i32
      %dma_start3A_2349 = tpu.memref_slice %arg5[%squeeze3A_2334, %dma_start3A_2348] : memref<100000x64xf32, #tpu.memory_space<hbm>> -> memref<1x64xf32, #tpu.memory_space<hbm>>
      %dma_start3A_2350 = tpu.memref_squeeze %dma_start3A_2349 : memref<1x64xf32, #tpu.memory_space<hbm>> -> memref<64xf32, #tpu.memory_space<hbm>>
      %dma_start3A_2351 = arith.constant 0 : i32
      %dma_start3A_2352 = tpu.memref_slice %arg15[%dma_start3A_2344, %dma_start3A_2351] : memref<8x128xf32, #tpu.memory_space<vmem>> -> memref<1x64xf32, #tpu.memory_space<vmem>>
      %dma_start3A_2353 = tpu.memref_squeeze %dma_start3A_2352 : memref<1x64xf32, #tpu.memory_space<vmem>> -> memref<64xf32, #tpu.memory_space<vmem>>
      %dma_start3A_2354 = arith.constant 0 : i32
      %dma_start3A_2355 = tpu.memref_slice %arg5[%squeeze3A_2334, %dma_start3A_2354] : memref<100000x64xf32, #tpu.memory_space<hbm>> -> memref<1x64xf32, #tpu.memory_space<hbm>>
      %dma_start3A_2356 = tpu.memref_squeeze %dma_start3A_2355 : memref<1x64xf32, #tpu.memory_space<hbm>> -> memref<64xf32, #tpu.memory_space<hbm>>
      tpu.enqueue_dma source(%dma_start3A_2356 : memref<64xf32, #tpu.memory_space<hbm>>) target(%dma_start3A_2353 : memref<64xf32, #tpu.memory_space<vmem>>) target_semaphore(%arg21 : memref<!tpu.dma_semaphore, #tpu.memory_space<semaphore_mem>>)
      %dma_wait3A_2357 = arith.constant 0 : i32
      %dma_wait3A_2358 = tpu.memref_slice %arg6[%dma_wait3A_2357] : memref<16384xf32, #tpu.memory_space<hbm>> -> memref<8192xf32, #tpu.memory_space<hbm>>
      %dma_wait3A_2359 = arith.constant 0 : i32
      %dma_wait3A_2360 = tpu.memref_slice %arg6[%dma_wait3A_2359] : memref<16384xf32, #tpu.memory_space<hbm>> -> memref<8192xf32, #tpu.memory_space<hbm>>
      tpu.wait_dma2 semaphore(%arg22 : memref<!tpu.dma_semaphore, #tpu.memory_space<semaphore_mem>>) src(%dma_wait3A_2360 : memref<8192xf32, #tpu.memory_space<hbm>>) dst(%arg18 : memref<8192xf32, #tpu.memory_space<vmem>>)
      %dma_wait3A_2361 = arith.constant 0 : i32
      %dma_wait3A_2362 = tpu.memref_slice %arg18[%dma_wait3A_2361] : memref<8192xf32, #tpu.memory_space<vmem>> -> memref<64xf32, #tpu.memory_space<vmem>>
      %dma_wait3A_2363 = arith.constant 0 : i32
      %dma_wait3A_2364 = tpu.memref_slice %arg6[%dma_wait3A_2363] : memref<16384xf32, #tpu.memory_space<hbm>> -> memref<64xf32, #tpu.memory_space<hbm>>
      %dma_wait3A_2365 = arith.constant 0 : i32
      %dma_wait3A_2366 = tpu.memref_slice %arg18[%dma_wait3A_2365] : memref<8192xf32, #tpu.memory_space<vmem>> -> memref<64xf32, #tpu.memory_space<vmem>>
      %dma_wait3A_2367 = arith.constant 0 : i32
      %dma_wait3A_2368 = tpu.memref_slice %arg6[%dma_wait3A_2367] : memref<16384xf32, #tpu.memory_space<hbm>> -> memref<64xf32, #tpu.memory_space<hbm>>
      tpu.wait_dma2 semaphore(%arg22 : memref<!tpu.dma_semaphore, #tpu.memory_space<semaphore_mem>>) src(%dma_wait3A_2368 : memref<64xf32, #tpu.memory_space<hbm>>) dst(%dma_wait3A_2366 : memref<64xf32, #tpu.memory_space<vmem>>)
      %slice3A_2369 = vector.extract_strided_slice %get3A_1388 {offsets = [11], sizes = [1], strides = [1]} : vector<16xi32> to vector<1xi32>
      %squeeze3A_2370 = vector.extract %slice3A_2369[0] : i32 from vector<1xi32>
      %and3A_2371 = arith.constant 127 : i32
      %and3A_2372 = arith.andi %squeeze3A_2370, %and3A_2371 : i32
      %broadcast_in_dim3A_2373 = vector.broadcast %and3A_2372 : i32 to vector<16xi32>
      %broadcast_in_dim3A_2374 = arith.constant 3 : i32
      %broadcast_in_dim3A_2375 = vector.broadcast %broadcast_in_dim3A_2374 : i32 to vector<16xi32>
      %iota3A_2376 = tpu.iota {dimensions = array<i32: 0>} : vector<16xi32>
      %add3A_2377 = arith.constant 0 : i32
      %add3A_2378 = vector.broadcast %add3A_2377 : i32 to vector<16xi32>
      %add3A_2379 = arith.addi %add3A_2378, %iota3A_2376 : vector<16xi32>
      %gather3A_2380 = tpu.vector_load_idx %arg10[%add3A_2379, %broadcast_in_dim3A_2373] : memref<64x128xf32, #tpu.memory_space<vmem>>[vector<16xi32>, vector<16xi32>], vector<16xf32>,
      %gather3A_2381 = tpu.vector_load_idx %arg15[%broadcast_in_dim3A_2375, %add3A_2379] : memref<8x128xf32, #tpu.memory_space<vmem>>[vector<16xi32>, vector<16xi32>], vector<16xf32>,
      %mul3A_2382 = arith.mulf %gather3A_2380, %gather3A_2381 : vector<16xf32>
      %iota3A_2383 = tpu.iota {dimensions = array<i32: 0>} : vector<16xi32>
      %add3A_2384 = arith.constant 16 : i32
      %add3A_2385 = vector.broadcast %add3A_2384 : i32 to vector<16xi32>
      %add3A_2386 = arith.addi %add3A_2385, %iota3A_2383 : vector<16xi32>
      %gather3A_2387 = tpu.vector_load_idx %arg10[%add3A_2386, %broadcast_in_dim3A_2373] : memref<64x128xf32, #tpu.memory_space<vmem>>[vector<16xi32>, vector<16xi32>], vector<16xf32>,
      %gather3A_2388 = tpu.vector_load_idx %arg15[%broadcast_in_dim3A_2375, %add3A_2386] : memref<8x128xf32, #tpu.memory_space<vmem>>[vector<16xi32>, vector<16xi32>], vector<16xf32>,
      %mul3A_2389 = arith.mulf %gather3A_2387, %gather3A_2388 : vector<16xf32>
      %add3A_2390 = arith.addf %mul3A_2382, %mul3A_2389 : vector<16xf32>
      %iota3A_2391 = tpu.iota {dimensions = array<i32: 0>} : vector<16xi32>
      %add3A_2392 = arith.constant 32 : i32
      %add3A_2393 = vector.broadcast %add3A_2392 : i32 to vector<16xi32>
      %add3A_2394 = arith.addi %add3A_2393, %iota3A_2391 : vector<16xi32>
      %gather3A_2395 = tpu.vector_load_idx %arg10[%add3A_2394, %broadcast_in_dim3A_2373] : memref<64x128xf32, #tpu.memory_space<vmem>>[vector<16xi32>, vector<16xi32>], vector<16xf32>,
      %gather3A_2396 = tpu.vector_load_idx %arg15[%broadcast_in_dim3A_2375, %add3A_2394] : memref<8x128xf32, #tpu.memory_space<vmem>>[vector<16xi32>, vector<16xi32>], vector<16xf32>,
      %mul3A_2397 = arith.mulf %gather3A_2395, %gather3A_2396 : vector<16xf32>
      %add3A_2398 = arith.addf %add3A_2390, %mul3A_2397 : vector<16xf32>
      %iota3A_2399 = tpu.iota {dimensions = array<i32: 0>} : vector<16xi32>
      %add3A_2400 = arith.constant 48 : i32
      %add3A_2401 = vector.broadcast %add3A_2400 : i32 to vector<16xi32>
      %add3A_2402 = arith.addi %add3A_2401, %iota3A_2399 : vector<16xi32>
      %gather3A_2403 = tpu.vector_load_idx %arg10[%add3A_2402, %broadcast_in_dim3A_2373] : memref<64x128xf32, #tpu.memory_space<vmem>>[vector<16xi32>, vector<16xi32>], vector<16xf32>,
      %gather3A_2404 = tpu.vector_load_idx %arg15[%broadcast_in_dim3A_2375, %add3A_2402] : memref<8x128xf32, #tpu.memory_space<vmem>>[vector<16xi32>, vector<16xi32>], vector<16xf32>,
      %mul3A_2405 = arith.mulf %gather3A_2403, %gather3A_2404 : vector<16xf32>
      %add3A_2406 = arith.addf %add3A_2398, %mul3A_2405 : vector<16xf32>
      %reduce_sum3A_2407 = arith.constant true
      %reduce_sum3A_2408 = vector.broadcast %reduce_sum3A_2407 : i1 to vector<16xi1>
      %reduce_sum3A_2409 = tpu.scan <sum>, %add3A_2406 masked %reduce_sum3A_2408 : vector<16xf32>, vector<16xi1> -> vector<16xf32>
      %reduce_sum3A_2410 = vector.extract %reduce_sum3A_2409[15] : f32 from vector<16xf32>
      %iota3A_2411 = tpu.iota {dimensions = array<i32: 0>} : vector<16xi32>
      %eq3A_2412 = arith.constant 11 : i32
      %eq3A_2413 = vector.broadcast %eq3A_2412 : i32 to vector<16xi32>
      %eq3A_2414 = arith.cmpi eq, %iota3A_2411, %eq3A_2413 : vector<16xi32>
      %broadcast_in_dim3A_2415 = vector.broadcast %reduce_sum3A_2410 : f32 to vector<16xf32>
      %select_n3A_2416 = arith.select %eq3A_2414, %broadcast_in_dim3A_2415, %select_n3A_2330 : vector<16xi1>, vector<16xf32>
      %slice3A_2417 = vector.extract_strided_slice %get3A_1400 {offsets = [3], sizes = [1], strides = [1]} : vector<16xi32> to vector<1xi32>
      %squeeze3A_2418 = vector.extract %slice3A_2417[0] : i32 from vector<1xi32>
      %slice3A_2419 = vector.extract_strided_slice %get3A_1408 {offsets = [3], sizes = [1], strides = [1]} : vector<16xi32> to vector<1xi32>
      %squeeze3A_2420 = vector.extract %slice3A_2419[0] : i32 from vector<1xi32>
      %shift_right_arithmetic3A_2421 = arith.constant 7 : i32
      %shift_right_arithmetic3A_2422 = arith.shrsi %squeeze3A_2418, %shift_right_arithmetic3A_2421 : i32
      %mul3A_2423 = arith.constant 128 : i32
      %mul3A_2424 = arith.muli %shift_right_arithmetic3A_2422, %mul3A_2423 : i32
      %multiple_of3A_2425 = tpu.assume_multiple %mul3A_2424, 128 : i32
      %dma_start3A_2426 = arith.constant 0 : i32
      %dma_start3A_2427 = tpu.memref_slice %arg4[%dma_start3A_2426, %multiple_of3A_2425] : memref<64x1000000xf32, #tpu.memory_space<hbm>> -> memref<64x128xf32, #tpu.memory_space<hbm>>
      %dma_start3A_2428 = arith.constant 0 : i32
      %dma_start3A_2429 = tpu.memref_slice %arg4[%dma_start3A_2428, %multiple_of3A_2425] : memref<64x1000000xf32, #tpu.memory_space<hbm>> -> memref<64x128xf32, #tpu.memory_space<hbm>>
      tpu.enqueue_dma source(%dma_start3A_2429 : memref<64x128xf32, #tpu.memory_space<hbm>>) target(%arg10 : memref<64x128xf32, #tpu.memory_space<vmem>>) target_semaphore(%arg22 : memref<!tpu.dma_semaphore, #tpu.memory_space<semaphore_mem>>)
      %dma_start3A_2430 = arith.constant 3 : i32
      %dma_start3A_2431 = arith.constant 0 : i32
      %dma_start3A_2432 = tpu.memref_slice %arg15[%dma_start3A_2430, %dma_start3A_2431] : memref<8x128xf32, #tpu.memory_space<vmem>> -> memref<1x64xf32, #tpu.memory_space<vmem>>
      %dma_start3A_2433 = tpu.memref_squeeze %dma_start3A_2432 : memref<1x64xf32, #tpu.memory_space<vmem>> -> memref<64xf32, #tpu.memory_space<vmem>>
      %dma_start3A_2434 = arith.constant 0 : i32
      %dma_start3A_2435 = tpu.memref_slice %arg5[%squeeze3A_2420, %dma_start3A_2434] : memref<100000x64xf32, #tpu.memory_space<hbm>> -> memref<1x64xf32, #tpu.memory_space<hbm>>
      %dma_start3A_2436 = tpu.memref_squeeze %dma_start3A_2435 : memref<1x64xf32, #tpu.memory_space<hbm>> -> memref<64xf32, #tpu.memory_space<hbm>>
      %dma_start3A_2437 = arith.constant 0 : i32
      %dma_start3A_2438 = tpu.memref_slice %arg15[%dma_start3A_2430, %dma_start3A_2437] : memref<8x128xf32, #tpu.memory_space<vmem>> -> memref<1x64xf32, #tpu.memory_space<vmem>>
      %dma_start3A_2439 = tpu.memref_squeeze %dma_start3A_2438 : memref<1x64xf32, #tpu.memory_space<vmem>> -> memref<64xf32, #tpu.memory_space<vmem>>
      %dma_start3A_2440 = arith.constant 0 : i32
      %dma_start3A_2441 = tpu.memref_slice %arg5[%squeeze3A_2420, %dma_start3A_2440] : memref<100000x64xf32, #tpu.memory_space<hbm>> -> memref<1x64xf32, #tpu.memory_space<hbm>>
      %dma_start3A_2442 = tpu.memref_squeeze %dma_start3A_2441 : memref<1x64xf32, #tpu.memory_space<hbm>> -> memref<64xf32, #tpu.memory_space<hbm>>
      tpu.enqueue_dma source(%dma_start3A_2442 : memref<64xf32, #tpu.memory_space<hbm>>) target(%dma_start3A_2439 : memref<64xf32, #tpu.memory_space<vmem>>) target_semaphore(%arg22 : memref<!tpu.dma_semaphore, #tpu.memory_space<semaphore_mem>>)
      %dma_wait3A_2443 = arith.constant 0 : i32
      %dma_wait3A_2444 = tpu.memref_slice %arg6[%dma_wait3A_2443] : memref<16384xf32, #tpu.memory_space<hbm>> -> memref<8192xf32, #tpu.memory_space<hbm>>
      %dma_wait3A_2445 = arith.constant 0 : i32
      %dma_wait3A_2446 = tpu.memref_slice %arg6[%dma_wait3A_2445] : memref<16384xf32, #tpu.memory_space<hbm>> -> memref<8192xf32, #tpu.memory_space<hbm>>
      tpu.wait_dma2 semaphore(%arg23 : memref<!tpu.dma_semaphore, #tpu.memory_space<semaphore_mem>>) src(%dma_wait3A_2446 : memref<8192xf32, #tpu.memory_space<hbm>>) dst(%arg18 : memref<8192xf32, #tpu.memory_space<vmem>>)
      %dma_wait3A_2447 = arith.constant 0 : i32
      %dma_wait3A_2448 = tpu.memref_slice %arg18[%dma_wait3A_2447] : memref<8192xf32, #tpu.memory_space<vmem>> -> memref<64xf32, #tpu.memory_space<vmem>>
      %dma_wait3A_2449 = arith.constant 0 : i32
      %dma_wait3A_2450 = tpu.memref_slice %arg6[%dma_wait3A_2449] : memref<16384xf32, #tpu.memory_space<hbm>> -> memref<64xf32, #tpu.memory_space<hbm>>
      %dma_wait3A_2451 = arith.constant 0 : i32
      %dma_wait3A_2452 = tpu.memref_slice %arg18[%dma_wait3A_2451] : memref<8192xf32, #tpu.memory_space<vmem>> -> memref<64xf32, #tpu.memory_space<vmem>>
      %dma_wait3A_2453 = arith.constant 0 : i32
      %dma_wait3A_2454 = tpu.memref_slice %arg6[%dma_wait3A_2453] : memref<16384xf32, #tpu.memory_space<hbm>> -> memref<64xf32, #tpu.memory_space<hbm>>
      tpu.wait_dma2 semaphore(%arg23 : memref<!tpu.dma_semaphore, #tpu.memory_space<semaphore_mem>>) src(%dma_wait3A_2454 : memref<64xf32, #tpu.memory_space<hbm>>) dst(%dma_wait3A_2452 : memref<64xf32, #tpu.memory_space<vmem>>)
      %slice3A_2455 = vector.extract_strided_slice %get3A_1388 {offsets = [12], sizes = [1], strides = [1]} : vector<16xi32> to vector<1xi32>
      %squeeze3A_2456 = vector.extract %slice3A_2455[0] : i32 from vector<1xi32>
      %and3A_2457 = arith.constant 127 : i32
      %and3A_2458 = arith.andi %squeeze3A_2456, %and3A_2457 : i32
      %broadcast_in_dim3A_2459 = vector.broadcast %and3A_2458 : i32 to vector<16xi32>
      %broadcast_in_dim3A_2460 = arith.constant 4 : i32
      %broadcast_in_dim3A_2461 = vector.broadcast %broadcast_in_dim3A_2460 : i32 to vector<16xi32>
      %iota3A_2462 = tpu.iota {dimensions = array<i32: 0>} : vector<16xi32>
      %add3A_2463 = arith.constant 0 : i32
      %add3A_2464 = vector.broadcast %add3A_2463 : i32 to vector<16xi32>
      %add3A_2465 = arith.addi %add3A_2464, %iota3A_2462 : vector<16xi32>
      %gather3A_2466 = tpu.vector_load_idx %arg11[%add3A_2465, %broadcast_in_dim3A_2459] : memref<64x128xf32, #tpu.memory_space<vmem>>[vector<16xi32>, vector<16xi32>], vector<16xf32>,
      %gather3A_2467 = tpu.vector_load_idx %arg15[%broadcast_in_dim3A_2461, %add3A_2465] : memref<8x128xf32, #tpu.memory_space<vmem>>[vector<16xi32>, vector<16xi32>], vector<16xf32>,
      %mul3A_2468 = arith.mulf %gather3A_2466, %gather3A_2467 : vector<16xf32>
      %iota3A_2469 = tpu.iota {dimensions = array<i32: 0>} : vector<16xi32>
      %add3A_2470 = arith.constant 16 : i32
      %add3A_2471 = vector.broadcast %add3A_2470 : i32 to vector<16xi32>
      %add3A_2472 = arith.addi %add3A_2471, %iota3A_2469 : vector<16xi32>
      %gather3A_2473 = tpu.vector_load_idx %arg11[%add3A_2472, %broadcast_in_dim3A_2459] : memref<64x128xf32, #tpu.memory_space<vmem>>[vector<16xi32>, vector<16xi32>], vector<16xf32>,
      %gather3A_2474 = tpu.vector_load_idx %arg15[%broadcast_in_dim3A_2461, %add3A_2472] : memref<8x128xf32, #tpu.memory_space<vmem>>[vector<16xi32>, vector<16xi32>], vector<16xf32>,
      %mul3A_2475 = arith.mulf %gather3A_2473, %gather3A_2474 : vector<16xf32>
      %add3A_2476 = arith.addf %mul3A_2468, %mul3A_2475 : vector<16xf32>
      %iota3A_2477 = tpu.iota {dimensions = array<i32: 0>} : vector<16xi32>
      %add3A_2478 = arith.constant 32 : i32
      %add3A_2479 = vector.broadcast %add3A_2478 : i32 to vector<16xi32>
      %add3A_2480 = arith.addi %add3A_2479, %iota3A_2477 : vector<16xi32>
      %gather3A_2481 = tpu.vector_load_idx %arg11[%add3A_2480, %broadcast_in_dim3A_2459] : memref<64x128xf32, #tpu.memory_space<vmem>>[vector<16xi32>, vector<16xi32>], vector<16xf32>,
      %gather3A_2482 = tpu.vector_load_idx %arg15[%broadcast_in_dim3A_2461, %add3A_2480] : memref<8x128xf32, #tpu.memory_space<vmem>>[vector<16xi32>, vector<16xi32>], vector<16xf32>,
      %mul3A_2483 = arith.mulf %gather3A_2481, %gather3A_2482 : vector<16xf32>
      %add3A_2484 = arith.addf %add3A_2476, %mul3A_2483 : vector<16xf32>
      %iota3A_2485 = tpu.iota {dimensions = array<i32: 0>} : vector<16xi32>
      %add3A_2486 = arith.constant 48 : i32
      %add3A_2487 = vector.broadcast %add3A_2486 : i32 to vector<16xi32>
      %add3A_2488 = arith.addi %add3A_2487, %iota3A_2485 : vector<16xi32>
      %gather3A_2489 = tpu.vector_load_idx %arg11[%add3A_2488, %broadcast_in_dim3A_2459] : memref<64x128xf32, #tpu.memory_space<vmem>>[vector<16xi32>, vector<16xi32>], vector<16xf32>,
      %gather3A_2490 = tpu.vector_load_idx %arg15[%broadcast_in_dim3A_2461, %add3A_2488] : memref<8x128xf32, #tpu.memory_space<vmem>>[vector<16xi32>, vector<16xi32>], vector<16xf32>,
      %mul3A_2491 = arith.mulf %gather3A_2489, %gather3A_2490 : vector<16xf32>
      %add3A_2492 = arith.addf %add3A_2484, %mul3A_2491 : vector<16xf32>
      %reduce_sum3A_2493 = arith.constant true
      %reduce_sum3A_2494 = vector.broadcast %reduce_sum3A_2493 : i1 to vector<16xi1>
      %reduce_sum3A_2495 = tpu.scan <sum>, %add3A_2492 masked %reduce_sum3A_2494 : vector<16xf32>, vector<16xi1> -> vector<16xf32>
      %reduce_sum3A_2496 = vector.extract %reduce_sum3A_2495[15] : f32 from vector<16xf32>
      %iota3A_2497 = tpu.iota {dimensions = array<i32: 0>} : vector<16xi32>
      %eq3A_2498 = arith.constant 12 : i32
      %eq3A_2499 = vector.broadcast %eq3A_2498 : i32 to vector<16xi32>
      %eq3A_2500 = arith.cmpi eq, %iota3A_2497, %eq3A_2499 : vector<16xi32>
      %broadcast_in_dim3A_2501 = vector.broadcast %reduce_sum3A_2496 : f32 to vector<16xf32>
      %select_n3A_2502 = arith.select %eq3A_2500, %broadcast_in_dim3A_2501, %select_n3A_2416 : vector<16xi1>, vector<16xf32>
      %slice3A_2503 = vector.extract_strided_slice %get3A_1400 {offsets = [4], sizes = [1], strides = [1]} : vector<16xi32> to vector<1xi32>
      %squeeze3A_2504 = vector.extract %slice3A_2503[0] : i32 from vector<1xi32>
      %slice3A_2505 = vector.extract_strided_slice %get3A_1408 {offsets = [4], sizes = [1], strides = [1]} : vector<16xi32> to vector<1xi32>
      %squeeze3A_2506 = vector.extract %slice3A_2505[0] : i32 from vector<1xi32>
      %shift_right_arithmetic3A_2507 = arith.constant 7 : i32
      %shift_right_arithmetic3A_2508 = arith.shrsi %squeeze3A_2504, %shift_right_arithmetic3A_2507 : i32
      %mul3A_2509 = arith.constant 128 : i32
      %mul3A_2510 = arith.muli %shift_right_arithmetic3A_2508, %mul3A_2509 : i32
      %multiple_of3A_2511 = tpu.assume_multiple %mul3A_2510, 128 : i32
      %dma_start3A_2512 = arith.constant 0 : i32
      %dma_start3A_2513 = tpu.memref_slice %arg4[%dma_start3A_2512, %multiple_of3A_2511] : memref<64x1000000xf32, #tpu.memory_space<hbm>> -> memref<64x128xf32, #tpu.memory_space<hbm>>
      %dma_start3A_2514 = arith.constant 0 : i32
      %dma_start3A_2515 = tpu.memref_slice %arg4[%dma_start3A_2514, %multiple_of3A_2511] : memref<64x1000000xf32, #tpu.memory_space<hbm>> -> memref<64x128xf32, #tpu.memory_space<hbm>>
      tpu.enqueue_dma source(%dma_start3A_2515 : memref<64x128xf32, #tpu.memory_space<hbm>>) target(%arg11 : memref<64x128xf32, #tpu.memory_space<vmem>>) target_semaphore(%arg23 : memref<!tpu.dma_semaphore, #tpu.memory_space<semaphore_mem>>)
      %dma_start3A_2516 = arith.constant 4 : i32
      %dma_start3A_2517 = arith.constant 0 : i32
      %dma_start3A_2518 = tpu.memref_slice %arg15[%dma_start3A_2516, %dma_start3A_2517] : memref<8x128xf32, #tpu.memory_space<vmem>> -> memref<1x64xf32, #tpu.memory_space<vmem>>
      %dma_start3A_2519 = tpu.memref_squeeze %dma_start3A_2518 : memref<1x64xf32, #tpu.memory_space<vmem>> -> memref<64xf32, #tpu.memory_space<vmem>>
      %dma_start3A_2520 = arith.constant 0 : i32
      %dma_start3A_2521 = tpu.memref_slice %arg5[%squeeze3A_2506, %dma_start3A_2520] : memref<100000x64xf32, #tpu.memory_space<hbm>> -> memref<1x64xf32, #tpu.memory_space<hbm>>
      %dma_start3A_2522 = tpu.memref_squeeze %dma_start3A_2521 : memref<1x64xf32, #tpu.memory_space<hbm>> -> memref<64xf32, #tpu.memory_space<hbm>>
      %dma_start3A_2523 = arith.constant 0 : i32
      %dma_start3A_2524 = tpu.memref_slice %arg15[%dma_start3A_2516, %dma_start3A_2523] : memref<8x128xf32, #tpu.memory_space<vmem>> -> memref<1x64xf32, #tpu.memory_space<vmem>>
      %dma_start3A_2525 = tpu.memref_squeeze %dma_start3A_2524 : memref<1x64xf32, #tpu.memory_space<vmem>> -> memref<64xf32, #tpu.memory_space<vmem>>
      %dma_start3A_2526 = arith.constant 0 : i32
      %dma_start3A_2527 = tpu.memref_slice %arg5[%squeeze3A_2506, %dma_start3A_2526] : memref<100000x64xf32, #tpu.memory_space<hbm>> -> memref<1x64xf32, #tpu.memory_space<hbm>>
      %dma_start3A_2528 = tpu.memref_squeeze %dma_start3A_2527 : memref<1x64xf32, #tpu.memory_space<hbm>> -> memref<64xf32, #tpu.memory_space<hbm>>
      tpu.enqueue_dma source(%dma_start3A_2528 : memref<64xf32, #tpu.memory_space<hbm>>) target(%dma_start3A_2525 : memref<64xf32, #tpu.memory_space<vmem>>) target_semaphore(%arg23 : memref<!tpu.dma_semaphore, #tpu.memory_space<semaphore_mem>>)
      %dma_wait3A_2529 = arith.constant 0 : i32
      %dma_wait3A_2530 = tpu.memref_slice %arg6[%dma_wait3A_2529] : memref<16384xf32, #tpu.memory_space<hbm>> -> memref<8192xf32, #tpu.memory_space<hbm>>
      %dma_wait3A_2531 = arith.constant 0 : i32
      %dma_wait3A_2532 = tpu.memref_slice %arg6[%dma_wait3A_2531] : memref<16384xf32, #tpu.memory_space<hbm>> -> memref<8192xf32, #tpu.memory_space<hbm>>
      tpu.wait_dma2 semaphore(%arg24 : memref<!tpu.dma_semaphore, #tpu.memory_space<semaphore_mem>>) src(%dma_wait3A_2532 : memref<8192xf32, #tpu.memory_space<hbm>>) dst(%arg18 : memref<8192xf32, #tpu.memory_space<vmem>>)
      %dma_wait3A_2533 = arith.constant 0 : i32
      %dma_wait3A_2534 = tpu.memref_slice %arg18[%dma_wait3A_2533] : memref<8192xf32, #tpu.memory_space<vmem>> -> memref<64xf32, #tpu.memory_space<vmem>>
      %dma_wait3A_2535 = arith.constant 0 : i32
      %dma_wait3A_2536 = tpu.memref_slice %arg6[%dma_wait3A_2535] : memref<16384xf32, #tpu.memory_space<hbm>> -> memref<64xf32, #tpu.memory_space<hbm>>
      %dma_wait3A_2537 = arith.constant 0 : i32
      %dma_wait3A_2538 = tpu.memref_slice %arg18[%dma_wait3A_2537] : memref<8192xf32, #tpu.memory_space<vmem>> -> memref<64xf32, #tpu.memory_space<vmem>>
      %dma_wait3A_2539 = arith.constant 0 : i32
      %dma_wait3A_2540 = tpu.memref_slice %arg6[%dma_wait3A_2539] : memref<16384xf32, #tpu.memory_space<hbm>> -> memref<64xf32, #tpu.memory_space<hbm>>
      tpu.wait_dma2 semaphore(%arg24 : memref<!tpu.dma_semaphore, #tpu.memory_space<semaphore_mem>>) src(%dma_wait3A_2540 : memref<64xf32, #tpu.memory_space<hbm>>) dst(%dma_wait3A_2538 : memref<64xf32, #tpu.memory_space<vmem>>)
      %slice3A_2541 = vector.extract_strided_slice %get3A_1388 {offsets = [13], sizes = [1], strides = [1]} : vector<16xi32> to vector<1xi32>
      %squeeze3A_2542 = vector.extract %slice3A_2541[0] : i32 from vector<1xi32>
      %and3A_2543 = arith.constant 127 : i32
      %and3A_2544 = arith.andi %squeeze3A_2542, %and3A_2543 : i32
      %broadcast_in_dim3A_2545 = vector.broadcast %and3A_2544 : i32 to vector<16xi32>
      %broadcast_in_dim3A_2546 = arith.constant 5 : i32
      %broadcast_in_dim3A_2547 = vector.broadcast %broadcast_in_dim3A_2546 : i32 to vector<16xi32>
      %iota3A_2548 = tpu.iota {dimensions = array<i32: 0>} : vector<16xi32>
      %add3A_2549 = arith.constant 0 : i32
      %add3A_2550 = vector.broadcast %add3A_2549 : i32 to vector<16xi32>
      %add3A_2551 = arith.addi %add3A_2550, %iota3A_2548 : vector<16xi32>
      %gather3A_2552 = tpu.vector_load_idx %arg12[%add3A_2551, %broadcast_in_dim3A_2545] : memref<64x128xf32, #tpu.memory_space<vmem>>[vector<16xi32>, vector<16xi32>], vector<16xf32>,
      %gather3A_2553 = tpu.vector_load_idx %arg15[%broadcast_in_dim3A_2547, %add3A_2551] : memref<8x128xf32, #tpu.memory_space<vmem>>[vector<16xi32>, vector<16xi32>], vector<16xf32>,
      %mul3A_2554 = arith.mulf %gather3A_2552, %gather3A_2553 : vector<16xf32>
      %iota3A_2555 = tpu.iota {dimensions = array<i32: 0>} : vector<16xi32>
      %add3A_2556 = arith.constant 16 : i32
      %add3A_2557 = vector.broadcast %add3A_2556 : i32 to vector<16xi32>
      %add3A_2558 = arith.addi %add3A_2557, %iota3A_2555 : vector<16xi32>
      %gather3A_2559 = tpu.vector_load_idx %arg12[%add3A_2558, %broadcast_in_dim3A_2545] : memref<64x128xf32, #tpu.memory_space<vmem>>[vector<16xi32>, vector<16xi32>], vector<16xf32>,
      %gather3A_2560 = tpu.vector_load_idx %arg15[%broadcast_in_dim3A_2547, %add3A_2558] : memref<8x128xf32, #tpu.memory_space<vmem>>[vector<16xi32>, vector<16xi32>], vector<16xf32>,
      %mul3A_2561 = arith.mulf %gather3A_2559, %gather3A_2560 : vector<16xf32>
      %add3A_2562 = arith.addf %mul3A_2554, %mul3A_2561 : vector<16xf32>
      %iota3A_2563 = tpu.iota {dimensions = array<i32: 0>} : vector<16xi32>
      %add3A_2564 = arith.constant 32 : i32
      %add3A_2565 = vector.broadcast %add3A_2564 : i32 to vector<16xi32>
      %add3A_2566 = arith.addi %add3A_2565, %iota3A_2563 : vector<16xi32>
      %gather3A_2567 = tpu.vector_load_idx %arg12[%add3A_2566, %broadcast_in_dim3A_2545] : memref<64x128xf32, #tpu.memory_space<vmem>>[vector<16xi32>, vector<16xi32>], vector<16xf32>,
      %gather3A_2568 = tpu.vector_load_idx %arg15[%broadcast_in_dim3A_2547, %add3A_2566] : memref<8x128xf32, #tpu.memory_space<vmem>>[vector<16xi32>, vector<16xi32>], vector<16xf32>,
      %mul3A_2569 = arith.mulf %gather3A_2567, %gather3A_2568 : vector<16xf32>
      %add3A_2570 = arith.addf %add3A_2562, %mul3A_2569 : vector<16xf32>
      %iota3A_2571 = tpu.iota {dimensions = array<i32: 0>} : vector<16xi32>
      %add3A_2572 = arith.constant 48 : i32
      %add3A_2573 = vector.broadcast %add3A_2572 : i32 to vector<16xi32>
      %add3A_2574 = arith.addi %add3A_2573, %iota3A_2571 : vector<16xi32>
      %gather3A_2575 = tpu.vector_load_idx %arg12[%add3A_2574, %broadcast_in_dim3A_2545] : memref<64x128xf32, #tpu.memory_space<vmem>>[vector<16xi32>, vector<16xi32>], vector<16xf32>,
      %gather3A_2576 = tpu.vector_load_idx %arg15[%broadcast_in_dim3A_2547, %add3A_2574] : memref<8x128xf32, #tpu.memory_space<vmem>>[vector<16xi32>, vector<16xi32>], vector<16xf32>,
      %mul3A_2577 = arith.mulf %gather3A_2575, %gather3A_2576 : vector<16xf32>
      %add3A_2578 = arith.addf %add3A_2570, %mul3A_2577 : vector<16xf32>
      %reduce_sum3A_2579 = arith.constant true
      %reduce_sum3A_2580 = vector.broadcast %reduce_sum3A_2579 : i1 to vector<16xi1>
      %reduce_sum3A_2581 = tpu.scan <sum>, %add3A_2578 masked %reduce_sum3A_2580 : vector<16xf32>, vector<16xi1> -> vector<16xf32>
      %reduce_sum3A_2582 = vector.extract %reduce_sum3A_2581[15] : f32 from vector<16xf32>
      %iota3A_2583 = tpu.iota {dimensions = array<i32: 0>} : vector<16xi32>
      %eq3A_2584 = arith.constant 13 : i32
      %eq3A_2585 = vector.broadcast %eq3A_2584 : i32 to vector<16xi32>
      %eq3A_2586 = arith.cmpi eq, %iota3A_2583, %eq3A_2585 : vector<16xi32>
      %broadcast_in_dim3A_2587 = vector.broadcast %reduce_sum3A_2582 : f32 to vector<16xf32>
      %select_n3A_2588 = arith.select %eq3A_2586, %broadcast_in_dim3A_2587, %select_n3A_2502 : vector<16xi1>, vector<16xf32>
      %slice3A_2589 = vector.extract_strided_slice %get3A_1400 {offsets = [5], sizes = [1], strides = [1]} : vector<16xi32> to vector<1xi32>
      %squeeze3A_2590 = vector.extract %slice3A_2589[0] : i32 from vector<1xi32>
      %slice3A_2591 = vector.extract_strided_slice %get3A_1408 {offsets = [5], sizes = [1], strides = [1]} : vector<16xi32> to vector<1xi32>
      %squeeze3A_2592 = vector.extract %slice3A_2591[0] : i32 from vector<1xi32>
      %shift_right_arithmetic3A_2593 = arith.constant 7 : i32
      %shift_right_arithmetic3A_2594 = arith.shrsi %squeeze3A_2590, %shift_right_arithmetic3A_2593 : i32
      %mul3A_2595 = arith.constant 128 : i32
      %mul3A_2596 = arith.muli %shift_right_arithmetic3A_2594, %mul3A_2595 : i32
      %multiple_of3A_2597 = tpu.assume_multiple %mul3A_2596, 128 : i32
      %dma_start3A_2598 = arith.constant 0 : i32
      %dma_start3A_2599 = tpu.memref_slice %arg4[%dma_start3A_2598, %multiple_of3A_2597] : memref<64x1000000xf32, #tpu.memory_space<hbm>> -> memref<64x128xf32, #tpu.memory_space<hbm>>
      %dma_start3A_2600 = arith.constant 0 : i32
      %dma_start3A_2601 = tpu.memref_slice %arg4[%dma_start3A_2600, %multiple_of3A_2597] : memref<64x1000000xf32, #tpu.memory_space<hbm>> -> memref<64x128xf32, #tpu.memory_space<hbm>>
      tpu.enqueue_dma source(%dma_start3A_2601 : memref<64x128xf32, #tpu.memory_space<hbm>>) target(%arg12 : memref<64x128xf32, #tpu.memory_space<vmem>>) target_semaphore(%arg24 : memref<!tpu.dma_semaphore, #tpu.memory_space<semaphore_mem>>)
      %dma_start3A_2602 = arith.constant 5 : i32
      %dma_start3A_2603 = arith.constant 0 : i32
      %dma_start3A_2604 = tpu.memref_slice %arg15[%dma_start3A_2602, %dma_start3A_2603] : memref<8x128xf32, #tpu.memory_space<vmem>> -> memref<1x64xf32, #tpu.memory_space<vmem>>
      %dma_start3A_2605 = tpu.memref_squeeze %dma_start3A_2604 : memref<1x64xf32, #tpu.memory_space<vmem>> -> memref<64xf32, #tpu.memory_space<vmem>>
      %dma_start3A_2606 = arith.constant 0 : i32
      %dma_start3A_2607 = tpu.memref_slice %arg5[%squeeze3A_2592, %dma_start3A_2606] : memref<100000x64xf32, #tpu.memory_space<hbm>> -> memref<1x64xf32, #tpu.memory_space<hbm>>
      %dma_start3A_2608 = tpu.memref_squeeze %dma_start3A_2607 : memref<1x64xf32, #tpu.memory_space<hbm>> -> memref<64xf32, #tpu.memory_space<hbm>>
      %dma_start3A_2609 = arith.constant 0 : i32
      %dma_start3A_2610 = tpu.memref_slice %arg15[%dma_start3A_2602, %dma_start3A_2609] : memref<8x128xf32, #tpu.memory_space<vmem>> -> memref<1x64xf32, #tpu.memory_space<vmem>>
      %dma_start3A_2611 = tpu.memref_squeeze %dma_start3A_2610 : memref<1x64xf32, #tpu.memory_space<vmem>> -> memref<64xf32, #tpu.memory_space<vmem>>
      %dma_start3A_2612 = arith.constant 0 : i32
      %dma_start3A_2613 = tpu.memref_slice %arg5[%squeeze3A_2592, %dma_start3A_2612] : memref<100000x64xf32, #tpu.memory_space<hbm>> -> memref<1x64xf32, #tpu.memory_space<hbm>>
      %dma_start3A_2614 = tpu.memref_squeeze %dma_start3A_2613 : memref<1x64xf32, #tpu.memory_space<hbm>> -> memref<64xf32, #tpu.memory_space<hbm>>
      tpu.enqueue_dma source(%dma_start3A_2614 : memref<64xf32, #tpu.memory_space<hbm>>) target(%dma_start3A_2611 : memref<64xf32, #tpu.memory_space<vmem>>) target_semaphore(%arg24 : memref<!tpu.dma_semaphore, #tpu.memory_space<semaphore_mem>>)
      %dma_wait3A_2615 = arith.constant 0 : i32
      %dma_wait3A_2616 = tpu.memref_slice %arg6[%dma_wait3A_2615] : memref<16384xf32, #tpu.memory_space<hbm>> -> memref<8192xf32, #tpu.memory_space<hbm>>
      %dma_wait3A_2617 = arith.constant 0 : i32
      %dma_wait3A_2618 = tpu.memref_slice %arg6[%dma_wait3A_2617] : memref<16384xf32, #tpu.memory_space<hbm>> -> memref<8192xf32, #tpu.memory_space<hbm>>
      tpu.wait_dma2 semaphore(%arg25 : memref<!tpu.dma_semaphore, #tpu.memory_space<semaphore_mem>>) src(%dma_wait3A_2618 : memref<8192xf32, #tpu.memory_space<hbm>>) dst(%arg18 : memref<8192xf32, #tpu.memory_space<vmem>>)
      %dma_wait3A_2619 = arith.constant 0 : i32
      %dma_wait3A_2620 = tpu.memref_slice %arg18[%dma_wait3A_2619] : memref<8192xf32, #tpu.memory_space<vmem>> -> memref<64xf32, #tpu.memory_space<vmem>>
      %dma_wait3A_2621 = arith.constant 0 : i32
      %dma_wait3A_2622 = tpu.memref_slice %arg6[%dma_wait3A_2621] : memref<16384xf32, #tpu.memory_space<hbm>> -> memref<64xf32, #tpu.memory_space<hbm>>
      %dma_wait3A_2623 = arith.constant 0 : i32
      %dma_wait3A_2624 = tpu.memref_slice %arg18[%dma_wait3A_2623] : memref<8192xf32, #tpu.memory_space<vmem>> -> memref<64xf32, #tpu.memory_space<vmem>>
      %dma_wait3A_2625 = arith.constant 0 : i32
      %dma_wait3A_2626 = tpu.memref_slice %arg6[%dma_wait3A_2625] : memref<16384xf32, #tpu.memory_space<hbm>> -> memref<64xf32, #tpu.memory_space<hbm>>
      tpu.wait_dma2 semaphore(%arg25 : memref<!tpu.dma_semaphore, #tpu.memory_space<semaphore_mem>>) src(%dma_wait3A_2626 : memref<64xf32, #tpu.memory_space<hbm>>) dst(%dma_wait3A_2624 : memref<64xf32, #tpu.memory_space<vmem>>)
      %slice3A_2627 = vector.extract_strided_slice %get3A_1388 {offsets = [14], sizes = [1], strides = [1]} : vector<16xi32> to vector<1xi32>
      %squeeze3A_2628 = vector.extract %slice3A_2627[0] : i32 from vector<1xi32>
      %and3A_2629 = arith.constant 127 : i32
      %and3A_2630 = arith.andi %squeeze3A_2628, %and3A_2629 : i32
      %broadcast_in_dim3A_2631 = vector.broadcast %and3A_2630 : i32 to vector<16xi32>
      %broadcast_in_dim3A_2632 = arith.constant 6 : i32
      %broadcast_in_dim3A_2633 = vector.broadcast %broadcast_in_dim3A_2632 : i32 to vector<16xi32>
      %iota3A_2634 = tpu.iota {dimensions = array<i32: 0>} : vector<16xi32>
      %add3A_2635 = arith.constant 0 : i32
      %add3A_2636 = vector.broadcast %add3A_2635 : i32 to vector<16xi32>
      %add3A_2637 = arith.addi %add3A_2636, %iota3A_2634 : vector<16xi32>
      %gather3A_2638 = tpu.vector_load_idx %arg13[%add3A_2637, %broadcast_in_dim3A_2631] : memref<64x128xf32, #tpu.memory_space<vmem>>[vector<16xi32>, vector<16xi32>], vector<16xf32>,
      %gather3A_2639 = tpu.vector_load_idx %arg15[%broadcast_in_dim3A_2633, %add3A_2637] : memref<8x128xf32, #tpu.memory_space<vmem>>[vector<16xi32>, vector<16xi32>], vector<16xf32>,
      %mul3A_2640 = arith.mulf %gather3A_2638, %gather3A_2639 : vector<16xf32>
      %iota3A_2641 = tpu.iota {dimensions = array<i32: 0>} : vector<16xi32>
      %add3A_2642 = arith.constant 16 : i32
      %add3A_2643 = vector.broadcast %add3A_2642 : i32 to vector<16xi32>
      %add3A_2644 = arith.addi %add3A_2643, %iota3A_2641 : vector<16xi32>
      %gather3A_2645 = tpu.vector_load_idx %arg13[%add3A_2644, %broadcast_in_dim3A_2631] : memref<64x128xf32, #tpu.memory_space<vmem>>[vector<16xi32>, vector<16xi32>], vector<16xf32>,
      %gather3A_2646 = tpu.vector_load_idx %arg15[%broadcast_in_dim3A_2633, %add3A_2644] : memref<8x128xf32, #tpu.memory_space<vmem>>[vector<16xi32>, vector<16xi32>], vector<16xf32>,
      %mul3A_2647 = arith.mulf %gather3A_2645, %gather3A_2646 : vector<16xf32>
      %add3A_2648 = arith.addf %mul3A_2640, %mul3A_2647 : vector<16xf32>
      %iota3A_2649 = tpu.iota {dimensions = array<i32: 0>} : vector<16xi32>
      %add3A_2650 = arith.constant 32 : i32
      %add3A_2651 = vector.broadcast %add3A_2650 : i32 to vector<16xi32>
      %add3A_2652 = arith.addi %add3A_2651, %iota3A_2649 : vector<16xi32>
      %gather3A_2653 = tpu.vector_load_idx %arg13[%add3A_2652, %broadcast_in_dim3A_2631] : memref<64x128xf32, #tpu.memory_space<vmem>>[vector<16xi32>, vector<16xi32>], vector<16xf32>,
      %gather3A_2654 = tpu.vector_load_idx %arg15[%broadcast_in_dim3A_2633, %add3A_2652] : memref<8x128xf32, #tpu.memory_space<vmem>>[vector<16xi32>, vector<16xi32>], vector<16xf32>,
      %mul3A_2655 = arith.mulf %gather3A_2653, %gather3A_2654 : vector<16xf32>
      %add3A_2656 = arith.addf %add3A_2648, %mul3A_2655 : vector<16xf32>
      %iota3A_2657 = tpu.iota {dimensions = array<i32: 0>} : vector<16xi32>
      %add3A_2658 = arith.constant 48 : i32
      %add3A_2659 = vector.broadcast %add3A_2658 : i32 to vector<16xi32>
      %add3A_2660 = arith.addi %add3A_2659, %iota3A_2657 : vector<16xi32>
      %gather3A_2661 = tpu.vector_load_idx %arg13[%add3A_2660, %broadcast_in_dim3A_2631] : memref<64x128xf32, #tpu.memory_space<vmem>>[vector<16xi32>, vector<16xi32>], vector<16xf32>,
      %gather3A_2662 = tpu.vector_load_idx %arg15[%broadcast_in_dim3A_2633, %add3A_2660] : memref<8x128xf32, #tpu.memory_space<vmem>>[vector<16xi32>, vector<16xi32>], vector<16xf32>,
      %mul3A_2663 = arith.mulf %gather3A_2661, %gather3A_2662 : vector<16xf32>
      %add3A_2664 = arith.addf %add3A_2656, %mul3A_2663 : vector<16xf32>
      %reduce_sum3A_2665 = arith.constant true
      %reduce_sum3A_2666 = vector.broadcast %reduce_sum3A_2665 : i1 to vector<16xi1>
      %reduce_sum3A_2667 = tpu.scan <sum>, %add3A_2664 masked %reduce_sum3A_2666 : vector<16xf32>, vector<16xi1> -> vector<16xf32>
      %reduce_sum3A_2668 = vector.extract %reduce_sum3A_2667[15] : f32 from vector<16xf32>
      %iota3A_2669 = tpu.iota {dimensions = array<i32: 0>} : vector<16xi32>
      %eq3A_2670 = arith.constant 14 : i32
      %eq3A_2671 = vector.broadcast %eq3A_2670 : i32 to vector<16xi32>
      %eq3A_2672 = arith.cmpi eq, %iota3A_2669, %eq3A_2671 : vector<16xi32>
      %broadcast_in_dim3A_2673 = vector.broadcast %reduce_sum3A_2668 : f32 to vector<16xf32>
      %select_n3A_2674 = arith.select %eq3A_2672, %broadcast_in_dim3A_2673, %select_n3A_2588 : vector<16xi1>, vector<16xf32>
      %slice3A_2675 = vector.extract_strided_slice %get3A_1400 {offsets = [6], sizes = [1], strides = [1]} : vector<16xi32> to vector<1xi32>
      %squeeze3A_2676 = vector.extract %slice3A_2675[0] : i32 from vector<1xi32>
      %slice3A_2677 = vector.extract_strided_slice %get3A_1408 {offsets = [6], sizes = [1], strides = [1]} : vector<16xi32> to vector<1xi32>
      %squeeze3A_2678 = vector.extract %slice3A_2677[0] : i32 from vector<1xi32>
      %shift_right_arithmetic3A_2679 = arith.constant 7 : i32
      %shift_right_arithmetic3A_2680 = arith.shrsi %squeeze3A_2676, %shift_right_arithmetic3A_2679 : i32
      %mul3A_2681 = arith.constant 128 : i32
      %mul3A_2682 = arith.muli %shift_right_arithmetic3A_2680, %mul3A_2681 : i32
      %multiple_of3A_2683 = tpu.assume_multiple %mul3A_2682, 128 : i32
      %dma_start3A_2684 = arith.constant 0 : i32
      %dma_start3A_2685 = tpu.memref_slice %arg4[%dma_start3A_2684, %multiple_of3A_2683] : memref<64x1000000xf32, #tpu.memory_space<hbm>> -> memref<64x128xf32, #tpu.memory_space<hbm>>
      %dma_start3A_2686 = arith.constant 0 : i32
      %dma_start3A_2687 = tpu.memref_slice %arg4[%dma_start3A_2686, %multiple_of3A_2683] : memref<64x1000000xf32, #tpu.memory_space<hbm>> -> memref<64x128xf32, #tpu.memory_space<hbm>>
      tpu.enqueue_dma source(%dma_start3A_2687 : memref<64x128xf32, #tpu.memory_space<hbm>>) target(%arg13 : memref<64x128xf32, #tpu.memory_space<vmem>>) target_semaphore(%arg25 : memref<!tpu.dma_semaphore, #tpu.memory_space<semaphore_mem>>)
      %dma_start3A_2688 = arith.constant 6 : i32
      %dma_start3A_2689 = arith.constant 0 : i32
      %dma_start3A_2690 = tpu.memref_slice %arg15[%dma_start3A_2688, %dma_start3A_2689] : memref<8x128xf32, #tpu.memory_space<vmem>> -> memref<1x64xf32, #tpu.memory_space<vmem>>
      %dma_start3A_2691 = tpu.memref_squeeze %dma_start3A_2690 : memref<1x64xf32, #tpu.memory_space<vmem>> -> memref<64xf32, #tpu.memory_space<vmem>>
      %dma_start3A_2692 = arith.constant 0 : i32
      %dma_start3A_2693 = tpu.memref_slice %arg5[%squeeze3A_2678, %dma_start3A_2692] : memref<100000x64xf32, #tpu.memory_space<hbm>> -> memref<1x64xf32, #tpu.memory_space<hbm>>
      %dma_start3A_2694 = tpu.memref_squeeze %dma_start3A_2693 : memref<1x64xf32, #tpu.memory_space<hbm>> -> memref<64xf32, #tpu.memory_space<hbm>>
      %dma_start3A_2695 = arith.constant 0 : i32
      %dma_start3A_2696 = tpu.memref_slice %arg15[%dma_start3A_2688, %dma_start3A_2695] : memref<8x128xf32, #tpu.memory_space<vmem>> -> memref<1x64xf32, #tpu.memory_space<vmem>>
      %dma_start3A_2697 = tpu.memref_squeeze %dma_start3A_2696 : memref<1x64xf32, #tpu.memory_space<vmem>> -> memref<64xf32, #tpu.memory_space<vmem>>
      %dma_start3A_2698 = arith.constant 0 : i32
      %dma_start3A_2699 = tpu.memref_slice %arg5[%squeeze3A_2678, %dma_start3A_2698] : memref<100000x64xf32, #tpu.memory_space<hbm>> -> memref<1x64xf32, #tpu.memory_space<hbm>>
      %dma_start3A_2700 = tpu.memref_squeeze %dma_start3A_2699 : memref<1x64xf32, #tpu.memory_space<hbm>> -> memref<64xf32, #tpu.memory_space<hbm>>
      tpu.enqueue_dma source(%dma_start3A_2700 : memref<64xf32, #tpu.memory_space<hbm>>) target(%dma_start3A_2697 : memref<64xf32, #tpu.memory_space<vmem>>) target_semaphore(%arg25 : memref<!tpu.dma_semaphore, #tpu.memory_space<semaphore_mem>>)
      %dma_wait3A_2701 = arith.constant 0 : i32
      %dma_wait3A_2702 = tpu.memref_slice %arg6[%dma_wait3A_2701] : memref<16384xf32, #tpu.memory_space<hbm>> -> memref<8192xf32, #tpu.memory_space<hbm>>
      %dma_wait3A_2703 = arith.constant 0 : i32
      %dma_wait3A_2704 = tpu.memref_slice %arg6[%dma_wait3A_2703] : memref<16384xf32, #tpu.memory_space<hbm>> -> memref<8192xf32, #tpu.memory_space<hbm>>
      tpu.wait_dma2 semaphore(%arg26 : memref<!tpu.dma_semaphore, #tpu.memory_space<semaphore_mem>>) src(%dma_wait3A_2704 : memref<8192xf32, #tpu.memory_space<hbm>>) dst(%arg18 : memref<8192xf32, #tpu.memory_space<vmem>>)
      %dma_wait3A_2705 = arith.constant 0 : i32
      %dma_wait3A_2706 = tpu.memref_slice %arg18[%dma_wait3A_2705] : memref<8192xf32, #tpu.memory_space<vmem>> -> memref<64xf32, #tpu.memory_space<vmem>>
      %dma_wait3A_2707 = arith.constant 0 : i32
      %dma_wait3A_2708 = tpu.memref_slice %arg6[%dma_wait3A_2707] : memref<16384xf32, #tpu.memory_space<hbm>> -> memref<64xf32, #tpu.memory_space<hbm>>
      %dma_wait3A_2709 = arith.constant 0 : i32
      %dma_wait3A_2710 = tpu.memref_slice %arg18[%dma_wait3A_2709] : memref<8192xf32, #tpu.memory_space<vmem>> -> memref<64xf32, #tpu.memory_space<vmem>>
      %dma_wait3A_2711 = arith.constant 0 : i32
      %dma_wait3A_2712 = tpu.memref_slice %arg6[%dma_wait3A_2711] : memref<16384xf32, #tpu.memory_space<hbm>> -> memref<64xf32, #tpu.memory_space<hbm>>
      tpu.wait_dma2 semaphore(%arg26 : memref<!tpu.dma_semaphore, #tpu.memory_space<semaphore_mem>>) src(%dma_wait3A_2712 : memref<64xf32, #tpu.memory_space<hbm>>) dst(%dma_wait3A_2710 : memref<64xf32, #tpu.memory_space<vmem>>)
      %slice3A_2713 = vector.extract_strided_slice %get3A_1388 {offsets = [15], sizes = [1], strides = [1]} : vector<16xi32> to vector<1xi32>
      %squeeze3A_2714 = vector.extract %slice3A_2713[0] : i32 from vector<1xi32>
      %and3A_2715 = arith.constant 127 : i32
      %and3A_2716 = arith.andi %squeeze3A_2714, %and3A_2715 : i32
      %broadcast_in_dim3A_2717 = vector.broadcast %and3A_2716 : i32 to vector<16xi32>
      %broadcast_in_dim3A_2718 = arith.constant 7 : i32
      %broadcast_in_dim3A_2719 = vector.broadcast %broadcast_in_dim3A_2718 : i32 to vector<16xi32>
      %iota3A_2720 = tpu.iota {dimensions = array<i32: 0>} : vector<16xi32>
      %add3A_2721 = arith.constant 0 : i32
      %add3A_2722 = vector.broadcast %add3A_2721 : i32 to vector<16xi32>
      %add3A_2723 = arith.addi %add3A_2722, %iota3A_2720 : vector<16xi32>
      %gather3A_2724 = tpu.vector_load_idx %arg14[%add3A_2723, %broadcast_in_dim3A_2717] : memref<64x128xf32, #tpu.memory_space<vmem>>[vector<16xi32>, vector<16xi32>], vector<16xf32>,
      %gather3A_2725 = tpu.vector_load_idx %arg15[%broadcast_in_dim3A_2719, %add3A_2723] : memref<8x128xf32, #tpu.memory_space<vmem>>[vector<16xi32>, vector<16xi32>], vector<16xf32>,
      %mul3A_2726 = arith.mulf %gather3A_2724, %gather3A_2725 : vector<16xf32>
      %iota3A_2727 = tpu.iota {dimensions = array<i32: 0>} : vector<16xi32>
      %add3A_2728 = arith.constant 16 : i32
      %add3A_2729 = vector.broadcast %add3A_2728 : i32 to vector<16xi32>
      %add3A_2730 = arith.addi %add3A_2729, %iota3A_2727 : vector<16xi32>
      %gather3A_2731 = tpu.vector_load_idx %arg14[%add3A_2730, %broadcast_in_dim3A_2717] : memref<64x128xf32, #tpu.memory_space<vmem>>[vector<16xi32>, vector<16xi32>], vector<16xf32>,
      %gather3A_2732 = tpu.vector_load_idx %arg15[%broadcast_in_dim3A_2719, %add3A_2730] : memref<8x128xf32, #tpu.memory_space<vmem>>[vector<16xi32>, vector<16xi32>], vector<16xf32>,
      %mul3A_2733 = arith.mulf %gather3A_2731, %gather3A_2732 : vector<16xf32>
      %add3A_2734 = arith.addf %mul3A_2726, %mul3A_2733 : vector<16xf32>
      %iota3A_2735 = tpu.iota {dimensions = array<i32: 0>} : vector<16xi32>
      %add3A_2736 = arith.constant 32 : i32
      %add3A_2737 = vector.broadcast %add3A_2736 : i32 to vector<16xi32>
      %add3A_2738 = arith.addi %add3A_2737, %iota3A_2735 : vector<16xi32>
      %gather3A_2739 = tpu.vector_load_idx %arg14[%add3A_2738, %broadcast_in_dim3A_2717] : memref<64x128xf32, #tpu.memory_space<vmem>>[vector<16xi32>, vector<16xi32>], vector<16xf32>,
      %gather3A_2740 = tpu.vector_load_idx %arg15[%broadcast_in_dim3A_2719, %add3A_2738] : memref<8x128xf32, #tpu.memory_space<vmem>>[vector<16xi32>, vector<16xi32>], vector<16xf32>,
      %mul3A_2741 = arith.mulf %gather3A_2739, %gather3A_2740 : vector<16xf32>
      %add3A_2742 = arith.addf %add3A_2734, %mul3A_2741 : vector<16xf32>
      %iota3A_2743 = tpu.iota {dimensions = array<i32: 0>} : vector<16xi32>
      %add3A_2744 = arith.constant 48 : i32
      %add3A_2745 = vector.broadcast %add3A_2744 : i32 to vector<16xi32>
      %add3A_2746 = arith.addi %add3A_2745, %iota3A_2743 : vector<16xi32>
      %gather3A_2747 = tpu.vector_load_idx %arg14[%add3A_2746, %broadcast_in_dim3A_2717] : memref<64x128xf32, #tpu.memory_space<vmem>>[vector<16xi32>, vector<16xi32>], vector<16xf32>,
      %gather3A_2748 = tpu.vector_load_idx %arg15[%broadcast_in_dim3A_2719, %add3A_2746] : memref<8x128xf32, #tpu.memory_space<vmem>>[vector<16xi32>, vector<16xi32>], vector<16xf32>,
      %mul3A_2749 = arith.mulf %gather3A_2747, %gather3A_2748 : vector<16xf32>
      %add3A_2750 = arith.addf %add3A_2742, %mul3A_2749 : vector<16xf32>
      %reduce_sum3A_2751 = arith.constant true
      %reduce_sum3A_2752 = vector.broadcast %reduce_sum3A_2751 : i1 to vector<16xi1>
      %reduce_sum3A_2753 = tpu.scan <sum>, %add3A_2750 masked %reduce_sum3A_2752 : vector<16xf32>, vector<16xi1> -> vector<16xf32>
      %reduce_sum3A_2754 = vector.extract %reduce_sum3A_2753[15] : f32 from vector<16xf32>
      %iota3A_2755 = tpu.iota {dimensions = array<i32: 0>} : vector<16xi32>
      %eq3A_2756 = arith.constant 15 : i32
      %eq3A_2757 = vector.broadcast %eq3A_2756 : i32 to vector<16xi32>
      %eq3A_2758 = arith.cmpi eq, %iota3A_2755, %eq3A_2757 : vector<16xi32>
      %broadcast_in_dim3A_2759 = vector.broadcast %reduce_sum3A_2754 : f32 to vector<16xf32>
      %select_n3A_2760 = arith.select %eq3A_2758, %broadcast_in_dim3A_2759, %select_n3A_2674 : vector<16xi1>, vector<16xf32>
      %slice3A_2761 = vector.extract_strided_slice %get3A_1400 {offsets = [7], sizes = [1], strides = [1]} : vector<16xi32> to vector<1xi32>
      %squeeze3A_2762 = vector.extract %slice3A_2761[0] : i32 from vector<1xi32>
      %slice3A_2763 = vector.extract_strided_slice %get3A_1408 {offsets = [7], sizes = [1], strides = [1]} : vector<16xi32> to vector<1xi32>
      %squeeze3A_2764 = vector.extract %slice3A_2763[0] : i32 from vector<1xi32>
      %shift_right_arithmetic3A_2765 = arith.constant 7 : i32
      %shift_right_arithmetic3A_2766 = arith.shrsi %squeeze3A_2762, %shift_right_arithmetic3A_2765 : i32
      %mul3A_2767 = arith.constant 128 : i32
      %mul3A_2768 = arith.muli %shift_right_arithmetic3A_2766, %mul3A_2767 : i32
      %multiple_of3A_2769 = tpu.assume_multiple %mul3A_2768, 128 : i32
      %dma_start3A_2770 = arith.constant 0 : i32
      %dma_start3A_2771 = tpu.memref_slice %arg4[%dma_start3A_2770, %multiple_of3A_2769] : memref<64x1000000xf32, #tpu.memory_space<hbm>> -> memref<64x128xf32, #tpu.memory_space<hbm>>
      %dma_start3A_2772 = arith.constant 0 : i32
      %dma_start3A_2773 = tpu.memref_slice %arg4[%dma_start3A_2772, %multiple_of3A_2769] : memref<64x1000000xf32, #tpu.memory_space<hbm>> -> memref<64x128xf32, #tpu.memory_space<hbm>>
      tpu.enqueue_dma source(%dma_start3A_2773 : memref<64x128xf32, #tpu.memory_space<hbm>>) target(%arg14 : memref<64x128xf32, #tpu.memory_space<vmem>>) target_semaphore(%arg26 : memref<!tpu.dma_semaphore, #tpu.memory_space<semaphore_mem>>)
      %dma_start3A_2774 = arith.constant 7 : i32
      %dma_start3A_2775 = arith.constant 0 : i32
      %dma_start3A_2776 = tpu.memref_slice %arg15[%dma_start3A_2774, %dma_start3A_2775] : memref<8x128xf32, #tpu.memory_space<vmem>> -> memref<1x64xf32, #tpu.memory_space<vmem>>
      %dma_start3A_2777 = tpu.memref_squeeze %dma_start3A_2776 : memref<1x64xf32, #tpu.memory_space<vmem>> -> memref<64xf32, #tpu.memory_space<vmem>>
      %dma_start3A_2778 = arith.constant 0 : i32
      %dma_start3A_2779 = tpu.memref_slice %arg5[%squeeze3A_2764, %dma_start3A_2778] : memref<100000x64xf32, #tpu.memory_space<hbm>> -> memref<1x64xf32, #tpu.memory_space<hbm>>
      %dma_start3A_2780 = tpu.memref_squeeze %dma_start3A_2779 : memref<1x64xf32, #tpu.memory_space<hbm>> -> memref<64xf32, #tpu.memory_space<hbm>>
      %dma_start3A_2781 = arith.constant 0 : i32
      %dma_start3A_2782 = tpu.memref_slice %arg15[%dma_start3A_2774, %dma_start3A_2781] : memref<8x128xf32, #tpu.memory_space<vmem>> -> memref<1x64xf32, #tpu.memory_space<vmem>>
      %dma_start3A_2783 = tpu.memref_squeeze %dma_start3A_2782 : memref<1x64xf32, #tpu.memory_space<vmem>> -> memref<64xf32, #tpu.memory_space<vmem>>
      %dma_start3A_2784 = arith.constant 0 : i32
      %dma_start3A_2785 = tpu.memref_slice %arg5[%squeeze3A_2764, %dma_start3A_2784] : memref<100000x64xf32, #tpu.memory_space<hbm>> -> memref<1x64xf32, #tpu.memory_space<hbm>>
      %dma_start3A_2786 = tpu.memref_squeeze %dma_start3A_2785 : memref<1x64xf32, #tpu.memory_space<hbm>> -> memref<64xf32, #tpu.memory_space<hbm>>
      tpu.enqueue_dma source(%dma_start3A_2786 : memref<64xf32, #tpu.memory_space<hbm>>) target(%dma_start3A_2783 : memref<64xf32, #tpu.memory_space<vmem>>) target_semaphore(%arg26 : memref<!tpu.dma_semaphore, #tpu.memory_space<semaphore_mem>>)
      %mul3A_2787 = arith.constant 16 : i32
      %mul3A_2788 = arith.muli %add3A_1384, %mul3A_2787 : i32
      %swap3A_2789 = arith.index_cast %mul3A_2788 : i32 to index
      %swap3A_2790 = tpu.vector_load %arg16[%swap3A_2789] {strides = array<i32>} : memref<512xf32, #tpu.memory_space<vmem>>, vector<16xf32>,
      tpu.vector_store %arg16[%swap3A_2789], %select_n3A_2760 {strides = array<i32>} : memref<512xf32, #tpu.memory_space<vmem>>, vector<16xf32>,
    }
    %scan3A_212 = arith.constant 31 : i32
    %get3A_213 = arith.constant 496 : index
    %get3A_214 = tpu.vector_load %arg17[%get3A_213] {strides = array<i32>} : memref<1024xi32, #tpu.memory_space<vmem>>, vector<16xi32>,
    %get3A_215 = arith.constant 1008 : index
    %get3A_216 = tpu.vector_load %arg17[%get3A_215] {strides = array<i32>} : memref<1024xi32, #tpu.memory_space<vmem>>, vector<16xi32>,
    %broadcast_in_dim3A = arith.constant 0.000000e+00 : f32
    %broadcast_in_dim3A_217 = vector.broadcast %broadcast_in_dim3A : f32 to vector<16xf32>
    %dma_wait3A = arith.constant 0 : i32
    %dma_wait3A_218 = tpu.memref_slice %arg6[%dma_wait3A] : memref<16384xf32, #tpu.memory_space<hbm>> -> memref<8192xf32, #tpu.memory_space<hbm>>
    %dma_wait3A_219 = arith.constant 0 : i32
    %dma_wait3A_220 = tpu.memref_slice %arg6[%dma_wait3A_219] : memref<16384xf32, #tpu.memory_space<hbm>> -> memref<8192xf32, #tpu.memory_space<hbm>>
    tpu.wait_dma2 semaphore(%arg19 : memref<!tpu.dma_semaphore, #tpu.memory_space<semaphore_mem>>) src(%dma_wait3A_220 : memref<8192xf32, #tpu.memory_space<hbm>>) dst(%arg18 : memref<8192xf32, #tpu.memory_space<vmem>>)
    %dma_wait3A_221 = arith.constant 0 : i32
    %dma_wait3A_222 = tpu.memref_slice %arg18[%dma_wait3A_221] : memref<8192xf32, #tpu.memory_space<vmem>> -> memref<64xf32, #tpu.memory_space<vmem>>
    %dma_wait3A_223 = arith.constant 0 : i32
    %dma_wait3A_224 = tpu.memref_slice %arg6[%dma_wait3A_223] : memref<16384xf32, #tpu.memory_space<hbm>> -> memref<64xf32, #tpu.memory_space<hbm>>
    %dma_wait3A_225 = arith.constant 0 : i32
    %dma_wait3A_226 = tpu.memref_slice %arg18[%dma_wait3A_225] : memref<8192xf32, #tpu.memory_space<vmem>> -> memref<64xf32, #tpu.memory_space<vmem>>
    %dma_wait3A_227 = arith.constant 0 : i32
    %dma_wait3A_228 = tpu.memref_slice %arg6[%dma_wait3A_227] : memref<16384xf32, #tpu.memory_space<hbm>> -> memref<64xf32, #tpu.memory_space<hbm>>
    tpu.wait_dma2 semaphore(%arg19 : memref<!tpu.dma_semaphore, #tpu.memory_space<semaphore_mem>>) src(%dma_wait3A_228 : memref<64xf32, #tpu.memory_space<hbm>>) dst(%dma_wait3A_226 : memref<64xf32, #tpu.memory_space<vmem>>)
    %slice3A_229 = vector.extract_strided_slice %get3A_214 {offsets = [0], sizes = [1], strides = [1]} : vector<16xi32> to vector<1xi32>
    %squeeze3A_230 = vector.extract %slice3A_229[0] : i32 from vector<1xi32>
    %and3A = arith.constant 127 : i32
    %and3A_231 = arith.andi %squeeze3A_230, %and3A : i32
    %broadcast_in_dim3A_232 = vector.broadcast %and3A_231 : i32 to vector<16xi32>
    %broadcast_in_dim3A_233 = arith.constant 0 : i32
    %broadcast_in_dim3A_234 = vector.broadcast %broadcast_in_dim3A_233 : i32 to vector<16xi32>
    %iota3A = tpu.iota {dimensions = array<i32: 0>} : vector<16xi32>
    %add3A_235 = arith.constant 0 : i32
    %add3A_236 = vector.broadcast %add3A_235 : i32 to vector<16xi32>
    %add3A_237 = arith.addi %add3A_236, %iota3A : vector<16xi32>
    %gather3A = tpu.vector_load_idx %arg7[%add3A_237, %broadcast_in_dim3A_232] : memref<64x128xf32, #tpu.memory_space<vmem>>[vector<16xi32>, vector<16xi32>], vector<16xf32>,
    %gather3A_238 = tpu.vector_load_idx %arg15[%broadcast_in_dim3A_234, %add3A_237] : memref<8x128xf32, #tpu.memory_space<vmem>>[vector<16xi32>, vector<16xi32>], vector<16xf32>,
    %mul3A_239 = arith.mulf %gather3A, %gather3A_238 : vector<16xf32>
    %iota3A_240 = tpu.iota {dimensions = array<i32: 0>} : vector<16xi32>
    %add3A_241 = arith.constant 16 : i32
    %add3A_242 = vector.broadcast %add3A_241 : i32 to vector<16xi32>
    %add3A_243 = arith.addi %add3A_242, %iota3A_240 : vector<16xi32>
    %gather3A_244 = tpu.vector_load_idx %arg7[%add3A_243, %broadcast_in_dim3A_232] : memref<64x128xf32, #tpu.memory_space<vmem>>[vector<16xi32>, vector<16xi32>], vector<16xf32>,
    %gather3A_245 = tpu.vector_load_idx %arg15[%broadcast_in_dim3A_234, %add3A_243] : memref<8x128xf32, #tpu.memory_space<vmem>>[vector<16xi32>, vector<16xi32>], vector<16xf32>,
    %mul3A_246 = arith.mulf %gather3A_244, %gather3A_245 : vector<16xf32>
    %add3A_247 = arith.addf %mul3A_239, %mul3A_246 : vector<16xf32>
    %iota3A_248 = tpu.iota {dimensions = array<i32: 0>} : vector<16xi32>
    %add3A_249 = arith.constant 32 : i32
    %add3A_250 = vector.broadcast %add3A_249 : i32 to vector<16xi32>
    %add3A_251 = arith.addi %add3A_250, %iota3A_248 : vector<16xi32>
    %gather3A_252 = tpu.vector_load_idx %arg7[%add3A_251, %broadcast_in_dim3A_232] : memref<64x128xf32, #tpu.memory_space<vmem>>[vector<16xi32>, vector<16xi32>], vector<16xf32>,
    %gather3A_253 = tpu.vector_load_idx %arg15[%broadcast_in_dim3A_234, %add3A_251] : memref<8x128xf32, #tpu.memory_space<vmem>>[vector<16xi32>, vector<16xi32>], vector<16xf32>,
    %mul3A_254 = arith.mulf %gather3A_252, %gather3A_253 : vector<16xf32>
    %add3A_255 = arith.addf %add3A_247, %mul3A_254 : vector<16xf32>
    %iota3A_256 = tpu.iota {dimensions = array<i32: 0>} : vector<16xi32>
    %add3A_257 = arith.constant 48 : i32
    %add3A_258 = vector.broadcast %add3A_257 : i32 to vector<16xi32>
    %add3A_259 = arith.addi %add3A_258, %iota3A_256 : vector<16xi32>
    %gather3A_260 = tpu.vector_load_idx %arg7[%add3A_259, %broadcast_in_dim3A_232] : memref<64x128xf32, #tpu.memory_space<vmem>>[vector<16xi32>, vector<16xi32>], vector<16xf32>,
    %gather3A_261 = tpu.vector_load_idx %arg15[%broadcast_in_dim3A_234, %add3A_259] : memref<8x128xf32, #tpu.memory_space<vmem>>[vector<16xi32>, vector<16xi32>], vector<16xf32>,
    %mul3A_262 = arith.mulf %gather3A_260, %gather3A_261 : vector<16xf32>
    %add3A_263 = arith.addf %add3A_255, %mul3A_262 : vector<16xf32>
    %reduce_sum3A = arith.constant true
    %reduce_sum3A_264 = vector.broadcast %reduce_sum3A : i1 to vector<16xi1>
    %reduce_sum3A_265 = tpu.scan <sum>, %add3A_263 masked %reduce_sum3A_264 : vector<16xf32>, vector<16xi1> -> vector<16xf32>
    %reduce_sum3A_266 = vector.extract %reduce_sum3A_265[15] : f32 from vector<16xf32>
    %iota3A_267 = tpu.iota {dimensions = array<i32: 0>} : vector<16xi32>
    %eq3A = arith.constant 0 : i32
    %eq3A_268 = vector.broadcast %eq3A : i32 to vector<16xi32>
    %eq3A_269 = arith.cmpi eq, %iota3A_267, %eq3A_268 : vector<16xi32>
    %broadcast_in_dim3A_270 = vector.broadcast %reduce_sum3A_266 : f32 to vector<16xf32>
    %select_n3A = arith.select %eq3A_269, %broadcast_in_dim3A_270, %broadcast_in_dim3A_217 : vector<16xi1>, vector<16xf32>
    %slice3A_271 = vector.extract_strided_slice %get3A_214 {offsets = [8], sizes = [1], strides = [1]} : vector<16xi32> to vector<1xi32>
    %squeeze3A_272 = vector.extract %slice3A_271[0] : i32 from vector<1xi32>
    %slice3A_273 = vector.extract_strided_slice %get3A_216 {offsets = [8], sizes = [1], strides = [1]} : vector<16xi32> to vector<1xi32>
    %squeeze3A_274 = vector.extract %slice3A_273[0] : i32 from vector<1xi32>
    %shift_right_arithmetic3A_275 = arith.constant 7 : i32
    %shift_right_arithmetic3A_276 = arith.shrsi %squeeze3A_272, %shift_right_arithmetic3A_275 : i32
    %mul3A_277 = arith.constant 128 : i32
    %mul3A_278 = arith.muli %shift_right_arithmetic3A_276, %mul3A_277 : i32
    %multiple_of3A_279 = tpu.assume_multiple %mul3A_278, 128 : i32
    %dma_start3A_280 = arith.constant 0 : i32
    %dma_start3A_281 = tpu.memref_slice %arg4[%dma_start3A_280, %multiple_of3A_279] : memref<64x1000000xf32, #tpu.memory_space<hbm>> -> memref<64x128xf32, #tpu.memory_space<hbm>>
    %dma_start3A_282 = arith.constant 0 : i32
    %dma_start3A_283 = tpu.memref_slice %arg4[%dma_start3A_282, %multiple_of3A_279] : memref<64x1000000xf32, #tpu.memory_space<hbm>> -> memref<64x128xf32, #tpu.memory_space<hbm>>
    tpu.enqueue_dma source(%dma_start3A_283 : memref<64x128xf32, #tpu.memory_space<hbm>>) target(%arg7 : memref<64x128xf32, #tpu.memory_space<vmem>>) target_semaphore(%arg19 : memref<!tpu.dma_semaphore, #tpu.memory_space<semaphore_mem>>)
    %dma_start3A_284 = arith.constant 0 : i32
    %dma_start3A_285 = arith.constant 0 : i32
    %dma_start3A_286 = tpu.memref_slice %arg15[%dma_start3A_284, %dma_start3A_285] : memref<8x128xf32, #tpu.memory_space<vmem>> -> memref<1x64xf32, #tpu.memory_space<vmem>>
    %dma_start3A_287 = tpu.memref_squeeze %dma_start3A_286 : memref<1x64xf32, #tpu.memory_space<vmem>> -> memref<64xf32, #tpu.memory_space<vmem>>
    %dma_start3A_288 = arith.constant 0 : i32
    %dma_start3A_289 = tpu.memref_slice %arg5[%squeeze3A_274, %dma_start3A_288] : memref<100000x64xf32, #tpu.memory_space<hbm>> -> memref<1x64xf32, #tpu.memory_space<hbm>>
    %dma_start3A_290 = tpu.memref_squeeze %dma_start3A_289 : memref<1x64xf32, #tpu.memory_space<hbm>> -> memref<64xf32, #tpu.memory_space<hbm>>
    %dma_start3A_291 = arith.constant 0 : i32
    %dma_start3A_292 = tpu.memref_slice %arg15[%dma_start3A_284, %dma_start3A_291] : memref<8x128xf32, #tpu.memory_space<vmem>> -> memref<1x64xf32, #tpu.memory_space<vmem>>
    %dma_start3A_293 = tpu.memref_squeeze %dma_start3A_292 : memref<1x64xf32, #tpu.memory_space<vmem>> -> memref<64xf32, #tpu.memory_space<vmem>>
    %dma_start3A_294 = arith.constant 0 : i32
    %dma_start3A_295 = tpu.memref_slice %arg5[%squeeze3A_274, %dma_start3A_294] : memref<100000x64xf32, #tpu.memory_space<hbm>> -> memref<1x64xf32, #tpu.memory_space<hbm>>
    %dma_start3A_296 = tpu.memref_squeeze %dma_start3A_295 : memref<1x64xf32, #tpu.memory_space<hbm>> -> memref<64xf32, #tpu.memory_space<hbm>>
    tpu.enqueue_dma source(%dma_start3A_296 : memref<64xf32, #tpu.memory_space<hbm>>) target(%dma_start3A_293 : memref<64xf32, #tpu.memory_space<vmem>>) target_semaphore(%arg19 : memref<!tpu.dma_semaphore, #tpu.memory_space<semaphore_mem>>)
    %dma_wait3A_297 = arith.constant 0 : i32
    %dma_wait3A_298 = tpu.memref_slice %arg6[%dma_wait3A_297] : memref<16384xf32, #tpu.memory_space<hbm>> -> memref<8192xf32, #tpu.memory_space<hbm>>
    %dma_wait3A_299 = arith.constant 0 : i32
    %dma_wait3A_300 = tpu.memref_slice %arg6[%dma_wait3A_299] : memref<16384xf32, #tpu.memory_space<hbm>> -> memref<8192xf32, #tpu.memory_space<hbm>>
    tpu.wait_dma2 semaphore(%arg20 : memref<!tpu.dma_semaphore, #tpu.memory_space<semaphore_mem>>) src(%dma_wait3A_300 : memref<8192xf32, #tpu.memory_space<hbm>>) dst(%arg18 : memref<8192xf32, #tpu.memory_space<vmem>>)
    %dma_wait3A_301 = arith.constant 0 : i32
    %dma_wait3A_302 = tpu.memref_slice %arg18[%dma_wait3A_301] : memref<8192xf32, #tpu.memory_space<vmem>> -> memref<64xf32, #tpu.memory_space<vmem>>
    %dma_wait3A_303 = arith.constant 0 : i32
    %dma_wait3A_304 = tpu.memref_slice %arg6[%dma_wait3A_303] : memref<16384xf32, #tpu.memory_space<hbm>> -> memref<64xf32, #tpu.memory_space<hbm>>
    %dma_wait3A_305 = arith.constant 0 : i32
    %dma_wait3A_306 = tpu.memref_slice %arg18[%dma_wait3A_305] : memref<8192xf32, #tpu.memory_space<vmem>> -> memref<64xf32, #tpu.memory_space<vmem>>
    %dma_wait3A_307 = arith.constant 0 : i32
    %dma_wait3A_308 = tpu.memref_slice %arg6[%dma_wait3A_307] : memref<16384xf32, #tpu.memory_space<hbm>> -> memref<64xf32, #tpu.memory_space<hbm>>
    tpu.wait_dma2 semaphore(%arg20 : memref<!tpu.dma_semaphore, #tpu.memory_space<semaphore_mem>>) src(%dma_wait3A_308 : memref<64xf32, #tpu.memory_space<hbm>>) dst(%dma_wait3A_306 : memref<64xf32, #tpu.memory_space<vmem>>)
    %slice3A_309 = vector.extract_strided_slice %get3A_214 {offsets = [1], sizes = [1], strides = [1]} : vector<16xi32> to vector<1xi32>
    %squeeze3A_310 = vector.extract %slice3A_309[0] : i32 from vector<1xi32>
    %and3A_311 = arith.constant 127 : i32
    %and3A_312 = arith.andi %squeeze3A_310, %and3A_311 : i32
    %broadcast_in_dim3A_313 = vector.broadcast %and3A_312 : i32 to vector<16xi32>
    %broadcast_in_dim3A_314 = arith.constant 1 : i32
    %broadcast_in_dim3A_315 = vector.broadcast %broadcast_in_dim3A_314 : i32 to vector<16xi32>
    %iota3A_316 = tpu.iota {dimensions = array<i32: 0>} : vector<16xi32>
    %add3A_317 = arith.constant 0 : i32
    %add3A_318 = vector.broadcast %add3A_317 : i32 to vector<16xi32>
    %add3A_319 = arith.addi %add3A_318, %iota3A_316 : vector<16xi32>
    %gather3A_320 = tpu.vector_load_idx %arg8[%add3A_319, %broadcast_in_dim3A_313] : memref<64x128xf32, #tpu.memory_space<vmem>>[vector<16xi32>, vector<16xi32>], vector<16xf32>,
    %gather3A_321 = tpu.vector_load_idx %arg15[%broadcast_in_dim3A_315, %add3A_319] : memref<8x128xf32, #tpu.memory_space<vmem>>[vector<16xi32>, vector<16xi32>], vector<16xf32>,
    %mul3A_322 = arith.mulf %gather3A_320, %gather3A_321 : vector<16xf32>
    %iota3A_323 = tpu.iota {dimensions = array<i32: 0>} : vector<16xi32>
    %add3A_324 = arith.constant 16 : i32
    %add3A_325 = vector.broadcast %add3A_324 : i32 to vector<16xi32>
    %add3A_326 = arith.addi %add3A_325, %iota3A_323 : vector<16xi32>
    %gather3A_327 = tpu.vector_load_idx %arg8[%add3A_326, %broadcast_in_dim3A_313] : memref<64x128xf32, #tpu.memory_space<vmem>>[vector<16xi32>, vector<16xi32>], vector<16xf32>,
    %gather3A_328 = tpu.vector_load_idx %arg15[%broadcast_in_dim3A_315, %add3A_326] : memref<8x128xf32, #tpu.memory_space<vmem>>[vector<16xi32>, vector<16xi32>], vector<16xf32>,
    %mul3A_329 = arith.mulf %gather3A_327, %gather3A_328 : vector<16xf32>
    %add3A_330 = arith.addf %mul3A_322, %mul3A_329 : vector<16xf32>
    %iota3A_331 = tpu.iota {dimensions = array<i32: 0>} : vector<16xi32>
    %add3A_332 = arith.constant 32 : i32
    %add3A_333 = vector.broadcast %add3A_332 : i32 to vector<16xi32>
    %add3A_334 = arith.addi %add3A_333, %iota3A_331 : vector<16xi32>
    %gather3A_335 = tpu.vector_load_idx %arg8[%add3A_334, %broadcast_in_dim3A_313] : memref<64x128xf32, #tpu.memory_space<vmem>>[vector<16xi32>, vector<16xi32>], vector<16xf32>,
    %gather3A_336 = tpu.vector_load_idx %arg15[%broadcast_in_dim3A_315, %add3A_334] : memref<8x128xf32, #tpu.memory_space<vmem>>[vector<16xi32>, vector<16xi32>], vector<16xf32>,
    %mul3A_337 = arith.mulf %gather3A_335, %gather3A_336 : vector<16xf32>
    %add3A_338 = arith.addf %add3A_330, %mul3A_337 : vector<16xf32>
    %iota3A_339 = tpu.iota {dimensions = array<i32: 0>} : vector<16xi32>
    %add3A_340 = arith.constant 48 : i32
    %add3A_341 = vector.broadcast %add3A_340 : i32 to vector<16xi32>
    %add3A_342 = arith.addi %add3A_341, %iota3A_339 : vector<16xi32>
    %gather3A_343 = tpu.vector_load_idx %arg8[%add3A_342, %broadcast_in_dim3A_313] : memref<64x128xf32, #tpu.memory_space<vmem>>[vector<16xi32>, vector<16xi32>], vector<16xf32>,
    %gather3A_344 = tpu.vector_load_idx %arg15[%broadcast_in_dim3A_315, %add3A_342] : memref<8x128xf32, #tpu.memory_space<vmem>>[vector<16xi32>, vector<16xi32>], vector<16xf32>,
    %mul3A_345 = arith.mulf %gather3A_343, %gather3A_344 : vector<16xf32>
    %add3A_346 = arith.addf %add3A_338, %mul3A_345 : vector<16xf32>
    %reduce_sum3A_347 = arith.constant true
    %reduce_sum3A_348 = vector.broadcast %reduce_sum3A_347 : i1 to vector<16xi1>
    %reduce_sum3A_349 = tpu.scan <sum>, %add3A_346 masked %reduce_sum3A_348 : vector<16xf32>, vector<16xi1> -> vector<16xf32>
    %reduce_sum3A_350 = vector.extract %reduce_sum3A_349[15] : f32 from vector<16xf32>
    %iota3A_351 = tpu.iota {dimensions = array<i32: 0>} : vector<16xi32>
    %eq3A_352 = arith.constant 1 : i32
    %eq3A_353 = vector.broadcast %eq3A_352 : i32 to vector<16xi32>
    %eq3A_354 = arith.cmpi eq, %iota3A_351, %eq3A_353 : vector<16xi32>
    %broadcast_in_dim3A_355 = vector.broadcast %reduce_sum3A_350 : f32 to vector<16xf32>
    %select_n3A_356 = arith.select %eq3A_354, %broadcast_in_dim3A_355, %select_n3A : vector<16xi1>, vector<16xf32>
    %slice3A_357 = vector.extract_strided_slice %get3A_214 {offsets = [9], sizes = [1], strides = [1]} : vector<16xi32> to vector<1xi32>
    %squeeze3A_358 = vector.extract %slice3A_357[0] : i32 from vector<1xi32>
    %slice3A_359 = vector.extract_strided_slice %get3A_216 {offsets = [9], sizes = [1], strides = [1]} : vector<16xi32> to vector<1xi32>
    %squeeze3A_360 = vector.extract %slice3A_359[0] : i32 from vector<1xi32>
    %shift_right_arithmetic3A_361 = arith.constant 7 : i32
    %shift_right_arithmetic3A_362 = arith.shrsi %squeeze3A_358, %shift_right_arithmetic3A_361 : i32
    %mul3A_363 = arith.constant 128 : i32
    %mul3A_364 = arith.muli %shift_right_arithmetic3A_362, %mul3A_363 : i32
    %multiple_of3A_365 = tpu.assume_multiple %mul3A_364, 128 : i32
    %dma_start3A_366 = arith.constant 0 : i32
    %dma_start3A_367 = tpu.memref_slice %arg4[%dma_start3A_366, %multiple_of3A_365] : memref<64x1000000xf32, #tpu.memory_space<hbm>> -> memref<64x128xf32, #tpu.memory_space<hbm>>
    %dma_start3A_368 = arith.constant 0 : i32
    %dma_start3A_369 = tpu.memref_slice %arg4[%dma_start3A_368, %multiple_of3A_365] : memref<64x1000000xf32, #tpu.memory_space<hbm>> -> memref<64x128xf32, #tpu.memory_space<hbm>>
    tpu.enqueue_dma source(%dma_start3A_369 : memref<64x128xf32, #tpu.memory_space<hbm>>) target(%arg8 : memref<64x128xf32, #tpu.memory_space<vmem>>) target_semaphore(%arg20 : memref<!tpu.dma_semaphore, #tpu.memory_space<semaphore_mem>>)
    %dma_start3A_370 = arith.constant 1 : i32
    %dma_start3A_371 = arith.constant 0 : i32
    %dma_start3A_372 = tpu.memref_slice %arg15[%dma_start3A_370, %dma_start3A_371] : memref<8x128xf32, #tpu.memory_space<vmem>> -> memref<1x64xf32, #tpu.memory_space<vmem>>
    %dma_start3A_373 = tpu.memref_squeeze %dma_start3A_372 : memref<1x64xf32, #tpu.memory_space<vmem>> -> memref<64xf32, #tpu.memory_space<vmem>>
    %dma_start3A_374 = arith.constant 0 : i32
    %dma_start3A_375 = tpu.memref_slice %arg5[%squeeze3A_360, %dma_start3A_374] : memref<100000x64xf32, #tpu.memory_space<hbm>> -> memref<1x64xf32, #tpu.memory_space<hbm>>
    %dma_start3A_376 = tpu.memref_squeeze %dma_start3A_375 : memref<1x64xf32, #tpu.memory_space<hbm>> -> memref<64xf32, #tpu.memory_space<hbm>>
    %dma_start3A_377 = arith.constant 0 : i32
    %dma_start3A_378 = tpu.memref_slice %arg15[%dma_start3A_370, %dma_start3A_377] : memref<8x128xf32, #tpu.memory_space<vmem>> -> memref<1x64xf32, #tpu.memory_space<vmem>>
    %dma_start3A_379 = tpu.memref_squeeze %dma_start3A_378 : memref<1x64xf32, #tpu.memory_space<vmem>> -> memref<64xf32, #tpu.memory_space<vmem>>
    %dma_start3A_380 = arith.constant 0 : i32
    %dma_start3A_381 = tpu.memref_slice %arg5[%squeeze3A_360, %dma_start3A_380] : memref<100000x64xf32, #tpu.memory_space<hbm>> -> memref<1x64xf32, #tpu.memory_space<hbm>>
    %dma_start3A_382 = tpu.memref_squeeze %dma_start3A_381 : memref<1x64xf32, #tpu.memory_space<hbm>> -> memref<64xf32, #tpu.memory_space<hbm>>
    tpu.enqueue_dma source(%dma_start3A_382 : memref<64xf32, #tpu.memory_space<hbm>>) target(%dma_start3A_379 : memref<64xf32, #tpu.memory_space<vmem>>) target_semaphore(%arg20 : memref<!tpu.dma_semaphore, #tpu.memory_space<semaphore_mem>>)
    %dma_wait3A_383 = arith.constant 0 : i32
    %dma_wait3A_384 = tpu.memref_slice %arg6[%dma_wait3A_383] : memref<16384xf32, #tpu.memory_space<hbm>> -> memref<8192xf32, #tpu.memory_space<hbm>>
    %dma_wait3A_385 = arith.constant 0 : i32
    %dma_wait3A_386 = tpu.memref_slice %arg6[%dma_wait3A_385] : memref<16384xf32, #tpu.memory_space<hbm>> -> memref<8192xf32, #tpu.memory_space<hbm>>
    tpu.wait_dma2 semaphore(%arg21 : memref<!tpu.dma_semaphore, #tpu.memory_space<semaphore_mem>>) src(%dma_wait3A_386 : memref<8192xf32, #tpu.memory_space<hbm>>) dst(%arg18 : memref<8192xf32, #tpu.memory_space<vmem>>)
    %dma_wait3A_387 = arith.constant 0 : i32
    %dma_wait3A_388 = tpu.memref_slice %arg18[%dma_wait3A_387] : memref<8192xf32, #tpu.memory_space<vmem>> -> memref<64xf32, #tpu.memory_space<vmem>>
    %dma_wait3A_389 = arith.constant 0 : i32
    %dma_wait3A_390 = tpu.memref_slice %arg6[%dma_wait3A_389] : memref<16384xf32, #tpu.memory_space<hbm>> -> memref<64xf32, #tpu.memory_space<hbm>>
    %dma_wait3A_391 = arith.constant 0 : i32
    %dma_wait3A_392 = tpu.memref_slice %arg18[%dma_wait3A_391] : memref<8192xf32, #tpu.memory_space<vmem>> -> memref<64xf32, #tpu.memory_space<vmem>>
    %dma_wait3A_393 = arith.constant 0 : i32
    %dma_wait3A_394 = tpu.memref_slice %arg6[%dma_wait3A_393] : memref<16384xf32, #tpu.memory_space<hbm>> -> memref<64xf32, #tpu.memory_space<hbm>>
    tpu.wait_dma2 semaphore(%arg21 : memref<!tpu.dma_semaphore, #tpu.memory_space<semaphore_mem>>) src(%dma_wait3A_394 : memref<64xf32, #tpu.memory_space<hbm>>) dst(%dma_wait3A_392 : memref<64xf32, #tpu.memory_space<vmem>>)
    %slice3A_395 = vector.extract_strided_slice %get3A_214 {offsets = [2], sizes = [1], strides = [1]} : vector<16xi32> to vector<1xi32>
    %squeeze3A_396 = vector.extract %slice3A_395[0] : i32 from vector<1xi32>
    %and3A_397 = arith.constant 127 : i32
    %and3A_398 = arith.andi %squeeze3A_396, %and3A_397 : i32
    %broadcast_in_dim3A_399 = vector.broadcast %and3A_398 : i32 to vector<16xi32>
    %broadcast_in_dim3A_400 = arith.constant 2 : i32
    %broadcast_in_dim3A_401 = vector.broadcast %broadcast_in_dim3A_400 : i32 to vector<16xi32>
    %iota3A_402 = tpu.iota {dimensions = array<i32: 0>} : vector<16xi32>
    %add3A_403 = arith.constant 0 : i32
    %add3A_404 = vector.broadcast %add3A_403 : i32 to vector<16xi32>
    %add3A_405 = arith.addi %add3A_404, %iota3A_402 : vector<16xi32>
    %gather3A_406 = tpu.vector_load_idx %arg9[%add3A_405, %broadcast_in_dim3A_399] : memref<64x128xf32, #tpu.memory_space<vmem>>[vector<16xi32>, vector<16xi32>], vector<16xf32>,
    %gather3A_407 = tpu.vector_load_idx %arg15[%broadcast_in_dim3A_401, %add3A_405] : memref<8x128xf32, #tpu.memory_space<vmem>>[vector<16xi32>, vector<16xi32>], vector<16xf32>,
    %mul3A_408 = arith.mulf %gather3A_406, %gather3A_407 : vector<16xf32>
    %iota3A_409 = tpu.iota {dimensions = array<i32: 0>} : vector<16xi32>
    %add3A_410 = arith.constant 16 : i32
    %add3A_411 = vector.broadcast %add3A_410 : i32 to vector<16xi32>
    %add3A_412 = arith.addi %add3A_411, %iota3A_409 : vector<16xi32>
    %gather3A_413 = tpu.vector_load_idx %arg9[%add3A_412, %broadcast_in_dim3A_399] : memref<64x128xf32, #tpu.memory_space<vmem>>[vector<16xi32>, vector<16xi32>], vector<16xf32>,
    %gather3A_414 = tpu.vector_load_idx %arg15[%broadcast_in_dim3A_401, %add3A_412] : memref<8x128xf32, #tpu.memory_space<vmem>>[vector<16xi32>, vector<16xi32>], vector<16xf32>,
    %mul3A_415 = arith.mulf %gather3A_413, %gather3A_414 : vector<16xf32>
    %add3A_416 = arith.addf %mul3A_408, %mul3A_415 : vector<16xf32>
    %iota3A_417 = tpu.iota {dimensions = array<i32: 0>} : vector<16xi32>
    %add3A_418 = arith.constant 32 : i32
    %add3A_419 = vector.broadcast %add3A_418 : i32 to vector<16xi32>
    %add3A_420 = arith.addi %add3A_419, %iota3A_417 : vector<16xi32>
    %gather3A_421 = tpu.vector_load_idx %arg9[%add3A_420, %broadcast_in_dim3A_399] : memref<64x128xf32, #tpu.memory_space<vmem>>[vector<16xi32>, vector<16xi32>], vector<16xf32>,
    %gather3A_422 = tpu.vector_load_idx %arg15[%broadcast_in_dim3A_401, %add3A_420] : memref<8x128xf32, #tpu.memory_space<vmem>>[vector<16xi32>, vector<16xi32>], vector<16xf32>,
    %mul3A_423 = arith.mulf %gather3A_421, %gather3A_422 : vector<16xf32>
    %add3A_424 = arith.addf %add3A_416, %mul3A_423 : vector<16xf32>
    %iota3A_425 = tpu.iota {dimensions = array<i32: 0>} : vector<16xi32>
    %add3A_426 = arith.constant 48 : i32
    %add3A_427 = vector.broadcast %add3A_426 : i32 to vector<16xi32>
    %add3A_428 = arith.addi %add3A_427, %iota3A_425 : vector<16xi32>
    %gather3A_429 = tpu.vector_load_idx %arg9[%add3A_428, %broadcast_in_dim3A_399] : memref<64x128xf32, #tpu.memory_space<vmem>>[vector<16xi32>, vector<16xi32>], vector<16xf32>,
    %gather3A_430 = tpu.vector_load_idx %arg15[%broadcast_in_dim3A_401, %add3A_428] : memref<8x128xf32, #tpu.memory_space<vmem>>[vector<16xi32>, vector<16xi32>], vector<16xf32>,
    %mul3A_431 = arith.mulf %gather3A_429, %gather3A_430 : vector<16xf32>
    %add3A_432 = arith.addf %add3A_424, %mul3A_431 : vector<16xf32>
    %reduce_sum3A_433 = arith.constant true
    %reduce_sum3A_434 = vector.broadcast %reduce_sum3A_433 : i1 to vector<16xi1>
    %reduce_sum3A_435 = tpu.scan <sum>, %add3A_432 masked %reduce_sum3A_434 : vector<16xf32>, vector<16xi1> -> vector<16xf32>
    %reduce_sum3A_436 = vector.extract %reduce_sum3A_435[15] : f32 from vector<16xf32>
    %iota3A_437 = tpu.iota {dimensions = array<i32: 0>} : vector<16xi32>
    %eq3A_438 = arith.constant 2 : i32
    %eq3A_439 = vector.broadcast %eq3A_438 : i32 to vector<16xi32>
    %eq3A_440 = arith.cmpi eq, %iota3A_437, %eq3A_439 : vector<16xi32>
    %broadcast_in_dim3A_441 = vector.broadcast %reduce_sum3A_436 : f32 to vector<16xf32>
    %select_n3A_442 = arith.select %eq3A_440, %broadcast_in_dim3A_441, %select_n3A_356 : vector<16xi1>, vector<16xf32>
    %slice3A_443 = vector.extract_strided_slice %get3A_214 {offsets = [10], sizes = [1], strides = [1]} : vector<16xi32> to vector<1xi32>
    %squeeze3A_444 = vector.extract %slice3A_443[0] : i32 from vector<1xi32>
    %slice3A_445 = vector.extract_strided_slice %get3A_216 {offsets = [10], sizes = [1], strides = [1]} : vector<16xi32> to vector<1xi32>
    %squeeze3A_446 = vector.extract %slice3A_445[0] : i32 from vector<1xi32>
    %shift_right_arithmetic3A_447 = arith.constant 7 : i32
    %shift_right_arithmetic3A_448 = arith.shrsi %squeeze3A_444, %shift_right_arithmetic3A_447 : i32
    %mul3A_449 = arith.constant 128 : i32
    %mul3A_450 = arith.muli %shift_right_arithmetic3A_448, %mul3A_449 : i32
    %multiple_of3A_451 = tpu.assume_multiple %mul3A_450, 128 : i32
    %dma_start3A_452 = arith.constant 0 : i32
    %dma_start3A_453 = tpu.memref_slice %arg4[%dma_start3A_452, %multiple_of3A_451] : memref<64x1000000xf32, #tpu.memory_space<hbm>> -> memref<64x128xf32, #tpu.memory_space<hbm>>
    %dma_start3A_454 = arith.constant 0 : i32
    %dma_start3A_455 = tpu.memref_slice %arg4[%dma_start3A_454, %multiple_of3A_451] : memref<64x1000000xf32, #tpu.memory_space<hbm>> -> memref<64x128xf32, #tpu.memory_space<hbm>>
    tpu.enqueue_dma source(%dma_start3A_455 : memref<64x128xf32, #tpu.memory_space<hbm>>) target(%arg9 : memref<64x128xf32, #tpu.memory_space<vmem>>) target_semaphore(%arg21 : memref<!tpu.dma_semaphore, #tpu.memory_space<semaphore_mem>>)
    %dma_start3A_456 = arith.constant 2 : i32
    %dma_start3A_457 = arith.constant 0 : i32
    %dma_start3A_458 = tpu.memref_slice %arg15[%dma_start3A_456, %dma_start3A_457] : memref<8x128xf32, #tpu.memory_space<vmem>> -> memref<1x64xf32, #tpu.memory_space<vmem>>
    %dma_start3A_459 = tpu.memref_squeeze %dma_start3A_458 : memref<1x64xf32, #tpu.memory_space<vmem>> -> memref<64xf32, #tpu.memory_space<vmem>>
    %dma_start3A_460 = arith.constant 0 : i32
    %dma_start3A_461 = tpu.memref_slice %arg5[%squeeze3A_446, %dma_start3A_460] : memref<100000x64xf32, #tpu.memory_space<hbm>> -> memref<1x64xf32, #tpu.memory_space<hbm>>
    %dma_start3A_462 = tpu.memref_squeeze %dma_start3A_461 : memref<1x64xf32, #tpu.memory_space<hbm>> -> memref<64xf32, #tpu.memory_space<hbm>>
    %dma_start3A_463 = arith.constant 0 : i32
    %dma_start3A_464 = tpu.memref_slice %arg15[%dma_start3A_456, %dma_start3A_463] : memref<8x128xf32, #tpu.memory_space<vmem>> -> memref<1x64xf32, #tpu.memory_space<vmem>>
    %dma_start3A_465 = tpu.memref_squeeze %dma_start3A_464 : memref<1x64xf32, #tpu.memory_space<vmem>> -> memref<64xf32, #tpu.memory_space<vmem>>
    %dma_start3A_466 = arith.constant 0 : i32
    %dma_start3A_467 = tpu.memref_slice %arg5[%squeeze3A_446, %dma_start3A_466] : memref<100000x64xf32, #tpu.memory_space<hbm>> -> memref<1x64xf32, #tpu.memory_space<hbm>>
    %dma_start3A_468 = tpu.memref_squeeze %dma_start3A_467 : memref<1x64xf32, #tpu.memory_space<hbm>> -> memref<64xf32, #tpu.memory_space<hbm>>
    tpu.enqueue_dma source(%dma_start3A_468 : memref<64xf32, #tpu.memory_space<hbm>>) target(%dma_start3A_465 : memref<64xf32, #tpu.memory_space<vmem>>) target_semaphore(%arg21 : memref<!tpu.dma_semaphore, #tpu.memory_space<semaphore_mem>>)
    %dma_wait3A_469 = arith.constant 0 : i32
    %dma_wait3A_470 = tpu.memref_slice %arg6[%dma_wait3A_469] : memref<16384xf32, #tpu.memory_space<hbm>> -> memref<8192xf32, #tpu.memory_space<hbm>>
    %dma_wait3A_471 = arith.constant 0 : i32
    %dma_wait3A_472 = tpu.memref_slice %arg6[%dma_wait3A_471] : memref<16384xf32, #tpu.memory_space<hbm>> -> memref<8192xf32, #tpu.memory_space<hbm>>
    tpu.wait_dma2 semaphore(%arg22 : memref<!tpu.dma_semaphore, #tpu.memory_space<semaphore_mem>>) src(%dma_wait3A_472 : memref<8192xf32, #tpu.memory_space<hbm>>) dst(%arg18 : memref<8192xf32, #tpu.memory_space<vmem>>)
    %dma_wait3A_473 = arith.constant 0 : i32
    %dma_wait3A_474 = tpu.memref_slice %arg18[%dma_wait3A_473] : memref<8192xf32, #tpu.memory_space<vmem>> -> memref<64xf32, #tpu.memory_space<vmem>>
    %dma_wait3A_475 = arith.constant 0 : i32
    %dma_wait3A_476 = tpu.memref_slice %arg6[%dma_wait3A_475] : memref<16384xf32, #tpu.memory_space<hbm>> -> memref<64xf32, #tpu.memory_space<hbm>>
    %dma_wait3A_477 = arith.constant 0 : i32
    %dma_wait3A_478 = tpu.memref_slice %arg18[%dma_wait3A_477] : memref<8192xf32, #tpu.memory_space<vmem>> -> memref<64xf32, #tpu.memory_space<vmem>>
    %dma_wait3A_479 = arith.constant 0 : i32
    %dma_wait3A_480 = tpu.memref_slice %arg6[%dma_wait3A_479] : memref<16384xf32, #tpu.memory_space<hbm>> -> memref<64xf32, #tpu.memory_space<hbm>>
    tpu.wait_dma2 semaphore(%arg22 : memref<!tpu.dma_semaphore, #tpu.memory_space<semaphore_mem>>) src(%dma_wait3A_480 : memref<64xf32, #tpu.memory_space<hbm>>) dst(%dma_wait3A_478 : memref<64xf32, #tpu.memory_space<vmem>>)
    %slice3A_481 = vector.extract_strided_slice %get3A_214 {offsets = [3], sizes = [1], strides = [1]} : vector<16xi32> to vector<1xi32>
    %squeeze3A_482 = vector.extract %slice3A_481[0] : i32 from vector<1xi32>
    %and3A_483 = arith.constant 127 : i32
    %and3A_484 = arith.andi %squeeze3A_482, %and3A_483 : i32
    %broadcast_in_dim3A_485 = vector.broadcast %and3A_484 : i32 to vector<16xi32>
    %broadcast_in_dim3A_486 = arith.constant 3 : i32
    %broadcast_in_dim3A_487 = vector.broadcast %broadcast_in_dim3A_486 : i32 to vector<16xi32>
    %iota3A_488 = tpu.iota {dimensions = array<i32: 0>} : vector<16xi32>
    %add3A_489 = arith.constant 0 : i32
    %add3A_490 = vector.broadcast %add3A_489 : i32 to vector<16xi32>
    %add3A_491 = arith.addi %add3A_490, %iota3A_488 : vector<16xi32>
    %gather3A_492 = tpu.vector_load_idx %arg10[%add3A_491, %broadcast_in_dim3A_485] : memref<64x128xf32, #tpu.memory_space<vmem>>[vector<16xi32>, vector<16xi32>], vector<16xf32>,
    %gather3A_493 = tpu.vector_load_idx %arg15[%broadcast_in_dim3A_487, %add3A_491] : memref<8x128xf32, #tpu.memory_space<vmem>>[vector<16xi32>, vector<16xi32>], vector<16xf32>,
    %mul3A_494 = arith.mulf %gather3A_492, %gather3A_493 : vector<16xf32>
    %iota3A_495 = tpu.iota {dimensions = array<i32: 0>} : vector<16xi32>
    %add3A_496 = arith.constant 16 : i32
    %add3A_497 = vector.broadcast %add3A_496 : i32 to vector<16xi32>
    %add3A_498 = arith.addi %add3A_497, %iota3A_495 : vector<16xi32>
    %gather3A_499 = tpu.vector_load_idx %arg10[%add3A_498, %broadcast_in_dim3A_485] : memref<64x128xf32, #tpu.memory_space<vmem>>[vector<16xi32>, vector<16xi32>], vector<16xf32>,
    %gather3A_500 = tpu.vector_load_idx %arg15[%broadcast_in_dim3A_487, %add3A_498] : memref<8x128xf32, #tpu.memory_space<vmem>>[vector<16xi32>, vector<16xi32>], vector<16xf32>,
    %mul3A_501 = arith.mulf %gather3A_499, %gather3A_500 : vector<16xf32>
    %add3A_502 = arith.addf %mul3A_494, %mul3A_501 : vector<16xf32>
    %iota3A_503 = tpu.iota {dimensions = array<i32: 0>} : vector<16xi32>
    %add3A_504 = arith.constant 32 : i32
    %add3A_505 = vector.broadcast %add3A_504 : i32 to vector<16xi32>
    %add3A_506 = arith.addi %add3A_505, %iota3A_503 : vector<16xi32>
    %gather3A_507 = tpu.vector_load_idx %arg10[%add3A_506, %broadcast_in_dim3A_485] : memref<64x128xf32, #tpu.memory_space<vmem>>[vector<16xi32>, vector<16xi32>], vector<16xf32>,
    %gather3A_508 = tpu.vector_load_idx %arg15[%broadcast_in_dim3A_487, %add3A_506] : memref<8x128xf32, #tpu.memory_space<vmem>>[vector<16xi32>, vector<16xi32>], vector<16xf32>,
    %mul3A_509 = arith.mulf %gather3A_507, %gather3A_508 : vector<16xf32>
    %add3A_510 = arith.addf %add3A_502, %mul3A_509 : vector<16xf32>
    %iota3A_511 = tpu.iota {dimensions = array<i32: 0>} : vector<16xi32>
    %add3A_512 = arith.constant 48 : i32
    %add3A_513 = vector.broadcast %add3A_512 : i32 to vector<16xi32>
    %add3A_514 = arith.addi %add3A_513, %iota3A_511 : vector<16xi32>
    %gather3A_515 = tpu.vector_load_idx %arg10[%add3A_514, %broadcast_in_dim3A_485] : memref<64x128xf32, #tpu.memory_space<vmem>>[vector<16xi32>, vector<16xi32>], vector<16xf32>,
    %gather3A_516 = tpu.vector_load_idx %arg15[%broadcast_in_dim3A_487, %add3A_514] : memref<8x128xf32, #tpu.memory_space<vmem>>[vector<16xi32>, vector<16xi32>], vector<16xf32>,
    %mul3A_517 = arith.mulf %gather3A_515, %gather3A_516 : vector<16xf32>
    %add3A_518 = arith.addf %add3A_510, %mul3A_517 : vector<16xf32>
    %reduce_sum3A_519 = arith.constant true
    %reduce_sum3A_520 = vector.broadcast %reduce_sum3A_519 : i1 to vector<16xi1>
    %reduce_sum3A_521 = tpu.scan <sum>, %add3A_518 masked %reduce_sum3A_520 : vector<16xf32>, vector<16xi1> -> vector<16xf32>
    %reduce_sum3A_522 = vector.extract %reduce_sum3A_521[15] : f32 from vector<16xf32>
    %iota3A_523 = tpu.iota {dimensions = array<i32: 0>} : vector<16xi32>
    %eq3A_524 = arith.constant 3 : i32
    %eq3A_525 = vector.broadcast %eq3A_524 : i32 to vector<16xi32>
    %eq3A_526 = arith.cmpi eq, %iota3A_523, %eq3A_525 : vector<16xi32>
    %broadcast_in_dim3A_527 = vector.broadcast %reduce_sum3A_522 : f32 to vector<16xf32>
    %select_n3A_528 = arith.select %eq3A_526, %broadcast_in_dim3A_527, %select_n3A_442 : vector<16xi1>, vector<16xf32>
    %slice3A_529 = vector.extract_strided_slice %get3A_214 {offsets = [11], sizes = [1], strides = [1]} : vector<16xi32> to vector<1xi32>
    %squeeze3A_530 = vector.extract %slice3A_529[0] : i32 from vector<1xi32>
    %slice3A_531 = vector.extract_strided_slice %get3A_216 {offsets = [11], sizes = [1], strides = [1]} : vector<16xi32> to vector<1xi32>
    %squeeze3A_532 = vector.extract %slice3A_531[0] : i32 from vector<1xi32>
    %shift_right_arithmetic3A_533 = arith.constant 7 : i32
    %shift_right_arithmetic3A_534 = arith.shrsi %squeeze3A_530, %shift_right_arithmetic3A_533 : i32
    %mul3A_535 = arith.constant 128 : i32
    %mul3A_536 = arith.muli %shift_right_arithmetic3A_534, %mul3A_535 : i32
    %multiple_of3A_537 = tpu.assume_multiple %mul3A_536, 128 : i32
    %dma_start3A_538 = arith.constant 0 : i32
    %dma_start3A_539 = tpu.memref_slice %arg4[%dma_start3A_538, %multiple_of3A_537] : memref<64x1000000xf32, #tpu.memory_space<hbm>> -> memref<64x128xf32, #tpu.memory_space<hbm>>
    %dma_start3A_540 = arith.constant 0 : i32
    %dma_start3A_541 = tpu.memref_slice %arg4[%dma_start3A_540, %multiple_of3A_537] : memref<64x1000000xf32, #tpu.memory_space<hbm>> -> memref<64x128xf32, #tpu.memory_space<hbm>>
    tpu.enqueue_dma source(%dma_start3A_541 : memref<64x128xf32, #tpu.memory_space<hbm>>) target(%arg10 : memref<64x128xf32, #tpu.memory_space<vmem>>) target_semaphore(%arg22 : memref<!tpu.dma_semaphore, #tpu.memory_space<semaphore_mem>>)
    %dma_start3A_542 = arith.constant 3 : i32
    %dma_start3A_543 = arith.constant 0 : i32
    %dma_start3A_544 = tpu.memref_slice %arg15[%dma_start3A_542, %dma_start3A_543] : memref<8x128xf32, #tpu.memory_space<vmem>> -> memref<1x64xf32, #tpu.memory_space<vmem>>
    %dma_start3A_545 = tpu.memref_squeeze %dma_start3A_544 : memref<1x64xf32, #tpu.memory_space<vmem>> -> memref<64xf32, #tpu.memory_space<vmem>>
    %dma_start3A_546 = arith.constant 0 : i32
    %dma_start3A_547 = tpu.memref_slice %arg5[%squeeze3A_532, %dma_start3A_546] : memref<100000x64xf32, #tpu.memory_space<hbm>> -> memref<1x64xf32, #tpu.memory_space<hbm>>
    %dma_start3A_548 = tpu.memref_squeeze %dma_start3A_547 : memref<1x64xf32, #tpu.memory_space<hbm>> -> memref<64xf32, #tpu.memory_space<hbm>>
    %dma_start3A_549 = arith.constant 0 : i32
    %dma_start3A_550 = tpu.memref_slice %arg15[%dma_start3A_542, %dma_start3A_549] : memref<8x128xf32, #tpu.memory_space<vmem>> -> memref<1x64xf32, #tpu.memory_space<vmem>>
    %dma_start3A_551 = tpu.memref_squeeze %dma_start3A_550 : memref<1x64xf32, #tpu.memory_space<vmem>> -> memref<64xf32, #tpu.memory_space<vmem>>
    %dma_start3A_552 = arith.constant 0 : i32
    %dma_start3A_553 = tpu.memref_slice %arg5[%squeeze3A_532, %dma_start3A_552] : memref<100000x64xf32, #tpu.memory_space<hbm>> -> memref<1x64xf32, #tpu.memory_space<hbm>>
    %dma_start3A_554 = tpu.memref_squeeze %dma_start3A_553 : memref<1x64xf32, #tpu.memory_space<hbm>> -> memref<64xf32, #tpu.memory_space<hbm>>
    tpu.enqueue_dma source(%dma_start3A_554 : memref<64xf32, #tpu.memory_space<hbm>>) target(%dma_start3A_551 : memref<64xf32, #tpu.memory_space<vmem>>) target_semaphore(%arg22 : memref<!tpu.dma_semaphore, #tpu.memory_space<semaphore_mem>>)
    %dma_wait3A_555 = arith.constant 0 : i32
    %dma_wait3A_556 = tpu.memref_slice %arg6[%dma_wait3A_555] : memref<16384xf32, #tpu.memory_space<hbm>> -> memref<8192xf32, #tpu.memory_space<hbm>>
    %dma_wait3A_557 = arith.constant 0 : i32
    %dma_wait3A_558 = tpu.memref_slice %arg6[%dma_wait3A_557] : memref<16384xf32, #tpu.memory_space<hbm>> -> memref<8192xf32, #tpu.memory_space<hbm>>
    tpu.wait_dma2 semaphore(%arg23 : memref<!tpu.dma_semaphore, #tpu.memory_space<semaphore_mem>>) src(%dma_wait3A_558 : memref<8192xf32, #tpu.memory_space<hbm>>) dst(%arg18 : memref<8192xf32, #tpu.memory_space<vmem>>)
    %dma_wait3A_559 = arith.constant 0 : i32
    %dma_wait3A_560 = tpu.memref_slice %arg18[%dma_wait3A_559] : memref<8192xf32, #tpu.memory_space<vmem>> -> memref<64xf32, #tpu.memory_space<vmem>>
    %dma_wait3A_561 = arith.constant 0 : i32
    %dma_wait3A_562 = tpu.memref_slice %arg6[%dma_wait3A_561] : memref<16384xf32, #tpu.memory_space<hbm>> -> memref<64xf32, #tpu.memory_space<hbm>>
    %dma_wait3A_563 = arith.constant 0 : i32
    %dma_wait3A_564 = tpu.memref_slice %arg18[%dma_wait3A_563] : memref<8192xf32, #tpu.memory_space<vmem>> -> memref<64xf32, #tpu.memory_space<vmem>>
    %dma_wait3A_565 = arith.constant 0 : i32
    %dma_wait3A_566 = tpu.memref_slice %arg6[%dma_wait3A_565] : memref<16384xf32, #tpu.memory_space<hbm>> -> memref<64xf32, #tpu.memory_space<hbm>>
    tpu.wait_dma2 semaphore(%arg23 : memref<!tpu.dma_semaphore, #tpu.memory_space<semaphore_mem>>) src(%dma_wait3A_566 : memref<64xf32, #tpu.memory_space<hbm>>) dst(%dma_wait3A_564 : memref<64xf32, #tpu.memory_space<vmem>>)
    %slice3A_567 = vector.extract_strided_slice %get3A_214 {offsets = [4], sizes = [1], strides = [1]} : vector<16xi32> to vector<1xi32>
    %squeeze3A_568 = vector.extract %slice3A_567[0] : i32 from vector<1xi32>
    %and3A_569 = arith.constant 127 : i32
    %and3A_570 = arith.andi %squeeze3A_568, %and3A_569 : i32
    %broadcast_in_dim3A_571 = vector.broadcast %and3A_570 : i32 to vector<16xi32>
    %broadcast_in_dim3A_572 = arith.constant 4 : i32
    %broadcast_in_dim3A_573 = vector.broadcast %broadcast_in_dim3A_572 : i32 to vector<16xi32>
    %iota3A_574 = tpu.iota {dimensions = array<i32: 0>} : vector<16xi32>
    %add3A_575 = arith.constant 0 : i32
    %add3A_576 = vector.broadcast %add3A_575 : i32 to vector<16xi32>
    %add3A_577 = arith.addi %add3A_576, %iota3A_574 : vector<16xi32>
    %gather3A_578 = tpu.vector_load_idx %arg11[%add3A_577, %broadcast_in_dim3A_571] : memref<64x128xf32, #tpu.memory_space<vmem>>[vector<16xi32>, vector<16xi32>], vector<16xf32>,
    %gather3A_579 = tpu.vector_load_idx %arg15[%broadcast_in_dim3A_573, %add3A_577] : memref<8x128xf32, #tpu.memory_space<vmem>>[vector<16xi32>, vector<16xi32>], vector<16xf32>,
    %mul3A_580 = arith.mulf %gather3A_578, %gather3A_579 : vector<16xf32>
    %iota3A_581 = tpu.iota {dimensions = array<i32: 0>} : vector<16xi32>
    %add3A_582 = arith.constant 16 : i32
    %add3A_583 = vector.broadcast %add3A_582 : i32 to vector<16xi32>
    %add3A_584 = arith.addi %add3A_583, %iota3A_581 : vector<16xi32>
    %gather3A_585 = tpu.vector_load_idx %arg11[%add3A_584, %broadcast_in_dim3A_571] : memref<64x128xf32, #tpu.memory_space<vmem>>[vector<16xi32>, vector<16xi32>], vector<16xf32>,
    %gather3A_586 = tpu.vector_load_idx %arg15[%broadcast_in_dim3A_573, %add3A_584] : memref<8x128xf32, #tpu.memory_space<vmem>>[vector<16xi32>, vector<16xi32>], vector<16xf32>,
    %mul3A_587 = arith.mulf %gather3A_585, %gather3A_586 : vector<16xf32>
    %add3A_588 = arith.addf %mul3A_580, %mul3A_587 : vector<16xf32>
    %iota3A_589 = tpu.iota {dimensions = array<i32: 0>} : vector<16xi32>
    %add3A_590 = arith.constant 32 : i32
    %add3A_591 = vector.broadcast %add3A_590 : i32 to vector<16xi32>
    %add3A_592 = arith.addi %add3A_591, %iota3A_589 : vector<16xi32>
    %gather3A_593 = tpu.vector_load_idx %arg11[%add3A_592, %broadcast_in_dim3A_571] : memref<64x128xf32, #tpu.memory_space<vmem>>[vector<16xi32>, vector<16xi32>], vector<16xf32>,
    %gather3A_594 = tpu.vector_load_idx %arg15[%broadcast_in_dim3A_573, %add3A_592] : memref<8x128xf32, #tpu.memory_space<vmem>>[vector<16xi32>, vector<16xi32>], vector<16xf32>,
    %mul3A_595 = arith.mulf %gather3A_593, %gather3A_594 : vector<16xf32>
    %add3A_596 = arith.addf %add3A_588, %mul3A_595 : vector<16xf32>
    %iota3A_597 = tpu.iota {dimensions = array<i32: 0>} : vector<16xi32>
    %add3A_598 = arith.constant 48 : i32
    %add3A_599 = vector.broadcast %add3A_598 : i32 to vector<16xi32>
    %add3A_600 = arith.addi %add3A_599, %iota3A_597 : vector<16xi32>
    %gather3A_601 = tpu.vector_load_idx %arg11[%add3A_600, %broadcast_in_dim3A_571] : memref<64x128xf32, #tpu.memory_space<vmem>>[vector<16xi32>, vector<16xi32>], vector<16xf32>,
    %gather3A_602 = tpu.vector_load_idx %arg15[%broadcast_in_dim3A_573, %add3A_600] : memref<8x128xf32, #tpu.memory_space<vmem>>[vector<16xi32>, vector<16xi32>], vector<16xf32>,
    %mul3A_603 = arith.mulf %gather3A_601, %gather3A_602 : vector<16xf32>
    %add3A_604 = arith.addf %add3A_596, %mul3A_603 : vector<16xf32>
    %reduce_sum3A_605 = arith.constant true
    %reduce_sum3A_606 = vector.broadcast %reduce_sum3A_605 : i1 to vector<16xi1>
    %reduce_sum3A_607 = tpu.scan <sum>, %add3A_604 masked %reduce_sum3A_606 : vector<16xf32>, vector<16xi1> -> vector<16xf32>
    %reduce_sum3A_608 = vector.extract %reduce_sum3A_607[15] : f32 from vector<16xf32>
    %iota3A_609 = tpu.iota {dimensions = array<i32: 0>} : vector<16xi32>
    %eq3A_610 = arith.constant 4 : i32
    %eq3A_611 = vector.broadcast %eq3A_610 : i32 to vector<16xi32>
    %eq3A_612 = arith.cmpi eq, %iota3A_609, %eq3A_611 : vector<16xi32>
    %broadcast_in_dim3A_613 = vector.broadcast %reduce_sum3A_608 : f32 to vector<16xf32>
    %select_n3A_614 = arith.select %eq3A_612, %broadcast_in_dim3A_613, %select_n3A_528 : vector<16xi1>, vector<16xf32>
    %slice3A_615 = vector.extract_strided_slice %get3A_214 {offsets = [12], sizes = [1], strides = [1]} : vector<16xi32> to vector<1xi32>
    %squeeze3A_616 = vector.extract %slice3A_615[0] : i32 from vector<1xi32>
    %slice3A_617 = vector.extract_strided_slice %get3A_216 {offsets = [12], sizes = [1], strides = [1]} : vector<16xi32> to vector<1xi32>
    %squeeze3A_618 = vector.extract %slice3A_617[0] : i32 from vector<1xi32>
    %shift_right_arithmetic3A_619 = arith.constant 7 : i32
    %shift_right_arithmetic3A_620 = arith.shrsi %squeeze3A_616, %shift_right_arithmetic3A_619 : i32
    %mul3A_621 = arith.constant 128 : i32
    %mul3A_622 = arith.muli %shift_right_arithmetic3A_620, %mul3A_621 : i32
    %multiple_of3A_623 = tpu.assume_multiple %mul3A_622, 128 : i32
    %dma_start3A_624 = arith.constant 0 : i32
    %dma_start3A_625 = tpu.memref_slice %arg4[%dma_start3A_624, %multiple_of3A_623] : memref<64x1000000xf32, #tpu.memory_space<hbm>> -> memref<64x128xf32, #tpu.memory_space<hbm>>
    %dma_start3A_626 = arith.constant 0 : i32
    %dma_start3A_627 = tpu.memref_slice %arg4[%dma_start3A_626, %multiple_of3A_623] : memref<64x1000000xf32, #tpu.memory_space<hbm>> -> memref<64x128xf32, #tpu.memory_space<hbm>>
    tpu.enqueue_dma source(%dma_start3A_627 : memref<64x128xf32, #tpu.memory_space<hbm>>) target(%arg11 : memref<64x128xf32, #tpu.memory_space<vmem>>) target_semaphore(%arg23 : memref<!tpu.dma_semaphore, #tpu.memory_space<semaphore_mem>>)
    %dma_start3A_628 = arith.constant 4 : i32
    %dma_start3A_629 = arith.constant 0 : i32
    %dma_start3A_630 = tpu.memref_slice %arg15[%dma_start3A_628, %dma_start3A_629] : memref<8x128xf32, #tpu.memory_space<vmem>> -> memref<1x64xf32, #tpu.memory_space<vmem>>
    %dma_start3A_631 = tpu.memref_squeeze %dma_start3A_630 : memref<1x64xf32, #tpu.memory_space<vmem>> -> memref<64xf32, #tpu.memory_space<vmem>>
    %dma_start3A_632 = arith.constant 0 : i32
    %dma_start3A_633 = tpu.memref_slice %arg5[%squeeze3A_618, %dma_start3A_632] : memref<100000x64xf32, #tpu.memory_space<hbm>> -> memref<1x64xf32, #tpu.memory_space<hbm>>
    %dma_start3A_634 = tpu.memref_squeeze %dma_start3A_633 : memref<1x64xf32, #tpu.memory_space<hbm>> -> memref<64xf32, #tpu.memory_space<hbm>>
    %dma_start3A_635 = arith.constant 0 : i32
    %dma_start3A_636 = tpu.memref_slice %arg15[%dma_start3A_628, %dma_start3A_635] : memref<8x128xf32, #tpu.memory_space<vmem>> -> memref<1x64xf32, #tpu.memory_space<vmem>>
    %dma_start3A_637 = tpu.memref_squeeze %dma_start3A_636 : memref<1x64xf32, #tpu.memory_space<vmem>> -> memref<64xf32, #tpu.memory_space<vmem>>
    %dma_start3A_638 = arith.constant 0 : i32
    %dma_start3A_639 = tpu.memref_slice %arg5[%squeeze3A_618, %dma_start3A_638] : memref<100000x64xf32, #tpu.memory_space<hbm>> -> memref<1x64xf32, #tpu.memory_space<hbm>>
    %dma_start3A_640 = tpu.memref_squeeze %dma_start3A_639 : memref<1x64xf32, #tpu.memory_space<hbm>> -> memref<64xf32, #tpu.memory_space<hbm>>
    tpu.enqueue_dma source(%dma_start3A_640 : memref<64xf32, #tpu.memory_space<hbm>>) target(%dma_start3A_637 : memref<64xf32, #tpu.memory_space<vmem>>) target_semaphore(%arg23 : memref<!tpu.dma_semaphore, #tpu.memory_space<semaphore_mem>>)
    %dma_wait3A_641 = arith.constant 0 : i32
    %dma_wait3A_642 = tpu.memref_slice %arg6[%dma_wait3A_641] : memref<16384xf32, #tpu.memory_space<hbm>> -> memref<8192xf32, #tpu.memory_space<hbm>>
    %dma_wait3A_643 = arith.constant 0 : i32
    %dma_wait3A_644 = tpu.memref_slice %arg6[%dma_wait3A_643] : memref<16384xf32, #tpu.memory_space<hbm>> -> memref<8192xf32, #tpu.memory_space<hbm>>
    tpu.wait_dma2 semaphore(%arg24 : memref<!tpu.dma_semaphore, #tpu.memory_space<semaphore_mem>>) src(%dma_wait3A_644 : memref<8192xf32, #tpu.memory_space<hbm>>) dst(%arg18 : memref<8192xf32, #tpu.memory_space<vmem>>)
    %dma_wait3A_645 = arith.constant 0 : i32
    %dma_wait3A_646 = tpu.memref_slice %arg18[%dma_wait3A_645] : memref<8192xf32, #tpu.memory_space<vmem>> -> memref<64xf32, #tpu.memory_space<vmem>>
    %dma_wait3A_647 = arith.constant 0 : i32
    %dma_wait3A_648 = tpu.memref_slice %arg6[%dma_wait3A_647] : memref<16384xf32, #tpu.memory_space<hbm>> -> memref<64xf32, #tpu.memory_space<hbm>>
    %dma_wait3A_649 = arith.constant 0 : i32
    %dma_wait3A_650 = tpu.memref_slice %arg18[%dma_wait3A_649] : memref<8192xf32, #tpu.memory_space<vmem>> -> memref<64xf32, #tpu.memory_space<vmem>>
    %dma_wait3A_651 = arith.constant 0 : i32
    %dma_wait3A_652 = tpu.memref_slice %arg6[%dma_wait3A_651] : memref<16384xf32, #tpu.memory_space<hbm>> -> memref<64xf32, #tpu.memory_space<hbm>>
    tpu.wait_dma2 semaphore(%arg24 : memref<!tpu.dma_semaphore, #tpu.memory_space<semaphore_mem>>) src(%dma_wait3A_652 : memref<64xf32, #tpu.memory_space<hbm>>) dst(%dma_wait3A_650 : memref<64xf32, #tpu.memory_space<vmem>>)
    %slice3A_653 = vector.extract_strided_slice %get3A_214 {offsets = [5], sizes = [1], strides = [1]} : vector<16xi32> to vector<1xi32>
    %squeeze3A_654 = vector.extract %slice3A_653[0] : i32 from vector<1xi32>
    %and3A_655 = arith.constant 127 : i32
    %and3A_656 = arith.andi %squeeze3A_654, %and3A_655 : i32
    %broadcast_in_dim3A_657 = vector.broadcast %and3A_656 : i32 to vector<16xi32>
    %broadcast_in_dim3A_658 = arith.constant 5 : i32
    %broadcast_in_dim3A_659 = vector.broadcast %broadcast_in_dim3A_658 : i32 to vector<16xi32>
    %iota3A_660 = tpu.iota {dimensions = array<i32: 0>} : vector<16xi32>
    %add3A_661 = arith.constant 0 : i32
    %add3A_662 = vector.broadcast %add3A_661 : i32 to vector<16xi32>
    %add3A_663 = arith.addi %add3A_662, %iota3A_660 : vector<16xi32>
    %gather3A_664 = tpu.vector_load_idx %arg12[%add3A_663, %broadcast_in_dim3A_657] : memref<64x128xf32, #tpu.memory_space<vmem>>[vector<16xi32>, vector<16xi32>], vector<16xf32>,
    %gather3A_665 = tpu.vector_load_idx %arg15[%broadcast_in_dim3A_659, %add3A_663] : memref<8x128xf32, #tpu.memory_space<vmem>>[vector<16xi32>, vector<16xi32>], vector<16xf32>,
    %mul3A_666 = arith.mulf %gather3A_664, %gather3A_665 : vector<16xf32>
    %iota3A_667 = tpu.iota {dimensions = array<i32: 0>} : vector<16xi32>
    %add3A_668 = arith.constant 16 : i32
    %add3A_669 = vector.broadcast %add3A_668 : i32 to vector<16xi32>
    %add3A_670 = arith.addi %add3A_669, %iota3A_667 : vector<16xi32>
    %gather3A_671 = tpu.vector_load_idx %arg12[%add3A_670, %broadcast_in_dim3A_657] : memref<64x128xf32, #tpu.memory_space<vmem>>[vector<16xi32>, vector<16xi32>], vector<16xf32>,
    %gather3A_672 = tpu.vector_load_idx %arg15[%broadcast_in_dim3A_659, %add3A_670] : memref<8x128xf32, #tpu.memory_space<vmem>>[vector<16xi32>, vector<16xi32>], vector<16xf32>,
    %mul3A_673 = arith.mulf %gather3A_671, %gather3A_672 : vector<16xf32>
    %add3A_674 = arith.addf %mul3A_666, %mul3A_673 : vector<16xf32>
    %iota3A_675 = tpu.iota {dimensions = array<i32: 0>} : vector<16xi32>
    %add3A_676 = arith.constant 32 : i32
    %add3A_677 = vector.broadcast %add3A_676 : i32 to vector<16xi32>
    %add3A_678 = arith.addi %add3A_677, %iota3A_675 : vector<16xi32>
    %gather3A_679 = tpu.vector_load_idx %arg12[%add3A_678, %broadcast_in_dim3A_657] : memref<64x128xf32, #tpu.memory_space<vmem>>[vector<16xi32>, vector<16xi32>], vector<16xf32>,
    %gather3A_680 = tpu.vector_load_idx %arg15[%broadcast_in_dim3A_659, %add3A_678] : memref<8x128xf32, #tpu.memory_space<vmem>>[vector<16xi32>, vector<16xi32>], vector<16xf32>,
    %mul3A_681 = arith.mulf %gather3A_679, %gather3A_680 : vector<16xf32>
    %add3A_682 = arith.addf %add3A_674, %mul3A_681 : vector<16xf32>
    %iota3A_683 = tpu.iota {dimensions = array<i32: 0>} : vector<16xi32>
    %add3A_684 = arith.constant 48 : i32
    %add3A_685 = vector.broadcast %add3A_684 : i32 to vector<16xi32>
    %add3A_686 = arith.addi %add3A_685, %iota3A_683 : vector<16xi32>
    %gather3A_687 = tpu.vector_load_idx %arg12[%add3A_686, %broadcast_in_dim3A_657] : memref<64x128xf32, #tpu.memory_space<vmem>>[vector<16xi32>, vector<16xi32>], vector<16xf32>,
    %gather3A_688 = tpu.vector_load_idx %arg15[%broadcast_in_dim3A_659, %add3A_686] : memref<8x128xf32, #tpu.memory_space<vmem>>[vector<16xi32>, vector<16xi32>], vector<16xf32>,
    %mul3A_689 = arith.mulf %gather3A_687, %gather3A_688 : vector<16xf32>
    %add3A_690 = arith.addf %add3A_682, %mul3A_689 : vector<16xf32>
    %reduce_sum3A_691 = arith.constant true
    %reduce_sum3A_692 = vector.broadcast %reduce_sum3A_691 : i1 to vector<16xi1>
    %reduce_sum3A_693 = tpu.scan <sum>, %add3A_690 masked %reduce_sum3A_692 : vector<16xf32>, vector<16xi1> -> vector<16xf32>
    %reduce_sum3A_694 = vector.extract %reduce_sum3A_693[15] : f32 from vector<16xf32>
    %iota3A_695 = tpu.iota {dimensions = array<i32: 0>} : vector<16xi32>
    %eq3A_696 = arith.constant 5 : i32
    %eq3A_697 = vector.broadcast %eq3A_696 : i32 to vector<16xi32>
    %eq3A_698 = arith.cmpi eq, %iota3A_695, %eq3A_697 : vector<16xi32>
    %broadcast_in_dim3A_699 = vector.broadcast %reduce_sum3A_694 : f32 to vector<16xf32>
    %select_n3A_700 = arith.select %eq3A_698, %broadcast_in_dim3A_699, %select_n3A_614 : vector<16xi1>, vector<16xf32>
    %slice3A_701 = vector.extract_strided_slice %get3A_214 {offsets = [13], sizes = [1], strides = [1]} : vector<16xi32> to vector<1xi32>
    %squeeze3A_702 = vector.extract %slice3A_701[0] : i32 from vector<1xi32>
    %slice3A_703 = vector.extract_strided_slice %get3A_216 {offsets = [13], sizes = [1], strides = [1]} : vector<16xi32> to vector<1xi32>
    %squeeze3A_704 = vector.extract %slice3A_703[0] : i32 from vector<1xi32>
    %shift_right_arithmetic3A_705 = arith.constant 7 : i32
    %shift_right_arithmetic3A_706 = arith.shrsi %squeeze3A_702, %shift_right_arithmetic3A_705 : i32
    %mul3A_707 = arith.constant 128 : i32
    %mul3A_708 = arith.muli %shift_right_arithmetic3A_706, %mul3A_707 : i32
    %multiple_of3A_709 = tpu.assume_multiple %mul3A_708, 128 : i32
    %dma_start3A_710 = arith.constant 0 : i32
    %dma_start3A_711 = tpu.memref_slice %arg4[%dma_start3A_710, %multiple_of3A_709] : memref<64x1000000xf32, #tpu.memory_space<hbm>> -> memref<64x128xf32, #tpu.memory_space<hbm>>
    %dma_start3A_712 = arith.constant 0 : i32
    %dma_start3A_713 = tpu.memref_slice %arg4[%dma_start3A_712, %multiple_of3A_709] : memref<64x1000000xf32, #tpu.memory_space<hbm>> -> memref<64x128xf32, #tpu.memory_space<hbm>>
    tpu.enqueue_dma source(%dma_start3A_713 : memref<64x128xf32, #tpu.memory_space<hbm>>) target(%arg12 : memref<64x128xf32, #tpu.memory_space<vmem>>) target_semaphore(%arg24 : memref<!tpu.dma_semaphore, #tpu.memory_space<semaphore_mem>>)
    %dma_start3A_714 = arith.constant 5 : i32
    %dma_start3A_715 = arith.constant 0 : i32
    %dma_start3A_716 = tpu.memref_slice %arg15[%dma_start3A_714, %dma_start3A_715] : memref<8x128xf32, #tpu.memory_space<vmem>> -> memref<1x64xf32, #tpu.memory_space<vmem>>
    %dma_start3A_717 = tpu.memref_squeeze %dma_start3A_716 : memref<1x64xf32, #tpu.memory_space<vmem>> -> memref<64xf32, #tpu.memory_space<vmem>>
    %dma_start3A_718 = arith.constant 0 : i32
    %dma_start3A_719 = tpu.memref_slice %arg5[%squeeze3A_704, %dma_start3A_718] : memref<100000x64xf32, #tpu.memory_space<hbm>> -> memref<1x64xf32, #tpu.memory_space<hbm>>
    %dma_start3A_720 = tpu.memref_squeeze %dma_start3A_719 : memref<1x64xf32, #tpu.memory_space<hbm>> -> memref<64xf32, #tpu.memory_space<hbm>>
    %dma_start3A_721 = arith.constant 0 : i32
    %dma_start3A_722 = tpu.memref_slice %arg15[%dma_start3A_714, %dma_start3A_721] : memref<8x128xf32, #tpu.memory_space<vmem>> -> memref<1x64xf32, #tpu.memory_space<vmem>>
    %dma_start3A_723 = tpu.memref_squeeze %dma_start3A_722 : memref<1x64xf32, #tpu.memory_space<vmem>> -> memref<64xf32, #tpu.memory_space<vmem>>
    %dma_start3A_724 = arith.constant 0 : i32
    %dma_start3A_725 = tpu.memref_slice %arg5[%squeeze3A_704, %dma_start3A_724] : memref<100000x64xf32, #tpu.memory_space<hbm>> -> memref<1x64xf32, #tpu.memory_space<hbm>>
    %dma_start3A_726 = tpu.memref_squeeze %dma_start3A_725 : memref<1x64xf32, #tpu.memory_space<hbm>> -> memref<64xf32, #tpu.memory_space<hbm>>
    tpu.enqueue_dma source(%dma_start3A_726 : memref<64xf32, #tpu.memory_space<hbm>>) target(%dma_start3A_723 : memref<64xf32, #tpu.memory_space<vmem>>) target_semaphore(%arg24 : memref<!tpu.dma_semaphore, #tpu.memory_space<semaphore_mem>>)
    %dma_wait3A_727 = arith.constant 0 : i32
    %dma_wait3A_728 = tpu.memref_slice %arg6[%dma_wait3A_727] : memref<16384xf32, #tpu.memory_space<hbm>> -> memref<8192xf32, #tpu.memory_space<hbm>>
    %dma_wait3A_729 = arith.constant 0 : i32
    %dma_wait3A_730 = tpu.memref_slice %arg6[%dma_wait3A_729] : memref<16384xf32, #tpu.memory_space<hbm>> -> memref<8192xf32, #tpu.memory_space<hbm>>
    tpu.wait_dma2 semaphore(%arg25 : memref<!tpu.dma_semaphore, #tpu.memory_space<semaphore_mem>>) src(%dma_wait3A_730 : memref<8192xf32, #tpu.memory_space<hbm>>) dst(%arg18 : memref<8192xf32, #tpu.memory_space<vmem>>)
    %dma_wait3A_731 = arith.constant 0 : i32
    %dma_wait3A_732 = tpu.memref_slice %arg18[%dma_wait3A_731] : memref<8192xf32, #tpu.memory_space<vmem>> -> memref<64xf32, #tpu.memory_space<vmem>>
    %dma_wait3A_733 = arith.constant 0 : i32
    %dma_wait3A_734 = tpu.memref_slice %arg6[%dma_wait3A_733] : memref<16384xf32, #tpu.memory_space<hbm>> -> memref<64xf32, #tpu.memory_space<hbm>>
    %dma_wait3A_735 = arith.constant 0 : i32
    %dma_wait3A_736 = tpu.memref_slice %arg18[%dma_wait3A_735] : memref<8192xf32, #tpu.memory_space<vmem>> -> memref<64xf32, #tpu.memory_space<vmem>>
    %dma_wait3A_737 = arith.constant 0 : i32
    %dma_wait3A_738 = tpu.memref_slice %arg6[%dma_wait3A_737] : memref<16384xf32, #tpu.memory_space<hbm>> -> memref<64xf32, #tpu.memory_space<hbm>>
    tpu.wait_dma2 semaphore(%arg25 : memref<!tpu.dma_semaphore, #tpu.memory_space<semaphore_mem>>) src(%dma_wait3A_738 : memref<64xf32, #tpu.memory_space<hbm>>) dst(%dma_wait3A_736 : memref<64xf32, #tpu.memory_space<vmem>>)
    %slice3A_739 = vector.extract_strided_slice %get3A_214 {offsets = [6], sizes = [1], strides = [1]} : vector<16xi32> to vector<1xi32>
    %squeeze3A_740 = vector.extract %slice3A_739[0] : i32 from vector<1xi32>
    %and3A_741 = arith.constant 127 : i32
    %and3A_742 = arith.andi %squeeze3A_740, %and3A_741 : i32
    %broadcast_in_dim3A_743 = vector.broadcast %and3A_742 : i32 to vector<16xi32>
    %broadcast_in_dim3A_744 = arith.constant 6 : i32
    %broadcast_in_dim3A_745 = vector.broadcast %broadcast_in_dim3A_744 : i32 to vector<16xi32>
    %iota3A_746 = tpu.iota {dimensions = array<i32: 0>} : vector<16xi32>
    %add3A_747 = arith.constant 0 : i32
    %add3A_748 = vector.broadcast %add3A_747 : i32 to vector<16xi32>
    %add3A_749 = arith.addi %add3A_748, %iota3A_746 : vector<16xi32>
    %gather3A_750 = tpu.vector_load_idx %arg13[%add3A_749, %broadcast_in_dim3A_743] : memref<64x128xf32, #tpu.memory_space<vmem>>[vector<16xi32>, vector<16xi32>], vector<16xf32>,
    %gather3A_751 = tpu.vector_load_idx %arg15[%broadcast_in_dim3A_745, %add3A_749] : memref<8x128xf32, #tpu.memory_space<vmem>>[vector<16xi32>, vector<16xi32>], vector<16xf32>,
    %mul3A_752 = arith.mulf %gather3A_750, %gather3A_751 : vector<16xf32>
    %iota3A_753 = tpu.iota {dimensions = array<i32: 0>} : vector<16xi32>
    %add3A_754 = arith.constant 16 : i32
    %add3A_755 = vector.broadcast %add3A_754 : i32 to vector<16xi32>
    %add3A_756 = arith.addi %add3A_755, %iota3A_753 : vector<16xi32>
    %gather3A_757 = tpu.vector_load_idx %arg13[%add3A_756, %broadcast_in_dim3A_743] : memref<64x128xf32, #tpu.memory_space<vmem>>[vector<16xi32>, vector<16xi32>], vector<16xf32>,
    %gather3A_758 = tpu.vector_load_idx %arg15[%broadcast_in_dim3A_745, %add3A_756] : memref<8x128xf32, #tpu.memory_space<vmem>>[vector<16xi32>, vector<16xi32>], vector<16xf32>,
    %mul3A_759 = arith.mulf %gather3A_757, %gather3A_758 : vector<16xf32>
    %add3A_760 = arith.addf %mul3A_752, %mul3A_759 : vector<16xf32>
    %iota3A_761 = tpu.iota {dimensions = array<i32: 0>} : vector<16xi32>
    %add3A_762 = arith.constant 32 : i32
    %add3A_763 = vector.broadcast %add3A_762 : i32 to vector<16xi32>
    %add3A_764 = arith.addi %add3A_763, %iota3A_761 : vector<16xi32>
    %gather3A_765 = tpu.vector_load_idx %arg13[%add3A_764, %broadcast_in_dim3A_743] : memref<64x128xf32, #tpu.memory_space<vmem>>[vector<16xi32>, vector<16xi32>], vector<16xf32>,
    %gather3A_766 = tpu.vector_load_idx %arg15[%broadcast_in_dim3A_745, %add3A_764] : memref<8x128xf32, #tpu.memory_space<vmem>>[vector<16xi32>, vector<16xi32>], vector<16xf32>,
    %mul3A_767 = arith.mulf %gather3A_765, %gather3A_766 : vector<16xf32>
    %add3A_768 = arith.addf %add3A_760, %mul3A_767 : vector<16xf32>
    %iota3A_769 = tpu.iota {dimensions = array<i32: 0>} : vector<16xi32>
    %add3A_770 = arith.constant 48 : i32
    %add3A_771 = vector.broadcast %add3A_770 : i32 to vector<16xi32>
    %add3A_772 = arith.addi %add3A_771, %iota3A_769 : vector<16xi32>
    %gather3A_773 = tpu.vector_load_idx %arg13[%add3A_772, %broadcast_in_dim3A_743] : memref<64x128xf32, #tpu.memory_space<vmem>>[vector<16xi32>, vector<16xi32>], vector<16xf32>,
    %gather3A_774 = tpu.vector_load_idx %arg15[%broadcast_in_dim3A_745, %add3A_772] : memref<8x128xf32, #tpu.memory_space<vmem>>[vector<16xi32>, vector<16xi32>], vector<16xf32>,
    %mul3A_775 = arith.mulf %gather3A_773, %gather3A_774 : vector<16xf32>
    %add3A_776 = arith.addf %add3A_768, %mul3A_775 : vector<16xf32>
    %reduce_sum3A_777 = arith.constant true
    %reduce_sum3A_778 = vector.broadcast %reduce_sum3A_777 : i1 to vector<16xi1>
    %reduce_sum3A_779 = tpu.scan <sum>, %add3A_776 masked %reduce_sum3A_778 : vector<16xf32>, vector<16xi1> -> vector<16xf32>
    %reduce_sum3A_780 = vector.extract %reduce_sum3A_779[15] : f32 from vector<16xf32>
    %iota3A_781 = tpu.iota {dimensions = array<i32: 0>} : vector<16xi32>
    %eq3A_782 = arith.constant 6 : i32
    %eq3A_783 = vector.broadcast %eq3A_782 : i32 to vector<16xi32>
    %eq3A_784 = arith.cmpi eq, %iota3A_781, %eq3A_783 : vector<16xi32>
    %broadcast_in_dim3A_785 = vector.broadcast %reduce_sum3A_780 : f32 to vector<16xf32>
    %select_n3A_786 = arith.select %eq3A_784, %broadcast_in_dim3A_785, %select_n3A_700 : vector<16xi1>, vector<16xf32>
    %slice3A_787 = vector.extract_strided_slice %get3A_214 {offsets = [14], sizes = [1], strides = [1]} : vector<16xi32> to vector<1xi32>
    %squeeze3A_788 = vector.extract %slice3A_787[0] : i32 from vector<1xi32>
    %slice3A_789 = vector.extract_strided_slice %get3A_216 {offsets = [14], sizes = [1], strides = [1]} : vector<16xi32> to vector<1xi32>
    %squeeze3A_790 = vector.extract %slice3A_789[0] : i32 from vector<1xi32>
    %shift_right_arithmetic3A_791 = arith.constant 7 : i32
    %shift_right_arithmetic3A_792 = arith.shrsi %squeeze3A_788, %shift_right_arithmetic3A_791 : i32
    %mul3A_793 = arith.constant 128 : i32
    %mul3A_794 = arith.muli %shift_right_arithmetic3A_792, %mul3A_793 : i32
    %multiple_of3A_795 = tpu.assume_multiple %mul3A_794, 128 : i32
    %dma_start3A_796 = arith.constant 0 : i32
    %dma_start3A_797 = tpu.memref_slice %arg4[%dma_start3A_796, %multiple_of3A_795] : memref<64x1000000xf32, #tpu.memory_space<hbm>> -> memref<64x128xf32, #tpu.memory_space<hbm>>
    %dma_start3A_798 = arith.constant 0 : i32
    %dma_start3A_799 = tpu.memref_slice %arg4[%dma_start3A_798, %multiple_of3A_795] : memref<64x1000000xf32, #tpu.memory_space<hbm>> -> memref<64x128xf32, #tpu.memory_space<hbm>>
    tpu.enqueue_dma source(%dma_start3A_799 : memref<64x128xf32, #tpu.memory_space<hbm>>) target(%arg13 : memref<64x128xf32, #tpu.memory_space<vmem>>) target_semaphore(%arg25 : memref<!tpu.dma_semaphore, #tpu.memory_space<semaphore_mem>>)
    %dma_start3A_800 = arith.constant 6 : i32
    %dma_start3A_801 = arith.constant 0 : i32
    %dma_start3A_802 = tpu.memref_slice %arg15[%dma_start3A_800, %dma_start3A_801] : memref<8x128xf32, #tpu.memory_space<vmem>> -> memref<1x64xf32, #tpu.memory_space<vmem>>
    %dma_start3A_803 = tpu.memref_squeeze %dma_start3A_802 : memref<1x64xf32, #tpu.memory_space<vmem>> -> memref<64xf32, #tpu.memory_space<vmem>>
    %dma_start3A_804 = arith.constant 0 : i32
    %dma_start3A_805 = tpu.memref_slice %arg5[%squeeze3A_790, %dma_start3A_804] : memref<100000x64xf32, #tpu.memory_space<hbm>> -> memref<1x64xf32, #tpu.memory_space<hbm>>
    %dma_start3A_806 = tpu.memref_squeeze %dma_start3A_805 : memref<1x64xf32, #tpu.memory_space<hbm>> -> memref<64xf32, #tpu.memory_space<hbm>>
    %dma_start3A_807 = arith.constant 0 : i32
    %dma_start3A_808 = tpu.memref_slice %arg15[%dma_start3A_800, %dma_start3A_807] : memref<8x128xf32, #tpu.memory_space<vmem>> -> memref<1x64xf32, #tpu.memory_space<vmem>>
    %dma_start3A_809 = tpu.memref_squeeze %dma_start3A_808 : memref<1x64xf32, #tpu.memory_space<vmem>> -> memref<64xf32, #tpu.memory_space<vmem>>
    %dma_start3A_810 = arith.constant 0 : i32
    %dma_start3A_811 = tpu.memref_slice %arg5[%squeeze3A_790, %dma_start3A_810] : memref<100000x64xf32, #tpu.memory_space<hbm>> -> memref<1x64xf32, #tpu.memory_space<hbm>>
    %dma_start3A_812 = tpu.memref_squeeze %dma_start3A_811 : memref<1x64xf32, #tpu.memory_space<hbm>> -> memref<64xf32, #tpu.memory_space<hbm>>
    tpu.enqueue_dma source(%dma_start3A_812 : memref<64xf32, #tpu.memory_space<hbm>>) target(%dma_start3A_809 : memref<64xf32, #tpu.memory_space<vmem>>) target_semaphore(%arg25 : memref<!tpu.dma_semaphore, #tpu.memory_space<semaphore_mem>>)
    %dma_wait3A_813 = arith.constant 0 : i32
    %dma_wait3A_814 = tpu.memref_slice %arg6[%dma_wait3A_813] : memref<16384xf32, #tpu.memory_space<hbm>> -> memref<8192xf32, #tpu.memory_space<hbm>>
    %dma_wait3A_815 = arith.constant 0 : i32
    %dma_wait3A_816 = tpu.memref_slice %arg6[%dma_wait3A_815] : memref<16384xf32, #tpu.memory_space<hbm>> -> memref<8192xf32, #tpu.memory_space<hbm>>
    tpu.wait_dma2 semaphore(%arg26 : memref<!tpu.dma_semaphore, #tpu.memory_space<semaphore_mem>>) src(%dma_wait3A_816 : memref<8192xf32, #tpu.memory_space<hbm>>) dst(%arg18 : memref<8192xf32, #tpu.memory_space<vmem>>)
    %dma_wait3A_817 = arith.constant 0 : i32
    %dma_wait3A_818 = tpu.memref_slice %arg18[%dma_wait3A_817] : memref<8192xf32, #tpu.memory_space<vmem>> -> memref<64xf32, #tpu.memory_space<vmem>>
    %dma_wait3A_819 = arith.constant 0 : i32
    %dma_wait3A_820 = tpu.memref_slice %arg6[%dma_wait3A_819] : memref<16384xf32, #tpu.memory_space<hbm>> -> memref<64xf32, #tpu.memory_space<hbm>>
    %dma_wait3A_821 = arith.constant 0 : i32
    %dma_wait3A_822 = tpu.memref_slice %arg18[%dma_wait3A_821] : memref<8192xf32, #tpu.memory_space<vmem>> -> memref<64xf32, #tpu.memory_space<vmem>>
    %dma_wait3A_823 = arith.constant 0 : i32
    %dma_wait3A_824 = tpu.memref_slice %arg6[%dma_wait3A_823] : memref<16384xf32, #tpu.memory_space<hbm>> -> memref<64xf32, #tpu.memory_space<hbm>>
    tpu.wait_dma2 semaphore(%arg26 : memref<!tpu.dma_semaphore, #tpu.memory_space<semaphore_mem>>) src(%dma_wait3A_824 : memref<64xf32, #tpu.memory_space<hbm>>) dst(%dma_wait3A_822 : memref<64xf32, #tpu.memory_space<vmem>>)
    %slice3A_825 = vector.extract_strided_slice %get3A_214 {offsets = [7], sizes = [1], strides = [1]} : vector<16xi32> to vector<1xi32>
    %squeeze3A_826 = vector.extract %slice3A_825[0] : i32 from vector<1xi32>
    %and3A_827 = arith.constant 127 : i32
    %and3A_828 = arith.andi %squeeze3A_826, %and3A_827 : i32
    %broadcast_in_dim3A_829 = vector.broadcast %and3A_828 : i32 to vector<16xi32>
    %broadcast_in_dim3A_830 = arith.constant 7 : i32
    %broadcast_in_dim3A_831 = vector.broadcast %broadcast_in_dim3A_830 : i32 to vector<16xi32>
    %iota3A_832 = tpu.iota {dimensions = array<i32: 0>} : vector<16xi32>
    %add3A_833 = arith.constant 0 : i32
    %add3A_834 = vector.broadcast %add3A_833 : i32 to vector<16xi32>
    %add3A_835 = arith.addi %add3A_834, %iota3A_832 : vector<16xi32>
    %gather3A_836 = tpu.vector_load_idx %arg14[%add3A_835, %broadcast_in_dim3A_829] : memref<64x128xf32, #tpu.memory_space<vmem>>[vector<16xi32>, vector<16xi32>], vector<16xf32>,
    %gather3A_837 = tpu.vector_load_idx %arg15[%broadcast_in_dim3A_831, %add3A_835] : memref<8x128xf32, #tpu.memory_space<vmem>>[vector<16xi32>, vector<16xi32>], vector<16xf32>,
    %mul3A_838 = arith.mulf %gather3A_836, %gather3A_837 : vector<16xf32>
    %iota3A_839 = tpu.iota {dimensions = array<i32: 0>} : vector<16xi32>
    %add3A_840 = arith.constant 16 : i32
    %add3A_841 = vector.broadcast %add3A_840 : i32 to vector<16xi32>
    %add3A_842 = arith.addi %add3A_841, %iota3A_839 : vector<16xi32>
    %gather3A_843 = tpu.vector_load_idx %arg14[%add3A_842, %broadcast_in_dim3A_829] : memref<64x128xf32, #tpu.memory_space<vmem>>[vector<16xi32>, vector<16xi32>], vector<16xf32>,
    %gather3A_844 = tpu.vector_load_idx %arg15[%broadcast_in_dim3A_831, %add3A_842] : memref<8x128xf32, #tpu.memory_space<vmem>>[vector<16xi32>, vector<16xi32>], vector<16xf32>,
    %mul3A_845 = arith.mulf %gather3A_843, %gather3A_844 : vector<16xf32>
    %add3A_846 = arith.addf %mul3A_838, %mul3A_845 : vector<16xf32>
    %iota3A_847 = tpu.iota {dimensions = array<i32: 0>} : vector<16xi32>
    %add3A_848 = arith.constant 32 : i32
    %add3A_849 = vector.broadcast %add3A_848 : i32 to vector<16xi32>
    %add3A_850 = arith.addi %add3A_849, %iota3A_847 : vector<16xi32>
    %gather3A_851 = tpu.vector_load_idx %arg14[%add3A_850, %broadcast_in_dim3A_829] : memref<64x128xf32, #tpu.memory_space<vmem>>[vector<16xi32>, vector<16xi32>], vector<16xf32>,
    %gather3A_852 = tpu.vector_load_idx %arg15[%broadcast_in_dim3A_831, %add3A_850] : memref<8x128xf32, #tpu.memory_space<vmem>>[vector<16xi32>, vector<16xi32>], vector<16xf32>,
    %mul3A_853 = arith.mulf %gather3A_851, %gather3A_852 : vector<16xf32>
    %add3A_854 = arith.addf %add3A_846, %mul3A_853 : vector<16xf32>
    %iota3A_855 = tpu.iota {dimensions = array<i32: 0>} : vector<16xi32>
    %add3A_856 = arith.constant 48 : i32
    %add3A_857 = vector.broadcast %add3A_856 : i32 to vector<16xi32>
    %add3A_858 = arith.addi %add3A_857, %iota3A_855 : vector<16xi32>
    %gather3A_859 = tpu.vector_load_idx %arg14[%add3A_858, %broadcast_in_dim3A_829] : memref<64x128xf32, #tpu.memory_space<vmem>>[vector<16xi32>, vector<16xi32>], vector<16xf32>,
    %gather3A_860 = tpu.vector_load_idx %arg15[%broadcast_in_dim3A_831, %add3A_858] : memref<8x128xf32, #tpu.memory_space<vmem>>[vector<16xi32>, vector<16xi32>], vector<16xf32>,
    %mul3A_861 = arith.mulf %gather3A_859, %gather3A_860 : vector<16xf32>
    %add3A_862 = arith.addf %add3A_854, %mul3A_861 : vector<16xf32>
    %reduce_sum3A_863 = arith.constant true
    %reduce_sum3A_864 = vector.broadcast %reduce_sum3A_863 : i1 to vector<16xi1>
    %reduce_sum3A_865 = tpu.scan <sum>, %add3A_862 masked %reduce_sum3A_864 : vector<16xf32>, vector<16xi1> -> vector<16xf32>
    %reduce_sum3A_866 = vector.extract %reduce_sum3A_865[15] : f32 from vector<16xf32>
    %iota3A_867 = tpu.iota {dimensions = array<i32: 0>} : vector<16xi32>
    %eq3A_868 = arith.constant 7 : i32
    %eq3A_869 = vector.broadcast %eq3A_868 : i32 to vector<16xi32>
    %eq3A_870 = arith.cmpi eq, %iota3A_867, %eq3A_869 : vector<16xi32>
    %broadcast_in_dim3A_871 = vector.broadcast %reduce_sum3A_866 : f32 to vector<16xf32>
    %select_n3A_872 = arith.select %eq3A_870, %broadcast_in_dim3A_871, %select_n3A_786 : vector<16xi1>, vector<16xf32>
    %slice3A_873 = vector.extract_strided_slice %get3A_214 {offsets = [15], sizes = [1], strides = [1]} : vector<16xi32> to vector<1xi32>
    %squeeze3A_874 = vector.extract %slice3A_873[0] : i32 from vector<1xi32>
    %slice3A_875 = vector.extract_strided_slice %get3A_216 {offsets = [15], sizes = [1], strides = [1]} : vector<16xi32> to vector<1xi32>
    %squeeze3A_876 = vector.extract %slice3A_875[0] : i32 from vector<1xi32>
    %shift_right_arithmetic3A_877 = arith.constant 7 : i32
    %shift_right_arithmetic3A_878 = arith.shrsi %squeeze3A_874, %shift_right_arithmetic3A_877 : i32
    %mul3A_879 = arith.constant 128 : i32
    %mul3A_880 = arith.muli %shift_right_arithmetic3A_878, %mul3A_879 : i32
    %multiple_of3A_881 = tpu.assume_multiple %mul3A_880, 128 : i32
    %dma_start3A_882 = arith.constant 0 : i32
    %dma_start3A_883 = tpu.memref_slice %arg4[%dma_start3A_882, %multiple_of3A_881] : memref<64x1000000xf32, #tpu.memory_space<hbm>> -> memref<64x128xf32, #tpu.memory_space<hbm>>
    %dma_start3A_884 = arith.constant 0 : i32
    %dma_start3A_885 = tpu.memref_slice %arg4[%dma_start3A_884, %multiple_of3A_881] : memref<64x1000000xf32, #tpu.memory_space<hbm>> -> memref<64x128xf32, #tpu.memory_space<hbm>>
    tpu.enqueue_dma source(%dma_start3A_885 : memref<64x128xf32, #tpu.memory_space<hbm>>) target(%arg14 : memref<64x128xf32, #tpu.memory_space<vmem>>) target_semaphore(%arg26 : memref<!tpu.dma_semaphore, #tpu.memory_space<semaphore_mem>>)
    %dma_start3A_886 = arith.constant 7 : i32
    %dma_start3A_887 = arith.constant 0 : i32
    %dma_start3A_888 = tpu.memref_slice %arg15[%dma_start3A_886, %dma_start3A_887] : memref<8x128xf32, #tpu.memory_space<vmem>> -> memref<1x64xf32, #tpu.memory_space<vmem>>
    %dma_start3A_889 = tpu.memref_squeeze %dma_start3A_888 : memref<1x64xf32, #tpu.memory_space<vmem>> -> memref<64xf32, #tpu.memory_space<vmem>>
    %dma_start3A_890 = arith.constant 0 : i32
    %dma_start3A_891 = tpu.memref_slice %arg5[%squeeze3A_876, %dma_start3A_890] : memref<100000x64xf32, #tpu.memory_space<hbm>> -> memref<1x64xf32, #tpu.memory_space<hbm>>
    %dma_start3A_892 = tpu.memref_squeeze %dma_start3A_891 : memref<1x64xf32, #tpu.memory_space<hbm>> -> memref<64xf32, #tpu.memory_space<hbm>>
    %dma_start3A_893 = arith.constant 0 : i32
    %dma_start3A_894 = tpu.memref_slice %arg15[%dma_start3A_886, %dma_start3A_893] : memref<8x128xf32, #tpu.memory_space<vmem>> -> memref<1x64xf32, #tpu.memory_space<vmem>>
    %dma_start3A_895 = tpu.memref_squeeze %dma_start3A_894 : memref<1x64xf32, #tpu.memory_space<vmem>> -> memref<64xf32, #tpu.memory_space<vmem>>
    %dma_start3A_896 = arith.constant 0 : i32
    %dma_start3A_897 = tpu.memref_slice %arg5[%squeeze3A_876, %dma_start3A_896] : memref<100000x64xf32, #tpu.memory_space<hbm>> -> memref<1x64xf32, #tpu.memory_space<hbm>>
    %dma_start3A_898 = tpu.memref_squeeze %dma_start3A_897 : memref<1x64xf32, #tpu.memory_space<hbm>> -> memref<64xf32, #tpu.memory_space<hbm>>
    tpu.enqueue_dma source(%dma_start3A_898 : memref<64xf32, #tpu.memory_space<hbm>>) target(%dma_start3A_895 : memref<64xf32, #tpu.memory_space<vmem>>) target_semaphore(%arg26 : memref<!tpu.dma_semaphore, #tpu.memory_space<semaphore_mem>>)
    %dma_wait3A_899 = arith.constant 0 : i32
    %dma_wait3A_900 = tpu.memref_slice %arg6[%dma_wait3A_899] : memref<16384xf32, #tpu.memory_space<hbm>> -> memref<8192xf32, #tpu.memory_space<hbm>>
    %dma_wait3A_901 = arith.constant 0 : i32
    %dma_wait3A_902 = tpu.memref_slice %arg6[%dma_wait3A_901] : memref<16384xf32, #tpu.memory_space<hbm>> -> memref<8192xf32, #tpu.memory_space<hbm>>
    tpu.wait_dma2 semaphore(%arg19 : memref<!tpu.dma_semaphore, #tpu.memory_space<semaphore_mem>>) src(%dma_wait3A_902 : memref<8192xf32, #tpu.memory_space<hbm>>) dst(%arg18 : memref<8192xf32, #tpu.memory_space<vmem>>)
    %dma_wait3A_903 = arith.constant 0 : i32
    %dma_wait3A_904 = tpu.memref_slice %arg18[%dma_wait3A_903] : memref<8192xf32, #tpu.memory_space<vmem>> -> memref<64xf32, #tpu.memory_space<vmem>>
    %dma_wait3A_905 = arith.constant 0 : i32
    %dma_wait3A_906 = tpu.memref_slice %arg6[%dma_wait3A_905] : memref<16384xf32, #tpu.memory_space<hbm>> -> memref<64xf32, #tpu.memory_space<hbm>>
    %dma_wait3A_907 = arith.constant 0 : i32
    %dma_wait3A_908 = tpu.memref_slice %arg18[%dma_wait3A_907] : memref<8192xf32, #tpu.memory_space<vmem>> -> memref<64xf32, #tpu.memory_space<vmem>>
    %dma_wait3A_909 = arith.constant 0 : i32
    %dma_wait3A_910 = tpu.memref_slice %arg6[%dma_wait3A_909] : memref<16384xf32, #tpu.memory_space<hbm>> -> memref<64xf32, #tpu.memory_space<hbm>>
    tpu.wait_dma2 semaphore(%arg19 : memref<!tpu.dma_semaphore, #tpu.memory_space<semaphore_mem>>) src(%dma_wait3A_910 : memref<64xf32, #tpu.memory_space<hbm>>) dst(%dma_wait3A_908 : memref<64xf32, #tpu.memory_space<vmem>>)
    %slice3A_911 = vector.extract_strided_slice %get3A_214 {offsets = [8], sizes = [1], strides = [1]} : vector<16xi32> to vector<1xi32>
    %squeeze3A_912 = vector.extract %slice3A_911[0] : i32 from vector<1xi32>
    %and3A_913 = arith.constant 127 : i32
    %and3A_914 = arith.andi %squeeze3A_912, %and3A_913 : i32
    %broadcast_in_dim3A_915 = vector.broadcast %and3A_914 : i32 to vector<16xi32>
    %broadcast_in_dim3A_916 = arith.constant 0 : i32
    %broadcast_in_dim3A_917 = vector.broadcast %broadcast_in_dim3A_916 : i32 to vector<16xi32>
    %iota3A_918 = tpu.iota {dimensions = array<i32: 0>} : vector<16xi32>
    %add3A_919 = arith.constant 0 : i32
    %add3A_920 = vector.broadcast %add3A_919 : i32 to vector<16xi32>
    %add3A_921 = arith.addi %add3A_920, %iota3A_918 : vector<16xi32>
    %gather3A_922 = tpu.vector_load_idx %arg7[%add3A_921, %broadcast_in_dim3A_915] : memref<64x128xf32, #tpu.memory_space<vmem>>[vector<16xi32>, vector<16xi32>], vector<16xf32>,
    %gather3A_923 = tpu.vector_load_idx %arg15[%broadcast_in_dim3A_917, %add3A_921] : memref<8x128xf32, #tpu.memory_space<vmem>>[vector<16xi32>, vector<16xi32>], vector<16xf32>,
    %mul3A_924 = arith.mulf %gather3A_922, %gather3A_923 : vector<16xf32>
    %iota3A_925 = tpu.iota {dimensions = array<i32: 0>} : vector<16xi32>
    %add3A_926 = arith.constant 16 : i32
    %add3A_927 = vector.broadcast %add3A_926 : i32 to vector<16xi32>
    %add3A_928 = arith.addi %add3A_927, %iota3A_925 : vector<16xi32>
    %gather3A_929 = tpu.vector_load_idx %arg7[%add3A_928, %broadcast_in_dim3A_915] : memref<64x128xf32, #tpu.memory_space<vmem>>[vector<16xi32>, vector<16xi32>], vector<16xf32>,
    %gather3A_930 = tpu.vector_load_idx %arg15[%broadcast_in_dim3A_917, %add3A_928] : memref<8x128xf32, #tpu.memory_space<vmem>>[vector<16xi32>, vector<16xi32>], vector<16xf32>,
    %mul3A_931 = arith.mulf %gather3A_929, %gather3A_930 : vector<16xf32>
    %add3A_932 = arith.addf %mul3A_924, %mul3A_931 : vector<16xf32>
    %iota3A_933 = tpu.iota {dimensions = array<i32: 0>} : vector<16xi32>
    %add3A_934 = arith.constant 32 : i32
    %add3A_935 = vector.broadcast %add3A_934 : i32 to vector<16xi32>
    %add3A_936 = arith.addi %add3A_935, %iota3A_933 : vector<16xi32>
    %gather3A_937 = tpu.vector_load_idx %arg7[%add3A_936, %broadcast_in_dim3A_915] : memref<64x128xf32, #tpu.memory_space<vmem>>[vector<16xi32>, vector<16xi32>], vector<16xf32>,
    %gather3A_938 = tpu.vector_load_idx %arg15[%broadcast_in_dim3A_917, %add3A_936] : memref<8x128xf32, #tpu.memory_space<vmem>>[vector<16xi32>, vector<16xi32>], vector<16xf32>,
    %mul3A_939 = arith.mulf %gather3A_937, %gather3A_938 : vector<16xf32>
    %add3A_940 = arith.addf %add3A_932, %mul3A_939 : vector<16xf32>
    %iota3A_941 = tpu.iota {dimensions = array<i32: 0>} : vector<16xi32>
    %add3A_942 = arith.constant 48 : i32
    %add3A_943 = vector.broadcast %add3A_942 : i32 to vector<16xi32>
    %add3A_944 = arith.addi %add3A_943, %iota3A_941 : vector<16xi32>
    %gather3A_945 = tpu.vector_load_idx %arg7[%add3A_944, %broadcast_in_dim3A_915] : memref<64x128xf32, #tpu.memory_space<vmem>>[vector<16xi32>, vector<16xi32>], vector<16xf32>,
    %gather3A_946 = tpu.vector_load_idx %arg15[%broadcast_in_dim3A_917, %add3A_944] : memref<8x128xf32, #tpu.memory_space<vmem>>[vector<16xi32>, vector<16xi32>], vector<16xf32>,
    %mul3A_947 = arith.mulf %gather3A_945, %gather3A_946 : vector<16xf32>
    %add3A_948 = arith.addf %add3A_940, %mul3A_947 : vector<16xf32>
    %reduce_sum3A_949 = arith.constant true
    %reduce_sum3A_950 = vector.broadcast %reduce_sum3A_949 : i1 to vector<16xi1>
    %reduce_sum3A_951 = tpu.scan <sum>, %add3A_948 masked %reduce_sum3A_950 : vector<16xf32>, vector<16xi1> -> vector<16xf32>
    %reduce_sum3A_952 = vector.extract %reduce_sum3A_951[15] : f32 from vector<16xf32>
    %iota3A_953 = tpu.iota {dimensions = array<i32: 0>} : vector<16xi32>
    %eq3A_954 = arith.constant 8 : i32
    %eq3A_955 = vector.broadcast %eq3A_954 : i32 to vector<16xi32>
    %eq3A_956 = arith.cmpi eq, %iota3A_953, %eq3A_955 : vector<16xi32>
    %broadcast_in_dim3A_957 = vector.broadcast %reduce_sum3A_952 : f32 to vector<16xf32>
    %select_n3A_958 = arith.select %eq3A_956, %broadcast_in_dim3A_957, %select_n3A_872 : vector<16xi1>, vector<16xf32>
    %dma_wait3A_959 = arith.constant 0 : i32
    %dma_wait3A_960 = tpu.memref_slice %arg6[%dma_wait3A_959] : memref<16384xf32, #tpu.memory_space<hbm>> -> memref<8192xf32, #tpu.memory_space<hbm>>
    %dma_wait3A_961 = arith.constant 0 : i32
    %dma_wait3A_962 = tpu.memref_slice %arg6[%dma_wait3A_961] : memref<16384xf32, #tpu.memory_space<hbm>> -> memref<8192xf32, #tpu.memory_space<hbm>>
    tpu.wait_dma2 semaphore(%arg20 : memref<!tpu.dma_semaphore, #tpu.memory_space<semaphore_mem>>) src(%dma_wait3A_962 : memref<8192xf32, #tpu.memory_space<hbm>>) dst(%arg18 : memref<8192xf32, #tpu.memory_space<vmem>>)
    %dma_wait3A_963 = arith.constant 0 : i32
    %dma_wait3A_964 = tpu.memref_slice %arg18[%dma_wait3A_963] : memref<8192xf32, #tpu.memory_space<vmem>> -> memref<64xf32, #tpu.memory_space<vmem>>
    %dma_wait3A_965 = arith.constant 0 : i32
    %dma_wait3A_966 = tpu.memref_slice %arg6[%dma_wait3A_965] : memref<16384xf32, #tpu.memory_space<hbm>> -> memref<64xf32, #tpu.memory_space<hbm>>
    %dma_wait3A_967 = arith.constant 0 : i32
    %dma_wait3A_968 = tpu.memref_slice %arg18[%dma_wait3A_967] : memref<8192xf32, #tpu.memory_space<vmem>> -> memref<64xf32, #tpu.memory_space<vmem>>
    %dma_wait3A_969 = arith.constant 0 : i32
    %dma_wait3A_970 = tpu.memref_slice %arg6[%dma_wait3A_969] : memref<16384xf32, #tpu.memory_space<hbm>> -> memref<64xf32, #tpu.memory_space<hbm>>
    tpu.wait_dma2 semaphore(%arg20 : memref<!tpu.dma_semaphore, #tpu.memory_space<semaphore_mem>>) src(%dma_wait3A_970 : memref<64xf32, #tpu.memory_space<hbm>>) dst(%dma_wait3A_968 : memref<64xf32, #tpu.memory_space<vmem>>)
    %slice3A_971 = vector.extract_strided_slice %get3A_214 {offsets = [9], sizes = [1], strides = [1]} : vector<16xi32> to vector<1xi32>
    %squeeze3A_972 = vector.extract %slice3A_971[0] : i32 from vector<1xi32>
    %and3A_973 = arith.constant 127 : i32
    %and3A_974 = arith.andi %squeeze3A_972, %and3A_973 : i32
    %broadcast_in_dim3A_975 = vector.broadcast %and3A_974 : i32 to vector<16xi32>
    %broadcast_in_dim3A_976 = arith.constant 1 : i32
    %broadcast_in_dim3A_977 = vector.broadcast %broadcast_in_dim3A_976 : i32 to vector<16xi32>
    %iota3A_978 = tpu.iota {dimensions = array<i32: 0>} : vector<16xi32>
    %add3A_979 = arith.constant 0 : i32
    %add3A_980 = vector.broadcast %add3A_979 : i32 to vector<16xi32>
    %add3A_981 = arith.addi %add3A_980, %iota3A_978 : vector<16xi32>
    %gather3A_982 = tpu.vector_load_idx %arg8[%add3A_981, %broadcast_in_dim3A_975] : memref<64x128xf32, #tpu.memory_space<vmem>>[vector<16xi32>, vector<16xi32>], vector<16xf32>,
    %gather3A_983 = tpu.vector_load_idx %arg15[%broadcast_in_dim3A_977, %add3A_981] : memref<8x128xf32, #tpu.memory_space<vmem>>[vector<16xi32>, vector<16xi32>], vector<16xf32>,
    %mul3A_984 = arith.mulf %gather3A_982, %gather3A_983 : vector<16xf32>
    %iota3A_985 = tpu.iota {dimensions = array<i32: 0>} : vector<16xi32>
    %add3A_986 = arith.constant 16 : i32
    %add3A_987 = vector.broadcast %add3A_986 : i32 to vector<16xi32>
    %add3A_988 = arith.addi %add3A_987, %iota3A_985 : vector<16xi32>
    %gather3A_989 = tpu.vector_load_idx %arg8[%add3A_988, %broadcast_in_dim3A_975] : memref<64x128xf32, #tpu.memory_space<vmem>>[vector<16xi32>, vector<16xi32>], vector<16xf32>,
    %gather3A_990 = tpu.vector_load_idx %arg15[%broadcast_in_dim3A_977, %add3A_988] : memref<8x128xf32, #tpu.memory_space<vmem>>[vector<16xi32>, vector<16xi32>], vector<16xf32>,
    %mul3A_991 = arith.mulf %gather3A_989, %gather3A_990 : vector<16xf32>
    %add3A_992 = arith.addf %mul3A_984, %mul3A_991 : vector<16xf32>
    %iota3A_993 = tpu.iota {dimensions = array<i32: 0>} : vector<16xi32>
    %add3A_994 = arith.constant 32 : i32
    %add3A_995 = vector.broadcast %add3A_994 : i32 to vector<16xi32>
    %add3A_996 = arith.addi %add3A_995, %iota3A_993 : vector<16xi32>
    %gather3A_997 = tpu.vector_load_idx %arg8[%add3A_996, %broadcast_in_dim3A_975] : memref<64x128xf32, #tpu.memory_space<vmem>>[vector<16xi32>, vector<16xi32>], vector<16xf32>,
    %gather3A_998 = tpu.vector_load_idx %arg15[%broadcast_in_dim3A_977, %add3A_996] : memref<8x128xf32, #tpu.memory_space<vmem>>[vector<16xi32>, vector<16xi32>], vector<16xf32>,
    %mul3A_999 = arith.mulf %gather3A_997, %gather3A_998 : vector<16xf32>
    %add3A_1000 = arith.addf %add3A_992, %mul3A_999 : vector<16xf32>
    %iota3A_1001 = tpu.iota {dimensions = array<i32: 0>} : vector<16xi32>
    %add3A_1002 = arith.constant 48 : i32
    %add3A_1003 = vector.broadcast %add3A_1002 : i32 to vector<16xi32>
    %add3A_1004 = arith.addi %add3A_1003, %iota3A_1001 : vector<16xi32>
    %gather3A_1005 = tpu.vector_load_idx %arg8[%add3A_1004, %broadcast_in_dim3A_975] : memref<64x128xf32, #tpu.memory_space<vmem>>[vector<16xi32>, vector<16xi32>], vector<16xf32>,
    %gather3A_1006 = tpu.vector_load_idx %arg15[%broadcast_in_dim3A_977, %add3A_1004] : memref<8x128xf32, #tpu.memory_space<vmem>>[vector<16xi32>, vector<16xi32>], vector<16xf32>,
    %mul3A_1007 = arith.mulf %gather3A_1005, %gather3A_1006 : vector<16xf32>
    %add3A_1008 = arith.addf %add3A_1000, %mul3A_1007 : vector<16xf32>
    %reduce_sum3A_1009 = arith.constant true
    %reduce_sum3A_1010 = vector.broadcast %reduce_sum3A_1009 : i1 to vector<16xi1>
    %reduce_sum3A_1011 = tpu.scan <sum>, %add3A_1008 masked %reduce_sum3A_1010 : vector<16xf32>, vector<16xi1> -> vector<16xf32>
    %reduce_sum3A_1012 = vector.extract %reduce_sum3A_1011[15] : f32 from vector<16xf32>
    %iota3A_1013 = tpu.iota {dimensions = array<i32: 0>} : vector<16xi32>
    %eq3A_1014 = arith.constant 9 : i32
    %eq3A_1015 = vector.broadcast %eq3A_1014 : i32 to vector<16xi32>
    %eq3A_1016 = arith.cmpi eq, %iota3A_1013, %eq3A_1015 : vector<16xi32>
    %broadcast_in_dim3A_1017 = vector.broadcast %reduce_sum3A_1012 : f32 to vector<16xf32>
    %select_n3A_1018 = arith.select %eq3A_1016, %broadcast_in_dim3A_1017, %select_n3A_958 : vector<16xi1>, vector<16xf32>
    %dma_wait3A_1019 = arith.constant 0 : i32
    %dma_wait3A_1020 = tpu.memref_slice %arg6[%dma_wait3A_1019] : memref<16384xf32, #tpu.memory_space<hbm>> -> memref<8192xf32, #tpu.memory_space<hbm>>
    %dma_wait3A_1021 = arith.constant 0 : i32
    %dma_wait3A_1022 = tpu.memref_slice %arg6[%dma_wait3A_1021] : memref<16384xf32, #tpu.memory_space<hbm>> -> memref<8192xf32, #tpu.memory_space<hbm>>
    tpu.wait_dma2 semaphore(%arg21 : memref<!tpu.dma_semaphore, #tpu.memory_space<semaphore_mem>>) src(%dma_wait3A_1022 : memref<8192xf32, #tpu.memory_space<hbm>>) dst(%arg18 : memref<8192xf32, #tpu.memory_space<vmem>>)
    %dma_wait3A_1023 = arith.constant 0 : i32
    %dma_wait3A_1024 = tpu.memref_slice %arg18[%dma_wait3A_1023] : memref<8192xf32, #tpu.memory_space<vmem>> -> memref<64xf32, #tpu.memory_space<vmem>>
    %dma_wait3A_1025 = arith.constant 0 : i32
    %dma_wait3A_1026 = tpu.memref_slice %arg6[%dma_wait3A_1025] : memref<16384xf32, #tpu.memory_space<hbm>> -> memref<64xf32, #tpu.memory_space<hbm>>
    %dma_wait3A_1027 = arith.constant 0 : i32
    %dma_wait3A_1028 = tpu.memref_slice %arg18[%dma_wait3A_1027] : memref<8192xf32, #tpu.memory_space<vmem>> -> memref<64xf32, #tpu.memory_space<vmem>>
    %dma_wait3A_1029 = arith.constant 0 : i32
    %dma_wait3A_1030 = tpu.memref_slice %arg6[%dma_wait3A_1029] : memref<16384xf32, #tpu.memory_space<hbm>> -> memref<64xf32, #tpu.memory_space<hbm>>
    tpu.wait_dma2 semaphore(%arg21 : memref<!tpu.dma_semaphore, #tpu.memory_space<semaphore_mem>>) src(%dma_wait3A_1030 : memref<64xf32, #tpu.memory_space<hbm>>) dst(%dma_wait3A_1028 : memref<64xf32, #tpu.memory_space<vmem>>)
    %slice3A_1031 = vector.extract_strided_slice %get3A_214 {offsets = [10], sizes = [1], strides = [1]} : vector<16xi32> to vector<1xi32>
    %squeeze3A_1032 = vector.extract %slice3A_1031[0] : i32 from vector<1xi32>
    %and3A_1033 = arith.constant 127 : i32
    %and3A_1034 = arith.andi %squeeze3A_1032, %and3A_1033 : i32
    %broadcast_in_dim3A_1035 = vector.broadcast %and3A_1034 : i32 to vector<16xi32>
    %broadcast_in_dim3A_1036 = arith.constant 2 : i32
    %broadcast_in_dim3A_1037 = vector.broadcast %broadcast_in_dim3A_1036 : i32 to vector<16xi32>
    %iota3A_1038 = tpu.iota {dimensions = array<i32: 0>} : vector<16xi32>
    %add3A_1039 = arith.constant 0 : i32
    %add3A_1040 = vector.broadcast %add3A_1039 : i32 to vector<16xi32>
    %add3A_1041 = arith.addi %add3A_1040, %iota3A_1038 : vector<16xi32>
    %gather3A_1042 = tpu.vector_load_idx %arg9[%add3A_1041, %broadcast_in_dim3A_1035] : memref<64x128xf32, #tpu.memory_space<vmem>>[vector<16xi32>, vector<16xi32>], vector<16xf32>,
    %gather3A_1043 = tpu.vector_load_idx %arg15[%broadcast_in_dim3A_1037, %add3A_1041] : memref<8x128xf32, #tpu.memory_space<vmem>>[vector<16xi32>, vector<16xi32>], vector<16xf32>,
    %mul3A_1044 = arith.mulf %gather3A_1042, %gather3A_1043 : vector<16xf32>
    %iota3A_1045 = tpu.iota {dimensions = array<i32: 0>} : vector<16xi32>
    %add3A_1046 = arith.constant 16 : i32
    %add3A_1047 = vector.broadcast %add3A_1046 : i32 to vector<16xi32>
    %add3A_1048 = arith.addi %add3A_1047, %iota3A_1045 : vector<16xi32>
    %gather3A_1049 = tpu.vector_load_idx %arg9[%add3A_1048, %broadcast_in_dim3A_1035] : memref<64x128xf32, #tpu.memory_space<vmem>>[vector<16xi32>, vector<16xi32>], vector<16xf32>,
    %gather3A_1050 = tpu.vector_load_idx %arg15[%broadcast_in_dim3A_1037, %add3A_1048] : memref<8x128xf32, #tpu.memory_space<vmem>>[vector<16xi32>, vector<16xi32>], vector<16xf32>,
    %mul3A_1051 = arith.mulf %gather3A_1049, %gather3A_1050 : vector<16xf32>
    %add3A_1052 = arith.addf %mul3A_1044, %mul3A_1051 : vector<16xf32>
    %iota3A_1053 = tpu.iota {dimensions = array<i32: 0>} : vector<16xi32>
    %add3A_1054 = arith.constant 32 : i32
    %add3A_1055 = vector.broadcast %add3A_1054 : i32 to vector<16xi32>
    %add3A_1056 = arith.addi %add3A_1055, %iota3A_1053 : vector<16xi32>
    %gather3A_1057 = tpu.vector_load_idx %arg9[%add3A_1056, %broadcast_in_dim3A_1035] : memref<64x128xf32, #tpu.memory_space<vmem>>[vector<16xi32>, vector<16xi32>], vector<16xf32>,
    %gather3A_1058 = tpu.vector_load_idx %arg15[%broadcast_in_dim3A_1037, %add3A_1056] : memref<8x128xf32, #tpu.memory_space<vmem>>[vector<16xi32>, vector<16xi32>], vector<16xf32>,
    %mul3A_1059 = arith.mulf %gather3A_1057, %gather3A_1058 : vector<16xf32>
    %add3A_1060 = arith.addf %add3A_1052, %mul3A_1059 : vector<16xf32>
    %iota3A_1061 = tpu.iota {dimensions = array<i32: 0>} : vector<16xi32>
    %add3A_1062 = arith.constant 48 : i32
    %add3A_1063 = vector.broadcast %add3A_1062 : i32 to vector<16xi32>
    %add3A_1064 = arith.addi %add3A_1063, %iota3A_1061 : vector<16xi32>
    %gather3A_1065 = tpu.vector_load_idx %arg9[%add3A_1064, %broadcast_in_dim3A_1035] : memref<64x128xf32, #tpu.memory_space<vmem>>[vector<16xi32>, vector<16xi32>], vector<16xf32>,
    %gather3A_1066 = tpu.vector_load_idx %arg15[%broadcast_in_dim3A_1037, %add3A_1064] : memref<8x128xf32, #tpu.memory_space<vmem>>[vector<16xi32>, vector<16xi32>], vector<16xf32>,
    %mul3A_1067 = arith.mulf %gather3A_1065, %gather3A_1066 : vector<16xf32>
    %add3A_1068 = arith.addf %add3A_1060, %mul3A_1067 : vector<16xf32>
    %reduce_sum3A_1069 = arith.constant true
    %reduce_sum3A_1070 = vector.broadcast %reduce_sum3A_1069 : i1 to vector<16xi1>
    %reduce_sum3A_1071 = tpu.scan <sum>, %add3A_1068 masked %reduce_sum3A_1070 : vector<16xf32>, vector<16xi1> -> vector<16xf32>
    %reduce_sum3A_1072 = vector.extract %reduce_sum3A_1071[15] : f32 from vector<16xf32>
    %iota3A_1073 = tpu.iota {dimensions = array<i32: 0>} : vector<16xi32>
    %eq3A_1074 = arith.constant 10 : i32
    %eq3A_1075 = vector.broadcast %eq3A_1074 : i32 to vector<16xi32>
    %eq3A_1076 = arith.cmpi eq, %iota3A_1073, %eq3A_1075 : vector<16xi32>
    %broadcast_in_dim3A_1077 = vector.broadcast %reduce_sum3A_1072 : f32 to vector<16xf32>
    %select_n3A_1078 = arith.select %eq3A_1076, %broadcast_in_dim3A_1077, %select_n3A_1018 : vector<16xi1>, vector<16xf32>
    %dma_wait3A_1079 = arith.constant 0 : i32
    %dma_wait3A_1080 = tpu.memref_slice %arg6[%dma_wait3A_1079] : memref<16384xf32, #tpu.memory_space<hbm>> -> memref<8192xf32, #tpu.memory_space<hbm>>
    %dma_wait3A_1081 = arith.constant 0 : i32
    %dma_wait3A_1082 = tpu.memref_slice %arg6[%dma_wait3A_1081] : memref<16384xf32, #tpu.memory_space<hbm>> -> memref<8192xf32, #tpu.memory_space<hbm>>
    tpu.wait_dma2 semaphore(%arg22 : memref<!tpu.dma_semaphore, #tpu.memory_space<semaphore_mem>>) src(%dma_wait3A_1082 : memref<8192xf32, #tpu.memory_space<hbm>>) dst(%arg18 : memref<8192xf32, #tpu.memory_space<vmem>>)
    %dma_wait3A_1083 = arith.constant 0 : i32
    %dma_wait3A_1084 = tpu.memref_slice %arg18[%dma_wait3A_1083] : memref<8192xf32, #tpu.memory_space<vmem>> -> memref<64xf32, #tpu.memory_space<vmem>>
    %dma_wait3A_1085 = arith.constant 0 : i32
    %dma_wait3A_1086 = tpu.memref_slice %arg6[%dma_wait3A_1085] : memref<16384xf32, #tpu.memory_space<hbm>> -> memref<64xf32, #tpu.memory_space<hbm>>
    %dma_wait3A_1087 = arith.constant 0 : i32
    %dma_wait3A_1088 = tpu.memref_slice %arg18[%dma_wait3A_1087] : memref<8192xf32, #tpu.memory_space<vmem>> -> memref<64xf32, #tpu.memory_space<vmem>>
    %dma_wait3A_1089 = arith.constant 0 : i32
    %dma_wait3A_1090 = tpu.memref_slice %arg6[%dma_wait3A_1089] : memref<16384xf32, #tpu.memory_space<hbm>> -> memref<64xf32, #tpu.memory_space<hbm>>
    tpu.wait_dma2 semaphore(%arg22 : memref<!tpu.dma_semaphore, #tpu.memory_space<semaphore_mem>>) src(%dma_wait3A_1090 : memref<64xf32, #tpu.memory_space<hbm>>) dst(%dma_wait3A_1088 : memref<64xf32, #tpu.memory_space<vmem>>)
    %slice3A_1091 = vector.extract_strided_slice %get3A_214 {offsets = [11], sizes = [1], strides = [1]} : vector<16xi32> to vector<1xi32>
    %squeeze3A_1092 = vector.extract %slice3A_1091[0] : i32 from vector<1xi32>
    %and3A_1093 = arith.constant 127 : i32
    %and3A_1094 = arith.andi %squeeze3A_1092, %and3A_1093 : i32
    %broadcast_in_dim3A_1095 = vector.broadcast %and3A_1094 : i32 to vector<16xi32>
    %broadcast_in_dim3A_1096 = arith.constant 3 : i32
    %broadcast_in_dim3A_1097 = vector.broadcast %broadcast_in_dim3A_1096 : i32 to vector<16xi32>
    %iota3A_1098 = tpu.iota {dimensions = array<i32: 0>} : vector<16xi32>
    %add3A_1099 = arith.constant 0 : i32
    %add3A_1100 = vector.broadcast %add3A_1099 : i32 to vector<16xi32>
    %add3A_1101 = arith.addi %add3A_1100, %iota3A_1098 : vector<16xi32>
    %gather3A_1102 = tpu.vector_load_idx %arg10[%add3A_1101, %broadcast_in_dim3A_1095] : memref<64x128xf32, #tpu.memory_space<vmem>>[vector<16xi32>, vector<16xi32>], vector<16xf32>,
    %gather3A_1103 = tpu.vector_load_idx %arg15[%broadcast_in_dim3A_1097, %add3A_1101] : memref<8x128xf32, #tpu.memory_space<vmem>>[vector<16xi32>, vector<16xi32>], vector<16xf32>,
    %mul3A_1104 = arith.mulf %gather3A_1102, %gather3A_1103 : vector<16xf32>
    %iota3A_1105 = tpu.iota {dimensions = array<i32: 0>} : vector<16xi32>
    %add3A_1106 = arith.constant 16 : i32
    %add3A_1107 = vector.broadcast %add3A_1106 : i32 to vector<16xi32>
    %add3A_1108 = arith.addi %add3A_1107, %iota3A_1105 : vector<16xi32>
    %gather3A_1109 = tpu.vector_load_idx %arg10[%add3A_1108, %broadcast_in_dim3A_1095] : memref<64x128xf32, #tpu.memory_space<vmem>>[vector<16xi32>, vector<16xi32>], vector<16xf32>,
    %gather3A_1110 = tpu.vector_load_idx %arg15[%broadcast_in_dim3A_1097, %add3A_1108] : memref<8x128xf32, #tpu.memory_space<vmem>>[vector<16xi32>, vector<16xi32>], vector<16xf32>,
    %mul3A_1111 = arith.mulf %gather3A_1109, %gather3A_1110 : vector<16xf32>
    %add3A_1112 = arith.addf %mul3A_1104, %mul3A_1111 : vector<16xf32>
    %iota3A_1113 = tpu.iota {dimensions = array<i32: 0>} : vector<16xi32>
    %add3A_1114 = arith.constant 32 : i32
    %add3A_1115 = vector.broadcast %add3A_1114 : i32 to vector<16xi32>
    %add3A_1116 = arith.addi %add3A_1115, %iota3A_1113 : vector<16xi32>
    %gather3A_1117 = tpu.vector_load_idx %arg10[%add3A_1116, %broadcast_in_dim3A_1095] : memref<64x128xf32, #tpu.memory_space<vmem>>[vector<16xi32>, vector<16xi32>], vector<16xf32>,
    %gather3A_1118 = tpu.vector_load_idx %arg15[%broadcast_in_dim3A_1097, %add3A_1116] : memref<8x128xf32, #tpu.memory_space<vmem>>[vector<16xi32>, vector<16xi32>], vector<16xf32>,
    %mul3A_1119 = arith.mulf %gather3A_1117, %gather3A_1118 : vector<16xf32>
    %add3A_1120 = arith.addf %add3A_1112, %mul3A_1119 : vector<16xf32>
    %iota3A_1121 = tpu.iota {dimensions = array<i32: 0>} : vector<16xi32>
    %add3A_1122 = arith.constant 48 : i32
    %add3A_1123 = vector.broadcast %add3A_1122 : i32 to vector<16xi32>
    %add3A_1124 = arith.addi %add3A_1123, %iota3A_1121 : vector<16xi32>
    %gather3A_1125 = tpu.vector_load_idx %arg10[%add3A_1124, %broadcast_in_dim3A_1095] : memref<64x128xf32, #tpu.memory_space<vmem>>[vector<16xi32>, vector<16xi32>], vector<16xf32>,
    %gather3A_1126 = tpu.vector_load_idx %arg15[%broadcast_in_dim3A_1097, %add3A_1124] : memref<8x128xf32, #tpu.memory_space<vmem>>[vector<16xi32>, vector<16xi32>], vector<16xf32>,
    %mul3A_1127 = arith.mulf %gather3A_1125, %gather3A_1126 : vector<16xf32>
    %add3A_1128 = arith.addf %add3A_1120, %mul3A_1127 : vector<16xf32>
    %reduce_sum3A_1129 = arith.constant true
    %reduce_sum3A_1130 = vector.broadcast %reduce_sum3A_1129 : i1 to vector<16xi1>
    %reduce_sum3A_1131 = tpu.scan <sum>, %add3A_1128 masked %reduce_sum3A_1130 : vector<16xf32>, vector<16xi1> -> vector<16xf32>
    %reduce_sum3A_1132 = vector.extract %reduce_sum3A_1131[15] : f32 from vector<16xf32>
    %iota3A_1133 = tpu.iota {dimensions = array<i32: 0>} : vector<16xi32>
    %eq3A_1134 = arith.constant 11 : i32
    %eq3A_1135 = vector.broadcast %eq3A_1134 : i32 to vector<16xi32>
    %eq3A_1136 = arith.cmpi eq, %iota3A_1133, %eq3A_1135 : vector<16xi32>
    %broadcast_in_dim3A_1137 = vector.broadcast %reduce_sum3A_1132 : f32 to vector<16xf32>
    %select_n3A_1138 = arith.select %eq3A_1136, %broadcast_in_dim3A_1137, %select_n3A_1078 : vector<16xi1>, vector<16xf32>
    %dma_wait3A_1139 = arith.constant 0 : i32
    %dma_wait3A_1140 = tpu.memref_slice %arg6[%dma_wait3A_1139] : memref<16384xf32, #tpu.memory_space<hbm>> -> memref<8192xf32, #tpu.memory_space<hbm>>
    %dma_wait3A_1141 = arith.constant 0 : i32
    %dma_wait3A_1142 = tpu.memref_slice %arg6[%dma_wait3A_1141] : memref<16384xf32, #tpu.memory_space<hbm>> -> memref<8192xf32, #tpu.memory_space<hbm>>
    tpu.wait_dma2 semaphore(%arg23 : memref<!tpu.dma_semaphore, #tpu.memory_space<semaphore_mem>>) src(%dma_wait3A_1142 : memref<8192xf32, #tpu.memory_space<hbm>>) dst(%arg18 : memref<8192xf32, #tpu.memory_space<vmem>>)
    %dma_wait3A_1143 = arith.constant 0 : i32
    %dma_wait3A_1144 = tpu.memref_slice %arg18[%dma_wait3A_1143] : memref<8192xf32, #tpu.memory_space<vmem>> -> memref<64xf32, #tpu.memory_space<vmem>>
    %dma_wait3A_1145 = arith.constant 0 : i32
    %dma_wait3A_1146 = tpu.memref_slice %arg6[%dma_wait3A_1145] : memref<16384xf32, #tpu.memory_space<hbm>> -> memref<64xf32, #tpu.memory_space<hbm>>
    %dma_wait3A_1147 = arith.constant 0 : i32
    %dma_wait3A_1148 = tpu.memref_slice %arg18[%dma_wait3A_1147] : memref<8192xf32, #tpu.memory_space<vmem>> -> memref<64xf32, #tpu.memory_space<vmem>>
    %dma_wait3A_1149 = arith.constant 0 : i32
    %dma_wait3A_1150 = tpu.memref_slice %arg6[%dma_wait3A_1149] : memref<16384xf32, #tpu.memory_space<hbm>> -> memref<64xf32, #tpu.memory_space<hbm>>
    tpu.wait_dma2 semaphore(%arg23 : memref<!tpu.dma_semaphore, #tpu.memory_space<semaphore_mem>>) src(%dma_wait3A_1150 : memref<64xf32, #tpu.memory_space<hbm>>) dst(%dma_wait3A_1148 : memref<64xf32, #tpu.memory_space<vmem>>)
    %slice3A_1151 = vector.extract_strided_slice %get3A_214 {offsets = [12], sizes = [1], strides = [1]} : vector<16xi32> to vector<1xi32>
    %squeeze3A_1152 = vector.extract %slice3A_1151[0] : i32 from vector<1xi32>
    %and3A_1153 = arith.constant 127 : i32
    %and3A_1154 = arith.andi %squeeze3A_1152, %and3A_1153 : i32
    %broadcast_in_dim3A_1155 = vector.broadcast %and3A_1154 : i32 to vector<16xi32>
    %broadcast_in_dim3A_1156 = arith.constant 4 : i32
    %broadcast_in_dim3A_1157 = vector.broadcast %broadcast_in_dim3A_1156 : i32 to vector<16xi32>
    %iota3A_1158 = tpu.iota {dimensions = array<i32: 0>} : vector<16xi32>
    %add3A_1159 = arith.constant 0 : i32
    %add3A_1160 = vector.broadcast %add3A_1159 : i32 to vector<16xi32>
    %add3A_1161 = arith.addi %add3A_1160, %iota3A_1158 : vector<16xi32>
    %gather3A_1162 = tpu.vector_load_idx %arg11[%add3A_1161, %broadcast_in_dim3A_1155] : memref<64x128xf32, #tpu.memory_space<vmem>>[vector<16xi32>, vector<16xi32>], vector<16xf32>,
    %gather3A_1163 = tpu.vector_load_idx %arg15[%broadcast_in_dim3A_1157, %add3A_1161] : memref<8x128xf32, #tpu.memory_space<vmem>>[vector<16xi32>, vector<16xi32>], vector<16xf32>,
    %mul3A_1164 = arith.mulf %gather3A_1162, %gather3A_1163 : vector<16xf32>
    %iota3A_1165 = tpu.iota {dimensions = array<i32: 0>} : vector<16xi32>
    %add3A_1166 = arith.constant 16 : i32
    %add3A_1167 = vector.broadcast %add3A_1166 : i32 to vector<16xi32>
    %add3A_1168 = arith.addi %add3A_1167, %iota3A_1165 : vector<16xi32>
    %gather3A_1169 = tpu.vector_load_idx %arg11[%add3A_1168, %broadcast_in_dim3A_1155] : memref<64x128xf32, #tpu.memory_space<vmem>>[vector<16xi32>, vector<16xi32>], vector<16xf32>,
    %gather3A_1170 = tpu.vector_load_idx %arg15[%broadcast_in_dim3A_1157, %add3A_1168] : memref<8x128xf32, #tpu.memory_space<vmem>>[vector<16xi32>, vector<16xi32>], vector<16xf32>,
    %mul3A_1171 = arith.mulf %gather3A_1169, %gather3A_1170 : vector<16xf32>
    %add3A_1172 = arith.addf %mul3A_1164, %mul3A_1171 : vector<16xf32>
    %iota3A_1173 = tpu.iota {dimensions = array<i32: 0>} : vector<16xi32>
    %add3A_1174 = arith.constant 32 : i32
    %add3A_1175 = vector.broadcast %add3A_1174 : i32 to vector<16xi32>
    %add3A_1176 = arith.addi %add3A_1175, %iota3A_1173 : vector<16xi32>
    %gather3A_1177 = tpu.vector_load_idx %arg11[%add3A_1176, %broadcast_in_dim3A_1155] : memref<64x128xf32, #tpu.memory_space<vmem>>[vector<16xi32>, vector<16xi32>], vector<16xf32>,
    %gather3A_1178 = tpu.vector_load_idx %arg15[%broadcast_in_dim3A_1157, %add3A_1176] : memref<8x128xf32, #tpu.memory_space<vmem>>[vector<16xi32>, vector<16xi32>], vector<16xf32>,
    %mul3A_1179 = arith.mulf %gather3A_1177, %gather3A_1178 : vector<16xf32>
    %add3A_1180 = arith.addf %add3A_1172, %mul3A_1179 : vector<16xf32>
    %iota3A_1181 = tpu.iota {dimensions = array<i32: 0>} : vector<16xi32>
    %add3A_1182 = arith.constant 48 : i32
    %add3A_1183 = vector.broadcast %add3A_1182 : i32 to vector<16xi32>
    %add3A_1184 = arith.addi %add3A_1183, %iota3A_1181 : vector<16xi32>
    %gather3A_1185 = tpu.vector_load_idx %arg11[%add3A_1184, %broadcast_in_dim3A_1155] : memref<64x128xf32, #tpu.memory_space<vmem>>[vector<16xi32>, vector<16xi32>], vector<16xf32>,
    %gather3A_1186 = tpu.vector_load_idx %arg15[%broadcast_in_dim3A_1157, %add3A_1184] : memref<8x128xf32, #tpu.memory_space<vmem>>[vector<16xi32>, vector<16xi32>], vector<16xf32>,
    %mul3A_1187 = arith.mulf %gather3A_1185, %gather3A_1186 : vector<16xf32>
    %add3A_1188 = arith.addf %add3A_1180, %mul3A_1187 : vector<16xf32>
    %reduce_sum3A_1189 = arith.constant true
    %reduce_sum3A_1190 = vector.broadcast %reduce_sum3A_1189 : i1 to vector<16xi1>
    %reduce_sum3A_1191 = tpu.scan <sum>, %add3A_1188 masked %reduce_sum3A_1190 : vector<16xf32>, vector<16xi1> -> vector<16xf32>
    %reduce_sum3A_1192 = vector.extract %reduce_sum3A_1191[15] : f32 from vector<16xf32>
    %iota3A_1193 = tpu.iota {dimensions = array<i32: 0>} : vector<16xi32>
    %eq3A_1194 = arith.constant 12 : i32
    %eq3A_1195 = vector.broadcast %eq3A_1194 : i32 to vector<16xi32>
    %eq3A_1196 = arith.cmpi eq, %iota3A_1193, %eq3A_1195 : vector<16xi32>
    %broadcast_in_dim3A_1197 = vector.broadcast %reduce_sum3A_1192 : f32 to vector<16xf32>
    %select_n3A_1198 = arith.select %eq3A_1196, %broadcast_in_dim3A_1197, %select_n3A_1138 : vector<16xi1>, vector<16xf32>
    %dma_wait3A_1199 = arith.constant 0 : i32
    %dma_wait3A_1200 = tpu.memref_slice %arg6[%dma_wait3A_1199] : memref<16384xf32, #tpu.memory_space<hbm>> -> memref<8192xf32, #tpu.memory_space<hbm>>
    %dma_wait3A_1201 = arith.constant 0 : i32
    %dma_wait3A_1202 = tpu.memref_slice %arg6[%dma_wait3A_1201] : memref<16384xf32, #tpu.memory_space<hbm>> -> memref<8192xf32, #tpu.memory_space<hbm>>
    tpu.wait_dma2 semaphore(%arg24 : memref<!tpu.dma_semaphore, #tpu.memory_space<semaphore_mem>>) src(%dma_wait3A_1202 : memref<8192xf32, #tpu.memory_space<hbm>>) dst(%arg18 : memref<8192xf32, #tpu.memory_space<vmem>>)
    %dma_wait3A_1203 = arith.constant 0 : i32
    %dma_wait3A_1204 = tpu.memref_slice %arg18[%dma_wait3A_1203] : memref<8192xf32, #tpu.memory_space<vmem>> -> memref<64xf32, #tpu.memory_space<vmem>>
    %dma_wait3A_1205 = arith.constant 0 : i32
    %dma_wait3A_1206 = tpu.memref_slice %arg6[%dma_wait3A_1205] : memref<16384xf32, #tpu.memory_space<hbm>> -> memref<64xf32, #tpu.memory_space<hbm>>
    %dma_wait3A_1207 = arith.constant 0 : i32
    %dma_wait3A_1208 = tpu.memref_slice %arg18[%dma_wait3A_1207] : memref<8192xf32, #tpu.memory_space<vmem>> -> memref<64xf32, #tpu.memory_space<vmem>>
    %dma_wait3A_1209 = arith.constant 0 : i32
    %dma_wait3A_1210 = tpu.memref_slice %arg6[%dma_wait3A_1209] : memref<16384xf32, #tpu.memory_space<hbm>> -> memref<64xf32, #tpu.memory_space<hbm>>
    tpu.wait_dma2 semaphore(%arg24 : memref<!tpu.dma_semaphore, #tpu.memory_space<semaphore_mem>>) src(%dma_wait3A_1210 : memref<64xf32, #tpu.memory_space<hbm>>) dst(%dma_wait3A_1208 : memref<64xf32, #tpu.memory_space<vmem>>)
    %slice3A_1211 = vector.extract_strided_slice %get3A_214 {offsets = [13], sizes = [1], strides = [1]} : vector<16xi32> to vector<1xi32>
    %squeeze3A_1212 = vector.extract %slice3A_1211[0] : i32 from vector<1xi32>
    %and3A_1213 = arith.constant 127 : i32
    %and3A_1214 = arith.andi %squeeze3A_1212, %and3A_1213 : i32
    %broadcast_in_dim3A_1215 = vector.broadcast %and3A_1214 : i32 to vector<16xi32>
    %broadcast_in_dim3A_1216 = arith.constant 5 : i32
    %broadcast_in_dim3A_1217 = vector.broadcast %broadcast_in_dim3A_1216 : i32 to vector<16xi32>
    %iota3A_1218 = tpu.iota {dimensions = array<i32: 0>} : vector<16xi32>
    %add3A_1219 = arith.constant 0 : i32
    %add3A_1220 = vector.broadcast %add3A_1219 : i32 to vector<16xi32>
    %add3A_1221 = arith.addi %add3A_1220, %iota3A_1218 : vector<16xi32>
    %gather3A_1222 = tpu.vector_load_idx %arg12[%add3A_1221, %broadcast_in_dim3A_1215] : memref<64x128xf32, #tpu.memory_space<vmem>>[vector<16xi32>, vector<16xi32>], vector<16xf32>,
    %gather3A_1223 = tpu.vector_load_idx %arg15[%broadcast_in_dim3A_1217, %add3A_1221] : memref<8x128xf32, #tpu.memory_space<vmem>>[vector<16xi32>, vector<16xi32>], vector<16xf32>,
    %mul3A_1224 = arith.mulf %gather3A_1222, %gather3A_1223 : vector<16xf32>
    %iota3A_1225 = tpu.iota {dimensions = array<i32: 0>} : vector<16xi32>
    %add3A_1226 = arith.constant 16 : i32
    %add3A_1227 = vector.broadcast %add3A_1226 : i32 to vector<16xi32>
    %add3A_1228 = arith.addi %add3A_1227, %iota3A_1225 : vector<16xi32>
    %gather3A_1229 = tpu.vector_load_idx %arg12[%add3A_1228, %broadcast_in_dim3A_1215] : memref<64x128xf32, #tpu.memory_space<vmem>>[vector<16xi32>, vector<16xi32>], vector<16xf32>,
    %gather3A_1230 = tpu.vector_load_idx %arg15[%broadcast_in_dim3A_1217, %add3A_1228] : memref<8x128xf32, #tpu.memory_space<vmem>>[vector<16xi32>, vector<16xi32>], vector<16xf32>,
    %mul3A_1231 = arith.mulf %gather3A_1229, %gather3A_1230 : vector<16xf32>
    %add3A_1232 = arith.addf %mul3A_1224, %mul3A_1231 : vector<16xf32>
    %iota3A_1233 = tpu.iota {dimensions = array<i32: 0>} : vector<16xi32>
    %add3A_1234 = arith.constant 32 : i32
    %add3A_1235 = vector.broadcast %add3A_1234 : i32 to vector<16xi32>
    %add3A_1236 = arith.addi %add3A_1235, %iota3A_1233 : vector<16xi32>
    %gather3A_1237 = tpu.vector_load_idx %arg12[%add3A_1236, %broadcast_in_dim3A_1215] : memref<64x128xf32, #tpu.memory_space<vmem>>[vector<16xi32>, vector<16xi32>], vector<16xf32>,
    %gather3A_1238 = tpu.vector_load_idx %arg15[%broadcast_in_dim3A_1217, %add3A_1236] : memref<8x128xf32, #tpu.memory_space<vmem>>[vector<16xi32>, vector<16xi32>], vector<16xf32>,
    %mul3A_1239 = arith.mulf %gather3A_1237, %gather3A_1238 : vector<16xf32>
    %add3A_1240 = arith.addf %add3A_1232, %mul3A_1239 : vector<16xf32>
    %iota3A_1241 = tpu.iota {dimensions = array<i32: 0>} : vector<16xi32>
    %add3A_1242 = arith.constant 48 : i32
    %add3A_1243 = vector.broadcast %add3A_1242 : i32 to vector<16xi32>
    %add3A_1244 = arith.addi %add3A_1243, %iota3A_1241 : vector<16xi32>
    %gather3A_1245 = tpu.vector_load_idx %arg12[%add3A_1244, %broadcast_in_dim3A_1215] : memref<64x128xf32, #tpu.memory_space<vmem>>[vector<16xi32>, vector<16xi32>], vector<16xf32>,
    %gather3A_1246 = tpu.vector_load_idx %arg15[%broadcast_in_dim3A_1217, %add3A_1244] : memref<8x128xf32, #tpu.memory_space<vmem>>[vector<16xi32>, vector<16xi32>], vector<16xf32>,
    %mul3A_1247 = arith.mulf %gather3A_1245, %gather3A_1246 : vector<16xf32>
    %add3A_1248 = arith.addf %add3A_1240, %mul3A_1247 : vector<16xf32>
    %reduce_sum3A_1249 = arith.constant true
    %reduce_sum3A_1250 = vector.broadcast %reduce_sum3A_1249 : i1 to vector<16xi1>
    %reduce_sum3A_1251 = tpu.scan <sum>, %add3A_1248 masked %reduce_sum3A_1250 : vector<16xf32>, vector<16xi1> -> vector<16xf32>
    %reduce_sum3A_1252 = vector.extract %reduce_sum3A_1251[15] : f32 from vector<16xf32>
    %iota3A_1253 = tpu.iota {dimensions = array<i32: 0>} : vector<16xi32>
    %eq3A_1254 = arith.constant 13 : i32
    %eq3A_1255 = vector.broadcast %eq3A_1254 : i32 to vector<16xi32>
    %eq3A_1256 = arith.cmpi eq, %iota3A_1253, %eq3A_1255 : vector<16xi32>
    %broadcast_in_dim3A_1257 = vector.broadcast %reduce_sum3A_1252 : f32 to vector<16xf32>
    %select_n3A_1258 = arith.select %eq3A_1256, %broadcast_in_dim3A_1257, %select_n3A_1198 : vector<16xi1>, vector<16xf32>
    %dma_wait3A_1259 = arith.constant 0 : i32
    %dma_wait3A_1260 = tpu.memref_slice %arg6[%dma_wait3A_1259] : memref<16384xf32, #tpu.memory_space<hbm>> -> memref<8192xf32, #tpu.memory_space<hbm>>
    %dma_wait3A_1261 = arith.constant 0 : i32
    %dma_wait3A_1262 = tpu.memref_slice %arg6[%dma_wait3A_1261] : memref<16384xf32, #tpu.memory_space<hbm>> -> memref<8192xf32, #tpu.memory_space<hbm>>
    tpu.wait_dma2 semaphore(%arg25 : memref<!tpu.dma_semaphore, #tpu.memory_space<semaphore_mem>>) src(%dma_wait3A_1262 : memref<8192xf32, #tpu.memory_space<hbm>>) dst(%arg18 : memref<8192xf32, #tpu.memory_space<vmem>>)
    %dma_wait3A_1263 = arith.constant 0 : i32
    %dma_wait3A_1264 = tpu.memref_slice %arg18[%dma_wait3A_1263] : memref<8192xf32, #tpu.memory_space<vmem>> -> memref<64xf32, #tpu.memory_space<vmem>>
    %dma_wait3A_1265 = arith.constant 0 : i32
    %dma_wait3A_1266 = tpu.memref_slice %arg6[%dma_wait3A_1265] : memref<16384xf32, #tpu.memory_space<hbm>> -> memref<64xf32, #tpu.memory_space<hbm>>
    %dma_wait3A_1267 = arith.constant 0 : i32
    %dma_wait3A_1268 = tpu.memref_slice %arg18[%dma_wait3A_1267] : memref<8192xf32, #tpu.memory_space<vmem>> -> memref<64xf32, #tpu.memory_space<vmem>>
    %dma_wait3A_1269 = arith.constant 0 : i32
    %dma_wait3A_1270 = tpu.memref_slice %arg6[%dma_wait3A_1269] : memref<16384xf32, #tpu.memory_space<hbm>> -> memref<64xf32, #tpu.memory_space<hbm>>
    tpu.wait_dma2 semaphore(%arg25 : memref<!tpu.dma_semaphore, #tpu.memory_space<semaphore_mem>>) src(%dma_wait3A_1270 : memref<64xf32, #tpu.memory_space<hbm>>) dst(%dma_wait3A_1268 : memref<64xf32, #tpu.memory_space<vmem>>)
    %slice3A_1271 = vector.extract_strided_slice %get3A_214 {offsets = [14], sizes = [1], strides = [1]} : vector<16xi32> to vector<1xi32>
    %squeeze3A_1272 = vector.extract %slice3A_1271[0] : i32 from vector<1xi32>
    %and3A_1273 = arith.constant 127 : i32
    %and3A_1274 = arith.andi %squeeze3A_1272, %and3A_1273 : i32
    %broadcast_in_dim3A_1275 = vector.broadcast %and3A_1274 : i32 to vector<16xi32>
    %broadcast_in_dim3A_1276 = arith.constant 6 : i32
    %broadcast_in_dim3A_1277 = vector.broadcast %broadcast_in_dim3A_1276 : i32 to vector<16xi32>
    %iota3A_1278 = tpu.iota {dimensions = array<i32: 0>} : vector<16xi32>
    %add3A_1279 = arith.constant 0 : i32
    %add3A_1280 = vector.broadcast %add3A_1279 : i32 to vector<16xi32>
    %add3A_1281 = arith.addi %add3A_1280, %iota3A_1278 : vector<16xi32>
    %gather3A_1282 = tpu.vector_load_idx %arg13[%add3A_1281, %broadcast_in_dim3A_1275] : memref<64x128xf32, #tpu.memory_space<vmem>>[vector<16xi32>, vector<16xi32>], vector<16xf32>,
    %gather3A_1283 = tpu.vector_load_idx %arg15[%broadcast_in_dim3A_1277, %add3A_1281] : memref<8x128xf32, #tpu.memory_space<vmem>>[vector<16xi32>, vector<16xi32>], vector<16xf32>,
    %mul3A_1284 = arith.mulf %gather3A_1282, %gather3A_1283 : vector<16xf32>
    %iota3A_1285 = tpu.iota {dimensions = array<i32: 0>} : vector<16xi32>
    %add3A_1286 = arith.constant 16 : i32
    %add3A_1287 = vector.broadcast %add3A_1286 : i32 to vector<16xi32>
    %add3A_1288 = arith.addi %add3A_1287, %iota3A_1285 : vector<16xi32>
    %gather3A_1289 = tpu.vector_load_idx %arg13[%add3A_1288, %broadcast_in_dim3A_1275] : memref<64x128xf32, #tpu.memory_space<vmem>>[vector<16xi32>, vector<16xi32>], vector<16xf32>,
    %gather3A_1290 = tpu.vector_load_idx %arg15[%broadcast_in_dim3A_1277, %add3A_1288] : memref<8x128xf32, #tpu.memory_space<vmem>>[vector<16xi32>, vector<16xi32>], vector<16xf32>,
    %mul3A_1291 = arith.mulf %gather3A_1289, %gather3A_1290 : vector<16xf32>
    %add3A_1292 = arith.addf %mul3A_1284, %mul3A_1291 : vector<16xf32>
    %iota3A_1293 = tpu.iota {dimensions = array<i32: 0>} : vector<16xi32>
    %add3A_1294 = arith.constant 32 : i32
    %add3A_1295 = vector.broadcast %add3A_1294 : i32 to vector<16xi32>
    %add3A_1296 = arith.addi %add3A_1295, %iota3A_1293 : vector<16xi32>
    %gather3A_1297 = tpu.vector_load_idx %arg13[%add3A_1296, %broadcast_in_dim3A_1275] : memref<64x128xf32, #tpu.memory_space<vmem>>[vector<16xi32>, vector<16xi32>], vector<16xf32>,
    %gather3A_1298 = tpu.vector_load_idx %arg15[%broadcast_in_dim3A_1277, %add3A_1296] : memref<8x128xf32, #tpu.memory_space<vmem>>[vector<16xi32>, vector<16xi32>], vector<16xf32>,
    %mul3A_1299 = arith.mulf %gather3A_1297, %gather3A_1298 : vector<16xf32>
    %add3A_1300 = arith.addf %add3A_1292, %mul3A_1299 : vector<16xf32>
    %iota3A_1301 = tpu.iota {dimensions = array<i32: 0>} : vector<16xi32>
    %add3A_1302 = arith.constant 48 : i32
    %add3A_1303 = vector.broadcast %add3A_1302 : i32 to vector<16xi32>
    %add3A_1304 = arith.addi %add3A_1303, %iota3A_1301 : vector<16xi32>
    %gather3A_1305 = tpu.vector_load_idx %arg13[%add3A_1304, %broadcast_in_dim3A_1275] : memref<64x128xf32, #tpu.memory_space<vmem>>[vector<16xi32>, vector<16xi32>], vector<16xf32>,
    %gather3A_1306 = tpu.vector_load_idx %arg15[%broadcast_in_dim3A_1277, %add3A_1304] : memref<8x128xf32, #tpu.memory_space<vmem>>[vector<16xi32>, vector<16xi32>], vector<16xf32>,
    %mul3A_1307 = arith.mulf %gather3A_1305, %gather3A_1306 : vector<16xf32>
    %add3A_1308 = arith.addf %add3A_1300, %mul3A_1307 : vector<16xf32>
    %reduce_sum3A_1309 = arith.constant true
    %reduce_sum3A_1310 = vector.broadcast %reduce_sum3A_1309 : i1 to vector<16xi1>
    %reduce_sum3A_1311 = tpu.scan <sum>, %add3A_1308 masked %reduce_sum3A_1310 : vector<16xf32>, vector<16xi1> -> vector<16xf32>
    %reduce_sum3A_1312 = vector.extract %reduce_sum3A_1311[15] : f32 from vector<16xf32>
    %iota3A_1313 = tpu.iota {dimensions = array<i32: 0>} : vector<16xi32>
    %eq3A_1314 = arith.constant 14 : i32
    %eq3A_1315 = vector.broadcast %eq3A_1314 : i32 to vector<16xi32>
    %eq3A_1316 = arith.cmpi eq, %iota3A_1313, %eq3A_1315 : vector<16xi32>
    %broadcast_in_dim3A_1317 = vector.broadcast %reduce_sum3A_1312 : f32 to vector<16xf32>
    %select_n3A_1318 = arith.select %eq3A_1316, %broadcast_in_dim3A_1317, %select_n3A_1258 : vector<16xi1>, vector<16xf32>
    %dma_wait3A_1319 = arith.constant 0 : i32
    %dma_wait3A_1320 = tpu.memref_slice %arg6[%dma_wait3A_1319] : memref<16384xf32, #tpu.memory_space<hbm>> -> memref<8192xf32, #tpu.memory_space<hbm>>
    %dma_wait3A_1321 = arith.constant 0 : i32
    %dma_wait3A_1322 = tpu.memref_slice %arg6[%dma_wait3A_1321] : memref<16384xf32, #tpu.memory_space<hbm>> -> memref<8192xf32, #tpu.memory_space<hbm>>
    tpu.wait_dma2 semaphore(%arg26 : memref<!tpu.dma_semaphore, #tpu.memory_space<semaphore_mem>>) src(%dma_wait3A_1322 : memref<8192xf32, #tpu.memory_space<hbm>>) dst(%arg18 : memref<8192xf32, #tpu.memory_space<vmem>>)
    %dma_wait3A_1323 = arith.constant 0 : i32
    %dma_wait3A_1324 = tpu.memref_slice %arg18[%dma_wait3A_1323] : memref<8192xf32, #tpu.memory_space<vmem>> -> memref<64xf32, #tpu.memory_space<vmem>>
    %dma_wait3A_1325 = arith.constant 0 : i32
    %dma_wait3A_1326 = tpu.memref_slice %arg6[%dma_wait3A_1325] : memref<16384xf32, #tpu.memory_space<hbm>> -> memref<64xf32, #tpu.memory_space<hbm>>
    %dma_wait3A_1327 = arith.constant 0 : i32
    %dma_wait3A_1328 = tpu.memref_slice %arg18[%dma_wait3A_1327] : memref<8192xf32, #tpu.memory_space<vmem>> -> memref<64xf32, #tpu.memory_space<vmem>>
    %dma_wait3A_1329 = arith.constant 0 : i32
    %dma_wait3A_1330 = tpu.memref_slice %arg6[%dma_wait3A_1329] : memref<16384xf32, #tpu.memory_space<hbm>> -> memref<64xf32, #tpu.memory_space<hbm>>
    tpu.wait_dma2 semaphore(%arg26 : memref<!tpu.dma_semaphore, #tpu.memory_space<semaphore_mem>>) src(%dma_wait3A_1330 : memref<64xf32, #tpu.memory_space<hbm>>) dst(%dma_wait3A_1328 : memref<64xf32, #tpu.memory_space<vmem>>)
    %slice3A_1331 = vector.extract_strided_slice %get3A_214 {offsets = [15], sizes = [1], strides = [1]} : vector<16xi32> to vector<1xi32>
    %squeeze3A_1332 = vector.extract %slice3A_1331[0] : i32 from vector<1xi32>
    %and3A_1333 = arith.constant 127 : i32
    %and3A_1334 = arith.andi %squeeze3A_1332, %and3A_1333 : i32
    %broadcast_in_dim3A_1335 = vector.broadcast %and3A_1334 : i32 to vector<16xi32>
    %broadcast_in_dim3A_1336 = arith.constant 7 : i32
    %broadcast_in_dim3A_1337 = vector.broadcast %broadcast_in_dim3A_1336 : i32 to vector<16xi32>
    %iota3A_1338 = tpu.iota {dimensions = array<i32: 0>} : vector<16xi32>
    %add3A_1339 = arith.constant 0 : i32
    %add3A_1340 = vector.broadcast %add3A_1339 : i32 to vector<16xi32>
    %add3A_1341 = arith.addi %add3A_1340, %iota3A_1338 : vector<16xi32>
    %gather3A_1342 = tpu.vector_load_idx %arg14[%add3A_1341, %broadcast_in_dim3A_1335] : memref<64x128xf32, #tpu.memory_space<vmem>>[vector<16xi32>, vector<16xi32>], vector<16xf32>,
    %gather3A_1343 = tpu.vector_load_idx %arg15[%broadcast_in_dim3A_1337, %add3A_1341] : memref<8x128xf32, #tpu.memory_space<vmem>>[vector<16xi32>, vector<16xi32>], vector<16xf32>,
    %mul3A_1344 = arith.mulf %gather3A_1342, %gather3A_1343 : vector<16xf32>
    %iota3A_1345 = tpu.iota {dimensions = array<i32: 0>} : vector<16xi32>
    %add3A_1346 = arith.constant 16 : i32
    %add3A_1347 = vector.broadcast %add3A_1346 : i32 to vector<16xi32>
    %add3A_1348 = arith.addi %add3A_1347, %iota3A_1345 : vector<16xi32>
    %gather3A_1349 = tpu.vector_load_idx %arg14[%add3A_1348, %broadcast_in_dim3A_1335] : memref<64x128xf32, #tpu.memory_space<vmem>>[vector<16xi32>, vector<16xi32>], vector<16xf32>,
    %gather3A_1350 = tpu.vector_load_idx %arg15[%broadcast_in_dim3A_1337, %add3A_1348] : memref<8x128xf32, #tpu.memory_space<vmem>>[vector<16xi32>, vector<16xi32>], vector<16xf32>,
    %mul3A_1351 = arith.mulf %gather3A_1349, %gather3A_1350 : vector<16xf32>
    %add3A_1352 = arith.addf %mul3A_1344, %mul3A_1351 : vector<16xf32>
    %iota3A_1353 = tpu.iota {dimensions = array<i32: 0>} : vector<16xi32>
    %add3A_1354 = arith.constant 32 : i32
    %add3A_1355 = vector.broadcast %add3A_1354 : i32 to vector<16xi32>
    %add3A_1356 = arith.addi %add3A_1355, %iota3A_1353 : vector<16xi32>
    %gather3A_1357 = tpu.vector_load_idx %arg14[%add3A_1356, %broadcast_in_dim3A_1335] : memref<64x128xf32, #tpu.memory_space<vmem>>[vector<16xi32>, vector<16xi32>], vector<16xf32>,
    %gather3A_1358 = tpu.vector_load_idx %arg15[%broadcast_in_dim3A_1337, %add3A_1356] : memref<8x128xf32, #tpu.memory_space<vmem>>[vector<16xi32>, vector<16xi32>], vector<16xf32>,
    %mul3A_1359 = arith.mulf %gather3A_1357, %gather3A_1358 : vector<16xf32>
    %add3A_1360 = arith.addf %add3A_1352, %mul3A_1359 : vector<16xf32>
    %iota3A_1361 = tpu.iota {dimensions = array<i32: 0>} : vector<16xi32>
    %add3A_1362 = arith.constant 48 : i32
    %add3A_1363 = vector.broadcast %add3A_1362 : i32 to vector<16xi32>
    %add3A_1364 = arith.addi %add3A_1363, %iota3A_1361 : vector<16xi32>
    %gather3A_1365 = tpu.vector_load_idx %arg14[%add3A_1364, %broadcast_in_dim3A_1335] : memref<64x128xf32, #tpu.memory_space<vmem>>[vector<16xi32>, vector<16xi32>], vector<16xf32>,
    %gather3A_1366 = tpu.vector_load_idx %arg15[%broadcast_in_dim3A_1337, %add3A_1364] : memref<8x128xf32, #tpu.memory_space<vmem>>[vector<16xi32>, vector<16xi32>], vector<16xf32>,
    %mul3A_1367 = arith.mulf %gather3A_1365, %gather3A_1366 : vector<16xf32>
    %add3A_1368 = arith.addf %add3A_1360, %mul3A_1367 : vector<16xf32>
    %reduce_sum3A_1369 = arith.constant true
    %reduce_sum3A_1370 = vector.broadcast %reduce_sum3A_1369 : i1 to vector<16xi1>
    %reduce_sum3A_1371 = tpu.scan <sum>, %add3A_1368 masked %reduce_sum3A_1370 : vector<16xf32>, vector<16xi1> -> vector<16xf32>
    %reduce_sum3A_1372 = vector.extract %reduce_sum3A_1371[15] : f32 from vector<16xf32>
    %iota3A_1373 = tpu.iota {dimensions = array<i32: 0>} : vector<16xi32>
    %eq3A_1374 = arith.constant 15 : i32
    %eq3A_1375 = vector.broadcast %eq3A_1374 : i32 to vector<16xi32>
    %eq3A_1376 = arith.cmpi eq, %iota3A_1373, %eq3A_1375 : vector<16xi32>
    %broadcast_in_dim3A_1377 = vector.broadcast %reduce_sum3A_1372 : f32 to vector<16xf32>
    %select_n3A_1378 = arith.select %eq3A_1376, %broadcast_in_dim3A_1377, %select_n3A_1318 : vector<16xi1>, vector<16xf32>
    %swap3A = arith.constant 496 : index
    %swap3A_1379 = tpu.vector_load %arg16[%swap3A] {strides = array<i32>} : memref<512xf32, #tpu.memory_space<vmem>>, vector<16xf32>,
    tpu.vector_store %arg16[%swap3A], %select_n3A_1378 {strides = array<i32>} : memref<512xf32, #tpu.memory_space<vmem>>, vector<16xf32>,
    "tpu.region"() ({
      %run_scoped3A = tpu.sem_alloc : memref<!tpu.dma_semaphore, #tpu.memory_space<semaphore_mem>>
      %dma_start3A_1380 = tpu.memref_slice %arg6[%mul3A_2] : memref<16384xf32, #tpu.memory_space<hbm>> -> memref<512xf32, #tpu.memory_space<hbm>>
      %dma_start3A_1381 = tpu.memref_slice %arg6[%mul3A_2] : memref<16384xf32, #tpu.memory_space<hbm>> -> memref<512xf32, #tpu.memory_space<hbm>>
      tpu.enqueue_dma source(%arg16 : memref<512xf32, #tpu.memory_space<vmem>>) target(%dma_start3A_1381 : memref<512xf32, #tpu.memory_space<hbm>>) target_semaphore(%run_scoped3A : memref<!tpu.dma_semaphore, #tpu.memory_space<semaphore_mem>>)
      %dma_wait3A_1382 = tpu.memref_slice %arg6[%mul3A_2] : memref<16384xf32, #tpu.memory_space<hbm>> -> memref<512xf32, #tpu.memory_space<hbm>>
      %dma_wait3A_1383 = tpu.memref_slice %arg6[%mul3A_2] : memref<16384xf32, #tpu.memory_space<hbm>> -> memref<512xf32, #tpu.memory_space<hbm>>
      tpu.wait_dma2 semaphore(%run_scoped3A : memref<!tpu.dma_semaphore, #tpu.memory_space<semaphore_mem>>) src(%arg16 : memref<512xf32, #tpu.memory_space<vmem>>) dst(%dma_wait3A_1383 : memref<512xf32, #tpu.memory_space<hbm>>)
      tpu.yield
    }) : () -> ()
    return
  }
}

</mosaic_0001>

<sc_bundles>
// kernel: kernel.3.cloned.1.call-start
scs
__scs_entry_jumppad:
0x0: {  	(pc) =	sbr.rel $0x88, $3  }
0x1: {  	(tag) =	ssettag $0x0;
	lr =	simm.s32 $0x1  }
0x2: {  	[smem:$0x3F9D] =	sst lr;
	_ =	strace $0xD0000000  }
0x3: {  	_ = 	snop  }
0x4: {  	_ = 	snop  }
0x5: {  	_ = 	snop  }
0x6: {  	_ = 	snop  }
0x7: {  	_ = 	snop  }
__scs_overlays_trampoline_lowered:
0x8: {  	[smem:$0x3FAC] =	sst s0  }
0x9: {  	[smem:$0x3FAD] =	sst s1  }
0xa: {  	[smem:$0x3FAE] =	sst s2  }
0xb: {  	[smem:$0x3FAF] =	sst s3  }
0xc: {  	[smem:$0x3FB0] =	sst s4  }
0xd: {  	[smem:$0x3FB1] =	sst s5  }
0xe: {  	[smem:$0x3FB2] =	sst s6  }
0xf: {  	[smem:$0x3FB3] =	sst s7  }
0x10: {  	[smem:$0x3FB4] =	sst s8  }
0x11: {  	[smem:$0x3FB5] =	sst s9;
	s0 =	simm.s32 @!p0 $0x0  }
0x12: {  	s1 =	sld [smem:$0x3F9B];
	s0 =	simm.s32 @p0 $0x1  }
0x13: {  	[smem:$0x3FB6] =	sst s0;
	s0 =	simm.s32 @!p1 $0x0  }
0x14: {  	s2 =	sld [smem:$0x3F9A];
	s0 =	simm.s32 @p1 $0x1  }
0x15: {  	[smem:$0x3FB7] =	sst s0;
	s0 =	simm.s32 @!p2 $0x0  }
0x16: {  	s3 =	sld [smem:$0x3FDB];
	s0 =	simm.s32 @p2 $0x1  }
0x17: {  	s4 =	simm.s32 $0x1BF5;
	[smem:$0x3FB9] =	sst s0  }
0x18: {  	s0 =	sld [smem:$0x3F9C];
	_ =	swait.ge [sflag:s4], $0x0  }
0x19: {  	s7 =	sld [smem:$0x3F9D]  }
0x1a: {  	s8 =	sadd.s32 $0xFFFFE003, lr  }
0x1b: {  	s9 =	sadd.s32 $0xFFFFFEF7, lr;
	s5 =	simm.s32 $0xFFFFFFFF;
	p2 =	slt.u32 s8, $0xFFFFF086  }
0x1c: {  	p1 =	slt.u32 s9, $0xF7A;
	s5 =	simm.s32 @!p2 $0x0  }
0x1d: {  	s5 =	simm.s32 @p1 $0x1;
	p0 =	seq.s32 s7, s2  }
0x1e: {  	s7 =	smul.u32 @!p0 $0xF7A, s2;
	p2 =	seq.s32 @!p0 s5, $0x0  }
0x1f: {  	s9 =	smul.u32 $0xF7A, s1;
	s8 =	simm.s32 @!p0 $0x1BF5;
	p2 =	por !p2, p0  }
0x20: {  	[sflag:s8] =	ssyncset.s32 @!p0 $0xFFFFF086;
	s6 =	sadd.s32 @!p0 s3, s7;
	s7 =	simm.s32 @!p0 $0x108  }
0x21: {  	s3 =	sadd.s32 s3, s9;
	s6 =	sadd.s32 @!p0 $0x88, s6;
	s7 =	simm.s32 @p2 $0x1082  }
0x22: {  	[simem:s7], [sflag:s8] =	dma.local @!p0 [hbm:s6], $0xF7A  }
0x23: {  	s9 =	sor.u32 $0xD0000000, s2;
	s6 =	simm.s32 $0x108;
	_ =	swait.ge @!p0 [sflag:s8], $0x0  }
0x24: {  	s3 =	sadd.s32 $0x88, s3;
	s6 =	simm.s32 @!p1 $0x1082;
	[sflag:s4] =	ssyncset.s32 $0xFFFFF086  }
0x25: {  	[simem:s6], [sflag:s4] =	dma.local [hbm:s3], $0xF7A  }
0x26: {  	[smem:$0x3F9D] =	sst s1;
	(tag) =	ssettag s2;
	_ =	strace s9  }
0x27: {  	s1 =	sld [smem:$0x3FAD]  }
0x28: {  	s2 =	sld [smem:$0x3FAE]  }
0x29: {  	s4 =	sld [smem:$0x3FB0]  }
0x2a: {  	p0 =	seq.s32 s5, $0x0;
	s5 =	sld [smem:$0x3FB1]  }
0x2b: {  	s6 =	sld [smem:$0x3FB2]  }
0x2c: {  	s7 =	sld [smem:$0x3FB3]  }
0x2d: {  	s3 =	simm.s32 $0x108;
	s8 =	sld [smem:$0x3FB4]  }
0x2e: {  	s3 =	simm.s32 @!p0 $0x1082;
	s9 =	sld [smem:$0x3FB5]  }
0x2f: {  	lr =	sadd.s32 s0, s3;
	s0 =	sld [smem:$0x3FAC]  }
0x30: {  	s3 =	sld [smem:$0x3FAF]  }
0x31: {  	[smem:$0x3FB8] =	sst s10  }
0x32: {  	s10 =	sld [smem:$0x3FB6];
	_ =	sdelay $0x3  }
0x33: {  	p0 =	seq.s32 s10, $0x1;
	s10 =	sld [smem:$0x3FB8];
	_ =	sdelay $0x3  }
0x34: {  	[smem:$0x3FB8] =	sst s10  }
0x35: {  	s10 =	sld [smem:$0x3FB7];
	_ =	sdelay $0x3  }
0x36: {  	p1 =	seq.s32 s10, $0x1;
	s10 =	sld [smem:$0x3FB8];
	_ =	sdelay $0x3  }
0x37: {  	[smem:$0x3FB8] =	sst s10  }
0x38: {  	s10 =	sld [smem:$0x3FB9]  }
0x39: {  	_ = 	snop;
	(pc) =	sbr.ind lr, $3  }
0x3a: {  	_ = 	snop  }
0x3b: {  	_ = 	snop  }
0x3c: {  	p2 =	seq.s32 s10, $0x1;
	s10 =	sld [smem:$0x3FB8]  }
0x3d: {  	_ =	shalt  }
0x3e: {  	_ =	shalt  }
0x3f: {  	_ =	shalt  }
0x40: {  	_ =	shalt  }
0x41: {  	_ =	shalt  }
0x42: {  	_ =	shalt  }
0x43: {  	_ =	shalt  }
0x44: {  	_ =	shalt  }
0x45: {  	_ =	shalt  }
0x46: {  	_ =	shalt  }
0x47: {  	_ =	shalt  }
0x48: {  	_ =	shalt  }
0x49: {  	_ =	shalt  }
0x4a: {  	_ =	shalt  }
0x4b: {  	_ =	shalt  }
0x4c: {  	_ =	shalt  }
0x4d: {  	_ =	shalt  }
0x4e: {  	_ =	shalt  }
0x4f: {  	_ =	shalt  }
0x50: {  	_ =	shalt  }
0x51: {  	_ =	shalt  }
0x52: {  	_ =	shalt  }
0x53: {  	_ =	shalt  }
0x54: {  	_ =	shalt  }
0x55: {  	_ =	shalt  }
0x56: {  	_ =	shalt  }
0x57: {  	_ =	shalt  }
0x58: {  	_ =	shalt  }
0x59: {  	_ =	shalt  }
0x5a: {  	_ =	shalt  }
0x5b: {  	_ =	shalt  }
0x5c: {  	_ =	shalt  }
0x5d: {  	_ =	shalt  }
0x5e: {  	_ =	shalt  }
0x5f: {  	_ =	shalt  }
0x60: {  	_ =	shalt  }
0x61: {  	_ =	shalt  }
0x62: {  	_ =	shalt  }
0x63: {  	_ =	shalt  }
0x64: {  	_ =	shalt  }
0x65: {  	_ =	shalt  }
0x66: {  	_ =	shalt  }
0x67: {  	_ =	shalt  }
0x68: {  	_ =	shalt  }
0x69: {  	_ =	shalt  }
0x6a: {  	_ =	shalt  }
0x6b: {  	_ =	shalt  }
0x6c: {  	_ =	shalt  }
0x6d: {  	_ =	shalt  }
0x6e: {  	_ =	shalt  }
0x6f: {  	_ =	shalt  }
0x70: {  	_ =	shalt  }
0x71: {  	_ =	shalt  }
0x72: {  	_ =	shalt  }
0x73: {  	_ =	shalt  }
0x74: {  	_ =	shalt  }
0x75: {  	_ =	shalt  }
0x76: {  	_ =	shalt  }
0x77: {  	_ =	shalt  }
0x78: {  	_ =	shalt  }
0x79: {  	_ =	shalt  }
0x7a: {  	_ =	shalt  }
0x7b: {  	_ =	shalt  }
0x7c: {  	_ =	shalt  }
0x7d: {  	_ =	shalt  }
0x7e: {  	_ =	shalt  }
0x7f: {  	_ =	shalt  }
0x80: {  	_ =	shalt  }
0x81: {  	_ =	shalt  }
0x82: {  	_ =	shalt  }
0x83: {  	_ =	shalt  }
0x84: {  	_ =	shalt  }
0x85: {  	_ =	shalt  }
0x86: {  	_ =	shalt  }
0x87: {  	_ =	shalt  }
.Lfunc_end0:
.L_simem_size_0:
called_computation_lowered:
.L_overlay_start_0:
0x88: {  	s2 =	sld [smem:$0x3FD9]  }
0x89: {  	s3 =	sld [smem:$0x3FFE];
	_ =	sdelay $0x1  }
0x8a: {  	s1 =	srdreg.scid  }
0x8b: {  	s0 =	sand.u32 $0x1, s1  }
0x8c: {  	s17 =	sshll.u32 s0, $0xA;
	s2 =	sadd.s32 s3, s2  }
0x8d: {  	s2 =	sadd.s32 s2, s17  }
0x8e: {  	[smem:$0x3FC4] =	sst s2  }
0x8f: {  	_ = 	snop  }
0x90: {  	s2 =	sld [smem:$0x3FC9]  }
0x91: {  	s18 =	sld [smem:$0x3FC8]  }
0x92: {  	s4 =	sld [smem:$0x3FC7]  }
0x93: {  	s5 =	sld [smem:$0x3FD0];
	(tm) =	ssettm $0x1  }
0x94: {  	s6 =	sld [smem:$0x3FFB];
	_ =	sdelay $0x3  }
0x95: {  	_ =	strace s6  }
0x96: {  	s6 =	sld [smem:$0x3FFC];
	_ =	sdelay $0x3  }
0x97: {  	_ =	strace s6  }
0x98: {  	s6 =	sld [smem:$0x3FFD];
	_ =	sdelay $0x3  }
0x99: {  	_ =	strace s6  }
0x9a: {  	_ =	strace $0x8FFFFFFF  }
0x9b: {  	s19 =	sld [smem:$0x3FDB];
	_ =	sdelay $0x1  }
0x9c: {  	s7 =	simm.s32 $_scs_section_size  }
0x9d: {  	s8 =	simm.s32 $_size__tile_overlayer_lowered;
	s9 =	simm.s32 $_tile_overlayer_lowered  }
0x9e: {  	s22 =	simm.s32 $0x1BFF;
	s21 =	sshll.u32 s9, $0x1;
	s6 =	sadd.s32 s7, s19  }
0x9f: {  	s10 =	simm.s32 $0x0;
	s20 =	sshll.u32 s8, $0x1;
	s8 =	sadd.s32 s21, s6  }
0xa0: {  	[timem:s10], [sflag:s22] =	dma.local [hbm:s8], s20  }
0xa1: {  	_ =	swait.ge [sflag:s22], s20  }
0xa2: {  	s7 =	ssub.s32 $0x0, s20;
	[sflag:s22] =	ssyncset.done $0x0  }
0xa3: {  	[sflag:s22] =	ssyncadd.s32 s7;
	_ =	sdelay $0x1  }
0xa4: {  	s23 =	simm.s32 $0x1B8B  }
0xa5: {  	_ =	swait.ge [sflag:s23], $0x1  }
0xa6: {  	[sflag:s23] =	ssyncset.done $0x0  }
0xa7: {  	s25 =	simm.s32 $0x1B8E;
	s24 =	sld [smem:$0x3FFE];
	[sflag:s23] =	ssyncadd.s32 $0xFFFFFFFF  }
0xa8: {  	s26 =	simm.s32 $execute0_lowered;
	[smem:$0x3FD2] =	sst s25  }
0xa9: {  	s8 =	sshll.u32 s26, $0x1;
	_ =	strace $0x80000046;
	[dreg:$0x1] =	wrdreg $0xFFFFFFFF  }
0xaa: {  	s28 =	simm.s32 $_size_execute0_lowered;
	s6 =	sadd.s32 s6, s8;
	[dreg:$0x0] =	wrdreg $0x0  }
0xab: {  	s8 =	sshll.u32 s28, $0x1;
	[dreg:$0x2] =	wrdreg s6  }
0xac: {  	[dreg:$0x3] =	wrdreg s8  }
0xad: {  	[dreg:$0x4] =	wrdreg $0xC0  }
0xae: {  	_ =	task [dreg:s10], $0x5FFFF  }
0xaf: {  	[dreg:$0x1] =	wrdreg $0xFFFFFFFF  }
0xb0: {  	[dreg:$0x0] =	wrdreg $0x60  }
0xb1: {  	[dreg:$0x2] =	wrdreg s2  }
0xb2: {  	[dreg:$0x3] =	wrdreg s18  }
0xb3: {  	[dreg:$0x4] =	wrdreg s4  }
0xb4: {  	[dreg:$0x5] =	wrdreg s24  }
0xb5: {  	[dreg:$0x6] =	wrdreg s5  }
0xb6: {  	[dreg:$0x7] =	wrdreg $0x9  }
0xb7: {  	_ =	task.clear_ibuf [dreg:s10], $0x8FFFF;
	_ =	strace $0x90000046  }
0xb8: {  	s29 =	simm.s32 $0x9;
	_ =	strace $0x80000048  }
0xb9: {  	_ =	swait.ge [sflag:s29], $0x1  }
0xba: {  	[sflag:s29] =	ssyncadd.s32 $0xFFFFFFFF  }
0xbb: {  	_ =	strace $0x90000048  }
0xbc: {  	_ =	sfence  }
0xbd: {  	s30 =	sld [smem:$0x0];
	_ =	sdelay $0x2  }
0xbe: {  	s31 =	sshll.u32 s1, $0xD;
	s1 =	sshrl.u32 s1, $0x2  }
0xbf: {  	s3 =	sand.u32 $0x4000, s31;
	s1 =	sadd.s32 s1, s30  }
0xc0: {  	s0 =	sor.u32 s3, s0;
	s1 =	sshll.u32 s1, $0x11  }
0xc1: {  	s0 =	sor.u32 s1, s0  }
0xc2: {  	s0 =	sadd.s32 $0x8F2B, s0  }
0xc3: {  	[sflag:s0] =	ssyncadd.remote.s32 $0x1  }
0xc4: {  	_ =	sfence.sel $0xFFFF  }
0xc5: {  	[dreg:$0x0] =	wrdreg $0xFFFFFFFF;
	(pc) =	sbr.abs _section_cstart, $3  }
0xc6: {  	[dreg:$0x1] =	wrdreg $0xFFFFFFFF  }
0xc7: {  	_ =	task.clear_ibuf [dreg:s10], $0x2FFFF;
	_ =	strace $0x9FFFFFFF  }
0xc8: {  	(tm) =	ssettm $0x7FFFFFFF  }
0xc9: {  	_ =	shalt  }
tec
execute0_lowered:
.L_overlay_start_1:
0x0: {  	(tag) =	ssettag $0x1  }
0x1: {  	v0 =	vlaneseq.u32;
	vm0 =	vmmov $0x1;
	vm1 =	vmmov $0x3  }
0x2: {  	vm2 =	vmmov $0x7;
	vm3 =	vmmov $0xf;
	vm4 =	vmmov $0x1f  }
0x3: {  	s0 =	rddreg [dreg:$0x0];
	vm5 =	vmmov $0x3f;
	vm6 =	vmmov $0x7f;
	vm7 =	vmmov $0xff  }
0x4: {  	s3 =	rddreg [dreg:$0x1];
	vm8 =	vmmov $0x1ff;
	vm9 =	vmmov $0x3ff;
	vm10 =	vmmov $0x7ff  }
0x5: {  	s4 =	rddreg [dreg:$0x3];
	vm11 =	vmmov $0xfff;
	vm12 =	vmmov $0x1fff;
	vm13 =	vmmov $0x3fff  }
0x6: {  	s2 =	rddreg [dreg:$0x4];
	s1 =	simm.s32 $0x0;
	vm14 =	vmmov $0x7fff;
	v1 =	vmul.u32 $0x80, v0;
	v3 =	vor.u32 $0x10, v0  }
0x7: {  	s6 =	srdreg.scid;
	s8 =	stileid.u32;
	s16 =	simm.s32 $0x9;
	v5 =	vor.u32 $0x20, v0;
	v7 =	vor.u32 $0x30, v0;
	v8 =	vor.u32 $0x80, v0  }
0x8: {  	s12 =	simm.s32 $0x400;
	s15 =	simm.s32 $0x10000;
	s20 =	simm.s32 $0x2000;
	v9 =	vor.u32 $0x90, v0;
	v10 =	vor.u32 $0xA0, v0;
	v11 =	vor.u32 $0xB0, v0  }
0x9: {  	s22 =	simm.s32 $0x4000;
	s17 =	simm.s32 $0x6000;
	s11 =	simm.s32 $0xA000;
	v12 =	vor.u32 $0x100, v0;
	v13 =	vor.u32 $0x110, v0;
	v14 =	vor.u32 $0x120, v0  }
0xa: {  	s9 =	simm.s32 $0xE000;
	s28 =	simm.s32 $0x5;
	s6 =	sand.u32 $0x1, s6;
	v15 =	vor.u32 $0x130, v0;
	v16 =	vor.u32 $0x180, v0;
	v17 =	vor.u32 $0x190, v0  }
0xb: {  	s8 =	sshll.u32 s8, $0x7;
	v18 =	vor.u32 $0x1A0, v0;
	v19 =	vor.u32 $0x1B0, v0;
	v20 =	vor.u32 $0x200, v0;
	s5 =	ssub.s32 $0x2, s6;
	s6 =	sshll.u32 s6, $0x6  }
0xc: {  	s30 =	simm.s32 $0x6;
	[smem:$0x7FF] =	sst s1;
	v21 =	vor.u32 $0x210, v0;
	v22 =	vor.u32 $0x220, v0;
	v23 =	vor.u32 $0x230, v0;
	s6 =	sor.u32 s6, s8  }
0xd: {  	s4 =	sadd.s32 $0x400, s4;
	v24 =	vor.u32 $0x280, v0;
	v25 =	vor.u32 $0x290, v0;
	v26 =	vor.u32 $0x2A0, v0;
	_ =	strace $0x80000047;
	s0 =	sadd.s32 s0, s6  }
0xe: {  	v27 =	vor.u32 $0x2B0, v0;
	v28 =	vor.u32 $0x300, v0;
	v29 =	vor.u32 $0x310, v0;
	s25 =	sshrl.u32 s5, $0x1;
	s26 =	sadd.s32 s3, s6;
	[dreg:$0x6] =	wrdreg s0  }
0xf: {  	v30 =	vor.u32 $0x320, v0;
	v31 =	vor.u32 $0x330, v0;
	v32 =	vor.u32 $0x380, v0;
	s1 =	ssub.s32 s5, s25;
	s29 =	sadd.s32 s2, s6;
	[dreg:$0x7] =	wrdreg s26  }
0x10: {  	v33 =	vor.u32 $0x390, v0;
	v34 =	vor.u32 $0x3A0, v0;
	v35 =	vor.u32 $0x3B0, v0;
	s3 =	simm.s32 $0x8000;
	[dreg:$0x8] =	wrdreg s29;
	s31 =	smax.u32 s1, $0x1  }
0x11: {  	v2 =	vor.u32 $0x800, v1;
	v4 =	vor.u32 $0x1000, v1;
	v6 =	vor.u32 $0x1800, v1;
	s6 =	simm.s32 $0xC000;
	s0 =	simm.s32 $0x0;
	[dreg:$0x9] =	wrdreg s31  }
.LBB2_1:
0x12: {  	[dreg:$0xa] =	wrdreg s0  }
0x13: {  	s8 =	rddreg [dreg:$0x6];
	s10 =	simm.s32 $0x10600;
	s7 =	simm.s32 $0x0  }
0x14: {  	[tilespmem:s10], [sflag:$0x9] =	stream.linear.gather [hbm4b:s8+s7], $0x200, $0x38;
	[tilespmem:$0x10A00] =	vst v63  }
0x15: {  	_ =	swait.ge [sflag:s16], $0x200  }
0x16: {  	[sflag:s16] =	ssyncset.done $0x0  }
0x17: {  	s14 =	simm.s32 $0x10800;
	s13 =	rddreg [dreg:$0x7];
	[sflag:s16] =	ssyncadd.s32 $0xFFFFFE00  }
0x18: {  	[tilespmem:s14], [sflag:$0x9] =	stream.linear.gather [hbm4b:s13+s7], $0x200, $0x38;
	[tilespmem:$0x10A00] =	vst v63  }
0x19: {  	_ =	swait.ge [sflag:s16], $0x200  }
0x1a: {  	[sflag:s16] =	ssyncset.done $0x0  }
0x1b: {  	[sflag:s16] =	ssyncadd.s32 $0xFFFFFE00  }
0x1c: {  	v36 =	vld [tilespmem:$0x10600]  }
0x1d: {  	v37 =	vld [tilespmem:$0x10800];
	_ =	sdelay $0x3  }
0x1e: {  	(v2sf) =	vpush v36, $0x0  }
0x1f: {  	v37 =	vshll.u32 v37, $0x4  }
0x20: {  	(v2sf) =	vpush v37, $0x0;
	_ =	sdelay $0x4  }
0x21: {  	(v2sf) =	vpush v36, $0x1;
	_ =	sdelay $0x2  }
0x22: {  	(v2sf) =	vpush v37, $0x1;
	_ =	sdelay $0x4  }
0x23: {  	s18 =	spop (v2sf)  }
0x24: {  	s1 =	rddreg [dreg:$0x2];
	s8 =	sand.u32 $0xFFFFF80, s18  }
0x25: {  	s5 =	simm.s32 $0x7A1400;
	(v2sf) =	vpush v36, $0x2;
	s19 =	spop (v2sf);
	s8 =	sadd.s32 s1, s8  }
0x26: {  	[tilespmem:s7], [sflag:$0x1] =	stream.strided.gather [hbm4b:s8+s12], $0x2000, s5, s12, $0x38;
	[tilespmem:$0x10A00] =	vst v63  }
0x27: {  	(v2sf) =	vpush v37, $0x2;
	s8 =	sand.u32 $0x1FFFFFF0, s19  }
0x28: {  	s2 =	simm.s32 $0x80;
	s8 =	sadd.s32 s4, s8  }
0x29: {  	[tilespmem:s15], [sflag:$0x1] =	stream.strided.gather [hbm4b:s8+s2], $0x0, s12, s2, $0x38;
	[tilespmem:$0x10A00] =	vst v63  }
0x2a: {  	s21 =	spop (v2sf)  }
0x2b: {  	[tilespmem:s15], [sflag:$0x1] =	stream.linear.gather [hbm4b:s8+s7], $0x40, $0x38;
	[tilespmem:$0x10A00] =	vst v63  }
0x2c: {  	(v2sf) =	vpush v36, $0x3;
	s8 =	sand.u32 $0xFFFFF80, s21  }
0x2d: {  	s23 =	spop (v2sf);
	s8 =	sadd.s32 s1, s8  }
0x2e: {  	[tilespmem:s20], [sflag:$0x2] =	stream.strided.gather [hbm4b:s8+s12], $0x2000, s5, s12, $0x38;
	[tilespmem:$0x10A00] =	vst v63  }
0x2f: {  	(v2sf) =	vpush v37, $0x3;
	s8 =	sand.u32 $0x1FFFFFF0, s23  }
0x30: {  	s24 =	simm.s32 $0x10080;
	s8 =	sadd.s32 s4, s8  }
0x31: {  	[tilespmem:s24], [sflag:$0x2] =	stream.strided.gather [hbm4b:s8+s2], $0x0, s12, s2, $0x38;
	[tilespmem:$0x10A00] =	vst v63  }
0x32: {  	_ = 	snop  }
0x33: {  	[tilespmem:s24], [sflag:$0x2] =	stream.linear.gather [hbm4b:s8+s7], $0x40, $0x38;
	[tilespmem:$0x10A00] =	vst v63  }
0x34: {  	s25 =	spop (v2sf)  }
0x35: {  	s8 =	sand.u32 $0xFFFFF80, s25  }
0x36: {  	(v2sf) =	vpush v36, $0x4;
	s26 =	spop (v2sf);
	s8 =	sadd.s32 s1, s8  }
0x37: {  	[tilespmem:s22], [sflag:$0x3] =	stream.strided.gather [hbm4b:s8+s12], $0x2000, s5, s12, $0x38;
	[tilespmem:$0x10A00] =	vst v63  }
0x38: {  	(v2sf) =	vpush v37, $0x4;
	s8 =	sand.u32 $0x1FFFFFF0, s26  }
0x39: {  	s29 =	simm.s32 $0x10100;
	s8 =	sadd.s32 s4, s8  }
0x3a: {  	[tilespmem:s29], [sflag:$0x3] =	stream.strided.gather [hbm4b:s8+s2], $0x0, s12, s2, $0x38;
	[tilespmem:$0x10A00] =	vst v63  }
0x3b: {  	s31 =	spop (v2sf);
	(v2sf) =	vpush v36, $0x5  }
0x3c: {  	[tilespmem:s29], [sflag:$0x3] =	stream.linear.gather [hbm4b:s8+s7], $0x40, $0x38;
	[tilespmem:$0x10A00] =	vst v63  }
0x3d: {  	s8 =	sand.u32 $0xFFFFF80, s31  }
0x3e: {  	s0 =	spop (v2sf);
	s8 =	sadd.s32 s1, s8  }
0x3f: {  	[tilespmem:s17], [sflag:$0x4] =	stream.strided.gather [hbm4b:s8+s12], $0x2000, s5, s12, $0x38;
	[tilespmem:$0x10A00] =	vst v63  }
0x40: {  	(v2sf) =	vpush v37, $0x5;
	s8 =	sand.u32 $0x1FFFFFF0, s0  }
0x41: {  	s10 =	simm.s32 $0x10180;
	s8 =	sadd.s32 s4, s8  }
0x42: {  	[tilespmem:s10], [sflag:$0x4] =	stream.strided.gather [hbm4b:s8+s2], $0x0, s12, s2, $0x38;
	[tilespmem:$0x10A00] =	vst v63  }
0x43: {  	_ = 	snop  }
0x44: {  	[tilespmem:s10], [sflag:$0x4] =	stream.linear.gather [hbm4b:s8+s7], $0x40, $0x38;
	[tilespmem:$0x10A00] =	vst v63  }
0x45: {  	s13 =	spop (v2sf)  }
0x46: {  	s8 =	sand.u32 $0xFFFFF80, s13  }
0x47: {  	(v2sf) =	vpush v36, $0x6;
	s14 =	spop (v2sf);
	s8 =	sadd.s32 s1, s8  }
0x48: {  	(v2sf) =	vpush v37, $0x6;
	[tilespmem:s3], [sflag:$0x5] =	stream.strided.gather [hbm4b:s8+s12], $0x2000, s5, s12, $0x38;
	[tilespmem:$0x10A00] =	vst v63  }
0x49: {  	s8 =	sand.u32 $0x1FFFFFF0, s14  }
0x4a: {  	s16 =	simm.s32 $0x10200;
	s17 =	spop (v2sf);
	s8 =	sadd.s32 s4, s8  }
0x4b: {  	(v2sf) =	vpush v36, $0x7;
	[tilespmem:s16], [sflag:$0x5] =	stream.strided.gather [hbm4b:s8+s2], $0x0, s12, s2, $0x38;
	[tilespmem:$0x10A00] =	vst v63  }
0x4c: {  	_ = 	snop  }
0x4d: {  	[tilespmem:s16], [sflag:$0x5] =	stream.linear.gather [hbm4b:s8+s7], $0x40, $0x38;
	[tilespmem:$0x10A00] =	vst v63  }
0x4e: {  	s8 =	sand.u32 $0xFFFFF80, s17  }
0x4f: {  	s18 =	spop (v2sf);
	(v2sf) =	vpush v37, $0x7;
	s8 =	sadd.s32 s1, s8  }
0x50: {  	[tilespmem:s11], [sflag:$0x6] =	stream.strided.gather [hbm4b:s8+s12], $0x2000, s5, s12, $0x38;
	[tilespmem:$0x10A00] =	vst v63  }
0x51: {  	s8 =	sand.u32 $0x1FFFFFF0, s18  }
0x52: {  	s19 =	simm.s32 $0x10280;
	s8 =	sadd.s32 s4, s8  }
0x53: {  	[tilespmem:s19], [sflag:$0x6] =	stream.strided.gather [hbm4b:s8+s2], $0x0, s12, s2, $0x38;
	[tilespmem:$0x10A00] =	vst v63  }
0x54: {  	_ = 	snop  }
0x55: {  	[tilespmem:s19], [sflag:$0x6] =	stream.linear.gather [hbm4b:s8+s7], $0x40, $0x38;
	[tilespmem:$0x10A00] =	vst v63  }
0x56: {  	s20 =	spop (v2sf)  }
0x57: {  	s21 =	sand.u32 $0xFFFFF80, s20;
	s22 =	spop (v2sf)  }
0x58: {  	s8 =	sadd.s32 s1, s21;
	s23 =	sand.u32 $0x1FFFFFF0, s22  }
0x59: {  	[tilespmem:s6], [sflag:$0x7] =	stream.strided.gather [hbm4b:s8+s12], $0x2000, s5, s12, $0x38;
	[tilespmem:$0x10A00] =	vst v63  }
0x5a: {  	s24 =	simm.s32 $0x10300;
	s25 =	spop (v2sf);
	s8 =	sadd.s32 s4, s23  }
0x5b: {  	[tilespmem:s24], [sflag:$0x7] =	stream.strided.gather [hbm4b:s8+s2], $0x0, s12, s2, $0x38;
	[tilespmem:$0x10A00] =	vst v63  }
0x5c: {  	s26 =	sand.u32 $0xFFFFF80, s25  }
0x5d: {  	[tilespmem:s24], [sflag:$0x7] =	stream.linear.gather [hbm4b:s8+s7], $0x40, $0x38;
	[tilespmem:$0x10A00] =	vst v63  }
0x5e: {  	s29 =	spop (v2sf);
	s8 =	sadd.s32 s1, s26  }
0x5f: {  	[tilespmem:s9], [sflag:$0x8] =	stream.strided.gather [hbm4b:s8+s12], $0x2000, s5, s12, $0x38;
	[tilespmem:$0x10A00] =	vst v63  }
0x60: {  	s8 =	sand.u32 $0x1FFFFFF0, s29  }
0x61: {  	s31 =	simm.s32 $0x10380;
	s8 =	sadd.s32 s4, s8  }
0x62: {  	[tilespmem:s31], [sflag:$0x8] =	stream.strided.gather [hbm4b:s8+s2], $0x0, s12, s2, $0x38;
	[tilespmem:$0x10A00] =	vst v63  }
0x63: {  	s10 =	simm.s32 $0x10  }
0x64: {  	[tilespmem:s31], [sflag:$0x8] =	stream.linear.gather [hbm4b:s8+s7], $0x40, $0x38;
	[tilespmem:$0x10A00] =	vst v63  }
0x65: {  	s20 =	simm.s32 $0x1;
	s21 =	simm.s32 $0x10400;
	s8 =	simm.s32 $0x10610  }
.LBB2_2:
0x66: {  	v45 =	vld [tilespmem:s8+$0xFFFFFFF0]  }
0x67: {  	s16 =	sadd.s32 $0xFFFFFFF0, s10;
	v36 =	vld [tilespmem:s8+$0x0];
	s3 =	sand.u32 $0x3F0, s10  }
0x68: {  	s16 =	sand.u32 $0x1F0, s16;
	v44 =	vld [tilespmem:s3+$0x10800]  }
0x69: {  	v37 =	vld [tilespmem:s16+$0x10800];
	_ =	swait.ge [sflag:s20], $0x2000  }
0x6a: {  	[sflag:s20] =	ssyncset.done $0x0  }
0x6b: {  	[sflag:s20] =	ssyncadd.s32 $0xFFFFE000  }
0x6c: {  	_ =	swait.ge [sflag:s20], $0x40  }
0x6d: {  	(v2sf) =	vpush v45, $0x0;
	_ =	sdelay $0xe  }
0x6e: {  	s5 =	spop (v2sf)  }
0x6f: {  	s16 =	sand.u32 $0x7F, s5  }
0x70: {  	v38 =	vor.u32 s16, v1  }
0x71: {  	[sflag:s20] =	ssyncset.done $0x0;
	v39 =	vor.u32 s16, v2  }
0x72: {  	[sflag:s20] =	ssyncadd.s32 $0xFFFFFFC0  }
0x73: {  	v41 =	vld.idx.msk [tilespmem:v0+s15+$0x0], $0xffff;
	v40 =	vor.u32 s16, v4  }
0x74: {  	s17 =	simm.s32 $0x0;
	v43 =	vld.idx.msk [tilespmem:v3+s15+$0x0], $0xffff  }
0x75: {  	v42 =	vor.u32 s16, v6;
	v38 =	vld.idx.msk [tilespmem:v38+s17+$0x0], $0xffff  }
0x76: {  	(v2sf) =	vpush v45, $0x8;
	v39 =	vld.idx.msk [tilespmem:v39+s17+$0x0], $0xffff  }
0x77: {  	v46 =	vshll.u32 v37, $0x4;
	v47 =	vld.idx.msk [tilespmem:v5+s15+$0x0], $0xffff  }
0x78: {  	(v2sf) =	vpush v46, $0x8;
	v40 =	vld.idx.msk [tilespmem:v40+s17+$0x0], $0xffff  }
0x79: {  	v55 =	vld.idx.msk [tilespmem:v7+s15+$0x0], $0xffff  }
0x7a: {  	v54 =	vld.idx.msk [tilespmem:v42+s17+$0x0], $0xffff  }
0x7b: {  	v38 =	vmul.f32 v41, v38;
	v39 =	vmul.f32 v43, v39;
	_ =	sdelay $0x1  }
0x7c: {  	v56 =	vmul.f32 v47, v40;
	v38 =	vadd.f32 v39, v38;
	_ =	sdelay $0x1  }
0x7d: {  	v37 =	vmul.f32 v55, v54;
	v38 =	vadd.f32 v56, v38;
	_ =	sdelay $0x1  }
0x7e: {  	v37 =	vadd.f32 v37, v38;
	_ =	sdelay $0x1  }
0x7f: {  	(xrf2) =	vadd.scan.msk.f32 $0xffff, v37;
	_ =	sdelay $0x1  }
0x80: {  	s19 =	spop (v2sf)  }
0x81: {  	s13 =	rddreg [dreg:$0x2];
	s6 =	sand.u32 $0xFFFFF80, s19  }
0x82: {  	s14 =	simm.s32 $0x7A1400;
	s7 =	spop (v2sf);
	s16 =	sadd.s32 s13, s6  }
0x83: {  	[tilespmem:s17], [sflag:$0x1] =	stream.strided.gather [hbm4b:s16+s12], $0x2000, s14, s12, $0x38;
	[tilespmem:$0x10A00] =	vst v63  }
0x84: {  	s16 =	sand.u32 $0x1FFFFFF0, s7  }
0x85: {  	s0 =	simm.s32 $0x80;
	s16 =	sadd.s32 s4, s16  }
0x86: {  	[tilespmem:s15], [sflag:$0x1] =	stream.strided.gather [hbm4b:s16+s0], $0x0, s12, s0, $0x38;
	[tilespmem:$0x10A00] =	vst v63  }
0x87: {  	s5 =	simm.s32 $0x2  }
0x88: {  	[tilespmem:s15], [sflag:$0x1] =	stream.linear.gather [hbm4b:s16+s17], $0x40, $0x38;
	v37, _, _ =	vpop (xrf2);
	[tilespmem:$0x10A00] =	vst v63  }
0x89: {  	_ =	swait.ge [sflag:s5], $0x2000  }
0x8a: {  	[sflag:s5] =	ssyncset.done $0x0  }
0x8b: {  	[sflag:s5] =	ssyncadd.s32 $0xFFFFE000  }
0x8c: {  	_ =	swait.ge [sflag:s5], $0x40  }
0x8d: {  	(v2sf) =	vpush v45, $0x1;
	_ =	sdelay $0xe  }
0x8e: {  	s9 =	spop (v2sf)  }
0x8f: {  	s16 =	sand.u32 $0x7F, s9  }
0x90: {  	v57 =	vor.u32 s16, v1  }
0x91: {  	[sflag:s5] =	ssyncset.done $0x0;
	v58 =	vor.u32 s16, v2  }
0x92: {  	[sflag:s5] =	ssyncadd.s32 $0xFFFFFFC0  }
0x93: {  	v60 =	vld.idx.msk [tilespmem:v8+s15+$0x0], $0xffff;
	v59 =	vor.u32 s16, v4  }
0x94: {  	s22 =	simm.s32 $0x2000;
	v62 =	vld.idx.msk [tilespmem:v9+s15+$0x0], $0xffff  }
0x95: {  	(v2sf) =	vpush v45, $0x9;
	v61 =	vor.u32 s16, v6;
	v38 =	vld.idx.msk [tilespmem:v57+s22+$0x0], $0xffff  }
0x96: {  	v39 =	vld.idx.msk [tilespmem:v58+s22+$0x0], $0xffff  }
0x97: {  	v63 =	vld.idx.msk [tilespmem:v10+s15+$0x0], $0xffff  }
0x98: {  	v40 =	vld.idx.msk [tilespmem:v59+s22+$0x0], $0xffff  }
0x99: {  	v48 =	vld.idx.msk [tilespmem:v11+s15+$0x0], $0xffff;
	(v2sf) =	vpush v46, $0x9  }
0x9a: {  	v42 =	vld.idx.msk [tilespmem:v61+s22+$0x0], $0xffff  }
0x9b: {  	v38 =	vmul.f32 v60, v38;
	v39 =	vmul.f32 v62, v39;
	_ =	sdelay $0x1  }
0x9c: {  	v50 =	vmul.f32 v63, v40;
	v38 =	vadd.f32 v39, v38;
	_ =	sdelay $0x1  }
0x9d: {  	v51 =	vmul.f32 v48, v42;
	v38 =	vadd.f32 v50, v38;
	_ =	sdelay $0x1  }
0x9e: {  	v38 =	vadd.f32 v51, v38;
	_ =	sdelay $0x1  }
0x9f: {  	(xrf2) =	vadd.scan.msk.f32 $0xffff, v38  }
0xa0: {  	s1 =	spop (v2sf)  }
0xa1: {  	s11 =	sand.u32 $0xFFFFF80, s1  }
0xa2: {  	s16 =	sadd.s32 s13, s11  }
0xa3: {  	[tilespmem:s22], [sflag:$0x2] =	stream.strided.gather [hbm4b:s16+s12], $0x2000, s14, s12, $0x38;
	[tilespmem:$0x10A00] =	vst v63  }
0xa4: {  	s18 =	spop (v2sf)  }
0xa5: {  	s16 =	sand.u32 $0x1FFFFFF0, s18  }
0xa6: {  	s20 =	simm.s32 $0x10080;
	s16 =	sadd.s32 s4, s16  }
0xa7: {  	[tilespmem:s20], [sflag:$0x2] =	stream.strided.gather [hbm4b:s16+s0], $0x0, s12, s0, $0x38;
	[tilespmem:$0x10A00] =	vst v63  }
0xa8: {  	s9 =	simm.s32 $0x3;
	[dreg:$0xc] =	wrdreg s1  }
0xa9: {  	[tilespmem:s20], [sflag:$0x2] =	stream.linear.gather [hbm4b:s16+s17], $0x40, $0x38;
	v38, _, _ =	vpop (xrf2);
	[tilespmem:$0x10A00] =	vst v63  }
0xaa: {  	_ =	swait.ge [sflag:s9], $0x2000  }
0xab: {  	[sflag:s9] =	ssyncset.done $0x0  }
0xac: {  	[sflag:s9] =	ssyncadd.s32 $0xFFFFE000  }
0xad: {  	_ =	swait.ge [sflag:s9], $0x40  }
0xae: {  	(v2sf) =	vpush v45, $0x2;
	_ =	sdelay $0xe  }
0xaf: {  	s23 =	spop (v2sf)  }
0xb0: {  	s16 =	sand.u32 $0x7F, s23  }
0xb1: {  	v52 =	vor.u32 s16, v1  }
0xb2: {  	[sflag:s9] =	ssyncset.done $0x0;
	v53 =	vor.u32 s16, v2  }
0xb3: {  	[sflag:s9] =	ssyncadd.s32 $0xFFFFFFC0  }
0xb4: {  	v55 =	vld.idx.msk [tilespmem:v12+s15+$0x0], $0xffff;
	v54 =	vor.u32 s16, v4  }
0xb5: {  	s26 =	simm.s32 $0x4000;
	v57 =	vld.idx.msk [tilespmem:v13+s15+$0x0], $0xffff  }
0xb6: {  	(v2sf) =	vpush v45, $0xA;
	v56 =	vor.u32 s16, v6;
	v39 =	vld.idx.msk [tilespmem:v52+s26+$0x0], $0xffff  }
0xb7: {  	v40 =	vld.idx.msk [tilespmem:v53+s26+$0x0], $0xffff  }
0xb8: {  	v58 =	vld.idx.msk [tilespmem:v14+s15+$0x0], $0xffff  }
0xb9: {  	v41 =	vld.idx.msk [tilespmem:v54+s26+$0x0], $0xffff  }
0xba: {  	v49 =	vld.idx.msk [tilespmem:v15+s15+$0x0], $0xffff;
	(v2sf) =	vpush v46, $0xA  }
0xbb: {  	v43 =	vld.idx.msk [tilespmem:v56+s26+$0x0], $0xffff  }
0xbc: {  	v39 =	vmul.f32 v55, v39;
	v40 =	vmul.f32 v57, v40;
	_ =	sdelay $0x1  }
0xbd: {  	v59 =	vmul.f32 v58, v41;
	v39 =	vadd.f32 v40, v39;
	_ =	sdelay $0x1  }
0xbe: {  	v60 =	vmul.f32 v49, v43;
	v39 =	vadd.f32 v59, v39;
	_ =	sdelay $0x1  }
0xbf: {  	v39 =	vadd.f32 v60, v39;
	_ =	sdelay $0x1  }
0xc0: {  	(xrf2) =	vadd.scan.msk.f32 $0xffff, v39  }
0xc1: {  	s23 =	spop (v2sf)  }
0xc2: {  	s24 =	sand.u32 $0xFFFFF80, s23  }
0xc3: {  	s16 =	sadd.s32 s13, s24  }
0xc4: {  	[tilespmem:s26], [sflag:$0x3] =	stream.strided.gather [hbm4b:s16+s12], $0x2000, s14, s12, $0x38;
	[tilespmem:$0x10A00] =	vst v63  }
0xc5: {  	s25 =	spop (v2sf)  }
0xc6: {  	s16 =	sand.u32 $0x1FFFFFF0, s25  }
0xc7: {  	s29 =	simm.s32 $0x10100;
	s16 =	sadd.s32 s4, s16  }
0xc8: {  	[tilespmem:s29], [sflag:$0x3] =	stream.strided.gather [hbm4b:s16+s0], $0x0, s12, s0, $0x38;
	[tilespmem:$0x10A00] =	vst v63  }
0xc9: {  	s24 =	simm.s32 $0x4  }
0xca: {  	[tilespmem:s29], [sflag:$0x3] =	stream.linear.gather [hbm4b:s16+s17], $0x40, $0x38;
	v39, _, _ =	vpop (xrf2);
	[tilespmem:$0x10A00] =	vst v63  }
0xcb: {  	_ =	swait.ge [sflag:s24], $0x2000  }
0xcc: {  	[sflag:s24] =	ssyncset.done $0x0  }
0xcd: {  	[sflag:s24] =	ssyncadd.s32 $0xFFFFE000  }
0xce: {  	_ =	swait.ge [sflag:s24], $0x40  }
0xcf: {  	(v2sf) =	vpush v45, $0x3;
	_ =	sdelay $0xe  }
0xd0: {  	s31 =	spop (v2sf)  }
0xd1: {  	s16 =	sand.u32 $0x7F, s31  }
0xd2: {  	v61 =	vor.u32 s16, v1  }
0xd3: {  	[sflag:s24] =	ssyncset.done $0x0;
	v62 =	vor.u32 s16, v2  }
0xd4: {  	[sflag:s24] =	ssyncadd.s32 $0xFFFFFFC0  }
0xd5: {  	v52 =	vld.idx.msk [tilespmem:v16+s15+$0x0], $0xffff;
	v63 =	vor.u32 s16, v4  }
0xd6: {  	v54 =	vld.idx.msk [tilespmem:v17+s15+$0x0], $0xffff;
	s31 =	simm.s32 $0x6000  }
0xd7: {  	(v2sf) =	vpush v45, $0xB;
	v53 =	vor.u32 s16, v6;
	v40 =	vld.idx.msk [tilespmem:v61+s31+$0x0], $0xffff  }
0xd8: {  	v41 =	vld.idx.msk [tilespmem:v62+s31+$0x0], $0xffff  }
0xd9: {  	v55 =	vld.idx.msk [tilespmem:v18+s15+$0x0], $0xffff  }
0xda: {  	v42 =	vld.idx.msk [tilespmem:v63+s31+$0x0], $0xffff  }
0xdb: {  	v50 =	vld.idx.msk [tilespmem:v19+s15+$0x0], $0xffff;
	(v2sf) =	vpush v46, $0xB  }
0xdc: {  	v47 =	vld.idx.msk [tilespmem:v53+s31+$0x0], $0xffff  }
0xdd: {  	v40 =	vmul.f32 v52, v40;
	v41 =	vmul.f32 v54, v41;
	_ =	sdelay $0x1  }
0xde: {  	v56 =	vmul.f32 v55, v42;
	v40 =	vadd.f32 v41, v40;
	_ =	sdelay $0x1  }
0xdf: {  	v57 =	vmul.f32 v50, v47;
	v40 =	vadd.f32 v56, v40;
	_ =	sdelay $0x1  }
0xe0: {  	v40 =	vadd.f32 v57, v40;
	_ =	sdelay $0x1  }
0xe1: {  	(xrf2) =	vadd.scan.msk.f32 $0xffff, v40  }
0xe2: {  	s25 =	spop (v2sf)  }
0xe3: {  	s1 =	sand.u32 $0xFFFFF80, s25  }
0xe4: {  	s16 =	sadd.s32 s13, s1  }
0xe5: {  	[tilespmem:s31], [sflag:$0x4] =	stream.strided.gather [hbm4b:s16+s12], $0x2000, s14, s12, $0x38;
	[tilespmem:$0x10A00] =	vst v63  }
0xe6: {  	s2 =	spop (v2sf)  }
0xe7: {  	s16 =	sand.u32 $0x1FFFFFF0, s2  }
0xe8: {  	s3 =	simm.s32 $0x10180;
	s16 =	sadd.s32 s4, s16  }
0xe9: {  	[tilespmem:s3], [sflag:$0x4] =	stream.strided.gather [hbm4b:s16+s0], $0x0, s12, s0, $0x38;
	[tilespmem:$0x10A00] =	vst v63  }
0xea: {  	_ = 	snop  }
0xeb: {  	[tilespmem:s3], [sflag:$0x4] =	stream.linear.gather [hbm4b:s16+s17], $0x40, $0x38;
	v40, _, _ =	vpop (xrf2);
	[tilespmem:$0x10A00] =	vst v63  }
0xec: {  	_ =	swait.ge [sflag:s28], $0x2000  }
0xed: {  	[sflag:s28] =	ssyncset.done $0x0  }
0xee: {  	[sflag:s28] =	ssyncadd.s32 $0xFFFFE000  }
0xef: {  	_ =	swait.ge [sflag:s28], $0x40  }
0xf0: {  	(v2sf) =	vpush v45, $0x4;
	_ =	sdelay $0xe  }
0xf1: {  	s6 =	spop (v2sf)  }
0xf2: {  	s16 =	sand.u32 $0x7F, s6  }
0xf3: {  	v58 =	vor.u32 s16, v1  }
0xf4: {  	[sflag:s28] =	ssyncset.done $0x0;
	v59 =	vor.u32 s16, v2  }
0xf5: {  	[sflag:s28] =	ssyncadd.s32 $0xFFFFFFC0  }
0xf6: {  	v61 =	vld.idx.msk [tilespmem:v20+s15+$0x0], $0xffff;
	v60 =	vor.u32 s16, v4  }
0xf7: {  	s3 =	simm.s32 $0x8000;
	v63 =	vld.idx.msk [tilespmem:v21+s15+$0x0], $0xffff  }
0xf8: {  	(v2sf) =	vpush v45, $0xC;
	v62 =	vor.u32 s16, v6;
	v41 =	vld.idx.msk [tilespmem:v58+s3+$0x0], $0xffff  }
0xf9: {  	v42 =	vld.idx.msk [tilespmem:v59+s3+$0x0], $0xffff  }
0xfa: {  	v54 =	vld.idx.msk [tilespmem:v22+s15+$0x0], $0xffff  }
0xfb: {  	v43 =	vld.idx.msk [tilespmem:v60+s3+$0x0], $0xffff  }
0xfc: {  	v51 =	vld.idx.msk [tilespmem:v23+s15+$0x0], $0xffff;
	(v2sf) =	vpush v46, $0xC  }
0xfd: {  	v48 =	vld.idx.msk [tilespmem:v62+s3+$0x0], $0xffff  }
0xfe: {  	v41 =	vmul.f32 v61, v41;
	v42 =	vmul.f32 v63, v42;
	_ =	sdelay $0x1  }
0xff: {  	v55 =	vmul.f32 v54, v43;
	v41 =	vadd.f32 v42, v41;
	_ =	sdelay $0x1  }
0x100: {  	v56 =	vmul.f32 v51, v48;
	v41 =	vadd.f32 v55, v41;
	_ =	sdelay $0x1  }
0x101: {  	v41 =	vadd.f32 v56, v41;
	_ =	sdelay $0x1  }
0x102: {  	(xrf2) =	vadd.scan.msk.f32 $0xffff, v41  }
0x103: {  	s28 =	spop (v2sf)  }
0x104: {  	s7 =	sand.u32 $0xFFFFF80, s28  }
0x105: {  	s16 =	sadd.s32 s13, s7  }
0x106: {  	[tilespmem:s3], [sflag:$0x5] =	stream.strided.gather [hbm4b:s16+s12], $0x2000, s14, s12, $0x38;
	[tilespmem:$0x10A00] =	vst v63  }
0x107: {  	s11 =	spop (v2sf)  }
0x108: {  	s16 =	sand.u32 $0x1FFFFFF0, s11  }
0x109: {  	s18 =	simm.s32 $0x10200;
	s16 =	sadd.s32 s4, s16  }
0x10a: {  	[tilespmem:s18], [sflag:$0x5] =	stream.strided.gather [hbm4b:s16+s0], $0x0, s12, s0, $0x38;
	[tilespmem:$0x10A00] =	vst v63  }
0x10b: {  	_ = 	snop  }
0x10c: {  	[tilespmem:s18], [sflag:$0x5] =	stream.linear.gather [hbm4b:s16+s17], $0x40, $0x38;
	v41, _, _ =	vpop (xrf2);
	[tilespmem:$0x10A00] =	vst v63  }
0x10d: {  	_ =	swait.ge [sflag:s30], $0x2000  }
0x10e: {  	[sflag:s30] =	ssyncset.done $0x0  }
0x10f: {  	[sflag:s30] =	ssyncadd.s32 $0xFFFFE000  }
0x110: {  	_ =	swait.ge [sflag:s30], $0x40  }
0x111: {  	(v2sf) =	vpush v45, $0x5;
	_ =	sdelay $0xe  }
0x112: {  	s20 =	spop (v2sf)  }
0x113: {  	s16 =	sand.u32 $0x7F, s20  }
0x114: {  	v57 =	vor.u32 s16, v1  }
0x115: {  	[sflag:s30] =	ssyncset.done $0x0;
	v58 =	vor.u32 s16, v2  }
0x116: {  	[sflag:s30] =	ssyncadd.s32 $0xFFFFFFC0  }
0x117: {  	v60 =	vld.idx.msk [tilespmem:v24+s15+$0x0], $0xffff;
	v59 =	vor.u32 s16, v4  }
0x118: {  	s11 =	simm.s32 $0xA000;
	v62 =	vld.idx.msk [tilespmem:v25+s15+$0x0], $0xffff  }
0x119: {  	(v2sf) =	vpush v45, $0xD;
	v61 =	vor.u32 s16, v6;
	v42 =	vld.idx.msk [tilespmem:v57+s11+$0x0], $0xffff  }
0x11a: {  	v43 =	vld.idx.msk [tilespmem:v58+s11+$0x0], $0xffff  }
0x11b: {  	v63 =	vld.idx.msk [tilespmem:v26+s15+$0x0], $0xffff  }
0x11c: {  	v47 =	vld.idx.msk [tilespmem:v59+s11+$0x0], $0xffff  }
0x11d: {  	v52 =	vld.idx.msk [tilespmem:v27+s15+$0x0], $0xffff;
	(v2sf) =	vpush v46, $0xD  }
0x11e: {  	v49 =	vld.idx.msk [tilespmem:v61+s11+$0x0], $0xffff  }
0x11f: {  	v42 =	vmul.f32 v60, v42;
	v43 =	vmul.f32 v62, v43;
	_ =	sdelay $0x1  }
0x120: {  	v55 =	vmul.f32 v63, v47;
	v42 =	vadd.f32 v43, v42;
	_ =	sdelay $0x1  }
0x121: {  	v56 =	vmul.f32 v52, v49;
	v42 =	vadd.f32 v55, v42;
	_ =	sdelay $0x1  }
0x122: {  	v42 =	vadd.f32 v56, v42;
	_ =	sdelay $0x1  }
0x123: {  	(xrf2) =	vadd.scan.msk.f32 $0xffff, v42  }
0x124: {  	s30 =	spop (v2sf)  }
0x125: {  	s29 =	sand.u32 $0xFFFFF80, s30  }
0x126: {  	s16 =	sadd.s32 s13, s29  }
0x127: {  	[tilespmem:s11], [sflag:$0x6] =	stream.strided.gather [hbm4b:s16+s12], $0x2000, s14, s12, $0x38;
	[tilespmem:$0x10A00] =	vst v63  }
0x128: {  	s1 =	spop (v2sf)  }
0x129: {  	s16 =	sand.u32 $0x1FFFFFF0, s1  }
0x12a: {  	s2 =	simm.s32 $0x10280;
	s16 =	sadd.s32 s4, s16  }
0x12b: {  	[tilespmem:s2], [sflag:$0x6] =	stream.strided.gather [hbm4b:s16+s0], $0x0, s12, s0, $0x38;
	[tilespmem:$0x10A00] =	vst v63  }
0x12c: {  	s29 =	simm.s32 $0x7  }
0x12d: {  	[tilespmem:s2], [sflag:$0x6] =	stream.linear.gather [hbm4b:s16+s17], $0x40, $0x38;
	v42, _, _ =	vpop (xrf2);
	[tilespmem:$0x10A00] =	vst v63  }
0x12e: {  	_ =	swait.ge [sflag:s29], $0x2000  }
0x12f: {  	[sflag:s29] =	ssyncset.done $0x0  }
0x130: {  	[sflag:s29] =	ssyncadd.s32 $0xFFFFE000  }
0x131: {  	_ =	swait.ge [sflag:s29], $0x40  }
0x132: {  	(v2sf) =	vpush v45, $0x6;
	_ =	sdelay $0xe  }
0x133: {  	s6 =	spop (v2sf)  }
0x134: {  	s16 =	sand.u32 $0x7F, s6  }
0x135: {  	v57 =	vor.u32 s16, v1  }
0x136: {  	[sflag:s29] =	ssyncset.done $0x0;
	v58 =	vor.u32 s16, v2  }
0x137: {  	[sflag:s29] =	ssyncadd.s32 $0xFFFFFFC0  }
0x138: {  	v60 =	vld.idx.msk [tilespmem:v28+s15+$0x0], $0xffff;
	v59 =	vor.u32 s16, v4  }
0x139: {  	v62 =	vld.idx.msk [tilespmem:v29+s15+$0x0], $0xffff;
	s6 =	simm.s32 $0xC000  }
0x13a: {  	(v2sf) =	vpush v45, $0xE;
	v61 =	vor.u32 s16, v6;
	v43 =	vld.idx.msk [tilespmem:v57+s6+$0x0], $0xffff  }
0x13b: {  	v47 =	vld.idx.msk [tilespmem:v58+s6+$0x0], $0xffff  }
0x13c: {  	v63 =	vld.idx.msk [tilespmem:v30+s15+$0x0], $0xffff  }
0x13d: {  	v48 =	vld.idx.msk [tilespmem:v59+s6+$0x0], $0xffff  }
0x13e: {  	v53 =	vld.idx.msk [tilespmem:v31+s15+$0x0], $0xffff;
	(v2sf) =	vpush v46, $0xE  }
0x13f: {  	v50 =	vld.idx.msk [tilespmem:v61+s6+$0x0], $0xffff  }
0x140: {  	v43 =	vmul.f32 v60, v43;
	v47 =	vmul.f32 v62, v47;
	_ =	sdelay $0x1  }
0x141: {  	v55 =	vmul.f32 v63, v48;
	v43 =	vadd.f32 v47, v43;
	_ =	sdelay $0x1  }
0x142: {  	v56 =	vmul.f32 v53, v50;
	v43 =	vadd.f32 v55, v43;
	_ =	sdelay $0x1  }
0x143: {  	v43 =	vadd.f32 v56, v43;
	_ =	sdelay $0x1  }
0x144: {  	(xrf2) =	vadd.scan.msk.f32 $0xffff, v43  }
0x145: {  	s16 =	spop (v2sf)  }
0x146: {  	s18 =	sand.u32 $0xFFFFF80, s16  }
0x147: {  	s18 =	sadd.s32 s13, s18  }
0x148: {  	[tilespmem:s6], [sflag:$0x7] =	stream.strided.gather [hbm4b:s18+s12], $0x2000, s14, s12, $0x38;
	[tilespmem:$0x10A00] =	vst v63  }
0x149: {  	s7 =	spop (v2sf)  }
0x14a: {  	s18 =	sand.u32 $0x1FFFFFF0, s7  }
0x14b: {  	s20 =	simm.s32 $0x10300;
	s18 =	sadd.s32 s4, s18  }
0x14c: {  	[tilespmem:s20], [sflag:$0x7] =	stream.strided.gather [hbm4b:s18+s0], $0x0, s12, s0, $0x38;
	[tilespmem:$0x10A00] =	vst v63  }
0x14d: {  	s2 =	simm.s32 $0x8  }
0x14e: {  	[tilespmem:s20], [sflag:$0x7] =	stream.linear.gather [hbm4b:s18+s17], $0x40, $0x38;
	v43, _, _ =	vpop (xrf2);
	[tilespmem:$0x10A00] =	vst v63  }
0x14f: {  	_ =	swait.ge [sflag:s2], $0x2000  }
0x150: {  	[sflag:s2] =	ssyncset.done $0x0  }
0x151: {  	[sflag:s2] =	ssyncadd.s32 $0xFFFFE000  }
0x152: {  	_ =	swait.ge [sflag:s2], $0x40  }
0x153: {  	(v2sf) =	vpush v45, $0x7;
	_ =	sdelay $0xe  }
0x154: {  	s1 =	spop (v2sf)  }
0x155: {  	s18 =	sand.u32 $0x7F, s1  }
0x156: {  	v57 =	vor.u32 s18, v1  }
0x157: {  	[sflag:s2] =	ssyncset.done $0x0;
	v58 =	vor.u32 s18, v2  }
0x158: {  	[sflag:s2] =	ssyncadd.s32 $0xFFFFFFC0  }
0x159: {  	v60 =	vld.idx.msk [tilespmem:v32+s15+$0x0], $0xffff;
	v59 =	vor.u32 s18, v4  }
0x15a: {  	(v2sf) =	vpush v45, $0xF;
	v62 =	vld.idx.msk [tilespmem:v33+s15+$0x0], $0xffff;
	s1 =	simm.s32 $0xE000  }
0x15b: {  	v61 =	vor.u32 s18, v6;
	v47 =	vld.idx.msk [tilespmem:v57+s1+$0x0], $0xffff  }
0x15c: {  	v48 =	vld.idx.msk [tilespmem:v58+s1+$0x0], $0xffff  }
0x15d: {  	v63 =	vld.idx.msk [tilespmem:v34+s15+$0x0], $0xffff  }
0x15e: {  	(v2sf) =	vpush v46, $0xF;
	v49 =	vld.idx.msk [tilespmem:v59+s1+$0x0], $0xffff  }
0x15f: {  	v54 =	vld.idx.msk [tilespmem:v35+s15+$0x0], $0xffff  }
0x160: {  	v51 =	vld.idx.msk [tilespmem:v61+s1+$0x0], $0xffff  }
0x161: {  	v47 =	vmul.f32 v60, v47;
	v45 =	vmul.f32 v62, v48;
	_ =	sdelay $0x1  }
0x162: {  	v55 =	vmul.f32 v63, v49;
	v45 =	vadd.f32 v45, v47;
	_ =	sdelay $0x1  }
0x163: {  	v46 =	vmul.f32 v54, v51;
	v45 =	vadd.f32 v55, v45;
	_ =	sdelay $0x1  }
0x164: {  	v45 =	vadd.f32 v46, v45;
	_ =	sdelay $0x1  }
0x165: {  	s18 =	spop (v2sf);
	(xrf2) =	vadd.scan.msk.f32 $0xffff, v45  }
0x166: {  	s7 =	sand.u32 $0xFFFFF80, s18  }
0x167: {  	s20 =	sadd.s32 s13, s7  }
0x168: {  	[tilespmem:s1], [sflag:$0x8] =	stream.strided.gather [hbm4b:s20+s12], $0x2000, s14, s12, $0x38;
	[tilespmem:$0x10A00] =	vst v63  }
0x169: {  	s7 =	spop (v2sf)  }
0x16a: {  	s20 =	sand.u32 $0x1FFFFFF0, s7  }
0x16b: {  	s7 =	simm.s32 $0x10380;
	s20 =	sadd.s32 s4, s20  }
0x16c: {  	[tilespmem:s7], [sflag:$0x8] =	stream.strided.gather [hbm4b:s20+s0], $0x0, s12, s0, $0x38;
	[tilespmem:$0x10A00] =	vst v63  }
0x16d: {  	_ = 	snop  }
0x16e: {  	[tilespmem:s7], [sflag:$0x8] =	stream.linear.gather [hbm4b:s20+s17], $0x40, $0x38;
	[tilespmem:$0x10A00] =	vst v63  }
0x16f: {  	s20 =	simm.s32 $0x1;
	v45, _, _ =	vpop (xrf2)  }
0x170: {  	s19 =	sand.u32 $0x7F, s19;
	_ =	swait.ge [sflag:s20], $0x2000  }
0x171: {  	v56 =	vor.u32 s19, v1;
	[sflag:s20] =	ssyncset.done $0x0  }
0x172: {  	[sflag:s20] =	ssyncadd.s32 $0xFFFFE000  }
0x173: {  	v57 =	vor.u32 s19, v2;
	_ =	swait.ge [sflag:s20], $0x40  }
0x174: {  	[sflag:s20] =	ssyncset.done $0x0  }
0x175: {  	v58 =	vor.u32 s19, v4;
	[sflag:s20] =	ssyncadd.s32 $0xFFFFFFC0  }
0x176: {  	v59 =	vld.idx.msk [tilespmem:v56+s17+$0x0], $0xffff  }
0x177: {  	v61 =	vor.u32 s19, v6;
	v60 =	vld.idx.msk [tilespmem:v0+s15+$0x0], $0xffff  }
0x178: {  	(v2sf) =	vpush v36, $0x0;
	v47 =	vld.idx.msk [tilespmem:v57+s17+$0x0], $0xffff  }
0x179: {  	v62 =	vld.idx.msk [tilespmem:v3+s15+$0x0], $0xffff  }
0x17a: {  	v48 =	vld.idx.msk [tilespmem:v58+s17+$0x0], $0xffff  }
0x17b: {  	v46 =	vshll.u32 v44, $0x4;
	v63 =	vld.idx.msk [tilespmem:v5+s15+$0x0], $0xffff  }
0x17c: {  	(v2sf) =	vpush v46, $0x0;
	v55 =	vld.idx.msk [tilespmem:v61+s17+$0x0], $0xffff  }
0x17d: {  	v56 =	vld.idx.msk [tilespmem:v7+s15+$0x0], $0xffff  }
0x17e: {  	v49 =	vmul.f32 v60, v59;
	v47 =	vmul.f32 v62, v47;
	_ =	sdelay $0x1  }
0x17f: {  	v48 =	vmul.f32 v63, v48;
	v47 =	vadd.f32 v47, v49;
	_ =	sdelay $0x1  }
0x180: {  	v44 =	vmul.f32 v56, v55;
	v47 =	vadd.f32 v48, v47;
	_ =	sdelay $0x1  }
0x181: {  	v44 =	vadd.f32 v44, v47;
	_ =	sdelay $0x1  }
0x182: {  	(xrf2) =	vadd.scan.msk.f32 $0xffff, v44  }
0x183: {  	s19 =	spop (v2sf)  }
0x184: {  	s19 =	sand.u32 $0xFFFFF80, s19  }
0x185: {  	s19 =	sadd.s32 s13, s19  }
0x186: {  	[tilespmem:s17], [sflag:$0x1] =	stream.strided.gather [hbm4b:s19+s12], $0x2000, s14, s12, $0x38;
	[tilespmem:$0x10A00] =	vst v63  }
0x187: {  	s19 =	spop (v2sf)  }
0x188: {  	s19 =	sand.u32 $0x1FFFFFF0, s19  }
0x189: {  	s19 =	sadd.s32 s4, s19  }
0x18a: {  	[tilespmem:s15], [sflag:$0x1] =	stream.strided.gather [hbm4b:s19+s0], $0x0, s12, s0, $0x38;
	[tilespmem:$0x10A00] =	vst v63  }
0x18b: {  	_ = 	snop  }
0x18c: {  	[tilespmem:s15], [sflag:$0x1] =	stream.linear.gather [hbm4b:s19+s17], $0x40, $0x38;
	v44, _, _ =	vpop (xrf2);
	[tilespmem:$0x10A00] =	vst v63  }
0x18d: {  	_ =	swait.ge [sflag:s5], $0x2000  }
0x18e: {  	s19 =	rddreg [dreg:$0xc];
	[sflag:s5] =	ssyncset.done $0x0  }
0x18f: {  	s19 =	sand.u32 $0x7F, s19;
	[sflag:s5] =	ssyncadd.s32 $0xFFFFE000  }
0x190: {  	v57 =	vor.u32 s19, v1;
	_ =	swait.ge [sflag:s5], $0x40  }
0x191: {  	v58 =	vor.u32 s19, v2;
	[sflag:s5] =	ssyncset.done $0x0  }
0x192: {  	[sflag:s5] =	ssyncadd.s32 $0xFFFFFFC0  }
0x193: {  	v59 =	vor.u32 s19, v4;
	v60 =	vld.idx.msk [tilespmem:v8+s15+$0x0], $0xffff  }
0x194: {  	v62 =	vld.idx.msk [tilespmem:v9+s15+$0x0], $0xffff  }
0x195: {  	v61 =	vor.u32 s19, v6;
	v47 =	vld.idx.msk [tilespmem:v57+s22+$0x0], $0xffff  }
0x196: {  	(v2sf) =	vpush v36, $0x1;
	v48 =	vld.idx.msk [tilespmem:v58+s22+$0x0], $0xffff  }
0x197: {  	v63 =	vld.idx.msk [tilespmem:v10+s15+$0x0], $0xffff  }
0x198: {  	(v2sf) =	vpush v46, $0x1;
	v49 =	vld.idx.msk [tilespmem:v59+s22+$0x0], $0xffff  }
0x199: {  	v54 =	vld.idx.msk [tilespmem:v11+s15+$0x0], $0xffff  }
0x19a: {  	v51 =	vld.idx.msk [tilespmem:v61+s22+$0x0], $0xffff  }
0x19b: {  	v47 =	vmul.f32 v60, v47;
	v48 =	vmul.f32 v62, v48;
	_ =	sdelay $0x1  }
0x19c: {  	v55 =	vmul.f32 v63, v49;
	v47 =	vadd.f32 v48, v47;
	_ =	sdelay $0x1  }
0x19d: {  	v56 =	vmul.f32 v54, v51;
	v47 =	vadd.f32 v55, v47;
	_ =	sdelay $0x1  }
0x19e: {  	v47 =	vadd.f32 v56, v47;
	_ =	sdelay $0x1  }
0x19f: {  	(xrf2) =	vadd.scan.msk.f32 $0xffff, v47;
	_ =	sdelay $0x1  }
0x1a0: {  	s5 =	spop (v2sf)  }
0x1a1: {  	s19 =	sand.u32 $0xFFFFF80, s5  }
0x1a2: {  	s5 =	spop (v2sf);
	s19 =	sadd.s32 s13, s19  }
0x1a3: {  	[tilespmem:s22], [sflag:$0x2] =	stream.strided.gather [hbm4b:s19+s12], $0x2000, s14, s12, $0x38;
	[tilespmem:$0x10A00] =	vst v63  }
0x1a4: {  	s19 =	sand.u32 $0x1FFFFFF0, s5  }
0x1a5: {  	s22 =	simm.s32 $0x10080;
	s19 =	sadd.s32 s4, s19  }
0x1a6: {  	[tilespmem:s22], [sflag:$0x2] =	stream.strided.gather [hbm4b:s19+s0], $0x0, s12, s0, $0x38;
	[tilespmem:$0x10A00] =	vst v63  }
0x1a7: {  	_ = 	snop  }
0x1a8: {  	[tilespmem:s22], [sflag:$0x2] =	stream.linear.gather [hbm4b:s19+s17], $0x40, $0x38;
	v47, _, _ =	vpop (xrf2);
	[tilespmem:$0x10A00] =	vst v63  }
0x1a9: {  	s5 =	sand.u32 $0x7F, s23;
	_ =	swait.ge [sflag:s9], $0x2000  }
0x1aa: {  	v57 =	vor.u32 s5, v1;
	[sflag:s9] =	ssyncset.done $0x0  }
0x1ab: {  	[sflag:s9] =	ssyncadd.s32 $0xFFFFE000  }
0x1ac: {  	v58 =	vor.u32 s5, v2;
	_ =	swait.ge [sflag:s9], $0x40  }
0x1ad: {  	[sflag:s9] =	ssyncset.done $0x0  }
0x1ae: {  	v59 =	vor.u32 s5, v4;
	[sflag:s9] =	ssyncadd.s32 $0xFFFFFFC0  }
0x1af: {  	v48 =	vld.idx.msk [tilespmem:v57+s26+$0x0], $0xffff  }
0x1b0: {  	v61 =	vor.u32 s5, v6;
	v60 =	vld.idx.msk [tilespmem:v12+s15+$0x0], $0xffff  }
0x1b1: {  	v49 =	vld.idx.msk [tilespmem:v58+s26+$0x0], $0xffff  }
0x1b2: {  	(v2sf) =	vpush v36, $0x2;
	v62 =	vld.idx.msk [tilespmem:v13+s15+$0x0], $0xffff  }
0x1b3: {  	v50 =	vld.idx.msk [tilespmem:v59+s26+$0x0], $0xffff  }
0x1b4: {  	(v2sf) =	vpush v46, $0x2;
	v63 =	vld.idx.msk [tilespmem:v14+s15+$0x0], $0xffff  }
0x1b5: {  	v52 =	vld.idx.msk [tilespmem:v61+s26+$0x0], $0xffff  }
0x1b6: {  	v55 =	vld.idx.msk [tilespmem:v15+s15+$0x0], $0xffff  }
0x1b7: {  	v48 =	vmul.f32 v60, v48;
	v49 =	vmul.f32 v62, v49;
	_ =	sdelay $0x1  }
0x1b8: {  	v54 =	vmul.f32 v63, v50;
	v48 =	vadd.f32 v49, v48;
	_ =	sdelay $0x1  }
0x1b9: {  	v56 =	vmul.f32 v55, v52;
	v48 =	vadd.f32 v54, v48;
	_ =	sdelay $0x1  }
0x1ba: {  	v48 =	vadd.f32 v56, v48;
	_ =	sdelay $0x1  }
0x1bb: {  	(xrf2) =	vadd.scan.msk.f32 $0xffff, v48;
	_ =	sdelay $0x1  }
0x1bc: {  	s9 =	spop (v2sf)  }
0x1bd: {  	s19 =	sand.u32 $0xFFFFF80, s9  }
0x1be: {  	s22 =	spop (v2sf);
	s19 =	sadd.s32 s13, s19  }
0x1bf: {  	[tilespmem:s26], [sflag:$0x3] =	stream.strided.gather [hbm4b:s19+s12], $0x2000, s14, s12, $0x38;
	[tilespmem:$0x10A00] =	vst v63  }
0x1c0: {  	s19 =	sand.u32 $0x1FFFFFF0, s22  }
0x1c1: {  	s23 =	simm.s32 $0x10100;
	s19 =	sadd.s32 s4, s19  }
0x1c2: {  	[tilespmem:s23], [sflag:$0x3] =	stream.strided.gather [hbm4b:s19+s0], $0x0, s12, s0, $0x38;
	[tilespmem:$0x10A00] =	vst v63  }
0x1c3: {  	_ = 	snop  }
0x1c4: {  	[tilespmem:s23], [sflag:$0x3] =	stream.linear.gather [hbm4b:s19+s17], $0x40, $0x38;
	v48, _, _ =	vpop (xrf2);
	[tilespmem:$0x10A00] =	vst v63  }
0x1c5: {  	s25 =	sand.u32 $0x7F, s25;
	_ =	swait.ge [sflag:s24], $0x2000  }
0x1c6: {  	v57 =	vor.u32 s25, v1;
	[sflag:s24] =	ssyncset.done $0x0  }
0x1c7: {  	[sflag:s24] =	ssyncadd.s32 $0xFFFFE000  }
0x1c8: {  	v58 =	vor.u32 s25, v2;
	_ =	swait.ge [sflag:s24], $0x40  }
0x1c9: {  	[sflag:s24] =	ssyncset.done $0x0  }
0x1ca: {  	v59 =	vor.u32 s25, v4;
	[sflag:s24] =	ssyncadd.s32 $0xFFFFFFC0  }
0x1cb: {  	v49 =	vld.idx.msk [tilespmem:v57+s31+$0x0], $0xffff  }
0x1cc: {  	v61 =	vor.u32 s25, v6;
	v60 =	vld.idx.msk [tilespmem:v16+s15+$0x0], $0xffff  }
0x1cd: {  	v50 =	vld.idx.msk [tilespmem:v58+s31+$0x0], $0xffff  }
0x1ce: {  	(v2sf) =	vpush v36, $0x3;
	v62 =	vld.idx.msk [tilespmem:v17+s15+$0x0], $0xffff  }
0x1cf: {  	v51 =	vld.idx.msk [tilespmem:v59+s31+$0x0], $0xffff  }
0x1d0: {  	(v2sf) =	vpush v46, $0x3;
	v63 =	vld.idx.msk [tilespmem:v18+s15+$0x0], $0xffff  }
0x1d1: {  	v53 =	vld.idx.msk [tilespmem:v61+s31+$0x0], $0xffff  }
0x1d2: {  	v56 =	vld.idx.msk [tilespmem:v19+s15+$0x0], $0xffff  }
0x1d3: {  	v49 =	vmul.f32 v60, v49;
	v50 =	vmul.f32 v62, v50;
	_ =	sdelay $0x1  }
0x1d4: {  	v55 =	vmul.f32 v63, v51;
	v49 =	vadd.f32 v50, v49;
	_ =	sdelay $0x1  }
0x1d5: {  	v56 =	vmul.f32 v56, v53;
	v49 =	vadd.f32 v55, v49;
	_ =	sdelay $0x1  }
0x1d6: {  	v49 =	vadd.f32 v56, v49;
	_ =	sdelay $0x1  }
0x1d7: {  	(xrf2) =	vadd.scan.msk.f32 $0xffff, v49;
	_ =	sdelay $0x1  }
0x1d8: {  	s26 =	spop (v2sf)  }
0x1d9: {  	s19 =	sand.u32 $0xFFFFF80, s26  }
0x1da: {  	s5 =	spop (v2sf);
	s19 =	sadd.s32 s13, s19  }
0x1db: {  	[tilespmem:s31], [sflag:$0x4] =	stream.strided.gather [hbm4b:s19+s12], $0x2000, s14, s12, $0x38;
	[tilespmem:$0x10A00] =	vst v63  }
0x1dc: {  	s19 =	sand.u32 $0x1FFFFFF0, s5  }
0x1dd: {  	s9 =	simm.s32 $0x10180;
	s19 =	sadd.s32 s4, s19  }
0x1de: {  	[tilespmem:s9], [sflag:$0x4] =	stream.strided.gather [hbm4b:s19+s0], $0x0, s12, s0, $0x38;
	[tilespmem:$0x10A00] =	vst v63  }
0x1df: {  	s22 =	simm.s32 $0x5  }
0x1e0: {  	[tilespmem:s9], [sflag:$0x4] =	stream.linear.gather [hbm4b:s19+s17], $0x40, $0x38;
	v49, _, _ =	vpop (xrf2);
	[tilespmem:$0x10A00] =	vst v63  }
0x1e1: {  	s23 =	sand.u32 $0x7F, s28;
	s28 =	simm.s32 $0x5;
	_ =	swait.ge [sflag:s22], $0x2000  }
0x1e2: {  	v57 =	vor.u32 s23, v1;
	[sflag:s28] =	ssyncset.done $0x0  }
0x1e3: {  	[sflag:s28] =	ssyncadd.s32 $0xFFFFE000  }
0x1e4: {  	v58 =	vor.u32 s23, v2;
	_ =	swait.ge [sflag:s28], $0x40  }
0x1e5: {  	[sflag:s28] =	ssyncset.done $0x0  }
0x1e6: {  	v59 =	vor.u32 s23, v4;
	[sflag:s28] =	ssyncadd.s32 $0xFFFFFFC0  }
0x1e7: {  	v50 =	vld.idx.msk [tilespmem:v57+s3+$0x0], $0xffff  }
0x1e8: {  	v61 =	vor.u32 s23, v6;
	v60 =	vld.idx.msk [tilespmem:v20+s15+$0x0], $0xffff  }
0x1e9: {  	v51 =	vld.idx.msk [tilespmem:v58+s3+$0x0], $0xffff  }
0x1ea: {  	(v2sf) =	vpush v36, $0x4;
	v62 =	vld.idx.msk [tilespmem:v21+s15+$0x0], $0xffff  }
0x1eb: {  	v52 =	vld.idx.msk [tilespmem:v59+s3+$0x0], $0xffff  }
0x1ec: {  	(v2sf) =	vpush v46, $0x4;
	v63 =	vld.idx.msk [tilespmem:v22+s15+$0x0], $0xffff  }
0x1ed: {  	v54 =	vld.idx.msk [tilespmem:v61+s3+$0x0], $0xffff  }
0x1ee: {  	v57 =	vld.idx.msk [tilespmem:v23+s15+$0x0], $0xffff  }
0x1ef: {  	v50 =	vmul.f32 v60, v50;
	v51 =	vmul.f32 v62, v51;
	_ =	sdelay $0x1  }
0x1f0: {  	v59 =	vmul.f32 v63, v52;
	v50 =	vadd.f32 v51, v50;
	_ =	sdelay $0x1  }
0x1f1: {  	v60 =	vmul.f32 v57, v54;
	v50 =	vadd.f32 v59, v50;
	_ =	sdelay $0x1  }
0x1f2: {  	v50 =	vadd.f32 v60, v50;
	_ =	sdelay $0x1  }
0x1f3: {  	(xrf2) =	vadd.scan.msk.f32 $0xffff, v50;
	_ =	sdelay $0x1  }
0x1f4: {  	s24 =	spop (v2sf)  }
0x1f5: {  	s19 =	sand.u32 $0xFFFFF80, s24  }
0x1f6: {  	s25 =	spop (v2sf);
	s19 =	sadd.s32 s13, s19  }
0x1f7: {  	[tilespmem:s3], [sflag:$0x5] =	stream.strided.gather [hbm4b:s19+s12], $0x2000, s14, s12, $0x38;
	[tilespmem:$0x10A00] =	vst v63  }
0x1f8: {  	s19 =	sand.u32 $0x1FFFFFF0, s25  }
0x1f9: {  	s26 =	simm.s32 $0x10200;
	s19 =	sadd.s32 s4, s19  }
0x1fa: {  	[tilespmem:s26], [sflag:$0x5] =	stream.strided.gather [hbm4b:s19+s0], $0x0, s12, s0, $0x38;
	[tilespmem:$0x10A00] =	vst v63  }
0x1fb: {  	s31 =	simm.s32 $0x6  }
0x1fc: {  	[tilespmem:s26], [sflag:$0x5] =	stream.linear.gather [hbm4b:s19+s17], $0x40, $0x38;
	v50, _, _ =	vpop (xrf2);
	[tilespmem:$0x10A00] =	vst v63  }
0x1fd: {  	s5 =	sand.u32 $0x7F, s30;
	s30 =	simm.s32 $0x6;
	_ =	swait.ge [sflag:s31], $0x2000  }
0x1fe: {  	v61 =	vor.u32 s5, v1;
	[sflag:s30] =	ssyncset.done $0x0  }
0x1ff: {  	[sflag:s30] =	ssyncadd.s32 $0xFFFFE000  }
0x200: {  	v62 =	vor.u32 s5, v2;
	_ =	swait.ge [sflag:s30], $0x40  }
0x201: {  	[sflag:s30] =	ssyncset.done $0x0  }
0x202: {  	v63 =	vor.u32 s5, v4;
	[sflag:s30] =	ssyncadd.s32 $0xFFFFFFC0  }
0x203: {  	v51 =	vld.idx.msk [tilespmem:v61+s11+$0x0], $0xffff  }
0x204: {  	v60 =	vld.idx.msk [tilespmem:v24+s15+$0x0], $0xffff  }
0x205: {  	(v2sf) =	vpush v36, $0x5;
	v61 =	vor.u32 s5, v6;
	v52 =	vld.idx.msk [tilespmem:v62+s11+$0x0], $0xffff  }
0x206: {  	v62 =	vld.idx.msk [tilespmem:v25+s15+$0x0], $0xffff  }
0x207: {  	v53 =	vld.idx.msk [tilespmem:v63+s11+$0x0], $0xffff  }
0x208: {  	v63 =	vld.idx.msk [tilespmem:v26+s15+$0x0], $0xffff  }
0x209: {  	(v2sf) =	vpush v46, $0x5;
	v58 =	vld.idx.msk [tilespmem:v27+s15+$0x0], $0xffff  }
0x20a: {  	v55 =	vld.idx.msk [tilespmem:v61+s11+$0x0], $0xffff  }
0x20b: {  	v51 =	vmul.f32 v60, v51;
	v52 =	vmul.f32 v62, v52;
	_ =	sdelay $0x1  }
0x20c: {  	v59 =	vmul.f32 v63, v53;
	v51 =	vadd.f32 v52, v51;
	_ =	sdelay $0x1  }
0x20d: {  	v51 =	vadd.f32 v59, v51;
	v60 =	vmul.f32 v58, v55;
	_ =	sdelay $0x1  }
0x20e: {  	v51 =	vadd.f32 v60, v51;
	_ =	sdelay $0x1  }
0x20f: {  	(xrf2) =	vadd.scan.msk.f32 $0xffff, v51  }
0x210: {  	s9 =	spop (v2sf)  }
0x211: {  	s19 =	sand.u32 $0xFFFFF80, s9  }
0x212: {  	s19 =	sadd.s32 s13, s19  }
0x213: {  	[tilespmem:s11], [sflag:$0x6] =	stream.strided.gather [hbm4b:s19+s12], $0x2000, s14, s12, $0x38;
	[tilespmem:$0x10A00] =	vst v63  }
0x214: {  	s11 =	spop (v2sf)  }
0x215: {  	s19 =	sand.u32 $0x1FFFFFF0, s11  }
0x216: {  	s22 =	simm.s32 $0x10280;
	s19 =	sadd.s32 s4, s19  }
0x217: {  	[tilespmem:s22], [sflag:$0x6] =	stream.strided.gather [hbm4b:s19+s0], $0x0, s12, s0, $0x38;
	[tilespmem:$0x10A00] =	vst v63  }
0x218: {  	_ = 	snop  }
0x219: {  	[tilespmem:s22], [sflag:$0x6] =	stream.linear.gather [hbm4b:s19+s17], $0x40, $0x38;
	v51, _, _ =	vpop (xrf2);
	[tilespmem:$0x10A00] =	vst v63  }
0x21a: {  	s16 =	sand.u32 $0x7F, s16;
	_ =	swait.ge [sflag:s29], $0x2000  }
0x21b: {  	v61 =	vor.u32 s16, v1;
	[sflag:s29] =	ssyncset.done $0x0  }
0x21c: {  	[sflag:s29] =	ssyncadd.s32 $0xFFFFE000  }
0x21d: {  	v62 =	vor.u32 s16, v2;
	_ =	swait.ge [sflag:s29], $0x40  }
0x21e: {  	[sflag:s29] =	ssyncset.done $0x0  }
0x21f: {  	v63 =	vor.u32 s16, v4;
	[sflag:s29] =	ssyncadd.s32 $0xFFFFFFC0  }
0x220: {  	v52 =	vld.idx.msk [tilespmem:v61+s6+$0x0], $0xffff  }
0x221: {  	v60 =	vld.idx.msk [tilespmem:v28+s15+$0x0], $0xffff  }
0x222: {  	v61 =	vor.u32 s16, v6;
	v53 =	vld.idx.msk [tilespmem:v62+s6+$0x0], $0xffff  }
0x223: {  	(v2sf) =	vpush v36, $0x6;
	v62 =	vld.idx.msk [tilespmem:v29+s15+$0x0], $0xffff  }
0x224: {  	v54 =	vld.idx.msk [tilespmem:v63+s6+$0x0], $0xffff  }
0x225: {  	(v2sf) =	vpush v46, $0x6;
	v63 =	vld.idx.msk [tilespmem:v30+s15+$0x0], $0xffff  }
0x226: {  	v59 =	vld.idx.msk [tilespmem:v31+s15+$0x0], $0xffff  }
0x227: {  	v56 =	vld.idx.msk [tilespmem:v61+s6+$0x0], $0xffff  }
0x228: {  	v52 =	vmul.f32 v60, v52;
	v53 =	vmul.f32 v62, v53;
	_ =	sdelay $0x1  }
0x229: {  	v57 =	vmul.f32 v63, v54;
	v52 =	vadd.f32 v53, v52;
	_ =	sdelay $0x1  }
0x22a: {  	v52 =	vadd.f32 v57, v52;
	v58 =	vmul.f32 v59, v56;
	_ =	sdelay $0x1  }
0x22b: {  	v52 =	vadd.f32 v58, v52;
	_ =	sdelay $0x1  }
0x22c: {  	(xrf2) =	vadd.scan.msk.f32 $0xffff, v52;
	_ =	sdelay $0x1  }
0x22d: {  	s23 =	spop (v2sf)  }
0x22e: {  	s16 =	sand.u32 $0xFFFFF80, s23  }
0x22f: {  	s24 =	spop (v2sf);
	s16 =	sadd.s32 s13, s16  }
0x230: {  	[tilespmem:s6], [sflag:$0x7] =	stream.strided.gather [hbm4b:s16+s12], $0x2000, s14, s12, $0x38;
	[tilespmem:$0x10A00] =	vst v63  }
0x231: {  	s16 =	sand.u32 $0x1FFFFFF0, s24  }
0x232: {  	s25 =	simm.s32 $0x10300;
	s16 =	sadd.s32 s4, s16  }
0x233: {  	[tilespmem:s25], [sflag:$0x7] =	stream.strided.gather [hbm4b:s16+s0], $0x0, s12, s0, $0x38;
	[tilespmem:$0x10A00] =	vst v63  }
0x234: {  	_ = 	snop  }
0x235: {  	[tilespmem:s25], [sflag:$0x7] =	stream.linear.gather [hbm4b:s16+s17], $0x40, $0x38;
	v52, _, _ =	vpop (xrf2);
	[tilespmem:$0x10A00] =	vst v63  }
0x236: {  	s26 =	sand.u32 $0x7F, s18;
	_ =	swait.ge [sflag:s2], $0x2000  }
0x237: {  	v59 =	vor.u32 s26, v1;
	[sflag:s2] =	ssyncset.done $0x0  }
0x238: {  	[sflag:s2] =	ssyncadd.s32 $0xFFFFE000  }
0x239: {  	v60 =	vor.u32 s26, v2;
	_ =	swait.ge [sflag:s2], $0x40  }
0x23a: {  	[sflag:s2] =	ssyncset.done $0x0  }
0x23b: {  	v61 =	vor.u32 s26, v4;
	[sflag:s2] =	ssyncadd.s32 $0xFFFFFFC0  }
0x23c: {  	v53 =	vld.idx.msk [tilespmem:v59+s1+$0x0], $0xffff  }
0x23d: {  	v62 =	vor.u32 s26, v6;
	v56 =	vld.idx.msk [tilespmem:v32+s15+$0x0], $0xffff  }
0x23e: {  	v54 =	vld.idx.msk [tilespmem:v60+s1+$0x0], $0xffff  }
0x23f: {  	v63 =	vld.idx.msk [tilespmem:v33+s15+$0x0], $0xffff  }
0x240: {  	(v2sf) =	vpush v36, $0x7;
	v60 =	vld.idx.msk [tilespmem:v61+s1+$0x0], $0xffff  }
0x241: {  	v61 =	vld.idx.msk [tilespmem:v34+s15+$0x0], $0xffff  }
0x242: {  	(v2sf) =	vpush v46, $0x7;
	v57 =	vld.idx.msk [tilespmem:v62+s1+$0x0], $0xffff  }
0x243: {  	v62 =	vld.idx.msk [tilespmem:v35+s15+$0x0], $0xffff  }
0x244: {  	v53 =	vmul.f32 v56, v53;
	v54 =	vmul.f32 v63, v54;
	_ =	sdelay $0x1  }
0x245: {  	v36 =	vmul.f32 v61, v60;
	v53 =	vadd.f32 v54, v53  }
0x246: {  	v37 =	vbroadcast v37, $0xF;
	v38 =	vbroadcast v38, $0xF  }
0x247: {  	v39 =	vbroadcast v39, $0xF;
	v46 =	vmul.f32 v62, v57;
	v36 =	vadd.f32 v36, v53  }
0x248: {  	v37 =	vsel vm0, v37, v38;
	v63 =	vbroadcast v40, $0xF  }
0x249: {  	v37 =	vsel vm1, v37, v39;
	v36 =	vadd.f32 v46, v36;
	v46 =	vbroadcast v41, $0xF  }
0x24a: {  	v37 =	vsel vm2, v37, v63;
	v53 =	vbroadcast v42, $0xF  }
0x24b: {  	v54 =	vbroadcast v43, $0xF;
	v37 =	vsel vm3, v37, v46;
	(xrf2) =	vadd.scan.msk.f32 $0xffff, v36  }
0x24c: {  	v55 =	vbroadcast v45, $0xF;
	v37 =	vsel vm4, v37, v53  }
0x24d: {  	v56 =	vbroadcast v44, $0xF;
	v36 =	vsel vm5, v37, v54  }
0x24e: {  	v57 =	vbroadcast v47, $0xF;
	s29 =	spop (v2sf);
	v36 =	vsel vm6, v36, v55  }
0x24f: {  	v58 =	vbroadcast v48, $0xF;
	s16 =	sand.u32 $0xFFFFF80, s29;
	v36 =	vsel vm7, v36, v56  }
0x250: {  	v59 =	vbroadcast v49, $0xF;
	s31 =	spop (v2sf);
	s16 =	sadd.s32 s13, s16;
	v36 =	vsel vm8, v36, v57  }
0x251: {  	v60 =	vbroadcast v50, $0xF;
	[tilespmem:s1], [sflag:$0x8] =	stream.strided.gather [hbm4b:s16+s12], $0x2000, s14, s12, $0x38;
	v36 =	vsel vm9, v36, v58;
	[tilespmem:$0x10A00] =	vst v63  }
0x252: {  	p0 =	sne.s32 s10, $0x1F0;
	v61 =	vbroadcast v51, $0xF;
	s16 =	sand.u32 $0x1FFFFFF0, s31;
	v36 =	vsel vm10, v36, v59  }
.Ltmp0:
0x253: {  	s7 =	simm.s32 $0x10380;
	v62 =	vbroadcast v52, $0xF;
	s16 =	sadd.s32 s4, s16;
	v36 =	vsel vm11, v36, v60;
	(pc) =	sbr.rel @p0 .LBB2_2-.Ltmp0, $4  }
0x254: {  	[tilespmem:s7], [sflag:$0x8] =	stream.strided.gather [hbm4b:s16+s0], $0x0, s12, s0, $0x38;
	v36 =	vsel vm12, v36, v61;
	[tilespmem:$0x10A00] =	vst v63  }
0x255: {  	v36 =	vsel vm13, v36, v62;
	v63, _, _ =	vpop (xrf2)  }
0x256: {  	[tilespmem:s7], [sflag:$0x8] =	stream.linear.gather [hbm4b:s16+s17], $0x40, $0x38;
	v36 =	vsel vm14, v36, v63;
	[tilespmem:$0x10A00] =	vst v63  }
0x257: {  	s8 =	sadd.s32 $0x10, s8;
	s10 =	sadd.s32 $0x10, s10;
	[tilespmem:s21+$0x0] =	vst v36;
	s21 =	sadd.s32 $0x10, s21  }
0x258: {  	v42 =	vld [tilespmem:$0x107F0]  }
0x259: {  	v36 =	vld [tilespmem:$0x109F0];
	_ =	swait.ge [sflag:s20], $0x2000  }
0x25a: {  	[sflag:s20] =	ssyncset.done $0x0  }
0x25b: {  	[sflag:s20] =	ssyncadd.s32 $0xFFFFE000  }
0x25c: {  	_ =	swait.ge [sflag:s20], $0x40  }
0x25d: {  	(v2sf) =	vpush v42, $0x0;
	_ =	sdelay $0xe  }
0x25e: {  	s8 =	spop (v2sf)  }
0x25f: {  	s8 =	sand.u32 $0x7F, s8  }
0x260: {  	v37 =	vor.u32 s8, v1  }
0x261: {  	[sflag:s20] =	ssyncset.done $0x0;
	v38 =	vor.u32 s8, v2  }
0x262: {  	[sflag:s20] =	ssyncadd.s32 $0xFFFFFFC0  }
0x263: {  	v40 =	vld.idx.msk [tilespmem:v0+s15+$0x0], $0xffff;
	v39 =	vor.u32 s8, v4  }
0x264: {  	s7 =	simm.s32 $0x0;
	v44 =	vld.idx.msk [tilespmem:v3+s15+$0x0], $0xffff  }
0x265: {  	v41 =	vor.u32 s8, v6;
	v37 =	vld.idx.msk [tilespmem:v37+s7+$0x0], $0xffff  }
0x266: {  	(v2sf) =	vpush v42, $0x8;
	v38 =	vld.idx.msk [tilespmem:v38+s7+$0x0], $0xffff  }
0x267: {  	v43 =	vshll.u32 v36, $0x4;
	v45 =	vld.idx.msk [tilespmem:v5+s15+$0x0], $0xffff  }
0x268: {  	(v2sf) =	vpush v43, $0x8;
	v39 =	vld.idx.msk [tilespmem:v39+s7+$0x0], $0xffff  }
0x269: {  	v47 =	vld.idx.msk [tilespmem:v7+s15+$0x0], $0xffff  }
0x26a: {  	v46 =	vld.idx.msk [tilespmem:v41+s7+$0x0], $0xffff  }
0x26b: {  	v37 =	vmul.f32 v40, v37;
	v38 =	vmul.f32 v44, v38;
	_ =	sdelay $0x1  }
0x26c: {  	v48 =	vmul.f32 v45, v39;
	v37 =	vadd.f32 v38, v37;
	_ =	sdelay $0x1  }
0x26d: {  	v36 =	vmul.f32 v47, v46;
	v37 =	vadd.f32 v48, v37;
	_ =	sdelay $0x1  }
0x26e: {  	v36 =	vadd.f32 v36, v37;
	_ =	sdelay $0x1  }
0x26f: {  	(xrf2) =	vadd.scan.msk.f32 $0xffff, v36;
	_ =	sdelay $0x1  }
0x270: {  	s0 =	spop (v2sf)  }
0x271: {  	s6 =	rddreg [dreg:$0x2];
	s10 =	sand.u32 $0xFFFFF80, s0  }
0x272: {  	s8 =	simm.s32 $0x7A1400;
	s24 =	spop (v2sf);
	s10 =	sadd.s32 s6, s10  }
0x273: {  	[tilespmem:s7], [sflag:$0x1] =	stream.strided.gather [hbm4b:s10+s12], $0x2000, s8, s12, $0x38;
	[tilespmem:$0x10A00] =	vst v63  }
0x274: {  	s10 =	sand.u32 $0x1FFFFFF0, s24  }
0x275: {  	s11 =	simm.s32 $0x80;
	s10 =	sadd.s32 s4, s10  }
0x276: {  	[tilespmem:s15], [sflag:$0x1] =	stream.strided.gather [hbm4b:s10+s11], $0x0, s12, s11, $0x38;
	[tilespmem:$0x10A00] =	vst v63  }
0x277: {  	s5 =	simm.s32 $0x2;
	[dreg:$0xb] =	wrdreg s0  }
0x278: {  	[tilespmem:s15], [sflag:$0x1] =	stream.linear.gather [hbm4b:s10+s7], $0x40, $0x38;
	v36, _, _ =	vpop (xrf2);
	[tilespmem:$0x10A00] =	vst v63  }
0x279: {  	_ =	swait.ge [sflag:s5], $0x2000  }
0x27a: {  	[sflag:s5] =	ssyncset.done $0x0  }
0x27b: {  	[sflag:s5] =	ssyncadd.s32 $0xFFFFE000  }
0x27c: {  	_ =	swait.ge [sflag:s5], $0x40  }
0x27d: {  	(v2sf) =	vpush v42, $0x1;
	_ =	sdelay $0xe  }
0x27e: {  	s25 =	spop (v2sf)  }
0x27f: {  	s10 =	sand.u32 $0x7F, s25  }
0x280: {  	v49 =	vor.u32 s10, v1  }
0x281: {  	[sflag:s5] =	ssyncset.done $0x0;
	v50 =	vor.u32 s10, v2  }
0x282: {  	[sflag:s5] =	ssyncadd.s32 $0xFFFFFFC0  }
0x283: {  	v52 =	vld.idx.msk [tilespmem:v8+s15+$0x0], $0xffff;
	v51 =	vor.u32 s10, v4  }
0x284: {  	s22 =	simm.s32 $0x2000;
	v54 =	vld.idx.msk [tilespmem:v9+s15+$0x0], $0xffff  }
0x285: {  	(v2sf) =	vpush v42, $0x9;
	v53 =	vor.u32 s10, v6;
	v37 =	vld.idx.msk [tilespmem:v49+s22+$0x0], $0xffff  }
0x286: {  	v38 =	vld.idx.msk [tilespmem:v50+s22+$0x0], $0xffff  }
0x287: {  	v55 =	vld.idx.msk [tilespmem:v10+s15+$0x0], $0xffff  }
0x288: {  	v39 =	vld.idx.msk [tilespmem:v51+s22+$0x0], $0xffff  }
0x289: {  	v46 =	vld.idx.msk [tilespmem:v11+s15+$0x0], $0xffff;
	(v2sf) =	vpush v43, $0x9  }
0x28a: {  	v41 =	vld.idx.msk [tilespmem:v53+s22+$0x0], $0xffff  }
0x28b: {  	v37 =	vmul.f32 v52, v37;
	v38 =	vmul.f32 v54, v38;
	_ =	sdelay $0x1  }
0x28c: {  	v56 =	vmul.f32 v55, v39;
	v37 =	vadd.f32 v38, v37;
	_ =	sdelay $0x1  }
0x28d: {  	v57 =	vmul.f32 v46, v41;
	v37 =	vadd.f32 v56, v37;
	_ =	sdelay $0x1  }
0x28e: {  	v37 =	vadd.f32 v57, v37;
	_ =	sdelay $0x1  }
0x28f: {  	(xrf2) =	vadd.scan.msk.f32 $0xffff, v37  }
0x290: {  	s10 =	spop (v2sf)  }
0x291: {  	s16 =	sand.u32 $0xFFFFF80, s10  }
0x292: {  	s16 =	sadd.s32 s6, s16  }
0x293: {  	[tilespmem:s22], [sflag:$0x2] =	stream.strided.gather [hbm4b:s16+s12], $0x2000, s8, s12, $0x38;
	[tilespmem:$0x10A00] =	vst v63  }
0x294: {  	s26 =	spop (v2sf)  }
0x295: {  	s16 =	sand.u32 $0x1FFFFFF0, s26  }
0x296: {  	s17 =	simm.s32 $0x10080;
	s16 =	sadd.s32 s4, s16  }
0x297: {  	[tilespmem:s17], [sflag:$0x2] =	stream.strided.gather [hbm4b:s16+s11], $0x0, s12, s11, $0x38;
	[tilespmem:$0x10A00] =	vst v63  }
0x298: {  	s9 =	simm.s32 $0x3  }
0x299: {  	[tilespmem:s17], [sflag:$0x2] =	stream.linear.gather [hbm4b:s16+s7], $0x40, $0x38;
	v37, _, _ =	vpop (xrf2);
	[tilespmem:$0x10A00] =	vst v63  }
0x29a: {  	_ =	swait.ge [sflag:s9], $0x2000  }
0x29b: {  	[sflag:s9] =	ssyncset.done $0x0  }
0x29c: {  	[sflag:s9] =	ssyncadd.s32 $0xFFFFE000  }
0x29d: {  	_ =	swait.ge [sflag:s9], $0x40  }
0x29e: {  	(v2sf) =	vpush v42, $0x2;
	_ =	sdelay $0xe  }
0x29f: {  	s29 =	spop (v2sf)  }
0x2a0: {  	s16 =	sand.u32 $0x7F, s29  }
0x2a1: {  	v58 =	vor.u32 s16, v1  }
0x2a2: {  	[sflag:s9] =	ssyncset.done $0x0;
	v59 =	vor.u32 s16, v2  }
0x2a3: {  	[sflag:s9] =	ssyncadd.s32 $0xFFFFFFC0  }
0x2a4: {  	v61 =	vld.idx.msk [tilespmem:v12+s15+$0x0], $0xffff;
	v60 =	vor.u32 s16, v4  }
0x2a5: {  	s14 =	simm.s32 $0x4000;
	v63 =	vld.idx.msk [tilespmem:v13+s15+$0x0], $0xffff  }
0x2a6: {  	(v2sf) =	vpush v42, $0xA;
	v62 =	vor.u32 s16, v6;
	v38 =	vld.idx.msk [tilespmem:v58+s14+$0x0], $0xffff  }
0x2a7: {  	v39 =	vld.idx.msk [tilespmem:v59+s14+$0x0], $0xffff  }
0x2a8: {  	v48 =	vld.idx.msk [tilespmem:v14+s15+$0x0], $0xffff  }
0x2a9: {  	v40 =	vld.idx.msk [tilespmem:v60+s14+$0x0], $0xffff  }
0x2aa: {  	v47 =	vld.idx.msk [tilespmem:v15+s15+$0x0], $0xffff;
	(v2sf) =	vpush v43, $0xA  }
0x2ab: {  	v44 =	vld.idx.msk [tilespmem:v62+s14+$0x0], $0xffff  }
0x2ac: {  	v38 =	vmul.f32 v61, v38;
	v39 =	vmul.f32 v63, v39;
	_ =	sdelay $0x1  }
0x2ad: {  	v49 =	vmul.f32 v48, v40;
	v38 =	vadd.f32 v39, v38;
	_ =	sdelay $0x1  }
0x2ae: {  	v50 =	vmul.f32 v47, v44;
	v38 =	vadd.f32 v49, v38;
	_ =	sdelay $0x1  }
0x2af: {  	v38 =	vadd.f32 v50, v38;
	_ =	sdelay $0x1  }
0x2b0: {  	(xrf2) =	vadd.scan.msk.f32 $0xffff, v38  }
0x2b1: {  	s16 =	spop (v2sf)  }
0x2b2: {  	s31 =	sand.u32 $0xFFFFF80, s16  }
0x2b3: {  	s17 =	sadd.s32 s6, s31  }
0x2b4: {  	[tilespmem:s14], [sflag:$0x3] =	stream.strided.gather [hbm4b:s17+s12], $0x2000, s8, s12, $0x38;
	[tilespmem:$0x10A00] =	vst v63  }
0x2b5: {  	s0 =	spop (v2sf)  }
0x2b6: {  	s17 =	sand.u32 $0x1FFFFFF0, s0  }
0x2b7: {  	s18 =	simm.s32 $0x10100;
	s17 =	sadd.s32 s4, s17  }
0x2b8: {  	[tilespmem:s18], [sflag:$0x3] =	stream.strided.gather [hbm4b:s17+s11], $0x0, s12, s11, $0x38;
	[tilespmem:$0x10A00] =	vst v63  }
0x2b9: {  	s24 =	simm.s32 $0x4  }
0x2ba: {  	[tilespmem:s18], [sflag:$0x3] =	stream.linear.gather [hbm4b:s17+s7], $0x40, $0x38;
	v38, _, _ =	vpop (xrf2);
	[tilespmem:$0x10A00] =	vst v63  }
0x2bb: {  	_ =	swait.ge [sflag:s24], $0x2000  }
0x2bc: {  	[sflag:s24] =	ssyncset.done $0x0  }
0x2bd: {  	[sflag:s24] =	ssyncadd.s32 $0xFFFFE000  }
0x2be: {  	_ =	swait.ge [sflag:s24], $0x40  }
0x2bf: {  	(v2sf) =	vpush v42, $0x3;
	_ =	sdelay $0xe  }
0x2c0: {  	s1 =	spop (v2sf)  }
0x2c1: {  	s17 =	sand.u32 $0x7F, s1  }
0x2c2: {  	v51 =	vor.u32 s17, v1  }
0x2c3: {  	[sflag:s24] =	ssyncset.done $0x0;
	v52 =	vor.u32 s17, v2  }
0x2c4: {  	[sflag:s24] =	ssyncadd.s32 $0xFFFFFFC0  }
0x2c5: {  	v54 =	vld.idx.msk [tilespmem:v16+s15+$0x0], $0xffff;
	v53 =	vor.u32 s17, v4  }
0x2c6: {  	s25 =	simm.s32 $0x6000;
	v56 =	vld.idx.msk [tilespmem:v17+s15+$0x0], $0xffff  }
0x2c7: {  	(v2sf) =	vpush v42, $0xB;
	v55 =	vor.u32 s17, v6;
	v39 =	vld.idx.msk [tilespmem:v51+s25+$0x0], $0xffff  }
0x2c8: {  	v40 =	vld.idx.msk [tilespmem:v52+s25+$0x0], $0xffff  }
0x2c9: {  	v57 =	vld.idx.msk [tilespmem:v18+s15+$0x0], $0xffff  }
0x2ca: {  	v41 =	vld.idx.msk [tilespmem:v53+s25+$0x0], $0xffff  }
0x2cb: {  	v48 =	vld.idx.msk [tilespmem:v19+s15+$0x0], $0xffff;
	(v2sf) =	vpush v43, $0xB  }
0x2cc: {  	v45 =	vld.idx.msk [tilespmem:v55+s25+$0x0], $0xffff  }
0x2cd: {  	v39 =	vmul.f32 v54, v39;
	v40 =	vmul.f32 v56, v40;
	_ =	sdelay $0x1  }
0x2ce: {  	v58 =	vmul.f32 v57, v41;
	v39 =	vadd.f32 v40, v39;
	_ =	sdelay $0x1  }
0x2cf: {  	v59 =	vmul.f32 v48, v45;
	v39 =	vadd.f32 v58, v39;
	_ =	sdelay $0x1  }
0x2d0: {  	v39 =	vadd.f32 v59, v39;
	_ =	sdelay $0x1  }
0x2d1: {  	(xrf2) =	vadd.scan.msk.f32 $0xffff, v39  }
0x2d2: {  	s17 =	spop (v2sf)  }
0x2d3: {  	s2 =	sand.u32 $0xFFFFF80, s17  }
0x2d4: {  	s18 =	sadd.s32 s6, s2  }
0x2d5: {  	[tilespmem:s25], [sflag:$0x4] =	stream.strided.gather [hbm4b:s18+s12], $0x2000, s8, s12, $0x38;
	[tilespmem:$0x10A00] =	vst v63  }
0x2d6: {  	s3 =	spop (v2sf)  }
0x2d7: {  	s18 =	sand.u32 $0x1FFFFFF0, s3  }
0x2d8: {  	s13 =	simm.s32 $0x10180;
	s18 =	sadd.s32 s4, s18  }
0x2d9: {  	[tilespmem:s13], [sflag:$0x4] =	stream.strided.gather [hbm4b:s18+s11], $0x0, s12, s11, $0x38;
	[tilespmem:$0x10A00] =	vst v63  }
0x2da: {  	_ = 	snop  }
0x2db: {  	[tilespmem:s13], [sflag:$0x4] =	stream.linear.gather [hbm4b:s18+s7], $0x40, $0x38;
	v39, _, _ =	vpop (xrf2);
	[tilespmem:$0x10A00] =	vst v63  }
0x2dc: {  	_ =	swait.ge [sflag:s28], $0x2000  }
0x2dd: {  	[sflag:s28] =	ssyncset.done $0x0  }
0x2de: {  	[sflag:s28] =	ssyncadd.s32 $0xFFFFE000  }
0x2df: {  	_ =	swait.ge [sflag:s28], $0x40  }
0x2e0: {  	(v2sf) =	vpush v42, $0x4;
	_ =	sdelay $0xe  }
0x2e1: {  	s19 =	spop (v2sf)  }
0x2e2: {  	s18 =	sand.u32 $0x7F, s19  }
0x2e3: {  	v60 =	vor.u32 s18, v1  }
0x2e4: {  	[sflag:s28] =	ssyncset.done $0x0;
	v61 =	vor.u32 s18, v2  }
0x2e5: {  	[sflag:s28] =	ssyncadd.s32 $0xFFFFFFC0  }
0x2e6: {  	v63 =	vld.idx.msk [tilespmem:v20+s15+$0x0], $0xffff;
	v62 =	vor.u32 s18, v4  }
0x2e7: {  	s0 =	simm.s32 $0x8000;
	v53 =	vld.idx.msk [tilespmem:v21+s15+$0x0], $0xffff  }
0x2e8: {  	(v2sf) =	vpush v42, $0xC;
	v52 =	vor.u32 s18, v6;
	v40 =	vld.idx.msk [tilespmem:v60+s0+$0x0], $0xffff  }
0x2e9: {  	v41 =	vld.idx.msk [tilespmem:v61+s0+$0x0], $0xffff  }
0x2ea: {  	v54 =	vld.idx.msk [tilespmem:v22+s15+$0x0], $0xffff  }
0x2eb: {  	v44 =	vld.idx.msk [tilespmem:v62+s0+$0x0], $0xffff  }
0x2ec: {  	v49 =	vld.idx.msk [tilespmem:v23+s15+$0x0], $0xffff;
	(v2sf) =	vpush v43, $0xC  }
0x2ed: {  	v46 =	vld.idx.msk [tilespmem:v52+s0+$0x0], $0xffff  }
0x2ee: {  	v40 =	vmul.f32 v63, v40;
	v41 =	vmul.f32 v53, v41;
	_ =	sdelay $0x1  }
0x2ef: {  	v55 =	vmul.f32 v54, v44;
	v40 =	vadd.f32 v41, v40;
	_ =	sdelay $0x1  }
0x2f0: {  	v56 =	vmul.f32 v49, v46;
	v40 =	vadd.f32 v55, v40;
	_ =	sdelay $0x1  }
0x2f1: {  	v40 =	vadd.f32 v56, v40;
	_ =	sdelay $0x1  }
0x2f2: {  	(xrf2) =	vadd.scan.msk.f32 $0xffff, v40  }
0x2f3: {  	s18 =	spop (v2sf)  }
0x2f4: {  	s19 =	sand.u32 $0xFFFFF80, s18  }
0x2f5: {  	s19 =	sadd.s32 s6, s19  }
0x2f6: {  	[tilespmem:s0], [sflag:$0x5] =	stream.strided.gather [hbm4b:s19+s12], $0x2000, s8, s12, $0x38;
	[tilespmem:$0x10A00] =	vst v63  }
0x2f7: {  	s20 =	spop (v2sf)  }
0x2f8: {  	s19 =	sand.u32 $0x1FFFFFF0, s20  }
0x2f9: {  	s3 =	simm.s32 $0x10200;
	s19 =	sadd.s32 s4, s19  }
0x2fa: {  	[tilespmem:s3], [sflag:$0x5] =	stream.strided.gather [hbm4b:s19+s11], $0x0, s12, s11, $0x38;
	[tilespmem:$0x10A00] =	vst v63  }
0x2fb: {  	_ = 	snop  }
0x2fc: {  	[tilespmem:s3], [sflag:$0x5] =	stream.linear.gather [hbm4b:s19+s7], $0x40, $0x38;
	v40, _, _ =	vpop (xrf2);
	[tilespmem:$0x10A00] =	vst v63  }
0x2fd: {  	_ =	swait.ge [sflag:s30], $0x2000  }
0x2fe: {  	[sflag:s30] =	ssyncset.done $0x0  }
0x2ff: {  	[sflag:s30] =	ssyncadd.s32 $0xFFFFE000  }
0x300: {  	_ =	swait.ge [sflag:s30], $0x40  }
0x301: {  	(v2sf) =	vpush v42, $0x5;
	_ =	sdelay $0xe  }
0x302: {  	s21 =	spop (v2sf)  }
0x303: {  	s19 =	sand.u32 $0x7F, s21  }
0x304: {  	v57 =	vor.u32 s19, v1  }
0x305: {  	[sflag:s30] =	ssyncset.done $0x0;
	v58 =	vor.u32 s19, v2  }
0x306: {  	[sflag:s30] =	ssyncadd.s32 $0xFFFFFFC0  }
0x307: {  	v60 =	vld.idx.msk [tilespmem:v24+s15+$0x0], $0xffff;
	v59 =	vor.u32 s19, v4  }
0x308: {  	s29 =	simm.s32 $0xA000;
	v62 =	vld.idx.msk [tilespmem:v25+s15+$0x0], $0xffff  }
0x309: {  	(v2sf) =	vpush v42, $0xD;
	v61 =	vor.u32 s19, v6;
	v41 =	vld.idx.msk [tilespmem:v57+s29+$0x0], $0xffff  }
0x30a: {  	v44 =	vld.idx.msk [tilespmem:v58+s29+$0x0], $0xffff  }
0x30b: {  	v63 =	vld.idx.msk [tilespmem:v26+s15+$0x0], $0xffff  }
0x30c: {  	v45 =	vld.idx.msk [tilespmem:v59+s29+$0x0], $0xffff  }
0x30d: {  	v50 =	vld.idx.msk [tilespmem:v27+s15+$0x0], $0xffff;
	(v2sf) =	vpush v43, $0xD  }
0x30e: {  	v47 =	vld.idx.msk [tilespmem:v61+s29+$0x0], $0xffff  }
0x30f: {  	v41 =	vmul.f32 v60, v41;
	v44 =	vmul.f32 v62, v44;
	_ =	sdelay $0x1  }
0x310: {  	v49 =	vmul.f32 v63, v45;
	v41 =	vadd.f32 v44, v41;
	_ =	sdelay $0x1  }
0x311: {  	v50 =	vmul.f32 v50, v47;
	v41 =	vadd.f32 v49, v41;
	_ =	sdelay $0x1  }
0x312: {  	v41 =	vadd.f32 v50, v41;
	_ =	sdelay $0x1  }
0x313: {  	(xrf2) =	vadd.scan.msk.f32 $0xffff, v41  }
0x314: {  	s19 =	spop (v2sf)  }
0x315: {  	s23 =	sand.u32 $0xFFFFF80, s19  }
0x316: {  	s20 =	sadd.s32 s6, s23  }
0x317: {  	[tilespmem:s29], [sflag:$0x6] =	stream.strided.gather [hbm4b:s20+s12], $0x2000, s8, s12, $0x38;
	[tilespmem:$0x10A00] =	vst v63  }
0x318: {  	s26 =	spop (v2sf)  }
0x319: {  	s20 =	sand.u32 $0x1FFFFFF0, s26  }
0x31a: {  	s31 =	simm.s32 $0x10280;
	s20 =	sadd.s32 s4, s20  }
0x31b: {  	[tilespmem:s31], [sflag:$0x6] =	stream.strided.gather [hbm4b:s20+s11], $0x0, s12, s11, $0x38;
	[tilespmem:$0x10A00] =	vst v63  }
0x31c: {  	s26 =	simm.s32 $0x7  }
0x31d: {  	[tilespmem:s31], [sflag:$0x6] =	stream.linear.gather [hbm4b:s20+s7], $0x40, $0x38;
	v41, _, _ =	vpop (xrf2);
	[tilespmem:$0x10A00] =	vst v63  }
0x31e: {  	_ =	swait.ge [sflag:s26], $0x2000  }
0x31f: {  	[sflag:s26] =	ssyncset.done $0x0  }
0x320: {  	[sflag:s26] =	ssyncadd.s32 $0xFFFFE000  }
0x321: {  	_ =	swait.ge [sflag:s26], $0x40  }
0x322: {  	(v2sf) =	vpush v42, $0x6;
	_ =	sdelay $0xe  }
0x323: {  	s1 =	spop (v2sf)  }
0x324: {  	s20 =	sand.u32 $0x7F, s1  }
0x325: {  	v51 =	vor.u32 s20, v1  }
0x326: {  	[sflag:s26] =	ssyncset.done $0x0;
	v52 =	vor.u32 s20, v2  }
0x327: {  	[sflag:s26] =	ssyncadd.s32 $0xFFFFFFC0  }
0x328: {  	v54 =	vld.idx.msk [tilespmem:v28+s15+$0x0], $0xffff;
	v53 =	vor.u32 s20, v4  }
0x329: {  	s31 =	simm.s32 $0xC000;
	v56 =	vld.idx.msk [tilespmem:v29+s15+$0x0], $0xffff;
	v55 =	vor.u32 s20, v6  }
0x32a: {  	(v2sf) =	vpush v42, $0xE;
	v44 =	vld.idx.msk [tilespmem:v51+s31+$0x0], $0xffff  }
0x32b: {  	v45 =	vld.idx.msk [tilespmem:v52+s31+$0x0], $0xffff  }
0x32c: {  	v57 =	vld.idx.msk [tilespmem:v30+s15+$0x0], $0xffff  }
0x32d: {  	v46 =	vld.idx.msk [tilespmem:v53+s31+$0x0], $0xffff  }
0x32e: {  	(v2sf) =	vpush v43, $0xE;
	v48 =	vld.idx.msk [tilespmem:v55+s31+$0x0], $0xffff  }
0x32f: {  	v51 =	vld.idx.msk [tilespmem:v31+s15+$0x0], $0xffff  }
0x330: {  	v44 =	vmul.f32 v54, v44;
	v45 =	vmul.f32 v56, v45;
	_ =	sdelay $0x1  }
0x331: {  	v58 =	vmul.f32 v57, v46;
	v44 =	vadd.f32 v45, v44;
	_ =	sdelay $0x1  }
0x332: {  	v59 =	vmul.f32 v51, v48;
	v44 =	vadd.f32 v58, v44;
	_ =	sdelay $0x1  }
0x333: {  	v44 =	vadd.f32 v59, v44;
	_ =	sdelay $0x1  }
0x334: {  	(xrf2) =	vadd.scan.msk.f32 $0xffff, v44  }
0x335: {  	s21 =	spop (v2sf)  }
0x336: {  	s2 =	sand.u32 $0xFFFFF80, s21  }
0x337: {  	s20 =	sadd.s32 s6, s2  }
0x338: {  	[tilespmem:s31], [sflag:$0x7] =	stream.strided.gather [hbm4b:s20+s12], $0x2000, s8, s12, $0x38;
	[tilespmem:$0x10A00] =	vst v63  }
0x339: {  	s3 =	spop (v2sf)  }
0x33a: {  	s20 =	sand.u32 $0x1FFFFFF0, s3  }
0x33b: {  	s23 =	simm.s32 $0x10300;
	s20 =	sadd.s32 s4, s20  }
0x33c: {  	[tilespmem:s23], [sflag:$0x7] =	stream.strided.gather [hbm4b:s20+s11], $0x0, s12, s11, $0x38;
	[tilespmem:$0x10A00] =	vst v63  }
0x33d: {  	s2 =	simm.s32 $0x8  }
0x33e: {  	[tilespmem:s23], [sflag:$0x7] =	stream.linear.gather [hbm4b:s20+s7], $0x40, $0x38;
	v44, _, _ =	vpop (xrf2);
	[tilespmem:$0x10A00] =	vst v63  }
0x33f: {  	_ =	swait.ge [sflag:s2], $0x2000  }
0x340: {  	[sflag:s2] =	ssyncset.done $0x0  }
0x341: {  	[sflag:s2] =	ssyncadd.s32 $0xFFFFE000  }
0x342: {  	_ =	swait.ge [sflag:s2], $0x40  }
0x343: {  	(v2sf) =	vpush v42, $0x7;
	_ =	sdelay $0xe  }
0x344: {  	s1 =	spop (v2sf)  }
0x345: {  	s20 =	sand.u32 $0x7F, s1  }
0x346: {  	v60 =	vor.u32 s20, v1  }
0x347: {  	[sflag:s2] =	ssyncset.done $0x0;
	v61 =	vor.u32 s20, v2  }
0x348: {  	[sflag:s2] =	ssyncadd.s32 $0xFFFFFFC0  }
0x349: {  	v63 =	vld.idx.msk [tilespmem:v32+s15+$0x0], $0xffff;
	v62 =	vor.u32 s20, v4  }
0x34a: {  	v53 =	vld.idx.msk [tilespmem:v33+s15+$0x0], $0xffff;
	s1 =	simm.s32 $0xE000  }
0x34b: {  	(v2sf) =	vpush v42, $0xF;
	v52 =	vor.u32 s20, v6;
	v45 =	vld.idx.msk [tilespmem:v60+s1+$0x0], $0xffff  }
0x34c: {  	v46 =	vld.idx.msk [tilespmem:v61+s1+$0x0], $0xffff  }
0x34d: {  	v54 =	vld.idx.msk [tilespmem:v34+s15+$0x0], $0xffff  }
0x34e: {  	v47 =	vld.idx.msk [tilespmem:v62+s1+$0x0], $0xffff  }
0x34f: {  	v55 =	vld.idx.msk [tilespmem:v35+s15+$0x0], $0xffff;
	(v2sf) =	vpush v43, $0xF  }
0x350: {  	v49 =	vld.idx.msk [tilespmem:v52+s1+$0x0], $0xffff  }
0x351: {  	v45 =	vmul.f32 v63, v45;
	v42 =	vmul.f32 v53, v46;
	_ =	sdelay $0x1  }
0x352: {  	v56 =	vmul.f32 v54, v47;
	v42 =	vadd.f32 v42, v45;
	_ =	sdelay $0x1  }
0x353: {  	v43 =	vmul.f32 v55, v49;
	v42 =	vadd.f32 v56, v42;
	_ =	sdelay $0x1  }
0x354: {  	v42 =	vadd.f32 v43, v42;
	_ =	sdelay $0x1  }
0x355: {  	(xrf2) =	vadd.scan.msk.f32 $0xffff, v42  }
0x356: {  	s23 =	spop (v2sf)  }
0x357: {  	s3 =	sand.u32 $0xFFFFF80, s23  }
0x358: {  	s20 =	sadd.s32 s6, s3  }
0x359: {  	[tilespmem:s1], [sflag:$0x8] =	stream.strided.gather [hbm4b:s20+s12], $0x2000, s8, s12, $0x38;
	[tilespmem:$0x10A00] =	vst v63  }
0x35a: {  	s3 =	spop (v2sf)  }
0x35b: {  	s20 =	sand.u32 $0x1FFFFFF0, s3  }
0x35c: {  	s6 =	simm.s32 $0x10380;
	s20 =	sadd.s32 s4, s20  }
0x35d: {  	[tilespmem:s6], [sflag:$0x8] =	stream.strided.gather [hbm4b:s20+s11], $0x0, s12, s11, $0x38;
	[tilespmem:$0x10A00] =	vst v63  }
0x35e: {  	s13 =	simm.s32 $0x1  }
0x35f: {  	[tilespmem:s6], [sflag:$0x8] =	stream.linear.gather [hbm4b:s20+s7], $0x40, $0x38;
	v42, _, _ =	vpop (xrf2);
	[tilespmem:$0x10A00] =	vst v63  }
0x360: {  	_ =	swait.ge [sflag:s13], $0x2000  }
0x361: {  	s8 =	rddreg [dreg:$0xb];
	[sflag:s13] =	ssyncset.done $0x0  }
0x362: {  	s11 =	sand.u32 $0x7F, s8;
	[sflag:s13] =	ssyncadd.s32 $0xFFFFE000  }
0x363: {  	v57 =	vor.u32 s11, v1;
	_ =	swait.ge [sflag:s13], $0x40  }
0x364: {  	v58 =	vor.u32 s11, v2;
	[sflag:s13] =	ssyncset.done $0x0  }
0x365: {  	[sflag:s13] =	ssyncadd.s32 $0xFFFFFFC0  }
0x366: {  	v59 =	vor.u32 s11, v4;
	v61 =	vld.idx.msk [tilespmem:v0+s15+$0x0], $0xffff  }
0x367: {  	v62 =	vld.idx.msk [tilespmem:v3+s15+$0x0], $0xffff  }
0x368: {  	v60 =	vor.u32 s11, v6;
	v43 =	vld.idx.msk [tilespmem:v57+s7+$0x0], $0xffff  }
0x369: {  	v45 =	vld.idx.msk [tilespmem:v58+s7+$0x0], $0xffff  }
0x36a: {  	v63 =	vld.idx.msk [tilespmem:v5+s15+$0x0], $0xffff  }
0x36b: {  	v46 =	vld.idx.msk [tilespmem:v59+s7+$0x0], $0xffff  }
0x36c: {  	v54 =	vld.idx.msk [tilespmem:v7+s15+$0x0], $0xffff  }
0x36d: {  	v47 =	vld.idx.msk [tilespmem:v60+s7+$0x0], $0xffff  }
0x36e: {  	v43 =	vmul.f32 v61, v43;
	v45 =	vmul.f32 v62, v45;
	_ =	sdelay $0x1  }
0x36f: {  	v55 =	vmul.f32 v63, v46;
	v43 =	vadd.f32 v45, v43;
	_ =	sdelay $0x1  }
0x370: {  	v56 =	vmul.f32 v54, v47;
	v43 =	vadd.f32 v55, v43;
	_ =	sdelay $0x1  }
0x371: {  	v43 =	vadd.f32 v56, v43;
	_ =	sdelay $0x1  }
0x372: {  	(xrf2) =	vadd.scan.msk.f32 $0xffff, v43;
	_ =	sdelay $0x9  }
0x373: {  	v43, _, _ =	vpop (xrf2)  }
0x374: {  	s13 =	sand.u32 $0x7F, s10;
	_ =	swait.ge [sflag:s5], $0x2000  }
0x375: {  	v57 =	vor.u32 s13, v1;
	[sflag:s5] =	ssyncset.done $0x0  }
0x376: {  	[sflag:s5] =	ssyncadd.s32 $0xFFFFE000  }
0x377: {  	v58 =	vor.u32 s13, v2;
	_ =	swait.ge [sflag:s5], $0x40  }
0x378: {  	[sflag:s5] =	ssyncset.done $0x0  }
0x379: {  	v59 =	vor.u32 s13, v4;
	[sflag:s5] =	ssyncadd.s32 $0xFFFFFFC0  }
0x37a: {  	v45 =	vld.idx.msk [tilespmem:v57+s22+$0x0], $0xffff  }
0x37b: {  	v60 =	vor.u32 s13, v6;
	v61 =	vld.idx.msk [tilespmem:v8+s15+$0x0], $0xffff  }
0x37c: {  	v46 =	vld.idx.msk [tilespmem:v58+s22+$0x0], $0xffff  }
0x37d: {  	v62 =	vld.idx.msk [tilespmem:v9+s15+$0x0], $0xffff  }
0x37e: {  	v47 =	vld.idx.msk [tilespmem:v59+s22+$0x0], $0xffff  }
0x37f: {  	v63 =	vld.idx.msk [tilespmem:v10+s15+$0x0], $0xffff  }
0x380: {  	v48 =	vld.idx.msk [tilespmem:v60+s22+$0x0], $0xffff  }
0x381: {  	v52 =	vld.idx.msk [tilespmem:v11+s15+$0x0], $0xffff  }
0x382: {  	v45 =	vmul.f32 v61, v45;
	v46 =	vmul.f32 v62, v46;
	_ =	sdelay $0x1  }
0x383: {  	v55 =	vmul.f32 v63, v47;
	v45 =	vadd.f32 v46, v45;
	_ =	sdelay $0x1  }
0x384: {  	v56 =	vmul.f32 v52, v48;
	v45 =	vadd.f32 v55, v45;
	_ =	sdelay $0x1  }
0x385: {  	v45 =	vadd.f32 v56, v45;
	_ =	sdelay $0x1  }
0x386: {  	(xrf2) =	vadd.scan.msk.f32 $0xffff, v45;
	_ =	sdelay $0x9  }
0x387: {  	v45, _, _ =	vpop (xrf2)  }
0x388: {  	s16 =	sand.u32 $0x7F, s16;
	_ =	swait.ge [sflag:s9], $0x2000  }
0x389: {  	v57 =	vor.u32 s16, v1;
	[sflag:s9] =	ssyncset.done $0x0  }
0x38a: {  	[sflag:s9] =	ssyncadd.s32 $0xFFFFE000  }
0x38b: {  	v58 =	vor.u32 s16, v2;
	_ =	swait.ge [sflag:s9], $0x40  }
0x38c: {  	[sflag:s9] =	ssyncset.done $0x0  }
0x38d: {  	v59 =	vor.u32 s16, v4;
	[sflag:s9] =	ssyncadd.s32 $0xFFFFFFC0  }
0x38e: {  	v46 =	vld.idx.msk [tilespmem:v57+s14+$0x0], $0xffff  }
0x38f: {  	v60 =	vor.u32 s16, v6;
	v61 =	vld.idx.msk [tilespmem:v12+s15+$0x0], $0xffff  }
0x390: {  	v47 =	vld.idx.msk [tilespmem:v58+s14+$0x0], $0xffff  }
0x391: {  	v62 =	vld.idx.msk [tilespmem:v13+s15+$0x0], $0xffff  }
0x392: {  	v48 =	vld.idx.msk [tilespmem:v59+s14+$0x0], $0xffff  }
0x393: {  	v63 =	vld.idx.msk [tilespmem:v14+s15+$0x0], $0xffff  }
0x394: {  	v49 =	vld.idx.msk [tilespmem:v60+s14+$0x0], $0xffff  }
0x395: {  	v53 =	vld.idx.msk [tilespmem:v15+s15+$0x0], $0xffff  }
0x396: {  	v46 =	vmul.f32 v61, v46;
	v47 =	vmul.f32 v62, v47;
	_ =	sdelay $0x1  }
0x397: {  	v55 =	vmul.f32 v63, v48;
	v46 =	vadd.f32 v47, v46;
	_ =	sdelay $0x1  }
0x398: {  	v56 =	vmul.f32 v53, v49;
	v46 =	vadd.f32 v55, v46;
	_ =	sdelay $0x1  }
0x399: {  	v46 =	vadd.f32 v56, v46;
	_ =	sdelay $0x1  }
0x39a: {  	(xrf2) =	vadd.scan.msk.f32 $0xffff, v46;
	_ =	sdelay $0x9  }
0x39b: {  	v46, _, _ =	vpop (xrf2)  }
0x39c: {  	s17 =	sand.u32 $0x7F, s17;
	_ =	swait.ge [sflag:s24], $0x2000  }
0x39d: {  	v57 =	vor.u32 s17, v1;
	[sflag:s24] =	ssyncset.done $0x0  }
0x39e: {  	[sflag:s24] =	ssyncadd.s32 $0xFFFFE000  }
0x39f: {  	v58 =	vor.u32 s17, v2;
	_ =	swait.ge [sflag:s24], $0x40  }
0x3a0: {  	[sflag:s24] =	ssyncset.done $0x0  }
0x3a1: {  	v59 =	vor.u32 s17, v4;
	[sflag:s24] =	ssyncadd.s32 $0xFFFFFFC0  }
0x3a2: {  	v47 =	vld.idx.msk [tilespmem:v57+s25+$0x0], $0xffff  }
0x3a3: {  	v60 =	vor.u32 s17, v6;
	v61 =	vld.idx.msk [tilespmem:v16+s15+$0x0], $0xffff  }
0x3a4: {  	v48 =	vld.idx.msk [tilespmem:v58+s25+$0x0], $0xffff  }
0x3a5: {  	v62 =	vld.idx.msk [tilespmem:v17+s15+$0x0], $0xffff  }
0x3a6: {  	v49 =	vld.idx.msk [tilespmem:v59+s25+$0x0], $0xffff  }
0x3a7: {  	v63 =	vld.idx.msk [tilespmem:v18+s15+$0x0], $0xffff  }
0x3a8: {  	v50 =	vld.idx.msk [tilespmem:v60+s25+$0x0], $0xffff  }
0x3a9: {  	v54 =	vld.idx.msk [tilespmem:v19+s15+$0x0], $0xffff  }
0x3aa: {  	v47 =	vmul.f32 v61, v47;
	v48 =	vmul.f32 v62, v48;
	_ =	sdelay $0x1  }
0x3ab: {  	v55 =	vmul.f32 v63, v49;
	v47 =	vadd.f32 v48, v47;
	_ =	sdelay $0x1  }
0x3ac: {  	v56 =	vmul.f32 v54, v50;
	v47 =	vadd.f32 v55, v47;
	_ =	sdelay $0x1  }
0x3ad: {  	v47 =	vadd.f32 v56, v47;
	_ =	sdelay $0x1  }
0x3ae: {  	(xrf2) =	vadd.scan.msk.f32 $0xffff, v47;
	_ =	sdelay $0x9  }
0x3af: {  	v47, _, _ =	vpop (xrf2)  }
0x3b0: {  	s18 =	sand.u32 $0x7F, s18;
	_ =	swait.ge [sflag:s28], $0x2000  }
0x3b1: {  	v57 =	vor.u32 s18, v1;
	[sflag:s28] =	ssyncset.done $0x0  }
0x3b2: {  	[sflag:s28] =	ssyncadd.s32 $0xFFFFE000  }
0x3b3: {  	v58 =	vor.u32 s18, v2;
	_ =	swait.ge [sflag:s28], $0x40  }
0x3b4: {  	[sflag:s28] =	ssyncset.done $0x0  }
0x3b5: {  	v59 =	vor.u32 s18, v4;
	[sflag:s28] =	ssyncadd.s32 $0xFFFFFFC0  }
0x3b6: {  	v48 =	vld.idx.msk [tilespmem:v57+s0+$0x0], $0xffff  }
0x3b7: {  	v60 =	vor.u32 s18, v6;
	v61 =	vld.idx.msk [tilespmem:v20+s15+$0x0], $0xffff  }
0x3b8: {  	v49 =	vld.idx.msk [tilespmem:v58+s0+$0x0], $0xffff  }
0x3b9: {  	v62 =	vld.idx.msk [tilespmem:v21+s15+$0x0], $0xffff  }
0x3ba: {  	v50 =	vld.idx.msk [tilespmem:v59+s0+$0x0], $0xffff  }
0x3bb: {  	v63 =	vld.idx.msk [tilespmem:v22+s15+$0x0], $0xffff  }
0x3bc: {  	v51 =	vld.idx.msk [tilespmem:v60+s0+$0x0], $0xffff  }
0x3bd: {  	v55 =	vld.idx.msk [tilespmem:v23+s15+$0x0], $0xffff  }
0x3be: {  	v48 =	vmul.f32 v61, v48;
	v49 =	vmul.f32 v62, v49;
	_ =	sdelay $0x1  }
0x3bf: {  	v54 =	vmul.f32 v63, v50;
	v48 =	vadd.f32 v49, v48;
	_ =	sdelay $0x1  }
0x3c0: {  	v56 =	vmul.f32 v55, v51;
	v48 =	vadd.f32 v54, v48;
	_ =	sdelay $0x1  }
0x3c1: {  	v48 =	vadd.f32 v56, v48;
	_ =	sdelay $0x1  }
0x3c2: {  	(xrf2) =	vadd.scan.msk.f32 $0xffff, v48;
	_ =	sdelay $0x9  }
0x3c3: {  	v48, _, _ =	vpop (xrf2)  }
0x3c4: {  	s19 =	sand.u32 $0x7F, s19;
	_ =	swait.ge [sflag:s30], $0x2000  }
0x3c5: {  	v57 =	vor.u32 s19, v1;
	[sflag:s30] =	ssyncset.done $0x0  }
0x3c6: {  	[sflag:s30] =	ssyncadd.s32 $0xFFFFE000  }
0x3c7: {  	v58 =	vor.u32 s19, v2;
	_ =	swait.ge [sflag:s30], $0x40  }
0x3c8: {  	[sflag:s30] =	ssyncset.done $0x0  }
0x3c9: {  	v59 =	vor.u32 s19, v4;
	[sflag:s30] =	ssyncadd.s32 $0xFFFFFFC0  }
0x3ca: {  	v49 =	vld.idx.msk [tilespmem:v57+s29+$0x0], $0xffff  }
0x3cb: {  	v60 =	vor.u32 s19, v6;
	v61 =	vld.idx.msk [tilespmem:v24+s15+$0x0], $0xffff  }
0x3cc: {  	v50 =	vld.idx.msk [tilespmem:v58+s29+$0x0], $0xffff  }
0x3cd: {  	v62 =	vld.idx.msk [tilespmem:v25+s15+$0x0], $0xffff  }
0x3ce: {  	v51 =	vld.idx.msk [tilespmem:v59+s29+$0x0], $0xffff  }
0x3cf: {  	v63 =	vld.idx.msk [tilespmem:v26+s15+$0x0], $0xffff  }
0x3d0: {  	v52 =	vld.idx.msk [tilespmem:v60+s29+$0x0], $0xffff  }
0x3d1: {  	v56 =	vld.idx.msk [tilespmem:v27+s15+$0x0], $0xffff  }
0x3d2: {  	v49 =	vmul.f32 v61, v49;
	v50 =	vmul.f32 v62, v50;
	_ =	sdelay $0x1  }
0x3d3: {  	v55 =	vmul.f32 v63, v51;
	v49 =	vadd.f32 v50, v49;
	_ =	sdelay $0x1  }
0x3d4: {  	v56 =	vmul.f32 v56, v52;
	v49 =	vadd.f32 v55, v49;
	_ =	sdelay $0x1  }
0x3d5: {  	v49 =	vadd.f32 v56, v49;
	_ =	sdelay $0x1  }
0x3d6: {  	(xrf2) =	vadd.scan.msk.f32 $0xffff, v49;
	_ =	sdelay $0x9  }
0x3d7: {  	v49, _, _ =	vpop (xrf2)  }
0x3d8: {  	s21 =	sand.u32 $0x7F, s21;
	_ =	swait.ge [sflag:s26], $0x2000  }
0x3d9: {  	v57 =	vor.u32 s21, v1;
	[sflag:s26] =	ssyncset.done $0x0  }
0x3da: {  	[sflag:s26] =	ssyncadd.s32 $0xFFFFE000  }
0x3db: {  	v58 =	vor.u32 s21, v2;
	_ =	swait.ge [sflag:s26], $0x40  }
0x3dc: {  	[sflag:s26] =	ssyncset.done $0x0  }
0x3dd: {  	v59 =	vor.u32 s21, v4;
	[sflag:s26] =	ssyncadd.s32 $0xFFFFFFC0  }
0x3de: {  	v50 =	vld.idx.msk [tilespmem:v57+s31+$0x0], $0xffff  }
0x3df: {  	v60 =	vor.u32 s21, v6;
	v61 =	vld.idx.msk [tilespmem:v28+s15+$0x0], $0xffff  }
0x3e0: {  	v51 =	vld.idx.msk [tilespmem:v58+s31+$0x0], $0xffff  }
0x3e1: {  	v62 =	vld.idx.msk [tilespmem:v29+s15+$0x0], $0xffff  }
0x3e2: {  	v52 =	vld.idx.msk [tilespmem:v59+s31+$0x0], $0xffff  }
0x3e3: {  	v63 =	vld.idx.msk [tilespmem:v30+s15+$0x0], $0xffff  }
0x3e4: {  	v53 =	vld.idx.msk [tilespmem:v60+s31+$0x0], $0xffff  }
0x3e5: {  	v57 =	vld.idx.msk [tilespmem:v31+s15+$0x0], $0xffff  }
0x3e6: {  	v50 =	vmul.f32 v61, v50;
	v51 =	vmul.f32 v62, v51;
	_ =	sdelay $0x1  }
0x3e7: {  	v56 =	vmul.f32 v63, v52;
	v50 =	vadd.f32 v51, v50;
	_ =	sdelay $0x1  }
0x3e8: {  	v57 =	vmul.f32 v57, v53;
	v50 =	vadd.f32 v56, v50;
	_ =	sdelay $0x1  }
0x3e9: {  	v50 =	vadd.f32 v57, v50;
	_ =	sdelay $0x1  }
0x3ea: {  	(xrf2) =	vadd.scan.msk.f32 $0xffff, v50;
	_ =	sdelay $0x9  }
0x3eb: {  	v50, _, _ =	vpop (xrf2)  }
0x3ec: {  	s24 =	sand.u32 $0x7F, s23;
	_ =	swait.ge [sflag:s2], $0x2000  }
0x3ed: {  	v58 =	vor.u32 s24, v1;
	[sflag:s2] =	ssyncset.done $0x0  }
0x3ee: {  	[sflag:s2] =	ssyncadd.s32 $0xFFFFE000  }
0x3ef: {  	v59 =	vor.u32 s24, v2;
	_ =	swait.ge [sflag:s2], $0x40  }
0x3f0: {  	[sflag:s2] =	ssyncset.done $0x0  }
0x3f1: {  	v60 =	vor.u32 s24, v4;
	[sflag:s2] =	ssyncadd.s32 $0xFFFFFFC0  }
0x3f2: {  	v51 =	vld.idx.msk [tilespmem:v58+s1+$0x0], $0xffff  }
0x3f3: {  	v61 =	vor.u32 s24, v6;
	v62 =	vld.idx.msk [tilespmem:v32+s15+$0x0], $0xffff  }
0x3f4: {  	v52 =	vld.idx.msk [tilespmem:v59+s1+$0x0], $0xffff  }
0x3f5: {  	v63 =	vld.idx.msk [tilespmem:v33+s15+$0x0], $0xffff  }
0x3f6: {  	v53 =	vld.idx.msk [tilespmem:v60+s1+$0x0], $0xffff  }
0x3f7: {  	v60 =	vld.idx.msk [tilespmem:v34+s15+$0x0], $0xffff  }
0x3f8: {  	v54 =	vld.idx.msk [tilespmem:v61+s1+$0x0], $0xffff  }
0x3f9: {  	v58 =	vld.idx.msk [tilespmem:v35+s15+$0x0], $0xffff  }
0x3fa: {  	v51 =	vmul.f32 v62, v51;
	v52 =	vmul.f32 v63, v52;
	_ =	sdelay $0x1  }
0x3fb: {  	v61 =	vmul.f32 v60, v53;
	v51 =	vadd.f32 v52, v51  }
0x3fc: {  	v36 =	vbroadcast v36, $0xF;
	v37 =	vbroadcast v37, $0xF  }
0x3fd: {  	v38 =	vbroadcast v38, $0xF;
	v62 =	vmul.f32 v58, v54;
	v51 =	vadd.f32 v61, v51  }
0x3fe: {  	v36 =	vsel vm0, v36, v37;
	v63 =	vbroadcast v39, $0xF  }
0x3ff: {  	v36 =	vsel vm1, v36, v38;
	v52 =	vbroadcast v40, $0xF;
	v51 =	vadd.f32 v62, v51  }
0x400: {  	v53 =	vbroadcast v41, $0xF;
	v36 =	vsel vm2, v36, v63  }
0x401: {  	v54 =	vbroadcast v44, $0xF;
	v36 =	vsel vm3, v36, v52;
	(xrf2) =	vadd.scan.msk.f32 $0xffff, v51  }
0x402: {  	v55 =	vbroadcast v42, $0xF;
	v36 =	vsel vm4, v36, v53  }
0x403: {  	v56 =	vbroadcast v43, $0xF;
	v36 =	vsel vm5, v36, v54  }
0x404: {  	v57 =	vbroadcast v45, $0xF;
	v36 =	vsel vm6, v36, v55  }
0x405: {  	v58 =	vbroadcast v46, $0xF;
	v36 =	vsel vm7, v36, v56  }
0x406: {  	v59 =	vbroadcast v47, $0xF;
	v36 =	vsel vm8, v36, v57  }
0x407: {  	v60 =	vbroadcast v48, $0xF;
	v36 =	vsel vm9, v36, v58  }
0x408: {  	v61 =	vbroadcast v49, $0xF;
	v36 =	vsel vm10, v36, v59  }
0x409: {  	v62 =	vbroadcast v50, $0xF;
	v36 =	vsel vm11, v36, v60  }
0x40a: {  	v36 =	vsel vm12, v36, v61  }
0x40b: {  	v36 =	vsel vm13, v36, v62;
	v63, _, _ =	vpop (xrf2)  }
0x40c: {  	v36 =	vsel vm14, v36, v63  }
0x40d: {  	s16 =	simm.s32 $0x9;
	s26 =	simm.s32 $0x10400;
	s25 =	rddreg [dreg:$0x8];
	[tilespmem:$0x105F0] =	vst v36  }
0x40e: {  	[hbm4b:s25+s7] =	stream.linear.scatter [tilespmem:s26], [sflag:$0x9], $0x200, $0x38;
	[tilespmem:$0x10A00] =	vst v63  }
0x40f: {  	_ =	swait.ge [sflag:s16], $0x200  }
0x410: {  	s29 =	rddreg [dreg:$0xa]  }
0x411: {  	s31 =	rddreg [dreg:$0x9];
	s0 =	sadd.s32 $0x1, s29  }
0x412: {  	p0 =	sne.s32 s0, s31  }
.Ltmp1:
0x413: {  	_ = 	snop;
	(pc) =	sbr.rel @p0 .LBB2_1-.Ltmp1, $4  }
0x414: {  	_ = 	snop  }
0x415: {  	s3 =	simm.s32 $0x8000;
	s20 =	simm.s32 $0x2000;
	s6 =	simm.s32 $0xC000  }
0x416: {  	s11 =	simm.s32 $0xA000;
	s22 =	simm.s32 $0x4000;
	[sflag:s16] =	ssyncset.done $0x0  }
0x417: {  	s9 =	simm.s32 $0xE000;
	s17 =	simm.s32 $0x6000;
	[sflag:s16] =	ssyncadd.s32 $0xFFFFFE00  }
0x418: {  	_ =	sfence.sel $0x180000  }
0x419: {  	[bflag:$0x0] =	sbarrier.arrive $0xFFFF  }
0x41a: {  	_ =	strace $0x90000047  }
0x41b: {  	s0 =	stileid.u32;
	[bflag:$0x2] =	sbarrier.arrive $0xFFFF  }
0x41c: {  	p0 =	sne.s32 s0, $0x0;
	s0 =	rddreg [dreg:$0x5]  }
0x41d: {  	s0 =	sadd.s32 @!p0 $0x100000, s0  }
0x41e: {  	[sflag:s0] =	ssyncadd.tile.s32 @!p0 $0x1;
	_ =	shalt  }
.Lfunc_end2:
_tile_overlayer_lowered:
.L_overlay_start_2:
0x41f: {  	(tag) =	ssettag $0x2  }
0x420: {  	s0 =	rddreg [dreg:$0x0];
	s2 =	stileid.u32  }
0x421: {  	s1 =	rddreg [dreg:$0x1];
	p0 =	sne.s32 s2, $0x0  }
0x422: {  	s3 =	rddreg [dreg:$0x2];
	[bflag:$0x3] =	sbarrier.arrive $0xFFFF;
	s2 =	simm.s32 @!p0 $0x1C09  }
0x423: {  	[timem:s3], [sflag:s2] =	dma.local @!p0 [hbm:s0], s1  }
0x424: {  	s0 =	simm.s32 @!p0 $0x9  }
0x425: {  	_ =	swait.ge @!p0 [sflag:s0], s1  }
0x426: {  	s1 =	ssub.s32 @!p0 $0x0, s1;
	[sflag:s0] =	ssyncset.done @!p0 $0x0  }
0x427: {  	[sflag:s0] =	ssyncadd.s32 @!p0 s1  }
0x428: {  	[bflag:$0x3] =	sbarrier.arrive $0xFFFF  }
0x429: {  	_ =	shalt  }

</sc_bundles>
